<compile_context>
chip_gen: v7x
topology: tpu7x:2x2x1
jax: 0.10.2.dev20260603
libtpu: 0.0.44.dev20260713+nightly
codegen_flags: <defaults>
</compile_context>

<pallas_src>
import functools

import jax
import jax.numpy as jnp
from jax import lax
from jax.experimental import pallas as pl
from jax.experimental.pallas import tpu as pltpu
from jax.experimental.pallas import tpu_sc as plsc

N = 10000
E = 320000
D = 128
DC = 48
NC = 2
NS = 16
NW = NC * NS
CH = 80
G = E // NW // CH
RPS = N // NS
ZR = 125
BLK = 2000

assert G % 2 == 1 and E == NW * G * CH and RPS % ZR == 0

_MESH = plsc.VectorSubcoreMesh(core_axis_name="c", subcore_axis_name="s")
_SC_PARAMS = pltpu.CompilerParams(use_tc_tiling_on_sc=False)


def _make_sc_aggregate(width, nbuf):
    out_type = [jax.ShapeDtypeStruct((NW, RPS, width), jnp.float32)]
    scratch = (
        [pltpu.VMEM_SHARED((N, width), jnp.float32)]
        + [pltpu.VMEM((G, CH), jnp.int32)] * 2
        + [pltpu.VMEM((CH, width), jnp.float32)] * nbuf
        + [pltpu.SemaphoreType.DMA] * (2 * nbuf)
    )

    def body(y, src2d, dst2d, out, acc, src_idx, dst_idx, *bufs_and_sems):
        bufs = bufs_and_sems[:nbuf]
        gsems = bufs_and_sems[nbuf:2 * nbuf]
        ssems = bufs_and_sems[2 * nbuf:3 * nbuf]
        rows_a = bufs[0]
        c = lax.axis_index("c")
        s = lax.axis_index("s")
        wid = c * NS + s

        pltpu.sync_copy(src2d.at[wid], src_idx)
        pltpu.sync_copy(dst2d.at[wid], dst_idx)

        z16 = jnp.zeros((16,), jnp.float32)

        def zero_rows(i, carry):
            for t in range(width // 16):
                rows_a[i, pl.ds(t * 16, 16)] = z16
            return carry

        lax.fori_loop(0, CH, zero_rows, 0)
        for k in range(RPS // CH):
            pltpu.sync_copy(rows_a, acc.at[pl.ds(s * RPS + k * CH, CH)])
        _rem = RPS % CH
        if _rem:
            pltpu.sync_copy(rows_a.at[pl.ds(0, _rem)],
                            acc.at[pl.ds(s * RPS + (RPS // CH) * CH, _rem)])

        plsc.subcore_barrier()

        def gath(j, b):
            pltpu.async_copy(y.at[src_idx.at[j]], bufs[b], gsems[b])

        def wait_gath(j, b):
            pltpu.make_async_copy(y.at[src_idx.at[j]], bufs[b],
                                  gsems[b]).wait()

        def scat(j, b):
            pltpu.async_copy(bufs[b], acc.at[dst_idx.at[j]], ssems[b],
                             add=True)

        def drain_scat(j, b):
            pltpu.make_async_copy(bufs[b], acc.at[dst_idx.at[j]],
                                  ssems[b]).wait()

        for b in range(nbuf):
            gath(b, b)

        def ring(ii, carry):
            a = nbuf * ii
            for b in range(nbuf):
                wait_gath(a + b, b)
                scat(a + b, b)
            for b in range(nbuf):
                drain_scat(a + b, b)
                nxt = a + nbuf + b

                @pl.when(nxt < G)
                def _(nxt=nxt, b=b):
                    gath(nxt, b)

            return carry

        lax.fori_loop(0, G // nbuf, ring, 0)
        _base = (G // nbuf) * nbuf
        for b in range(G % nbuf):
            wait_gath(_base + b, b)
            scat(_base + b, b)
        for b in range(G % nbuf):
            drain_scat(_base + b, b)

        plsc.subcore_barrier()

        pltpu.sync_copy(acc.at[pl.ds(s * RPS, RPS)], out.at[wid])

    return pl.kernel(body, out_type=out_type, mesh=_MESH,
                     scratch_types=scratch, compiler_params=_SC_PARAMS)


def _make_sc_degrees():
    out_type = [jax.ShapeDtypeStruct((NW, RPS, 16), jnp.float32)] * 2
    scratch = [
        pltpu.VMEM_SHARED((N, 16), jnp.float32),
        pltpu.VMEM_SHARED((N, 16), jnp.float32),
        pltpu.VMEM((G, CH), jnp.int32),
        pltpu.VMEM((G, CH), jnp.int32),
        pltpu.VMEM((CH, 16), jnp.float32),
        pltpu.VMEM((RPS, 16), jnp.float32),
        pltpu.SemaphoreType.DMA,
    ]

    def body(src2d, dst2d, hs_out, hd_out, hsrc, hdst, src_idx, dst_idx,
             ones, zh, sem):
        c = lax.axis_index("c")
        s = lax.axis_index("s")
        wid = c * NS + s

        pltpu.sync_copy(src2d.at[wid], src_idx)
        pltpu.sync_copy(dst2d.at[wid], dst_idx)

        z16 = jnp.zeros((16,), jnp.float32)
        one16 = jnp.ones((16,), jnp.float32)

        def zero_zh(i, carry):
            zh[i, :] = z16
            return carry

        lax.fori_loop(0, RPS, zero_zh, 0)

        def fill_ones(i, carry):
            ones[i, :] = one16
            return carry

        lax.fori_loop(0, CH, fill_ones, 0)

        pltpu.sync_copy(zh, hsrc.at[pl.ds(s * RPS, RPS)])
        pltpu.sync_copy(zh, hdst.at[pl.ds(s * RPS, RPS)])
        plsc.subcore_barrier()

        lag = 8

        def chunk(j, carry):
            pltpu.async_copy(ones, hsrc.at[src_idx.at[j]], sem, add=True)
            pltpu.async_copy(ones, hdst.at[dst_idx.at[j]], sem, add=True)

            @pl.when(j >= lag)
            def _():
                pltpu.make_async_copy(ones, hsrc.at[src_idx.at[j]],
                                      sem).wait()
                pltpu.make_async_copy(ones, hdst.at[dst_idx.at[j]],
                                      sem).wait()

            return carry

        lax.fori_loop(0, G, chunk, 0)
        for _ in range(lag):
            pltpu.make_async_copy(ones, hsrc.at[src_idx.at[0]], sem).wait()
            pltpu.make_async_copy(ones, hdst.at[dst_idx.at[0]], sem).wait()
        plsc.subcore_barrier()
        pltpu.sync_copy(hsrc.at[pl.ds(s * RPS, RPS)], hs_out.at[wid])
        pltpu.sync_copy(hdst.at[pl.ds(s * RPS, RPS)], hd_out.at[wid])

    return pl.kernel(body, out_type=out_type, mesh=_MESH,
                     scratch_types=scratch, compiler_params=_SC_PARAMS)


_agg_l1 = _make_sc_aggregate(D, nbuf=3)
_agg_l2 = _make_sc_aggregate(D, nbuf=3)
_agg_l3 = _make_sc_aggregate(DC, nbuf=5)
_degrees = _make_sc_degrees()

_NB = N // BLK


def _blk(i):
    return (i, 0)


def _blk_hi(i):
    return (_NB + i, 0)


def _fixed(i):
    return (0, 0)


def _tc1_body(x_ref, w_ref, o_ref):
    o_ref[:, :] = jnp.dot(x_ref[:, :], w_ref[:, :],
                          preferred_element_type=jnp.float32)


def _tc2_body(a_ref, b_ref, hsa, hsb, hda, hdb, b1r, w2, y2o, nso, ndo):
    h1 = jnp.maximum(a_ref[:, :] + b_ref[:, :] + b1r[:, :], 0.0)
    dout = hsa[:, 0:1] + hsb[:, 0:1]
    din = hda[:, 0:1] + hdb[:, 0:1]
    ns = jnp.where(dout > 0, lax.rsqrt(dout), 0.0)
    nd = jnp.where(din > 0, lax.rsqrt(din), 0.0)
    y2o[:, :] = jnp.dot(h1, w2[:, :], preferred_element_type=jnp.float32) * ns
    nso[:, :] = ns
    ndo[:, :] = nd


def _tc3_body(a_ref, b_ref, nd, ns, b2r, w3, y3o):
    h2 = jnp.maximum((a_ref[:, :] + b_ref[:, :]) * nd[:, :] + b2r[:, :], 0.0)
    y3o[:, :] = jnp.dot(h2, w3[:, :], preferred_element_type=jnp.float32) * ns[:, :]


def _tc4_body(a_ref, b_ref, nd, b3r, o_ref):
    o_ref[:, :] = (a_ref[:, :] + b_ref[:, :]) * nd[:, :] + b3r[:, :]


def _spec(w, index_map=_blk, rows=BLK):
    return pl.BlockSpec((rows, w), index_map)


def kernel(x, edge_index, W1, b1, W2, b2, W3, b3):
    src3d = edge_index[0].reshape(NW, G, CH)
    dst3d = edge_index[1].reshape(NW, G, CH)
    b1r = b1.reshape(1, D)
    b2r = b2.reshape(1, D)
    w3p = jnp.pad(W3, ((0, 0), (0, DC - W3.shape[1])))
    b3r = jnp.pad(b3, (0, DC - b3.shape[0])).reshape(1, DC)

    y1 = pl.pallas_call(
        _tc1_body, grid=(_NB,),
        in_specs=[_spec(D), pl.BlockSpec((D, D), _fixed)],
        out_specs=_spec(D),
        out_shape=jax.ShapeDtypeStruct((N, D), jnp.float32),
    )(x, W1)

    hs, hd = _degrees(src3d, dst3d)
    hs = hs.reshape(NC * N, 16)
    hd = hd.reshape(NC * N, 16)
    agg1, = _agg_l1(y1, src3d, dst3d)
    agg1 = agg1.reshape(NC * N, D)

    y2, nsrc, ndst = pl.pallas_call(
        _tc2_body, grid=(_NB,),
        in_specs=[_spec(D), _spec(D, _blk_hi),
                  _spec(16), _spec(16, _blk_hi),
                  _spec(16), _spec(16, _blk_hi),
                  pl.BlockSpec((1, D), _fixed), pl.BlockSpec((D, D), _fixed)],
        out_specs=[_spec(D), _spec(1), _spec(1)],
        out_shape=[jax.ShapeDtypeStruct((N, D), jnp.float32),
                   jax.ShapeDtypeStruct((N, 1), jnp.float32),
                   jax.ShapeDtypeStruct((N, 1), jnp.float32)],
    )(agg1, agg1, hs, hs, hd, hd, b1r, W2)

    agg2, = _agg_l2(y2, src3d, dst3d)
    agg2 = agg2.reshape(NC * N, D)

    y3 = pl.pallas_call(
        _tc3_body, grid=(_NB,),
        in_specs=[_spec(D), _spec(D, _blk_hi), _spec(1), _spec(1),
                  pl.BlockSpec((1, D), _fixed), pl.BlockSpec((D, DC), _fixed)],
        out_specs=_spec(DC),
        out_shape=jax.ShapeDtypeStruct((N, DC), jnp.float32),
    )(agg2, agg2, ndst, nsrc, b2r, w3p)

    agg3, = _agg_l3(y3, src3d, dst3d)
    agg3 = agg3.reshape(NC * N, DC)

    out = pl.pallas_call(
        _tc4_body, grid=(_NB,),
        in_specs=[_spec(DC), _spec(DC, _blk_hi), _spec(1),
                  pl.BlockSpec((1, DC), _fixed)],
        out_specs=_spec(DC),
        out_shape=jax.ShapeDtypeStruct((N, DC), jnp.float32),
    )(agg3, agg3, ndst, b3r)

    return out[:, :W3.shape[1]]

# --- scband reference (transcript-rebuilt; emitter-appended) ---
"""Pipeline reference for scband-npcgcn-1468878815350 (READ-ONLY COPY).

The authoritative reference and input builder live on the scoring server;
editing this copy changes nothing except your own understanding.
"""

import jax, jax.numpy as jnp
import numpy as np

N = 10000
E = 320000
D_IN = 128
D_H = 128
N_CLS = 47


def setup_inputs(seed: int = 0) -> dict:
    key = jax.random.key(seed)
    ks = jax.random.split(key, 8)
    x = jax.random.normal(ks[0], (N, D_IN), dtype=jnp.float32)
    edge_index = jax.random.randint(ks[1], (2, E), 0, N, dtype=jnp.int32)
    W1 = jax.random.normal(ks[2], (D_IN, D_H), dtype=jnp.float32) * (1.0 / np.sqrt(D_IN))
    b1 = jnp.zeros((D_H,), dtype=jnp.float32)
    W2 = jax.random.normal(ks[3], (D_H, D_H), dtype=jnp.float32) * (1.0 / np.sqrt(D_H))
    b2 = jnp.zeros((D_H,), dtype=jnp.float32)
    W3 = jax.random.normal(ks[4], (D_H, N_CLS), dtype=jnp.float32) * (1.0 / np.sqrt(D_H))
    b3 = jnp.zeros((N_CLS,), dtype=jnp.float32)
    return {"x": x, "edge_index": edge_index, "W1": W1, "b1": b1, "W2": W2, "b2": b2, "W3": W3, "b3": b3}


def _gcn_layer(h, src, dst, W, b, norm):
    # dgl.nn.GraphConv semantics.
    # norm='none': out = (A h) W + b  (plain sum aggregation over in-edges)
    # norm='both': out = D_in^{-1/2} (A (D_out^{-1/2} h)) W + b
    n = h.shape[0]
    if norm == 'both':
        deg_out = jnp.bincount(src, length=n).astype(h.dtype)
        norm_src = jnp.where(deg_out > 0, deg_out ** -0.5, 0.0)
        h = h * norm_src[:, None]
    msgs = jnp.take(h, src, axis=0)                      # gather over src nodes
    agg = jnp.zeros((n, h.shape[1]), h.dtype).at[dst].add(msgs)  # scatter-add to dst
    if norm == 'both':
        deg_in = jnp.bincount(dst, length=n).astype(h.dtype)
        norm_dst = jnp.where(deg_in > 0, deg_in ** -0.5, 0.0)
        agg = agg * norm_dst[:, None]
    return agg @ W + b


def reference(x, edge_index, W1, b1, W2, b2, W3, b3):
    src = edge_index[0]
    dst = edge_index[1]
    # Layer 0: GraphConv(in_feats, n_hidden, norm='none'); NPFeatureShuffle/inverse_idx
    # is a distributed identity permutation here (single shard), so it is a no-op.
    h = _gcn_layer(x, src, dst, W1, b1, 'none')
    h = jax.nn.relu(h)  # dropout is identity in eval mode
    # Layer 1: GraphConv(n_hidden, n_hidden), default norm='both'
    h = _gcn_layer(h, src, dst, W2, b2, 'both')
    h = jax.nn.relu(h)
    # Layer 2: GraphConv(n_hidden, n_classes), default norm='both'
    h = _gcn_layer(h, src, dst, W3, b3, 'both')
    return h

if __name__ == "__main__":
    import jax
    _d = setup_inputs()
    print(jax.jit(kernel)(*tuple(_d.values())))

</pallas_src>

<mosaic_0001>
#map = affine_map<(d0, d1) -> (0, 0)>
#map1 = affine_map<(d0, d1) -> (0, 0, 0)>
module attributes {stable_mosaic.version = 14 : i64} {
  func.func @body(%arg0: i32, %arg1: i32, %arg2: memref<10000x128xf32, #tpu.memory_space<hbm>>, %arg3: memref<32x125x80xi32, #tpu.memory_space<hbm>>, %arg4: memref<32x125x80xi32, #tpu.memory_space<hbm>>, %arg5: memref<32x625x128xf32, #tpu.memory_space<hbm>>, %arg6: memref<10000x128xf32, #tpu.memory_space<vmem_shared>>, %arg7: memref<125x80xi32, #tpu.memory_space<vmem>>, %arg8: memref<125x80xi32, #tpu.memory_space<vmem>>, %arg9: memref<80x128xf32, #tpu.memory_space<vmem>>, %arg10: memref<80x128xf32, #tpu.memory_space<vmem>>, %arg11: memref<80x128xf32, #tpu.memory_space<vmem>>, %arg12: memref<!tpu.dma_semaphore, #tpu.memory_space<semaphore_mem>>, %arg13: memref<!tpu.dma_semaphore, #tpu.memory_space<semaphore_mem>>, %arg14: memref<!tpu.dma_semaphore, #tpu.memory_space<semaphore_mem>>, %arg15: memref<!tpu.dma_semaphore, #tpu.memory_space<semaphore_mem>>, %arg16: memref<!tpu.dma_semaphore, #tpu.memory_space<semaphore_mem>>, %arg17: memref<!tpu.dma_semaphore, #tpu.memory_space<semaphore_mem>>) attributes {dimension_semantics = [#tpu.dimension_semantics<core_parallel>, #tpu.dimension_semantics<subcore_parallel>], iteration_bounds = array<i64: 2, 16>, scalar_prefetch = 0 : i64, scratch_operands = 12 : i64, tpu.core_type = #tpu.core_type<sc_vector_subcore>, window_params = [{transform_indices = #map}, {transform_indices = #map1}, {transform_indices = #map1}, {transform_indices = #map1}]} {
    %mul3A = arith.constant 16 : i32
    %mul3A_0 = arith.muli %arg0, %mul3A : i32
    %add3A = arith.addi %mul3A_0, %arg1 : i32
    "tpu.region"() ({
      %run_scoped3A = tpu.sem_alloc : memref<!tpu.dma_semaphore, #tpu.memory_space<semaphore_mem>>
      %dma_start3A_109 = arith.constant 0 : i32
      %dma_start3A_110 = arith.constant 0 : i32
      %dma_start3A_111 = tpu.memref_slice %arg3[%add3A, %dma_start3A_109, %dma_start3A_110] : memref<32x125x80xi32, #tpu.memory_space<hbm>> -> memref<1x125x80xi32, #tpu.memory_space<hbm>>
      %dma_start3A_112 = tpu.memref_squeeze %dma_start3A_111 : memref<1x125x80xi32, #tpu.memory_space<hbm>> -> memref<125x80xi32, #tpu.memory_space<hbm>>
      %dma_start3A_113 = arith.constant 0 : i32
      %dma_start3A_114 = arith.constant 0 : i32
      %dma_start3A_115 = tpu.memref_slice %arg3[%add3A, %dma_start3A_113, %dma_start3A_114] : memref<32x125x80xi32, #tpu.memory_space<hbm>> -> memref<1x125x80xi32, #tpu.memory_space<hbm>>
      %dma_start3A_116 = tpu.memref_squeeze %dma_start3A_115 : memref<1x125x80xi32, #tpu.memory_space<hbm>> -> memref<125x80xi32, #tpu.memory_space<hbm>>
      tpu.enqueue_dma source(%dma_start3A_116 : memref<125x80xi32, #tpu.memory_space<hbm>>) target(%arg7 : memref<125x80xi32, #tpu.memory_space<vmem>>) target_semaphore(%run_scoped3A : memref<!tpu.dma_semaphore, #tpu.memory_space<semaphore_mem>>)
      %dma_wait3A_117 = arith.constant 0 : i32
      %dma_wait3A_118 = arith.constant 0 : i32
      %dma_wait3A_119 = tpu.memref_slice %arg3[%add3A, %dma_wait3A_117, %dma_wait3A_118] : memref<32x125x80xi32, #tpu.memory_space<hbm>> -> memref<1x125x80xi32, #tpu.memory_space<hbm>>
      %dma_wait3A_120 = tpu.memref_squeeze %dma_wait3A_119 : memref<1x125x80xi32, #tpu.memory_space<hbm>> -> memref<125x80xi32, #tpu.memory_space<hbm>>
      %dma_wait3A_121 = arith.constant 0 : i32
      %dma_wait3A_122 = arith.constant 0 : i32
      %dma_wait3A_123 = tpu.memref_slice %arg3[%add3A, %dma_wait3A_121, %dma_wait3A_122] : memref<32x125x80xi32, #tpu.memory_space<hbm>> -> memref<1x125x80xi32, #tpu.memory_space<hbm>>
      %dma_wait3A_124 = tpu.memref_squeeze %dma_wait3A_123 : memref<1x125x80xi32, #tpu.memory_space<hbm>> -> memref<125x80xi32, #tpu.memory_space<hbm>>
      tpu.wait_dma2 semaphore(%run_scoped3A : memref<!tpu.dma_semaphore, #tpu.memory_space<semaphore_mem>>) src(%dma_wait3A_124 : memref<125x80xi32, #tpu.memory_space<hbm>>) dst(%arg7 : memref<125x80xi32, #tpu.memory_space<vmem>>)
      tpu.yield
    }) : () -> ()
    "tpu.region"() ({
      %run_scoped3A = tpu.sem_alloc : memref<!tpu.dma_semaphore, #tpu.memory_space<semaphore_mem>>
      %dma_start3A_109 = arith.constant 0 : i32
      %dma_start3A_110 = arith.constant 0 : i32
      %dma_start3A_111 = tpu.memref_slice %arg4[%add3A, %dma_start3A_109, %dma_start3A_110] : memref<32x125x80xi32, #tpu.memory_space<hbm>> -> memref<1x125x80xi32, #tpu.memory_space<hbm>>
      %dma_start3A_112 = tpu.memref_squeeze %dma_start3A_111 : memref<1x125x80xi32, #tpu.memory_space<hbm>> -> memref<125x80xi32, #tpu.memory_space<hbm>>
      %dma_start3A_113 = arith.constant 0 : i32
      %dma_start3A_114 = arith.constant 0 : i32
      %dma_start3A_115 = tpu.memref_slice %arg4[%add3A, %dma_start3A_113, %dma_start3A_114] : memref<32x125x80xi32, #tpu.memory_space<hbm>> -> memref<1x125x80xi32, #tpu.memory_space<hbm>>
      %dma_start3A_116 = tpu.memref_squeeze %dma_start3A_115 : memref<1x125x80xi32, #tpu.memory_space<hbm>> -> memref<125x80xi32, #tpu.memory_space<hbm>>
      tpu.enqueue_dma source(%dma_start3A_116 : memref<125x80xi32, #tpu.memory_space<hbm>>) target(%arg8 : memref<125x80xi32, #tpu.memory_space<vmem>>) target_semaphore(%run_scoped3A : memref<!tpu.dma_semaphore, #tpu.memory_space<semaphore_mem>>)
      %dma_wait3A_117 = arith.constant 0 : i32
      %dma_wait3A_118 = arith.constant 0 : i32
      %dma_wait3A_119 = tpu.memref_slice %arg4[%add3A, %dma_wait3A_117, %dma_wait3A_118] : memref<32x125x80xi32, #tpu.memory_space<hbm>> -> memref<1x125x80xi32, #tpu.memory_space<hbm>>
      %dma_wait3A_120 = tpu.memref_squeeze %dma_wait3A_119 : memref<1x125x80xi32, #tpu.memory_space<hbm>> -> memref<125x80xi32, #tpu.memory_space<hbm>>
      %dma_wait3A_121 = arith.constant 0 : i32
      %dma_wait3A_122 = arith.constant 0 : i32
      %dma_wait3A_123 = tpu.memref_slice %arg4[%add3A, %dma_wait3A_121, %dma_wait3A_122] : memref<32x125x80xi32, #tpu.memory_space<hbm>> -> memref<1x125x80xi32, #tpu.memory_space<hbm>>
      %dma_wait3A_124 = tpu.memref_squeeze %dma_wait3A_123 : memref<1x125x80xi32, #tpu.memory_space<hbm>> -> memref<125x80xi32, #tpu.memory_space<hbm>>
      tpu.wait_dma2 semaphore(%run_scoped3A : memref<!tpu.dma_semaphore, #tpu.memory_space<semaphore_mem>>) src(%dma_wait3A_124 : memref<125x80xi32, #tpu.memory_space<hbm>>) dst(%arg8 : memref<125x80xi32, #tpu.memory_space<vmem>>)
      tpu.yield
    }) : () -> ()
    %broadcast_in_dim3A = arith.constant 0.000000e+00 : f32
    %broadcast_in_dim3A_1 = vector.broadcast %broadcast_in_dim3A : f32 to vector<16xf32>
    %scan3A = arith.constant 0 : i32
    %scan3A_2 = arith.constant 0 : i32
    %scan3A_3 = arith.constant 80 : i32
    %scan3A_4 = arith.addi %scan3A_2, %scan3A_3 : i32
    %scan3A_5 = arith.constant 1 : i32
    scf.for %scan3A_109 = %scan3A_2 to %scan3A_4 step %scan3A_5  : i32 {
      %swap3A = arith.index_cast %scan3A_109 : i32 to index
      %swap3A_110 = arith.constant 0 : index
      %swap3A_111 = tpu.vector_load %arg9[%swap3A, %swap3A_110] {strides = array<i32>} : memref<80x128xf32, #tpu.memory_space<vmem>>, vector<1x16xf32>,
      %swap3A_112 = vector.shape_cast %swap3A_111 : vector<1x16xf32> to vector<16xf32>
      %swap3A_113 = vector.shape_cast %broadcast_in_dim3A_1 : vector<16xf32> to vector<1x16xf32>
      tpu.vector_store %arg9[%swap3A, %swap3A_110], %swap3A_113 {strides = array<i32>} : memref<80x128xf32, #tpu.memory_space<vmem>>, vector<1x16xf32>,
      %swap3A_114 = arith.index_cast %scan3A_109 : i32 to index
      %swap3A_115 = arith.constant 16 : index
      %swap3A_116 = tpu.vector_load %arg9[%swap3A_114, %swap3A_115] {strides = array<i32>} : memref<80x128xf32, #tpu.memory_space<vmem>>, vector<1x16xf32>,
      %swap3A_117 = vector.shape_cast %swap3A_116 : vector<1x16xf32> to vector<16xf32>
      %swap3A_118 = vector.shape_cast %broadcast_in_dim3A_1 : vector<16xf32> to vector<1x16xf32>
      tpu.vector_store %arg9[%swap3A_114, %swap3A_115], %swap3A_118 {strides = array<i32>} : memref<80x128xf32, #tpu.memory_space<vmem>>, vector<1x16xf32>,
      %swap3A_119 = arith.index_cast %scan3A_109 : i32 to index
      %swap3A_120 = arith.constant 32 : index
      %swap3A_121 = tpu.vector_load %arg9[%swap3A_119, %swap3A_120] {strides = array<i32>} : memref<80x128xf32, #tpu.memory_space<vmem>>, vector<1x16xf32>,
      %swap3A_122 = vector.shape_cast %swap3A_121 : vector<1x16xf32> to vector<16xf32>
      %swap3A_123 = vector.shape_cast %broadcast_in_dim3A_1 : vector<16xf32> to vector<1x16xf32>
      tpu.vector_store %arg9[%swap3A_119, %swap3A_120], %swap3A_123 {strides = array<i32>} : memref<80x128xf32, #tpu.memory_space<vmem>>, vector<1x16xf32>,
      %swap3A_124 = arith.index_cast %scan3A_109 : i32 to index
      %swap3A_125 = arith.constant 48 : index
      %swap3A_126 = tpu.vector_load %arg9[%swap3A_124, %swap3A_125] {strides = array<i32>} : memref<80x128xf32, #tpu.memory_space<vmem>>, vector<1x16xf32>,
      %swap3A_127 = vector.shape_cast %swap3A_126 : vector<1x16xf32> to vector<16xf32>
      %swap3A_128 = vector.shape_cast %broadcast_in_dim3A_1 : vector<16xf32> to vector<1x16xf32>
      tpu.vector_store %arg9[%swap3A_124, %swap3A_125], %swap3A_128 {strides = array<i32>} : memref<80x128xf32, #tpu.memory_space<vmem>>, vector<1x16xf32>,
      %swap3A_129 = arith.index_cast %scan3A_109 : i32 to index
      %swap3A_130 = arith.constant 64 : index
      %swap3A_131 = tpu.vector_load %arg9[%swap3A_129, %swap3A_130] {strides = array<i32>} : memref<80x128xf32, #tpu.memory_space<vmem>>, vector<1x16xf32>,
      %swap3A_132 = vector.shape_cast %swap3A_131 : vector<1x16xf32> to vector<16xf32>
      %swap3A_133 = vector.shape_cast %broadcast_in_dim3A_1 : vector<16xf32> to vector<1x16xf32>
      tpu.vector_store %arg9[%swap3A_129, %swap3A_130], %swap3A_133 {strides = array<i32>} : memref<80x128xf32, #tpu.memory_space<vmem>>, vector<1x16xf32>,
      %swap3A_134 = arith.index_cast %scan3A_109 : i32 to index
      %swap3A_135 = arith.constant 80 : index
      %swap3A_136 = tpu.vector_load %arg9[%swap3A_134, %swap3A_135] {strides = array<i32>} : memref<80x128xf32, #tpu.memory_space<vmem>>, vector<1x16xf32>,
      %swap3A_137 = vector.shape_cast %swap3A_136 : vector<1x16xf32> to vector<16xf32>
      %swap3A_138 = vector.shape_cast %broadcast_in_dim3A_1 : vector<16xf32> to vector<1x16xf32>
      tpu.vector_store %arg9[%swap3A_134, %swap3A_135], %swap3A_138 {strides = array<i32>} : memref<80x128xf32, #tpu.memory_space<vmem>>, vector<1x16xf32>,
      %swap3A_139 = arith.index_cast %scan3A_109 : i32 to index
      %swap3A_140 = arith.constant 96 : index
      %swap3A_141 = tpu.vector_load %arg9[%swap3A_139, %swap3A_140] {strides = array<i32>} : memref<80x128xf32, #tpu.memory_space<vmem>>, vector<1x16xf32>,
      %swap3A_142 = vector.shape_cast %swap3A_141 : vector<1x16xf32> to vector<16xf32>
      %swap3A_143 = vector.shape_cast %broadcast_in_dim3A_1 : vector<16xf32> to vector<1x16xf32>
      tpu.vector_store %arg9[%swap3A_139, %swap3A_140], %swap3A_143 {strides = array<i32>} : memref<80x128xf32, #tpu.memory_space<vmem>>, vector<1x16xf32>,
      %swap3A_144 = arith.index_cast %scan3A_109 : i32 to index
      %swap3A_145 = arith.constant 112 : index
      %swap3A_146 = tpu.vector_load %arg9[%swap3A_144, %swap3A_145] {strides = array<i32>} : memref<80x128xf32, #tpu.memory_space<vmem>>, vector<1x16xf32>,
      %swap3A_147 = vector.shape_cast %swap3A_146 : vector<1x16xf32> to vector<16xf32>
      %swap3A_148 = vector.shape_cast %broadcast_in_dim3A_1 : vector<16xf32> to vector<1x16xf32>
      tpu.vector_store %arg9[%swap3A_144, %swap3A_145], %swap3A_148 {strides = array<i32>} : memref<80x128xf32, #tpu.memory_space<vmem>>, vector<1x16xf32>,
    }
    %scan3A_6 = arith.constant 80 : i32
    %mul3A_7 = arith.constant 625 : i32
    %mul3A_8 = arith.muli %arg1, %mul3A_7 : i32
    %add3A_9 = arith.constant 0 : i32
    %add3A_10 = arith.addi %mul3A_8, %add3A_9 : i32
    "tpu.region"() ({
      %run_scoped3A = tpu.sem_alloc : memref<!tpu.dma_semaphore, #tpu.memory_space<semaphore_mem>>
      %dma_start3A_109 = arith.constant 0 : i32
      %dma_start3A_110 = tpu.memref_slice %arg6[%add3A_10, %dma_start3A_109] : memref<10000x128xf32, #tpu.memory_space<vmem_shared>> -> memref<80x128xf32, #tpu.memory_space<vmem_shared>>
      %dma_start3A_111 = arith.constant 0 : i32
      %dma_start3A_112 = tpu.memref_slice %arg6[%add3A_10, %dma_start3A_111] : memref<10000x128xf32, #tpu.memory_space<vmem_shared>> -> memref<80x128xf32, #tpu.memory_space<vmem_shared>>
      tpu.enqueue_dma source(%arg9 : memref<80x128xf32, #tpu.memory_space<vmem>>) target(%dma_start3A_112 : memref<80x128xf32, #tpu.memory_space<vmem_shared>>) target_semaphore(%run_scoped3A : memref<!tpu.dma_semaphore, #tpu.memory_space<semaphore_mem>>)
      %dma_wait3A_113 = arith.constant 0 : i32
      %dma_wait3A_114 = tpu.memref_slice %arg6[%add3A_10, %dma_wait3A_113] : memref<10000x128xf32, #tpu.memory_space<vmem_shared>> -> memref<80x128xf32, #tpu.memory_space<vmem_shared>>
      %dma_wait3A_115 = arith.constant 0 : i32
      %dma_wait3A_116 = tpu.memref_slice %arg6[%add3A_10, %dma_wait3A_115] : memref<10000x128xf32, #tpu.memory_space<vmem_shared>> -> memref<80x128xf32, #tpu.memory_space<vmem_shared>>
      tpu.wait_dma2 semaphore(%run_scoped3A : memref<!tpu.dma_semaphore, #tpu.memory_space<semaphore_mem>>) src(%arg9 : memref<80x128xf32, #tpu.memory_space<vmem>>) dst(%dma_wait3A_116 : memref<80x128xf32, #tpu.memory_space<vmem_shared>>)
      tpu.yield
    }) : () -> ()
    %mul3A_11 = arith.constant 625 : i32
    %mul3A_12 = arith.muli %arg1, %mul3A_11 : i32
    %add3A_13 = arith.constant 80 : i32
    %add3A_14 = arith.addi %mul3A_12, %add3A_13 : i32
    "tpu.region"() ({
      %run_scoped3A = tpu.sem_alloc : memref<!tpu.dma_semaphore, #tpu.memory_space<semaphore_mem>>
      %dma_start3A_109 = arith.constant 0 : i32
      %dma_start3A_110 = tpu.memref_slice %arg6[%add3A_14, %dma_start3A_109] : memref<10000x128xf32, #tpu.memory_space<vmem_shared>> -> memref<80x128xf32, #tpu.memory_space<vmem_shared>>
      %dma_start3A_111 = arith.constant 0 : i32
      %dma_start3A_112 = tpu.memref_slice %arg6[%add3A_14, %dma_start3A_111] : memref<10000x128xf32, #tpu.memory_space<vmem_shared>> -> memref<80x128xf32, #tpu.memory_space<vmem_shared>>
      tpu.enqueue_dma source(%arg9 : memref<80x128xf32, #tpu.memory_space<vmem>>) target(%dma_start3A_112 : memref<80x128xf32, #tpu.memory_space<vmem_shared>>) target_semaphore(%run_scoped3A : memref<!tpu.dma_semaphore, #tpu.memory_space<semaphore_mem>>)
      %dma_wait3A_113 = arith.constant 0 : i32
      %dma_wait3A_114 = tpu.memref_slice %arg6[%add3A_14, %dma_wait3A_113] : memref<10000x128xf32, #tpu.memory_space<vmem_shared>> -> memref<80x128xf32, #tpu.memory_space<vmem_shared>>
      %dma_wait3A_115 = arith.constant 0 : i32
      %dma_wait3A_116 = tpu.memref_slice %arg6[%add3A_14, %dma_wait3A_115] : memref<10000x128xf32, #tpu.memory_space<vmem_shared>> -> memref<80x128xf32, #tpu.memory_space<vmem_shared>>
      tpu.wait_dma2 semaphore(%run_scoped3A : memref<!tpu.dma_semaphore, #tpu.memory_space<semaphore_mem>>) src(%arg9 : memref<80x128xf32, #tpu.memory_space<vmem>>) dst(%dma_wait3A_116 : memref<80x128xf32, #tpu.memory_space<vmem_shared>>)
      tpu.yield
    }) : () -> ()
    %mul3A_15 = arith.constant 625 : i32
    %mul3A_16 = arith.muli %arg1, %mul3A_15 : i32
    %add3A_17 = arith.constant 160 : i32
    %add3A_18 = arith.addi %mul3A_16, %add3A_17 : i32
    "tpu.region"() ({
      %run_scoped3A = tpu.sem_alloc : memref<!tpu.dma_semaphore, #tpu.memory_space<semaphore_mem>>
      %dma_start3A_109 = arith.constant 0 : i32
      %dma_start3A_110 = tpu.memref_slice %arg6[%add3A_18, %dma_start3A_109] : memref<10000x128xf32, #tpu.memory_space<vmem_shared>> -> memref<80x128xf32, #tpu.memory_space<vmem_shared>>
      %dma_start3A_111 = arith.constant 0 : i32
      %dma_start3A_112 = tpu.memref_slice %arg6[%add3A_18, %dma_start3A_111] : memref<10000x128xf32, #tpu.memory_space<vmem_shared>> -> memref<80x128xf32, #tpu.memory_space<vmem_shared>>
      tpu.enqueue_dma source(%arg9 : memref<80x128xf32, #tpu.memory_space<vmem>>) target(%dma_start3A_112 : memref<80x128xf32, #tpu.memory_space<vmem_shared>>) target_semaphore(%run_scoped3A : memref<!tpu.dma_semaphore, #tpu.memory_space<semaphore_mem>>)
      %dma_wait3A_113 = arith.constant 0 : i32
      %dma_wait3A_114 = tpu.memref_slice %arg6[%add3A_18, %dma_wait3A_113] : memref<10000x128xf32, #tpu.memory_space<vmem_shared>> -> memref<80x128xf32, #tpu.memory_space<vmem_shared>>
      %dma_wait3A_115 = arith.constant 0 : i32
      %dma_wait3A_116 = tpu.memref_slice %arg6[%add3A_18, %dma_wait3A_115] : memref<10000x128xf32, #tpu.memory_space<vmem_shared>> -> memref<80x128xf32, #tpu.memory_space<vmem_shared>>
      tpu.wait_dma2 semaphore(%run_scoped3A : memref<!tpu.dma_semaphore, #tpu.memory_space<semaphore_mem>>) src(%arg9 : memref<80x128xf32, #tpu.memory_space<vmem>>) dst(%dma_wait3A_116 : memref<80x128xf32, #tpu.memory_space<vmem_shared>>)
      tpu.yield
    }) : () -> ()
    %mul3A_19 = arith.constant 625 : i32
    %mul3A_20 = arith.muli %arg1, %mul3A_19 : i32
    %add3A_21 = arith.constant 240 : i32
    %add3A_22 = arith.addi %mul3A_20, %add3A_21 : i32
    "tpu.region"() ({
      %run_scoped3A = tpu.sem_alloc : memref<!tpu.dma_semaphore, #tpu.memory_space<semaphore_mem>>
      %dma_start3A_109 = arith.constant 0 : i32
      %dma_start3A_110 = tpu.memref_slice %arg6[%add3A_22, %dma_start3A_109] : memref<10000x128xf32, #tpu.memory_space<vmem_shared>> -> memref<80x128xf32, #tpu.memory_space<vmem_shared>>
      %dma_start3A_111 = arith.constant 0 : i32
      %dma_start3A_112 = tpu.memref_slice %arg6[%add3A_22, %dma_start3A_111] : memref<10000x128xf32, #tpu.memory_space<vmem_shared>> -> memref<80x128xf32, #tpu.memory_space<vmem_shared>>
      tpu.enqueue_dma source(%arg9 : memref<80x128xf32, #tpu.memory_space<vmem>>) target(%dma_start3A_112 : memref<80x128xf32, #tpu.memory_space<vmem_shared>>) target_semaphore(%run_scoped3A : memref<!tpu.dma_semaphore, #tpu.memory_space<semaphore_mem>>)
      %dma_wait3A_113 = arith.constant 0 : i32
      %dma_wait3A_114 = tpu.memref_slice %arg6[%add3A_22, %dma_wait3A_113] : memref<10000x128xf32, #tpu.memory_space<vmem_shared>> -> memref<80x128xf32, #tpu.memory_space<vmem_shared>>
      %dma_wait3A_115 = arith.constant 0 : i32
      %dma_wait3A_116 = tpu.memref_slice %arg6[%add3A_22, %dma_wait3A_115] : memref<10000x128xf32, #tpu.memory_space<vmem_shared>> -> memref<80x128xf32, #tpu.memory_space<vmem_shared>>
      tpu.wait_dma2 semaphore(%run_scoped3A : memref<!tpu.dma_semaphore, #tpu.memory_space<semaphore_mem>>) src(%arg9 : memref<80x128xf32, #tpu.memory_space<vmem>>) dst(%dma_wait3A_116 : memref<80x128xf32, #tpu.memory_space<vmem_shared>>)
      tpu.yield
    }) : () -> ()
    %mul3A_23 = arith.constant 625 : i32
    %mul3A_24 = arith.muli %arg1, %mul3A_23 : i32
    %add3A_25 = arith.constant 320 : i32
    %add3A_26 = arith.addi %mul3A_24, %add3A_25 : i32
    "tpu.region"() ({
      %run_scoped3A = tpu.sem_alloc : memref<!tpu.dma_semaphore, #tpu.memory_space<semaphore_mem>>
      %dma_start3A_109 = arith.constant 0 : i32
      %dma_start3A_110 = tpu.memref_slice %arg6[%add3A_26, %dma_start3A_109] : memref<10000x128xf32, #tpu.memory_space<vmem_shared>> -> memref<80x128xf32, #tpu.memory_space<vmem_shared>>
      %dma_start3A_111 = arith.constant 0 : i32
      %dma_start3A_112 = tpu.memref_slice %arg6[%add3A_26, %dma_start3A_111] : memref<10000x128xf32, #tpu.memory_space<vmem_shared>> -> memref<80x128xf32, #tpu.memory_space<vmem_shared>>
      tpu.enqueue_dma source(%arg9 : memref<80x128xf32, #tpu.memory_space<vmem>>) target(%dma_start3A_112 : memref<80x128xf32, #tpu.memory_space<vmem_shared>>) target_semaphore(%run_scoped3A : memref<!tpu.dma_semaphore, #tpu.memory_space<semaphore_mem>>)
      %dma_wait3A_113 = arith.constant 0 : i32
      %dma_wait3A_114 = tpu.memref_slice %arg6[%add3A_26, %dma_wait3A_113] : memref<10000x128xf32, #tpu.memory_space<vmem_shared>> -> memref<80x128xf32, #tpu.memory_space<vmem_shared>>
      %dma_wait3A_115 = arith.constant 0 : i32
      %dma_wait3A_116 = tpu.memref_slice %arg6[%add3A_26, %dma_wait3A_115] : memref<10000x128xf32, #tpu.memory_space<vmem_shared>> -> memref<80x128xf32, #tpu.memory_space<vmem_shared>>
      tpu.wait_dma2 semaphore(%run_scoped3A : memref<!tpu.dma_semaphore, #tpu.memory_space<semaphore_mem>>) src(%arg9 : memref<80x128xf32, #tpu.memory_space<vmem>>) dst(%dma_wait3A_116 : memref<80x128xf32, #tpu.memory_space<vmem_shared>>)
      tpu.yield
    }) : () -> ()
    %mul3A_27 = arith.constant 625 : i32
    %mul3A_28 = arith.muli %arg1, %mul3A_27 : i32
    %add3A_29 = arith.constant 400 : i32
    %add3A_30 = arith.addi %mul3A_28, %add3A_29 : i32
    "tpu.region"() ({
      %run_scoped3A = tpu.sem_alloc : memref<!tpu.dma_semaphore, #tpu.memory_space<semaphore_mem>>
      %dma_start3A_109 = arith.constant 0 : i32
      %dma_start3A_110 = tpu.memref_slice %arg6[%add3A_30, %dma_start3A_109] : memref<10000x128xf32, #tpu.memory_space<vmem_shared>> -> memref<80x128xf32, #tpu.memory_space<vmem_shared>>
      %dma_start3A_111 = arith.constant 0 : i32
      %dma_start3A_112 = tpu.memref_slice %arg6[%add3A_30, %dma_start3A_111] : memref<10000x128xf32, #tpu.memory_space<vmem_shared>> -> memref<80x128xf32, #tpu.memory_space<vmem_shared>>
      tpu.enqueue_dma source(%arg9 : memref<80x128xf32, #tpu.memory_space<vmem>>) target(%dma_start3A_112 : memref<80x128xf32, #tpu.memory_space<vmem_shared>>) target_semaphore(%run_scoped3A : memref<!tpu.dma_semaphore, #tpu.memory_space<semaphore_mem>>)
      %dma_wait3A_113 = arith.constant 0 : i32
      %dma_wait3A_114 = tpu.memref_slice %arg6[%add3A_30, %dma_wait3A_113] : memref<10000x128xf32, #tpu.memory_space<vmem_shared>> -> memref<80x128xf32, #tpu.memory_space<vmem_shared>>
      %dma_wait3A_115 = arith.constant 0 : i32
      %dma_wait3A_116 = tpu.memref_slice %arg6[%add3A_30, %dma_wait3A_115] : memref<10000x128xf32, #tpu.memory_space<vmem_shared>> -> memref<80x128xf32, #tpu.memory_space<vmem_shared>>
      tpu.wait_dma2 semaphore(%run_scoped3A : memref<!tpu.dma_semaphore, #tpu.memory_space<semaphore_mem>>) src(%arg9 : memref<80x128xf32, #tpu.memory_space<vmem>>) dst(%dma_wait3A_116 : memref<80x128xf32, #tpu.memory_space<vmem_shared>>)
      tpu.yield
    }) : () -> ()
    %mul3A_31 = arith.constant 625 : i32
    %mul3A_32 = arith.muli %arg1, %mul3A_31 : i32
    %add3A_33 = arith.constant 480 : i32
    %add3A_34 = arith.addi %mul3A_32, %add3A_33 : i32
    "tpu.region"() ({
      %run_scoped3A = tpu.sem_alloc : memref<!tpu.dma_semaphore, #tpu.memory_space<semaphore_mem>>
      %dma_start3A_109 = arith.constant 0 : i32
      %dma_start3A_110 = tpu.memref_slice %arg6[%add3A_34, %dma_start3A_109] : memref<10000x128xf32, #tpu.memory_space<vmem_shared>> -> memref<80x128xf32, #tpu.memory_space<vmem_shared>>
      %dma_start3A_111 = arith.constant 0 : i32
      %dma_start3A_112 = tpu.memref_slice %arg6[%add3A_34, %dma_start3A_111] : memref<10000x128xf32, #tpu.memory_space<vmem_shared>> -> memref<80x128xf32, #tpu.memory_space<vmem_shared>>
      tpu.enqueue_dma source(%arg9 : memref<80x128xf32, #tpu.memory_space<vmem>>) target(%dma_start3A_112 : memref<80x128xf32, #tpu.memory_space<vmem_shared>>) target_semaphore(%run_scoped3A : memref<!tpu.dma_semaphore, #tpu.memory_space<semaphore_mem>>)
      %dma_wait3A_113 = arith.constant 0 : i32
      %dma_wait3A_114 = tpu.memref_slice %arg6[%add3A_34, %dma_wait3A_113] : memref<10000x128xf32, #tpu.memory_space<vmem_shared>> -> memref<80x128xf32, #tpu.memory_space<vmem_shared>>
      %dma_wait3A_115 = arith.constant 0 : i32
      %dma_wait3A_116 = tpu.memref_slice %arg6[%add3A_34, %dma_wait3A_115] : memref<10000x128xf32, #tpu.memory_space<vmem_shared>> -> memref<80x128xf32, #tpu.memory_space<vmem_shared>>
      tpu.wait_dma2 semaphore(%run_scoped3A : memref<!tpu.dma_semaphore, #tpu.memory_space<semaphore_mem>>) src(%arg9 : memref<80x128xf32, #tpu.memory_space<vmem>>) dst(%dma_wait3A_116 : memref<80x128xf32, #tpu.memory_space<vmem_shared>>)
      tpu.yield
    }) : () -> ()
    %mul3A_35 = arith.constant 625 : i32
    %mul3A_36 = arith.muli %arg1, %mul3A_35 : i32
    %add3A_37 = arith.constant 560 : i32
    %add3A_38 = arith.addi %mul3A_36, %add3A_37 : i32
    "tpu.region"() ({
      %run_scoped3A = tpu.sem_alloc : memref<!tpu.dma_semaphore, #tpu.memory_space<semaphore_mem>>
      %dma_start3A_109 = arith.constant 0 : i32
      %dma_start3A_110 = arith.constant 0 : i32
      %dma_start3A_111 = tpu.memref_slice %arg9[%dma_start3A_109, %dma_start3A_110] : memref<80x128xf32, #tpu.memory_space<vmem>> -> memref<65x128xf32, #tpu.memory_space<vmem>>
      %dma_start3A_112 = arith.constant 0 : i32
      %dma_start3A_113 = tpu.memref_slice %arg6[%add3A_38, %dma_start3A_112] : memref<10000x128xf32, #tpu.memory_space<vmem_shared>> -> memref<65x128xf32, #tpu.memory_space<vmem_shared>>
      %dma_start3A_114 = arith.constant 0 : i32
      %dma_start3A_115 = tpu.memref_slice %arg6[%add3A_38, %dma_start3A_114] : memref<10000x128xf32, #tpu.memory_space<vmem_shared>> -> memref<65x128xf32, #tpu.memory_space<vmem_shared>>
      %dma_start3A_116 = arith.constant 0 : i32
      %dma_start3A_117 = arith.constant 0 : i32
      %dma_start3A_118 = tpu.memref_slice %arg9[%dma_start3A_116, %dma_start3A_117] : memref<80x128xf32, #tpu.memory_space<vmem>> -> memref<65x128xf32, #tpu.memory_space<vmem>>
      tpu.enqueue_dma source(%dma_start3A_118 : memref<65x128xf32, #tpu.memory_space<vmem>>) target(%dma_start3A_115 : memref<65x128xf32, #tpu.memory_space<vmem_shared>>) target_semaphore(%run_scoped3A : memref<!tpu.dma_semaphore, #tpu.memory_space<semaphore_mem>>)
      %dma_wait3A_119 = arith.constant 0 : i32
      %dma_wait3A_120 = arith.constant 0 : i32
      %dma_wait3A_121 = tpu.memref_slice %arg9[%dma_wait3A_119, %dma_wait3A_120] : memref<80x128xf32, #tpu.memory_space<vmem>> -> memref<65x128xf32, #tpu.memory_space<vmem>>
      %dma_wait3A_122 = arith.constant 0 : i32
      %dma_wait3A_123 = tpu.memref_slice %arg6[%add3A_38, %dma_wait3A_122] : memref<10000x128xf32, #tpu.memory_space<vmem_shared>> -> memref<65x128xf32, #tpu.memory_space<vmem_shared>>
      %dma_wait3A_124 = arith.constant 0 : i32
      %dma_wait3A_125 = tpu.memref_slice %arg6[%add3A_38, %dma_wait3A_124] : memref<10000x128xf32, #tpu.memory_space<vmem_shared>> -> memref<65x128xf32, #tpu.memory_space<vmem_shared>>
      %dma_wait3A_126 = arith.constant 0 : i32
      %dma_wait3A_127 = arith.constant 0 : i32
      %dma_wait3A_128 = tpu.memref_slice %arg9[%dma_wait3A_126, %dma_wait3A_127] : memref<80x128xf32, #tpu.memory_space<vmem>> -> memref<65x128xf32, #tpu.memory_space<vmem>>
      tpu.wait_dma2 semaphore(%run_scoped3A : memref<!tpu.dma_semaphore, #tpu.memory_space<semaphore_mem>>) src(%dma_wait3A_128 : memref<65x128xf32, #tpu.memory_space<vmem>>) dst(%dma_wait3A_125 : memref<65x128xf32, #tpu.memory_space<vmem_shared>>)
      tpu.yield
    }) : () -> ()
    %barrier3A = arith.constant 0 : index
    tpu.barrier barrier_id(%barrier3A)
    %dma_start3A = arith.constant 0 : i32
    %dma_start3A_39 = arith.constant 0 : i32
    %dma_start3A_40 = tpu.memref_slice %arg7[%dma_start3A, %dma_start3A_39] : memref<125x80xi32, #tpu.memory_space<vmem>> -> memref<1x80xi32, #tpu.memory_space<vmem>>
    %dma_start3A_41 = tpu.memref_squeeze %dma_start3A_40 : memref<1x80xi32, #tpu.memory_space<vmem>> -> memref<80xi32, #tpu.memory_space<vmem>>
    %dma_start3A_42 = arith.constant 0 : i32
    %dma_start3A_43 = arith.constant 0 : i32
    %dma_start3A_44 = tpu.memref_slice %arg2[%dma_start3A_42, %dma_start3A_43] : memref<10000x128xf32, #tpu.memory_space<hbm>> -> memref<10000x128xf32, #tpu.memory_space<hbm>>
    tpu.enqueue_indirect_dma source(%dma_start3A_44 : memref<10000x128xf32, #tpu.memory_space<hbm>>) target(%arg9 : memref<80x128xf32, #tpu.memory_space<vmem>>) offsets(%dma_start3A_41 : memref<80xi32, #tpu.memory_space<vmem>>) semaphore(%arg12 : memref<!tpu.dma_semaphore, #tpu.memory_space<semaphore_mem>>)
    %dma_start3A_45 = arith.constant 1 : i32
    %dma_start3A_46 = arith.constant 0 : i32
    %dma_start3A_47 = tpu.memref_slice %arg7[%dma_start3A_45, %dma_start3A_46] : memref<125x80xi32, #tpu.memory_space<vmem>> -> memref<1x80xi32, #tpu.memory_space<vmem>>
    %dma_start3A_48 = tpu.memref_squeeze %dma_start3A_47 : memref<1x80xi32, #tpu.memory_space<vmem>> -> memref<80xi32, #tpu.memory_space<vmem>>
    %dma_start3A_49 = arith.constant 0 : i32
    %dma_start3A_50 = arith.constant 0 : i32
    %dma_start3A_51 = tpu.memref_slice %arg2[%dma_start3A_49, %dma_start3A_50] : memref<10000x128xf32, #tpu.memory_space<hbm>> -> memref<10000x128xf32, #tpu.memory_space<hbm>>
    tpu.enqueue_indirect_dma source(%dma_start3A_51 : memref<10000x128xf32, #tpu.memory_space<hbm>>) target(%arg10 : memref<80x128xf32, #tpu.memory_space<vmem>>) offsets(%dma_start3A_48 : memref<80xi32, #tpu.memory_space<vmem>>) semaphore(%arg13 : memref<!tpu.dma_semaphore, #tpu.memory_space<semaphore_mem>>)
    %dma_start3A_52 = arith.constant 2 : i32
    %dma_start3A_53 = arith.constant 0 : i32
    %dma_start3A_54 = tpu.memref_slice %arg7[%dma_start3A_52, %dma_start3A_53] : memref<125x80xi32, #tpu.memory_space<vmem>> -> memref<1x80xi32, #tpu.memory_space<vmem>>
    %dma_start3A_55 = tpu.memref_squeeze %dma_start3A_54 : memref<1x80xi32, #tpu.memory_space<vmem>> -> memref<80xi32, #tpu.memory_space<vmem>>
    %dma_start3A_56 = arith.constant 0 : i32
    %dma_start3A_57 = arith.constant 0 : i32
    %dma_start3A_58 = tpu.memref_slice %arg2[%dma_start3A_56, %dma_start3A_57] : memref<10000x128xf32, #tpu.memory_space<hbm>> -> memref<10000x128xf32, #tpu.memory_space<hbm>>
    tpu.enqueue_indirect_dma source(%dma_start3A_58 : memref<10000x128xf32, #tpu.memory_space<hbm>>) target(%arg11 : memref<80x128xf32, #tpu.memory_space<vmem>>) offsets(%dma_start3A_55 : memref<80xi32, #tpu.memory_space<vmem>>) semaphore(%arg14 : memref<!tpu.dma_semaphore, #tpu.memory_space<semaphore_mem>>)
    %scan3A_59 = arith.constant 0 : i32
    %scan3A_60 = arith.constant 0 : i32
    %scan3A_61 = arith.constant 41 : i32
    %scan3A_62 = arith.addi %scan3A_60, %scan3A_61 : i32
    %scan3A_63 = arith.constant 1 : i32
    scf.for %scan3A_109 = %scan3A_60 to %scan3A_62 step %scan3A_63  : i32 {
      %mul3A_110 = arith.constant 3 : i32
      %mul3A_111 = arith.muli %mul3A_110, %scan3A_109 : i32
      %add3A_112 = arith.constant 0 : i32
      %add3A_113 = arith.addi %mul3A_111, %add3A_112 : i32
      %dma_wait3A_114 = arith.constant 0 : i32
      %dma_wait3A_115 = tpu.memref_slice %arg7[%add3A_113, %dma_wait3A_114] : memref<125x80xi32, #tpu.memory_space<vmem>> -> memref<1x80xi32, #tpu.memory_space<vmem>>
      %dma_wait3A_116 = tpu.memref_squeeze %dma_wait3A_115 : memref<1x80xi32, #tpu.memory_space<vmem>> -> memref<80xi32, #tpu.memory_space<vmem>>
      %dma_wait3A_117 = arith.constant 0 : i32
      %dma_wait3A_118 = arith.constant 0 : i32
      %dma_wait3A_119 = tpu.memref_slice %arg2[%dma_wait3A_117, %dma_wait3A_118] : memref<10000x128xf32, #tpu.memory_space<hbm>> -> memref<10000x128xf32, #tpu.memory_space<hbm>>
      tpu.wait_indirect_dma semaphore(%arg12 : memref<!tpu.dma_semaphore, #tpu.memory_space<semaphore_mem>>) src(%dma_wait3A_119 : memref<10000x128xf32, #tpu.memory_space<hbm>>) dst(%arg9 : memref<80x128xf32, #tpu.memory_space<vmem>>)
      %add3A_120 = arith.constant 0 : i32
      %add3A_121 = arith.addi %mul3A_111, %add3A_120 : i32
      %dma_start3A_122 = arith.constant 0 : i32
      %dma_start3A_123 = tpu.memref_slice %arg8[%add3A_121, %dma_start3A_122] : memref<125x80xi32, #tpu.memory_space<vmem>> -> memref<1x80xi32, #tpu.memory_space<vmem>>
      %dma_start3A_124 = tpu.memref_squeeze %dma_start3A_123 : memref<1x80xi32, #tpu.memory_space<vmem>> -> memref<80xi32, #tpu.memory_space<vmem>>
      %dma_start3A_125 = arith.constant 0 : i32
      %dma_start3A_126 = arith.constant 0 : i32
      %dma_start3A_127 = tpu.memref_slice %arg6[%dma_start3A_125, %dma_start3A_126] : memref<10000x128xf32, #tpu.memory_space<vmem_shared>> -> memref<10000x128xf32, #tpu.memory_space<vmem_shared>>
      tpu.enqueue_indirect_dma source(%arg9 : memref<80x128xf32, #tpu.memory_space<vmem>>) target(%dma_start3A_127 : memref<10000x128xf32, #tpu.memory_space<vmem_shared>>) offsets(%dma_start3A_124 : memref<80xi32, #tpu.memory_space<vmem>>) semaphore(%arg15 : memref<!tpu.dma_semaphore, #tpu.memory_space<semaphore_mem>>) {add = true}
      %add3A_128 = arith.constant 1 : i32
      %add3A_129 = arith.addi %mul3A_111, %add3A_128 : i32
      %dma_wait3A_130 = arith.constant 0 : i32
      %dma_wait3A_131 = tpu.memref_slice %arg7[%add3A_129, %dma_wait3A_130] : memref<125x80xi32, #tpu.memory_space<vmem>> -> memref<1x80xi32, #tpu.memory_space<vmem>>
      %dma_wait3A_132 = tpu.memref_squeeze %dma_wait3A_131 : memref<1x80xi32, #tpu.memory_space<vmem>> -> memref<80xi32, #tpu.memory_space<vmem>>
      %dma_wait3A_133 = arith.constant 0 : i32
      %dma_wait3A_134 = arith.constant 0 : i32
      %dma_wait3A_135 = tpu.memref_slice %arg2[%dma_wait3A_133, %dma_wait3A_134] : memref<10000x128xf32, #tpu.memory_space<hbm>> -> memref<10000x128xf32, #tpu.memory_space<hbm>>
      tpu.wait_indirect_dma semaphore(%arg13 : memref<!tpu.dma_semaphore, #tpu.memory_space<semaphore_mem>>) src(%dma_wait3A_135 : memref<10000x128xf32, #tpu.memory_space<hbm>>) dst(%arg10 : memref<80x128xf32, #tpu.memory_space<vmem>>)
      %add3A_136 = arith.constant 1 : i32
      %add3A_137 = arith.addi %mul3A_111, %add3A_136 : i32
      %dma_start3A_138 = arith.constant 0 : i32
      %dma_start3A_139 = tpu.memref_slice %arg8[%add3A_137, %dma_start3A_138] : memref<125x80xi32, #tpu.memory_space<vmem>> -> memref<1x80xi32, #tpu.memory_space<vmem>>
      %dma_start3A_140 = tpu.memref_squeeze %dma_start3A_139 : memref<1x80xi32, #tpu.memory_space<vmem>> -> memref<80xi32, #tpu.memory_space<vmem>>
      %dma_start3A_141 = arith.constant 0 : i32
      %dma_start3A_142 = arith.constant 0 : i32
      %dma_start3A_143 = tpu.memref_slice %arg6[%dma_start3A_141, %dma_start3A_142] : memref<10000x128xf32, #tpu.memory_space<vmem_shared>> -> memref<10000x128xf32, #tpu.memory_space<vmem_shared>>
      tpu.enqueue_indirect_dma source(%arg10 : memref<80x128xf32, #tpu.memory_space<vmem>>) target(%dma_start3A_143 : memref<10000x128xf32, #tpu.memory_space<vmem_shared>>) offsets(%dma_start3A_140 : memref<80xi32, #tpu.memory_space<vmem>>) semaphore(%arg16 : memref<!tpu.dma_semaphore, #tpu.memory_space<semaphore_mem>>) {add = true}
      %add3A_144 = arith.constant 2 : i32
      %add3A_145 = arith.addi %mul3A_111, %add3A_144 : i32
      %dma_wait3A_146 = arith.constant 0 : i32
      %dma_wait3A_147 = tpu.memref_slice %arg7[%add3A_145, %dma_wait3A_146] : memref<125x80xi32, #tpu.memory_space<vmem>> -> memref<1x80xi32, #tpu.memory_space<vmem>>
      %dma_wait3A_148 = tpu.memref_squeeze %dma_wait3A_147 : memref<1x80xi32, #tpu.memory_space<vmem>> -> memref<80xi32, #tpu.memory_space<vmem>>
      %dma_wait3A_149 = arith.constant 0 : i32
      %dma_wait3A_150 = arith.constant 0 : i32
      %dma_wait3A_151 = tpu.memref_slice %arg2[%dma_wait3A_149, %dma_wait3A_150] : memref<10000x128xf32, #tpu.memory_space<hbm>> -> memref<10000x128xf32, #tpu.memory_space<hbm>>
      tpu.wait_indirect_dma semaphore(%arg14 : memref<!tpu.dma_semaphore, #tpu.memory_space<semaphore_mem>>) src(%dma_wait3A_151 : memref<10000x128xf32, #tpu.memory_space<hbm>>) dst(%arg11 : memref<80x128xf32, #tpu.memory_space<vmem>>)
      %add3A_152 = arith.constant 2 : i32
      %add3A_153 = arith.addi %mul3A_111, %add3A_152 : i32
      %dma_start3A_154 = arith.constant 0 : i32
      %dma_start3A_155 = tpu.memref_slice %arg8[%add3A_153, %dma_start3A_154] : memref<125x80xi32, #tpu.memory_space<vmem>> -> memref<1x80xi32, #tpu.memory_space<vmem>>
      %dma_start3A_156 = tpu.memref_squeeze %dma_start3A_155 : memref<1x80xi32, #tpu.memory_space<vmem>> -> memref<80xi32, #tpu.memory_space<vmem>>
      %dma_start3A_157 = arith.constant 0 : i32
      %dma_start3A_158 = arith.constant 0 : i32
      %dma_start3A_159 = tpu.memref_slice %arg6[%dma_start3A_157, %dma_start3A_158] : memref<10000x128xf32, #tpu.memory_space<vmem_shared>> -> memref<10000x128xf32, #tpu.memory_space<vmem_shared>>
      tpu.enqueue_indirect_dma source(%arg11 : memref<80x128xf32, #tpu.memory_space<vmem>>) target(%dma_start3A_159 : memref<10000x128xf32, #tpu.memory_space<vmem_shared>>) offsets(%dma_start3A_156 : memref<80xi32, #tpu.memory_space<vmem>>) semaphore(%arg17 : memref<!tpu.dma_semaphore, #tpu.memory_space<semaphore_mem>>) {add = true}
      %add3A_160 = arith.constant 0 : i32
      %add3A_161 = arith.addi %mul3A_111, %add3A_160 : i32
      %dma_wait3A_162 = arith.constant 0 : i32
      %dma_wait3A_163 = tpu.memref_slice %arg8[%add3A_161, %dma_wait3A_162] : memref<125x80xi32, #tpu.memory_space<vmem>> -> memref<1x80xi32, #tpu.memory_space<vmem>>
      %dma_wait3A_164 = tpu.memref_squeeze %dma_wait3A_163 : memref<1x80xi32, #tpu.memory_space<vmem>> -> memref<80xi32, #tpu.memory_space<vmem>>
      %dma_wait3A_165 = arith.constant 0 : i32
      %dma_wait3A_166 = arith.constant 0 : i32
      %dma_wait3A_167 = tpu.memref_slice %arg6[%dma_wait3A_165, %dma_wait3A_166] : memref<10000x128xf32, #tpu.memory_space<vmem_shared>> -> memref<10000x128xf32, #tpu.memory_space<vmem_shared>>
      tpu.wait_indirect_dma semaphore(%arg15 : memref<!tpu.dma_semaphore, #tpu.memory_space<semaphore_mem>>) src(%arg9 : memref<80x128xf32, #tpu.memory_space<vmem>>) dst(%dma_wait3A_167 : memref<10000x128xf32, #tpu.memory_space<vmem_shared>>)
      %add3A_168 = arith.constant 3 : i32
      %add3A_169 = arith.addi %mul3A_111, %add3A_168 : i32
      %add3A_170 = arith.constant 0 : i32
      %add3A_171 = arith.addi %add3A_169, %add3A_170 : i32
      %lt3A = arith.constant 125 : i32
      %lt3A_172 = arith.cmpi slt, %add3A_171, %lt3A : i32
      %convert_element_type3A = arith.extui %lt3A_172 : i1 to i32
      %cond3A = arith.constant 0 : i32
      %cond3A_173 = arith.cmpi ne, %convert_element_type3A, %cond3A : i32
      scf.if %cond3A_173 {
        %dma_start3A_208 = arith.constant 0 : i32
        %dma_start3A_209 = tpu.memref_slice %arg7[%add3A_171, %dma_start3A_208] : memref<125x80xi32, #tpu.memory_space<vmem>> -> memref<1x80xi32, #tpu.memory_space<vmem>>
        %dma_start3A_210 = tpu.memref_squeeze %dma_start3A_209 : memref<1x80xi32, #tpu.memory_space<vmem>> -> memref<80xi32, #tpu.memory_space<vmem>>
        %dma_start3A_211 = arith.constant 0 : i32
        %dma_start3A_212 = arith.constant 0 : i32
        %dma_start3A_213 = tpu.memref_slice %arg2[%dma_start3A_211, %dma_start3A_212] : memref<10000x128xf32, #tpu.memory_space<hbm>> -> memref<10000x128xf32, #tpu.memory_space<hbm>>
        tpu.enqueue_indirect_dma source(%dma_start3A_213 : memref<10000x128xf32, #tpu.memory_space<hbm>>) target(%arg9 : memref<80x128xf32, #tpu.memory_space<vmem>>) offsets(%dma_start3A_210 : memref<80xi32, #tpu.memory_space<vmem>>) semaphore(%arg12 : memref<!tpu.dma_semaphore, #tpu.memory_space<semaphore_mem>>)
      } else {
      }
      %add3A_174 = arith.constant 1 : i32
      %add3A_175 = arith.addi %mul3A_111, %add3A_174 : i32
      %dma_wait3A_176 = arith.constant 0 : i32
      %dma_wait3A_177 = tpu.memref_slice %arg8[%add3A_175, %dma_wait3A_176] : memref<125x80xi32, #tpu.memory_space<vmem>> -> memref<1x80xi32, #tpu.memory_space<vmem>>
      %dma_wait3A_178 = tpu.memref_squeeze %dma_wait3A_177 : memref<1x80xi32, #tpu.memory_space<vmem>> -> memref<80xi32, #tpu.memory_space<vmem>>
      %dma_wait3A_179 = arith.constant 0 : i32
      %dma_wait3A_180 = arith.constant 0 : i32
      %dma_wait3A_181 = tpu.memref_slice %arg6[%dma_wait3A_179, %dma_wait3A_180] : memref<10000x128xf32, #tpu.memory_space<vmem_shared>> -> memref<10000x128xf32, #tpu.memory_space<vmem_shared>>
      tpu.wait_indirect_dma semaphore(%arg16 : memref<!tpu.dma_semaphore, #tpu.memory_space<semaphore_mem>>) src(%arg10 : memref<80x128xf32, #tpu.memory_space<vmem>>) dst(%dma_wait3A_181 : memref<10000x128xf32, #tpu.memory_space<vmem_shared>>)
      %add3A_182 = arith.constant 3 : i32
      %add3A_183 = arith.addi %mul3A_111, %add3A_182 : i32
      %add3A_184 = arith.constant 1 : i32
      %add3A_185 = arith.addi %add3A_183, %add3A_184 : i32
      %lt3A_186 = arith.constant 125 : i32
      %lt3A_187 = arith.cmpi slt, %add3A_185, %lt3A_186 : i32
      %convert_element_type3A_188 = arith.extui %lt3A_187 : i1 to i32
      %cond3A_189 = arith.constant 0 : i32
      %cond3A_190 = arith.cmpi ne, %convert_element_type3A_188, %cond3A_189 : i32
      scf.if %cond3A_190 {
        %dma_start3A_208 = arith.constant 0 : i32
        %dma_start3A_209 = tpu.memref_slice %arg7[%add3A_185, %dma_start3A_208] : memref<125x80xi32, #tpu.memory_space<vmem>> -> memref<1x80xi32, #tpu.memory_space<vmem>>
        %dma_start3A_210 = tpu.memref_squeeze %dma_start3A_209 : memref<1x80xi32, #tpu.memory_space<vmem>> -> memref<80xi32, #tpu.memory_space<vmem>>
        %dma_start3A_211 = arith.constant 0 : i32
        %dma_start3A_212 = arith.constant 0 : i32
        %dma_start3A_213 = tpu.memref_slice %arg2[%dma_start3A_211, %dma_start3A_212] : memref<10000x128xf32, #tpu.memory_space<hbm>> -> memref<10000x128xf32, #tpu.memory_space<hbm>>
        tpu.enqueue_indirect_dma source(%dma_start3A_213 : memref<10000x128xf32, #tpu.memory_space<hbm>>) target(%arg10 : memref<80x128xf32, #tpu.memory_space<vmem>>) offsets(%dma_start3A_210 : memref<80xi32, #tpu.memory_space<vmem>>) semaphore(%arg13 : memref<!tpu.dma_semaphore, #tpu.memory_space<semaphore_mem>>)
      } else {
      }
      %add3A_191 = arith.constant 2 : i32
      %add3A_192 = arith.addi %mul3A_111, %add3A_191 : i32
      %dma_wait3A_193 = arith.constant 0 : i32
      %dma_wait3A_194 = tpu.memref_slice %arg8[%add3A_192, %dma_wait3A_193] : memref<125x80xi32, #tpu.memory_space<vmem>> -> memref<1x80xi32, #tpu.memory_space<vmem>>
      %dma_wait3A_195 = tpu.memref_squeeze %dma_wait3A_194 : memref<1x80xi32, #tpu.memory_space<vmem>> -> memref<80xi32, #tpu.memory_space<vmem>>
      %dma_wait3A_196 = arith.constant 0 : i32
      %dma_wait3A_197 = arith.constant 0 : i32
      %dma_wait3A_198 = tpu.memref_slice %arg6[%dma_wait3A_196, %dma_wait3A_197] : memref<10000x128xf32, #tpu.memory_space<vmem_shared>> -> memref<10000x128xf32, #tpu.memory_space<vmem_shared>>
      tpu.wait_indirect_dma semaphore(%arg17 : memref<!tpu.dma_semaphore, #tpu.memory_space<semaphore_mem>>) src(%arg11 : memref<80x128xf32, #tpu.memory_space<vmem>>) dst(%dma_wait3A_198 : memref<10000x128xf32, #tpu.memory_space<vmem_shared>>)
      %add3A_199 = arith.constant 3 : i32
      %add3A_200 = arith.addi %mul3A_111, %add3A_199 : i32
      %add3A_201 = arith.constant 2 : i32
      %add3A_202 = arith.addi %add3A_200, %add3A_201 : i32
      %lt3A_203 = arith.constant 125 : i32
      %lt3A_204 = arith.cmpi slt, %add3A_202, %lt3A_203 : i32
      %convert_element_type3A_205 = arith.extui %lt3A_204 : i1 to i32
      %cond3A_206 = arith.constant 0 : i32
      %cond3A_207 = arith.cmpi ne, %convert_element_type3A_205, %cond3A_206 : i32
      scf.if %cond3A_207 {
        %dma_start3A_208 = arith.constant 0 : i32
        %dma_start3A_209 = tpu.memref_slice %arg7[%add3A_202, %dma_start3A_208] : memref<125x80xi32, #tpu.memory_space<vmem>> -> memref<1x80xi32, #tpu.memory_space<vmem>>
        %dma_start3A_210 = tpu.memref_squeeze %dma_start3A_209 : memref<1x80xi32, #tpu.memory_space<vmem>> -> memref<80xi32, #tpu.memory_space<vmem>>
        %dma_start3A_211 = arith.constant 0 : i32
        %dma_start3A_212 = arith.constant 0 : i32
        %dma_start3A_213 = tpu.memref_slice %arg2[%dma_start3A_211, %dma_start3A_212] : memref<10000x128xf32, #tpu.memory_space<hbm>> -> memref<10000x128xf32, #tpu.memory_space<hbm>>
        tpu.enqueue_indirect_dma source(%dma_start3A_213 : memref<10000x128xf32, #tpu.memory_space<hbm>>) target(%arg11 : memref<80x128xf32, #tpu.memory_space<vmem>>) offsets(%dma_start3A_210 : memref<80xi32, #tpu.memory_space<vmem>>) semaphore(%arg14 : memref<!tpu.dma_semaphore, #tpu.memory_space<semaphore_mem>>)
      } else {
      }
    }
    %scan3A_64 = arith.constant 41 : i32
    %dma_wait3A = arith.constant 123 : i32
    %dma_wait3A_65 = arith.constant 0 : i32
    %dma_wait3A_66 = tpu.memref_slice %arg7[%dma_wait3A, %dma_wait3A_65] : memref<125x80xi32, #tpu.memory_space<vmem>> -> memref<1x80xi32, #tpu.memory_space<vmem>>
    %dma_wait3A_67 = tpu.memref_squeeze %dma_wait3A_66 : memref<1x80xi32, #tpu.memory_space<vmem>> -> memref<80xi32, #tpu.memory_space<vmem>>
    %dma_wait3A_68 = arith.constant 0 : i32
    %dma_wait3A_69 = arith.constant 0 : i32
    %dma_wait3A_70 = tpu.memref_slice %arg2[%dma_wait3A_68, %dma_wait3A_69] : memref<10000x128xf32, #tpu.memory_space<hbm>> -> memref<10000x128xf32, #tpu.memory_space<hbm>>
    tpu.wait_indirect_dma semaphore(%arg12 : memref<!tpu.dma_semaphore, #tpu.memory_space<semaphore_mem>>) src(%dma_wait3A_70 : memref<10000x128xf32, #tpu.memory_space<hbm>>) dst(%arg9 : memref<80x128xf32, #tpu.memory_space<vmem>>)
    %dma_start3A_71 = arith.constant 123 : i32
    %dma_start3A_72 = arith.constant 0 : i32
    %dma_start3A_73 = tpu.memref_slice %arg8[%dma_start3A_71, %dma_start3A_72] : memref<125x80xi32, #tpu.memory_space<vmem>> -> memref<1x80xi32, #tpu.memory_space<vmem>>
    %dma_start3A_74 = tpu.memref_squeeze %dma_start3A_73 : memref<1x80xi32, #tpu.memory_space<vmem>> -> memref<80xi32, #tpu.memory_space<vmem>>
    %dma_start3A_75 = arith.constant 0 : i32
    %dma_start3A_76 = arith.constant 0 : i32
    %dma_start3A_77 = tpu.memref_slice %arg6[%dma_start3A_75, %dma_start3A_76] : memref<10000x128xf32, #tpu.memory_space<vmem_shared>> -> memref<10000x128xf32, #tpu.memory_space<vmem_shared>>
    tpu.enqueue_indirect_dma source(%arg9 : memref<80x128xf32, #tpu.memory_space<vmem>>) target(%dma_start3A_77 : memref<10000x128xf32, #tpu.memory_space<vmem_shared>>) offsets(%dma_start3A_74 : memref<80xi32, #tpu.memory_space<vmem>>) semaphore(%arg15 : memref<!tpu.dma_semaphore, #tpu.memory_space<semaphore_mem>>) {add = true}
    %dma_wait3A_78 = arith.constant 124 : i32
    %dma_wait3A_79 = arith.constant 0 : i32
    %dma_wait3A_80 = tpu.memref_slice %arg7[%dma_wait3A_78, %dma_wait3A_79] : memref<125x80xi32, #tpu.memory_space<vmem>> -> memref<1x80xi32, #tpu.memory_space<vmem>>
    %dma_wait3A_81 = tpu.memref_squeeze %dma_wait3A_80 : memref<1x80xi32, #tpu.memory_space<vmem>> -> memref<80xi32, #tpu.memory_space<vmem>>
    %dma_wait3A_82 = arith.constant 0 : i32
    %dma_wait3A_83 = arith.constant 0 : i32
    %dma_wait3A_84 = tpu.memref_slice %arg2[%dma_wait3A_82, %dma_wait3A_83] : memref<10000x128xf32, #tpu.memory_space<hbm>> -> memref<10000x128xf32, #tpu.memory_space<hbm>>
    tpu.wait_indirect_dma semaphore(%arg13 : memref<!tpu.dma_semaphore, #tpu.memory_space<semaphore_mem>>) src(%dma_wait3A_84 : memref<10000x128xf32, #tpu.memory_space<hbm>>) dst(%arg10 : memref<80x128xf32, #tpu.memory_space<vmem>>)
    %dma_start3A_85 = arith.constant 124 : i32
    %dma_start3A_86 = arith.constant 0 : i32
    %dma_start3A_87 = tpu.memref_slice %arg8[%dma_start3A_85, %dma_start3A_86] : memref<125x80xi32, #tpu.memory_space<vmem>> -> memref<1x80xi32, #tpu.memory_space<vmem>>
    %dma_start3A_88 = tpu.memref_squeeze %dma_start3A_87 : memref<1x80xi32, #tpu.memory_space<vmem>> -> memref<80xi32, #tpu.memory_space<vmem>>
    %dma_start3A_89 = arith.constant 0 : i32
    %dma_start3A_90 = arith.constant 0 : i32
    %dma_start3A_91 = tpu.memref_slice %arg6[%dma_start3A_89, %dma_start3A_90] : memref<10000x128xf32, #tpu.memory_space<vmem_shared>> -> memref<10000x128xf32, #tpu.memory_space<vmem_shared>>
    tpu.enqueue_indirect_dma source(%arg10 : memref<80x128xf32, #tpu.memory_space<vmem>>) target(%dma_start3A_91 : memref<10000x128xf32, #tpu.memory_space<vmem_shared>>) offsets(%dma_start3A_88 : memref<80xi32, #tpu.memory_space<vmem>>) semaphore(%arg16 : memref<!tpu.dma_semaphore, #tpu.memory_space<semaphore_mem>>) {add = true}
    %dma_wait3A_92 = arith.constant 123 : i32
    %dma_wait3A_93 = arith.constant 0 : i32
    %dma_wait3A_94 = tpu.memref_slice %arg8[%dma_wait3A_92, %dma_wait3A_93] : memref<125x80xi32, #tpu.memory_space<vmem>> -> memref<1x80xi32, #tpu.memory_space<vmem>>
    %dma_wait3A_95 = tpu.memref_squeeze %dma_wait3A_94 : memref<1x80xi32, #tpu.memory_space<vmem>> -> memref<80xi32, #tpu.memory_space<vmem>>
    %dma_wait3A_96 = arith.constant 0 : i32
    %dma_wait3A_97 = arith.constant 0 : i32
    %dma_wait3A_98 = tpu.memref_slice %arg6[%dma_wait3A_96, %dma_wait3A_97] : memref<10000x128xf32, #tpu.memory_space<vmem_shared>> -> memref<10000x128xf32, #tpu.memory_space<vmem_shared>>
    tpu.wait_indirect_dma semaphore(%arg15 : memref<!tpu.dma_semaphore, #tpu.memory_space<semaphore_mem>>) src(%arg9 : memref<80x128xf32, #tpu.memory_space<vmem>>) dst(%dma_wait3A_98 : memref<10000x128xf32, #tpu.memory_space<vmem_shared>>)
    %dma_wait3A_99 = arith.constant 124 : i32
    %dma_wait3A_100 = arith.constant 0 : i32
    %dma_wait3A_101 = tpu.memref_slice %arg8[%dma_wait3A_99, %dma_wait3A_100] : memref<125x80xi32, #tpu.memory_space<vmem>> -> memref<1x80xi32, #tpu.memory_space<vmem>>
    %dma_wait3A_102 = tpu.memref_squeeze %dma_wait3A_101 : memref<1x80xi32, #tpu.memory_space<vmem>> -> memref<80xi32, #tpu.memory_space<vmem>>
    %dma_wait3A_103 = arith.constant 0 : i32
    %dma_wait3A_104 = arith.constant 0 : i32
    %dma_wait3A_105 = tpu.memref_slice %arg6[%dma_wait3A_103, %dma_wait3A_104] : memref<10000x128xf32, #tpu.memory_space<vmem_shared>> -> memref<10000x128xf32, #tpu.memory_space<vmem_shared>>
    tpu.wait_indirect_dma semaphore(%arg16 : memref<!tpu.dma_semaphore, #tpu.memory_space<semaphore_mem>>) src(%arg10 : memref<80x128xf32, #tpu.memory_space<vmem>>) dst(%dma_wait3A_105 : memref<10000x128xf32, #tpu.memory_space<vmem_shared>>)
    %barrier3A_106 = arith.constant 0 : index
    tpu.barrier barrier_id(%barrier3A_106)
    %mul3A_107 = arith.constant 625 : i32
    %mul3A_108 = arith.muli %arg1, %mul3A_107 : i32
    "tpu.region"() ({
      %run_scoped3A = tpu.sem_alloc : memref<!tpu.dma_semaphore, #tpu.memory_space<semaphore_mem>>
      %dma_start3A_109 = arith.constant 0 : i32
      %dma_start3A_110 = arith.constant 0 : i32
      %dma_start3A_111 = tpu.memref_slice %arg5[%add3A, %dma_start3A_109, %dma_start3A_110] : memref<32x625x128xf32, #tpu.memory_space<hbm>> -> memref<1x625x128xf32, #tpu.memory_space<hbm>>
      %dma_start3A_112 = tpu.memref_squeeze %dma_start3A_111 : memref<1x625x128xf32, #tpu.memory_space<hbm>> -> memref<625x128xf32, #tpu.memory_space<hbm>>
      %dma_start3A_113 = arith.constant 0 : i32
      %dma_start3A_114 = tpu.memref_slice %arg6[%mul3A_108, %dma_start3A_113] : memref<10000x128xf32, #tpu.memory_space<vmem_shared>> -> memref<625x128xf32, #tpu.memory_space<vmem_shared>>
      tpu.enqueue_dma source(%dma_start3A_114 : memref<625x128xf32, #tpu.memory_space<vmem_shared>>) target(%dma_start3A_112 : memref<625x128xf32, #tpu.memory_space<hbm>>) target_semaphore(%run_scoped3A : memref<!tpu.dma_semaphore, #tpu.memory_space<semaphore_mem>>)
      %dma_wait3A_115 = arith.constant 0 : i32
      %dma_wait3A_116 = arith.constant 0 : i32
      %dma_wait3A_117 = tpu.memref_slice %arg5[%add3A, %dma_wait3A_115, %dma_wait3A_116] : memref<32x625x128xf32, #tpu.memory_space<hbm>> -> memref<1x625x128xf32, #tpu.memory_space<hbm>>
      %dma_wait3A_118 = tpu.memref_squeeze %dma_wait3A_117 : memref<1x625x128xf32, #tpu.memory_space<hbm>> -> memref<625x128xf32, #tpu.memory_space<hbm>>
      %dma_wait3A_119 = arith.constant 0 : i32
      %dma_wait3A_120 = tpu.memref_slice %arg6[%mul3A_108, %dma_wait3A_119] : memref<10000x128xf32, #tpu.memory_space<vmem_shared>> -> memref<625x128xf32, #tpu.memory_space<vmem_shared>>
      tpu.wait_dma2 semaphore(%run_scoped3A : memref<!tpu.dma_semaphore, #tpu.memory_space<semaphore_mem>>) src(%dma_wait3A_120 : memref<625x128xf32, #tpu.memory_space<vmem_shared>>) dst(%dma_wait3A_118 : memref<625x128xf32, #tpu.memory_space<hbm>>)
      tpu.yield
    }) : () -> ()
    return
  }
}

#map = affine_map<(d0, d1) -> (0, 0)>
#map1 = affine_map<(d0, d1) -> (0, 0, 0)>
module attributes {stable_mosaic.version = 14 : i64} {
  func.func @body(%arg0: i32, %arg1: i32, %arg2: memref<10000x128xf32, #tpu.memory_space<hbm>>, %arg3: memref<32x125x80xi32, #tpu.memory_space<hbm>>, %arg4: memref<32x125x80xi32, #tpu.memory_space<hbm>>, %arg5: memref<32x625x128xf32, #tpu.memory_space<hbm>>, %arg6: memref<10000x128xf32, #tpu.memory_space<vmem_shared>>, %arg7: memref<125x80xi32, #tpu.memory_space<vmem>>, %arg8: memref<125x80xi32, #tpu.memory_space<vmem>>, %arg9: memref<80x128xf32, #tpu.memory_space<vmem>>, %arg10: memref<80x128xf32, #tpu.memory_space<vmem>>, %arg11: memref<80x128xf32, #tpu.memory_space<vmem>>, %arg12: memref<!tpu.dma_semaphore, #tpu.memory_space<semaphore_mem>>, %arg13: memref<!tpu.dma_semaphore, #tpu.memory_space<semaphore_mem>>, %arg14: memref<!tpu.dma_semaphore, #tpu.memory_space<semaphore_mem>>, %arg15: memref<!tpu.dma_semaphore, #tpu.memory_space<semaphore_mem>>, %arg16: memref<!tpu.dma_semaphore, #tpu.memory_space<semaphore_mem>>, %arg17: memref<!tpu.dma_semaphore, #tpu.memory_space<semaphore_mem>>) attributes {dimension_semantics = [#tpu.dimension_semantics<core_parallel>, #tpu.dimension_semantics<subcore_parallel>], iteration_bounds = array<i64: 2, 16>, scalar_prefetch = 0 : i64, scratch_operands = 12 : i64, tpu.core_type = #tpu.core_type<sc_vector_subcore>, window_params = [{transform_indices = #map}, {transform_indices = #map1}, {transform_indices = #map1}, {transform_indices = #map1}]} {
    %mul3A = arith.constant 16 : i32
    %mul3A_0 = arith.muli %arg0, %mul3A : i32
    %add3A = arith.addi %mul3A_0, %arg1 : i32
    "tpu.region"() ({
      %run_scoped3A = tpu.sem_alloc : memref<!tpu.dma_semaphore, #tpu.memory_space<semaphore_mem>>
      %dma_start3A_109 = arith.constant 0 : i32
      %dma_start3A_110 = arith.constant 0 : i32
      %dma_start3A_111 = tpu.memref_slice %arg3[%add3A, %dma_start3A_109, %dma_start3A_110] : memref<32x125x80xi32, #tpu.memory_space<hbm>> -> memref<1x125x80xi32, #tpu.memory_space<hbm>>
      %dma_start3A_112 = tpu.memref_squeeze %dma_start3A_111 : memref<1x125x80xi32, #tpu.memory_space<hbm>> -> memref<125x80xi32, #tpu.memory_space<hbm>>
      %dma_start3A_113 = arith.constant 0 : i32
      %dma_start3A_114 = arith.constant 0 : i32
      %dma_start3A_115 = tpu.memref_slice %arg3[%add3A, %dma_start3A_113, %dma_start3A_114] : memref<32x125x80xi32, #tpu.memory_space<hbm>> -> memref<1x125x80xi32, #tpu.memory_space<hbm>>
      %dma_start3A_116 = tpu.memref_squeeze %dma_start3A_115 : memref<1x125x80xi32, #tpu.memory_space<hbm>> -> memref<125x80xi32, #tpu.memory_space<hbm>>
      tpu.enqueue_dma source(%dma_start3A_116 : memref<125x80xi32, #tpu.memory_space<hbm>>) target(%arg7 : memref<125x80xi32, #tpu.memory_space<vmem>>) target_semaphore(%run_scoped3A : memref<!tpu.dma_semaphore, #tpu.memory_space<semaphore_mem>>)
      %dma_wait3A_117 = arith.constant 0 : i32
      %dma_wait3A_118 = arith.constant 0 : i32
      %dma_wait3A_119 = tpu.memref_slice %arg3[%add3A, %dma_wait3A_117, %dma_wait3A_118] : memref<32x125x80xi32, #tpu.memory_space<hbm>> -> memref<1x125x80xi32, #tpu.memory_space<hbm>>
      %dma_wait3A_120 = tpu.memref_squeeze %dma_wait3A_119 : memref<1x125x80xi32, #tpu.memory_space<hbm>> -> memref<125x80xi32, #tpu.memory_space<hbm>>
      %dma_wait3A_121 = arith.constant 0 : i32
      %dma_wait3A_122 = arith.constant 0 : i32
      %dma_wait3A_123 = tpu.memref_slice %arg3[%add3A, %dma_wait3A_121, %dma_wait3A_122] : memref<32x125x80xi32, #tpu.memory_space<hbm>> -> memref<1x125x80xi32, #tpu.memory_space<hbm>>
      %dma_wait3A_124 = tpu.memref_squeeze %dma_wait3A_123 : memref<1x125x80xi32, #tpu.memory_space<hbm>> -> memref<125x80xi32, #tpu.memory_space<hbm>>
      tpu.wait_dma2 semaphore(%run_scoped3A : memref<!tpu.dma_semaphore, #tpu.memory_space<semaphore_mem>>) src(%dma_wait3A_124 : memref<125x80xi32, #tpu.memory_space<hbm>>) dst(%arg7 : memref<125x80xi32, #tpu.memory_space<vmem>>)
      tpu.yield
    }) : () -> ()
    "tpu.region"() ({
      %run_scoped3A = tpu.sem_alloc : memref<!tpu.dma_semaphore, #tpu.memory_space<semaphore_mem>>
      %dma_start3A_109 = arith.constant 0 : i32
      %dma_start3A_110 = arith.constant 0 : i32
      %dma_start3A_111 = tpu.memref_slice %arg4[%add3A, %dma_start3A_109, %dma_start3A_110] : memref<32x125x80xi32, #tpu.memory_space<hbm>> -> memref<1x125x80xi32, #tpu.memory_space<hbm>>
      %dma_start3A_112 = tpu.memref_squeeze %dma_start3A_111 : memref<1x125x80xi32, #tpu.memory_space<hbm>> -> memref<125x80xi32, #tpu.memory_space<hbm>>
      %dma_start3A_113 = arith.constant 0 : i32
      %dma_start3A_114 = arith.constant 0 : i32
      %dma_start3A_115 = tpu.memref_slice %arg4[%add3A, %dma_start3A_113, %dma_start3A_114] : memref<32x125x80xi32, #tpu.memory_space<hbm>> -> memref<1x125x80xi32, #tpu.memory_space<hbm>>
      %dma_start3A_116 = tpu.memref_squeeze %dma_start3A_115 : memref<1x125x80xi32, #tpu.memory_space<hbm>> -> memref<125x80xi32, #tpu.memory_space<hbm>>
      tpu.enqueue_dma source(%dma_start3A_116 : memref<125x80xi32, #tpu.memory_space<hbm>>) target(%arg8 : memref<125x80xi32, #tpu.memory_space<vmem>>) target_semaphore(%run_scoped3A : memref<!tpu.dma_semaphore, #tpu.memory_space<semaphore_mem>>)
      %dma_wait3A_117 = arith.constant 0 : i32
      %dma_wait3A_118 = arith.constant 0 : i32
      %dma_wait3A_119 = tpu.memref_slice %arg4[%add3A, %dma_wait3A_117, %dma_wait3A_118] : memref<32x125x80xi32, #tpu.memory_space<hbm>> -> memref<1x125x80xi32, #tpu.memory_space<hbm>>
      %dma_wait3A_120 = tpu.memref_squeeze %dma_wait3A_119 : memref<1x125x80xi32, #tpu.memory_space<hbm>> -> memref<125x80xi32, #tpu.memory_space<hbm>>
      %dma_wait3A_121 = arith.constant 0 : i32
      %dma_wait3A_122 = arith.constant 0 : i32
      %dma_wait3A_123 = tpu.memref_slice %arg4[%add3A, %dma_wait3A_121, %dma_wait3A_122] : memref<32x125x80xi32, #tpu.memory_space<hbm>> -> memref<1x125x80xi32, #tpu.memory_space<hbm>>
      %dma_wait3A_124 = tpu.memref_squeeze %dma_wait3A_123 : memref<1x125x80xi32, #tpu.memory_space<hbm>> -> memref<125x80xi32, #tpu.memory_space<hbm>>
      tpu.wait_dma2 semaphore(%run_scoped3A : memref<!tpu.dma_semaphore, #tpu.memory_space<semaphore_mem>>) src(%dma_wait3A_124 : memref<125x80xi32, #tpu.memory_space<hbm>>) dst(%arg8 : memref<125x80xi32, #tpu.memory_space<vmem>>)
      tpu.yield
    }) : () -> ()
    %broadcast_in_dim3A = arith.constant 0.000000e+00 : f32
    %broadcast_in_dim3A_1 = vector.broadcast %broadcast_in_dim3A : f32 to vector<16xf32>
    %scan3A = arith.constant 0 : i32
    %scan3A_2 = arith.constant 0 : i32
    %scan3A_3 = arith.constant 80 : i32
    %scan3A_4 = arith.addi %scan3A_2, %scan3A_3 : i32
    %scan3A_5 = arith.constant 1 : i32
    scf.for %scan3A_109 = %scan3A_2 to %scan3A_4 step %scan3A_5  : i32 {
      %swap3A = arith.index_cast %scan3A_109 : i32 to index
      %swap3A_110 = arith.constant 0 : index
      %swap3A_111 = tpu.vector_load %arg9[%swap3A, %swap3A_110] {strides = array<i32>} : memref<80x128xf32, #tpu.memory_space<vmem>>, vector<1x16xf32>,
      %swap3A_112 = vector.shape_cast %swap3A_111 : vector<1x16xf32> to vector<16xf32>
      %swap3A_113 = vector.shape_cast %broadcast_in_dim3A_1 : vector<16xf32> to vector<1x16xf32>
      tpu.vector_store %arg9[%swap3A, %swap3A_110], %swap3A_113 {strides = array<i32>} : memref<80x128xf32, #tpu.memory_space<vmem>>, vector<1x16xf32>,
      %swap3A_114 = arith.index_cast %scan3A_109 : i32 to index
      %swap3A_115 = arith.constant 16 : index
      %swap3A_116 = tpu.vector_load %arg9[%swap3A_114, %swap3A_115] {strides = array<i32>} : memref<80x128xf32, #tpu.memory_space<vmem>>, vector<1x16xf32>,
      %swap3A_117 = vector.shape_cast %swap3A_116 : vector<1x16xf32> to vector<16xf32>
      %swap3A_118 = vector.shape_cast %broadcast_in_dim3A_1 : vector<16xf32> to vector<1x16xf32>
      tpu.vector_store %arg9[%swap3A_114, %swap3A_115], %swap3A_118 {strides = array<i32>} : memref<80x128xf32, #tpu.memory_space<vmem>>, vector<1x16xf32>,
      %swap3A_119 = arith.index_cast %scan3A_109 : i32 to index
      %swap3A_120 = arith.constant 32 : index
      %swap3A_121 = tpu.vector_load %arg9[%swap3A_119, %swap3A_120] {strides = array<i32>} : memref<80x128xf32, #tpu.memory_space<vmem>>, vector<1x16xf32>,
      %swap3A_122 = vector.shape_cast %swap3A_121 : vector<1x16xf32> to vector<16xf32>
      %swap3A_123 = vector.shape_cast %broadcast_in_dim3A_1 : vector<16xf32> to vector<1x16xf32>
      tpu.vector_store %arg9[%swap3A_119, %swap3A_120], %swap3A_123 {strides = array<i32>} : memref<80x128xf32, #tpu.memory_space<vmem>>, vector<1x16xf32>,
      %swap3A_124 = arith.index_cast %scan3A_109 : i32 to index
      %swap3A_125 = arith.constant 48 : index
      %swap3A_126 = tpu.vector_load %arg9[%swap3A_124, %swap3A_125] {strides = array<i32>} : memref<80x128xf32, #tpu.memory_space<vmem>>, vector<1x16xf32>,
      %swap3A_127 = vector.shape_cast %swap3A_126 : vector<1x16xf32> to vector<16xf32>
      %swap3A_128 = vector.shape_cast %broadcast_in_dim3A_1 : vector<16xf32> to vector<1x16xf32>
      tpu.vector_store %arg9[%swap3A_124, %swap3A_125], %swap3A_128 {strides = array<i32>} : memref<80x128xf32, #tpu.memory_space<vmem>>, vector<1x16xf32>,
      %swap3A_129 = arith.index_cast %scan3A_109 : i32 to index
      %swap3A_130 = arith.constant 64 : index
      %swap3A_131 = tpu.vector_load %arg9[%swap3A_129, %swap3A_130] {strides = array<i32>} : memref<80x128xf32, #tpu.memory_space<vmem>>, vector<1x16xf32>,
      %swap3A_132 = vector.shape_cast %swap3A_131 : vector<1x16xf32> to vector<16xf32>
      %swap3A_133 = vector.shape_cast %broadcast_in_dim3A_1 : vector<16xf32> to vector<1x16xf32>
      tpu.vector_store %arg9[%swap3A_129, %swap3A_130], %swap3A_133 {strides = array<i32>} : memref<80x128xf32, #tpu.memory_space<vmem>>, vector<1x16xf32>,
      %swap3A_134 = arith.index_cast %scan3A_109 : i32 to index
      %swap3A_135 = arith.constant 80 : index
      %swap3A_136 = tpu.vector_load %arg9[%swap3A_134, %swap3A_135] {strides = array<i32>} : memref<80x128xf32, #tpu.memory_space<vmem>>, vector<1x16xf32>,
      %swap3A_137 = vector.shape_cast %swap3A_136 : vector<1x16xf32> to vector<16xf32>
      %swap3A_138 = vector.shape_cast %broadcast_in_dim3A_1 : vector<16xf32> to vector<1x16xf32>
      tpu.vector_store %arg9[%swap3A_134, %swap3A_135], %swap3A_138 {strides = array<i32>} : memref<80x128xf32, #tpu.memory_space<vmem>>, vector<1x16xf32>,
      %swap3A_139 = arith.index_cast %scan3A_109 : i32 to index
      %swap3A_140 = arith.constant 96 : index
      %swap3A_141 = tpu.vector_load %arg9[%swap3A_139, %swap3A_140] {strides = array<i32>} : memref<80x128xf32, #tpu.memory_space<vmem>>, vector<1x16xf32>,
      %swap3A_142 = vector.shape_cast %swap3A_141 : vector<1x16xf32> to vector<16xf32>
      %swap3A_143 = vector.shape_cast %broadcast_in_dim3A_1 : vector<16xf32> to vector<1x16xf32>
      tpu.vector_store %arg9[%swap3A_139, %swap3A_140], %swap3A_143 {strides = array<i32>} : memref<80x128xf32, #tpu.memory_space<vmem>>, vector<1x16xf32>,
      %swap3A_144 = arith.index_cast %scan3A_109 : i32 to index
      %swap3A_145 = arith.constant 112 : index
      %swap3A_146 = tpu.vector_load %arg9[%swap3A_144, %swap3A_145] {strides = array<i32>} : memref<80x128xf32, #tpu.memory_space<vmem>>, vector<1x16xf32>,
      %swap3A_147 = vector.shape_cast %swap3A_146 : vector<1x16xf32> to vector<16xf32>
      %swap3A_148 = vector.shape_cast %broadcast_in_dim3A_1 : vector<16xf32> to vector<1x16xf32>
      tpu.vector_store %arg9[%swap3A_144, %swap3A_145], %swap3A_148 {strides = array<i32>} : memref<80x128xf32, #tpu.memory_space<vmem>>, vector<1x16xf32>,
    }
    %scan3A_6 = arith.constant 80 : i32
    %mul3A_7 = arith.constant 625 : i32
    %mul3A_8 = arith.muli %arg1, %mul3A_7 : i32
    %add3A_9 = arith.constant 0 : i32
    %add3A_10 = arith.addi %mul3A_8, %add3A_9 : i32
    "tpu.region"() ({
      %run_scoped3A = tpu.sem_alloc : memref<!tpu.dma_semaphore, #tpu.memory_space<semaphore_mem>>
      %dma_start3A_109 = arith.constant 0 : i32
      %dma_start3A_110 = tpu.memref_slice %arg6[%add3A_10, %dma_start3A_109] : memref<10000x128xf32, #tpu.memory_space<vmem_shared>> -> memref<80x128xf32, #tpu.memory_space<vmem_shared>>
      %dma_start3A_111 = arith.constant 0 : i32
      %dma_start3A_112 = tpu.memref_slice %arg6[%add3A_10, %dma_start3A_111] : memref<10000x128xf32, #tpu.memory_space<vmem_shared>> -> memref<80x128xf32, #tpu.memory_space<vmem_shared>>
      tpu.enqueue_dma source(%arg9 : memref<80x128xf32, #tpu.memory_space<vmem>>) target(%dma_start3A_112 : memref<80x128xf32, #tpu.memory_space<vmem_shared>>) target_semaphore(%run_scoped3A : memref<!tpu.dma_semaphore, #tpu.memory_space<semaphore_mem>>)
      %dma_wait3A_113 = arith.constant 0 : i32
      %dma_wait3A_114 = tpu.memref_slice %arg6[%add3A_10, %dma_wait3A_113] : memref<10000x128xf32, #tpu.memory_space<vmem_shared>> -> memref<80x128xf32, #tpu.memory_space<vmem_shared>>
      %dma_wait3A_115 = arith.constant 0 : i32
      %dma_wait3A_116 = tpu.memref_slice %arg6[%add3A_10, %dma_wait3A_115] : memref<10000x128xf32, #tpu.memory_space<vmem_shared>> -> memref<80x128xf32, #tpu.memory_space<vmem_shared>>
      tpu.wait_dma2 semaphore(%run_scoped3A : memref<!tpu.dma_semaphore, #tpu.memory_space<semaphore_mem>>) src(%arg9 : memref<80x128xf32, #tpu.memory_space<vmem>>) dst(%dma_wait3A_116 : memref<80x128xf32, #tpu.memory_space<vmem_shared>>)
      tpu.yield
    }) : () -> ()
    %mul3A_11 = arith.constant 625 : i32
    %mul3A_12 = arith.muli %arg1, %mul3A_11 : i32
    %add3A_13 = arith.constant 80 : i32
    %add3A_14 = arith.addi %mul3A_12, %add3A_13 : i32
    "tpu.region"() ({
      %run_scoped3A = tpu.sem_alloc : memref<!tpu.dma_semaphore, #tpu.memory_space<semaphore_mem>>
      %dma_start3A_109 = arith.constant 0 : i32
      %dma_start3A_110 = tpu.memref_slice %arg6[%add3A_14, %dma_start3A_109] : memref<10000x128xf32, #tpu.memory_space<vmem_shared>> -> memref<80x128xf32, #tpu.memory_space<vmem_shared>>
      %dma_start3A_111 = arith.constant 0 : i32
      %dma_start3A_112 = tpu.memref_slice %arg6[%add3A_14, %dma_start3A_111] : memref<10000x128xf32, #tpu.memory_space<vmem_shared>> -> memref<80x128xf32, #tpu.memory_space<vmem_shared>>
      tpu.enqueue_dma source(%arg9 : memref<80x128xf32, #tpu.memory_space<vmem>>) target(%dma_start3A_112 : memref<80x128xf32, #tpu.memory_space<vmem_shared>>) target_semaphore(%run_scoped3A : memref<!tpu.dma_semaphore, #tpu.memory_space<semaphore_mem>>)
      %dma_wait3A_113 = arith.constant 0 : i32
      %dma_wait3A_114 = tpu.memref_slice %arg6[%add3A_14, %dma_wait3A_113] : memref<10000x128xf32, #tpu.memory_space<vmem_shared>> -> memref<80x128xf32, #tpu.memory_space<vmem_shared>>
      %dma_wait3A_115 = arith.constant 0 : i32
      %dma_wait3A_116 = tpu.memref_slice %arg6[%add3A_14, %dma_wait3A_115] : memref<10000x128xf32, #tpu.memory_space<vmem_shared>> -> memref<80x128xf32, #tpu.memory_space<vmem_shared>>
      tpu.wait_dma2 semaphore(%run_scoped3A : memref<!tpu.dma_semaphore, #tpu.memory_space<semaphore_mem>>) src(%arg9 : memref<80x128xf32, #tpu.memory_space<vmem>>) dst(%dma_wait3A_116 : memref<80x128xf32, #tpu.memory_space<vmem_shared>>)
      tpu.yield
    }) : () -> ()
    %mul3A_15 = arith.constant 625 : i32
    %mul3A_16 = arith.muli %arg1, %mul3A_15 : i32
    %add3A_17 = arith.constant 160 : i32
    %add3A_18 = arith.addi %mul3A_16, %add3A_17 : i32
    "tpu.region"() ({
      %run_scoped3A = tpu.sem_alloc : memref<!tpu.dma_semaphore, #tpu.memory_space<semaphore_mem>>
      %dma_start3A_109 = arith.constant 0 : i32
      %dma_start3A_110 = tpu.memref_slice %arg6[%add3A_18, %dma_start3A_109] : memref<10000x128xf32, #tpu.memory_space<vmem_shared>> -> memref<80x128xf32, #tpu.memory_space<vmem_shared>>
      %dma_start3A_111 = arith.constant 0 : i32
      %dma_start3A_112 = tpu.memref_slice %arg6[%add3A_18, %dma_start3A_111] : memref<10000x128xf32, #tpu.memory_space<vmem_shared>> -> memref<80x128xf32, #tpu.memory_space<vmem_shared>>
      tpu.enqueue_dma source(%arg9 : memref<80x128xf32, #tpu.memory_space<vmem>>) target(%dma_start3A_112 : memref<80x128xf32, #tpu.memory_space<vmem_shared>>) target_semaphore(%run_scoped3A : memref<!tpu.dma_semaphore, #tpu.memory_space<semaphore_mem>>)
      %dma_wait3A_113 = arith.constant 0 : i32
      %dma_wait3A_114 = tpu.memref_slice %arg6[%add3A_18, %dma_wait3A_113] : memref<10000x128xf32, #tpu.memory_space<vmem_shared>> -> memref<80x128xf32, #tpu.memory_space<vmem_shared>>
      %dma_wait3A_115 = arith.constant 0 : i32
      %dma_wait3A_116 = tpu.memref_slice %arg6[%add3A_18, %dma_wait3A_115] : memref<10000x128xf32, #tpu.memory_space<vmem_shared>> -> memref<80x128xf32, #tpu.memory_space<vmem_shared>>
      tpu.wait_dma2 semaphore(%run_scoped3A : memref<!tpu.dma_semaphore, #tpu.memory_space<semaphore_mem>>) src(%arg9 : memref<80x128xf32, #tpu.memory_space<vmem>>) dst(%dma_wait3A_116 : memref<80x128xf32, #tpu.memory_space<vmem_shared>>)
      tpu.yield
    }) : () -> ()
    %mul3A_19 = arith.constant 625 : i32
    %mul3A_20 = arith.muli %arg1, %mul3A_19 : i32
    %add3A_21 = arith.constant 240 : i32
    %add3A_22 = arith.addi %mul3A_20, %add3A_21 : i32
    "tpu.region"() ({
      %run_scoped3A = tpu.sem_alloc : memref<!tpu.dma_semaphore, #tpu.memory_space<semaphore_mem>>
      %dma_start3A_109 = arith.constant 0 : i32
      %dma_start3A_110 = tpu.memref_slice %arg6[%add3A_22, %dma_start3A_109] : memref<10000x128xf32, #tpu.memory_space<vmem_shared>> -> memref<80x128xf32, #tpu.memory_space<vmem_shared>>
      %dma_start3A_111 = arith.constant 0 : i32
      %dma_start3A_112 = tpu.memref_slice %arg6[%add3A_22, %dma_start3A_111] : memref<10000x128xf32, #tpu.memory_space<vmem_shared>> -> memref<80x128xf32, #tpu.memory_space<vmem_shared>>
      tpu.enqueue_dma source(%arg9 : memref<80x128xf32, #tpu.memory_space<vmem>>) target(%dma_start3A_112 : memref<80x128xf32, #tpu.memory_space<vmem_shared>>) target_semaphore(%run_scoped3A : memref<!tpu.dma_semaphore, #tpu.memory_space<semaphore_mem>>)
      %dma_wait3A_113 = arith.constant 0 : i32
      %dma_wait3A_114 = tpu.memref_slice %arg6[%add3A_22, %dma_wait3A_113] : memref<10000x128xf32, #tpu.memory_space<vmem_shared>> -> memref<80x128xf32, #tpu.memory_space<vmem_shared>>
      %dma_wait3A_115 = arith.constant 0 : i32
      %dma_wait3A_116 = tpu.memref_slice %arg6[%add3A_22, %dma_wait3A_115] : memref<10000x128xf32, #tpu.memory_space<vmem_shared>> -> memref<80x128xf32, #tpu.memory_space<vmem_shared>>
      tpu.wait_dma2 semaphore(%run_scoped3A : memref<!tpu.dma_semaphore, #tpu.memory_space<semaphore_mem>>) src(%arg9 : memref<80x128xf32, #tpu.memory_space<vmem>>) dst(%dma_wait3A_116 : memref<80x128xf32, #tpu.memory_space<vmem_shared>>)
      tpu.yield
    }) : () -> ()
    %mul3A_23 = arith.constant 625 : i32
    %mul3A_24 = arith.muli %arg1, %mul3A_23 : i32
    %add3A_25 = arith.constant 320 : i32
    %add3A_26 = arith.addi %mul3A_24, %add3A_25 : i32
    "tpu.region"() ({
      %run_scoped3A = tpu.sem_alloc : memref<!tpu.dma_semaphore, #tpu.memory_space<semaphore_mem>>
      %dma_start3A_109 = arith.constant 0 : i32
      %dma_start3A_110 = tpu.memref_slice %arg6[%add3A_26, %dma_start3A_109] : memref<10000x128xf32, #tpu.memory_space<vmem_shared>> -> memref<80x128xf32, #tpu.memory_space<vmem_shared>>
      %dma_start3A_111 = arith.constant 0 : i32
      %dma_start3A_112 = tpu.memref_slice %arg6[%add3A_26, %dma_start3A_111] : memref<10000x128xf32, #tpu.memory_space<vmem_shared>> -> memref<80x128xf32, #tpu.memory_space<vmem_shared>>
      tpu.enqueue_dma source(%arg9 : memref<80x128xf32, #tpu.memory_space<vmem>>) target(%dma_start3A_112 : memref<80x128xf32, #tpu.memory_space<vmem_shared>>) target_semaphore(%run_scoped3A : memref<!tpu.dma_semaphore, #tpu.memory_space<semaphore_mem>>)
      %dma_wait3A_113 = arith.constant 0 : i32
      %dma_wait3A_114 = tpu.memref_slice %arg6[%add3A_26, %dma_wait3A_113] : memref<10000x128xf32, #tpu.memory_space<vmem_shared>> -> memref<80x128xf32, #tpu.memory_space<vmem_shared>>
      %dma_wait3A_115 = arith.constant 0 : i32
      %dma_wait3A_116 = tpu.memref_slice %arg6[%add3A_26, %dma_wait3A_115] : memref<10000x128xf32, #tpu.memory_space<vmem_shared>> -> memref<80x128xf32, #tpu.memory_space<vmem_shared>>
      tpu.wait_dma2 semaphore(%run_scoped3A : memref<!tpu.dma_semaphore, #tpu.memory_space<semaphore_mem>>) src(%arg9 : memref<80x128xf32, #tpu.memory_space<vmem>>) dst(%dma_wait3A_116 : memref<80x128xf32, #tpu.memory_space<vmem_shared>>)
      tpu.yield
    }) : () -> ()
    %mul3A_27 = arith.constant 625 : i32
    %mul3A_28 = arith.muli %arg1, %mul3A_27 : i32
    %add3A_29 = arith.constant 400 : i32
    %add3A_30 = arith.addi %mul3A_28, %add3A_29 : i32
    "tpu.region"() ({
      %run_scoped3A = tpu.sem_alloc : memref<!tpu.dma_semaphore, #tpu.memory_space<semaphore_mem>>
      %dma_start3A_109 = arith.constant 0 : i32
      %dma_start3A_110 = tpu.memref_slice %arg6[%add3A_30, %dma_start3A_109] : memref<10000x128xf32, #tpu.memory_space<vmem_shared>> -> memref<80x128xf32, #tpu.memory_space<vmem_shared>>
      %dma_start3A_111 = arith.constant 0 : i32
      %dma_start3A_112 = tpu.memref_slice %arg6[%add3A_30, %dma_start3A_111] : memref<10000x128xf32, #tpu.memory_space<vmem_shared>> -> memref<80x128xf32, #tpu.memory_space<vmem_shared>>
      tpu.enqueue_dma source(%arg9 : memref<80x128xf32, #tpu.memory_space<vmem>>) target(%dma_start3A_112 : memref<80x128xf32, #tpu.memory_space<vmem_shared>>) target_semaphore(%run_scoped3A : memref<!tpu.dma_semaphore, #tpu.memory_space<semaphore_mem>>)
      %dma_wait3A_113 = arith.constant 0 : i32
      %dma_wait3A_114 = tpu.memref_slice %arg6[%add3A_30, %dma_wait3A_113] : memref<10000x128xf32, #tpu.memory_space<vmem_shared>> -> memref<80x128xf32, #tpu.memory_space<vmem_shared>>
      %dma_wait3A_115 = arith.constant 0 : i32
      %dma_wait3A_116 = tpu.memref_slice %arg6[%add3A_30, %dma_wait3A_115] : memref<10000x128xf32, #tpu.memory_space<vmem_shared>> -> memref<80x128xf32, #tpu.memory_space<vmem_shared>>
      tpu.wait_dma2 semaphore(%run_scoped3A : memref<!tpu.dma_semaphore, #tpu.memory_space<semaphore_mem>>) src(%arg9 : memref<80x128xf32, #tpu.memory_space<vmem>>) dst(%dma_wait3A_116 : memref<80x128xf32, #tpu.memory_space<vmem_shared>>)
      tpu.yield
    }) : () -> ()
    %mul3A_31 = arith.constant 625 : i32
    %mul3A_32 = arith.muli %arg1, %mul3A_31 : i32
    %add3A_33 = arith.constant 480 : i32
    %add3A_34 = arith.addi %mul3A_32, %add3A_33 : i32
    "tpu.region"() ({
      %run_scoped3A = tpu.sem_alloc : memref<!tpu.dma_semaphore, #tpu.memory_space<semaphore_mem>>
      %dma_start3A_109 = arith.constant 0 : i32
      %dma_start3A_110 = tpu.memref_slice %arg6[%add3A_34, %dma_start3A_109] : memref<10000x128xf32, #tpu.memory_space<vmem_shared>> -> memref<80x128xf32, #tpu.memory_space<vmem_shared>>
      %dma_start3A_111 = arith.constant 0 : i32
      %dma_start3A_112 = tpu.memref_slice %arg6[%add3A_34, %dma_start3A_111] : memref<10000x128xf32, #tpu.memory_space<vmem_shared>> -> memref<80x128xf32, #tpu.memory_space<vmem_shared>>
      tpu.enqueue_dma source(%arg9 : memref<80x128xf32, #tpu.memory_space<vmem>>) target(%dma_start3A_112 : memref<80x128xf32, #tpu.memory_space<vmem_shared>>) target_semaphore(%run_scoped3A : memref<!tpu.dma_semaphore, #tpu.memory_space<semaphore_mem>>)
      %dma_wait3A_113 = arith.constant 0 : i32
      %dma_wait3A_114 = tpu.memref_slice %arg6[%add3A_34, %dma_wait3A_113] : memref<10000x128xf32, #tpu.memory_space<vmem_shared>> -> memref<80x128xf32, #tpu.memory_space<vmem_shared>>
      %dma_wait3A_115 = arith.constant 0 : i32
      %dma_wait3A_116 = tpu.memref_slice %arg6[%add3A_34, %dma_wait3A_115] : memref<10000x128xf32, #tpu.memory_space<vmem_shared>> -> memref<80x128xf32, #tpu.memory_space<vmem_shared>>
      tpu.wait_dma2 semaphore(%run_scoped3A : memref<!tpu.dma_semaphore, #tpu.memory_space<semaphore_mem>>) src(%arg9 : memref<80x128xf32, #tpu.memory_space<vmem>>) dst(%dma_wait3A_116 : memref<80x128xf32, #tpu.memory_space<vmem_shared>>)
      tpu.yield
    }) : () -> ()
    %mul3A_35 = arith.constant 625 : i32
    %mul3A_36 = arith.muli %arg1, %mul3A_35 : i32
    %add3A_37 = arith.constant 560 : i32
    %add3A_38 = arith.addi %mul3A_36, %add3A_37 : i32
    "tpu.region"() ({
      %run_scoped3A = tpu.sem_alloc : memref<!tpu.dma_semaphore, #tpu.memory_space<semaphore_mem>>
      %dma_start3A_109 = arith.constant 0 : i32
      %dma_start3A_110 = arith.constant 0 : i32
      %dma_start3A_111 = tpu.memref_slice %arg9[%dma_start3A_109, %dma_start3A_110] : memref<80x128xf32, #tpu.memory_space<vmem>> -> memref<65x128xf32, #tpu.memory_space<vmem>>
      %dma_start3A_112 = arith.constant 0 : i32
      %dma_start3A_113 = tpu.memref_slice %arg6[%add3A_38, %dma_start3A_112] : memref<10000x128xf32, #tpu.memory_space<vmem_shared>> -> memref<65x128xf32, #tpu.memory_space<vmem_shared>>
      %dma_start3A_114 = arith.constant 0 : i32
      %dma_start3A_115 = tpu.memref_slice %arg6[%add3A_38, %dma_start3A_114] : memref<10000x128xf32, #tpu.memory_space<vmem_shared>> -> memref<65x128xf32, #tpu.memory_space<vmem_shared>>
      %dma_start3A_116 = arith.constant 0 : i32
      %dma_start3A_117 = arith.constant 0 : i32
      %dma_start3A_118 = tpu.memref_slice %arg9[%dma_start3A_116, %dma_start3A_117] : memref<80x128xf32, #tpu.memory_space<vmem>> -> memref<65x128xf32, #tpu.memory_space<vmem>>
      tpu.enqueue_dma source(%dma_start3A_118 : memref<65x128xf32, #tpu.memory_space<vmem>>) target(%dma_start3A_115 : memref<65x128xf32, #tpu.memory_space<vmem_shared>>) target_semaphore(%run_scoped3A : memref<!tpu.dma_semaphore, #tpu.memory_space<semaphore_mem>>)
      %dma_wait3A_119 = arith.constant 0 : i32
      %dma_wait3A_120 = arith.constant 0 : i32
      %dma_wait3A_121 = tpu.memref_slice %arg9[%dma_wait3A_119, %dma_wait3A_120] : memref<80x128xf32, #tpu.memory_space<vmem>> -> memref<65x128xf32, #tpu.memory_space<vmem>>
      %dma_wait3A_122 = arith.constant 0 : i32
      %dma_wait3A_123 = tpu.memref_slice %arg6[%add3A_38, %dma_wait3A_122] : memref<10000x128xf32, #tpu.memory_space<vmem_shared>> -> memref<65x128xf32, #tpu.memory_space<vmem_shared>>
      %dma_wait3A_124 = arith.constant 0 : i32
      %dma_wait3A_125 = tpu.memref_slice %arg6[%add3A_38, %dma_wait3A_124] : memref<10000x128xf32, #tpu.memory_space<vmem_shared>> -> memref<65x128xf32, #tpu.memory_space<vmem_shared>>
      %dma_wait3A_126 = arith.constant 0 : i32
      %dma_wait3A_127 = arith.constant 0 : i32
      %dma_wait3A_128 = tpu.memref_slice %arg9[%dma_wait3A_126, %dma_wait3A_127] : memref<80x128xf32, #tpu.memory_space<vmem>> -> memref<65x128xf32, #tpu.memory_space<vmem>>
      tpu.wait_dma2 semaphore(%run_scoped3A : memref<!tpu.dma_semaphore, #tpu.memory_space<semaphore_mem>>) src(%dma_wait3A_128 : memref<65x128xf32, #tpu.memory_space<vmem>>) dst(%dma_wait3A_125 : memref<65x128xf32, #tpu.memory_space<vmem_shared>>)
      tpu.yield
    }) : () -> ()
    %barrier3A = arith.constant 0 : index
    tpu.barrier barrier_id(%barrier3A)
    %dma_start3A = arith.constant 0 : i32
    %dma_start3A_39 = arith.constant 0 : i32
    %dma_start3A_40 = tpu.memref_slice %arg7[%dma_start3A, %dma_start3A_39] : memref<125x80xi32, #tpu.memory_space<vmem>> -> memref<1x80xi32, #tpu.memory_space<vmem>>
    %dma_start3A_41 = tpu.memref_squeeze %dma_start3A_40 : memref<1x80xi32, #tpu.memory_space<vmem>> -> memref<80xi32, #tpu.memory_space<vmem>>
    %dma_start3A_42 = arith.constant 0 : i32
    %dma_start3A_43 = arith.constant 0 : i32
    %dma_start3A_44 = tpu.memref_slice %arg2[%dma_start3A_42, %dma_start3A_43] : memref<10000x128xf32, #tpu.memory_space<hbm>> -> memref<10000x128xf32, #tpu.memory_space<hbm>>
    tpu.enqueue_indirect_dma source(%dma_start3A_44 : memref<10000x128xf32, #tpu.memory_space<hbm>>) target(%arg9 : memref<80x128xf32, #tpu.memory_space<vmem>>) offsets(%dma_start3A_41 : memref<80xi32, #tpu.memory_space<vmem>>) semaphore(%arg12 : memref<!tpu.dma_semaphore, #tpu.memory_space<semaphore_mem>>)
    %dma_start3A_45 = arith.constant 1 : i32
    %dma_start3A_46 = arith.constant 0 : i32
    %dma_start3A_47 = tpu.memref_slice %arg7[%dma_start3A_45, %dma_start3A_46] : memref<125x80xi32, #tpu.memory_space<vmem>> -> memref<1x80xi32, #tpu.memory_space<vmem>>
    %dma_start3A_48 = tpu.memref_squeeze %dma_start3A_47 : memref<1x80xi32, #tpu.memory_space<vmem>> -> memref<80xi32, #tpu.memory_space<vmem>>
    %dma_start3A_49 = arith.constant 0 : i32
    %dma_start3A_50 = arith.constant 0 : i32
    %dma_start3A_51 = tpu.memref_slice %arg2[%dma_start3A_49, %dma_start3A_50] : memref<10000x128xf32, #tpu.memory_space<hbm>> -> memref<10000x128xf32, #tpu.memory_space<hbm>>
    tpu.enqueue_indirect_dma source(%dma_start3A_51 : memref<10000x128xf32, #tpu.memory_space<hbm>>) target(%arg10 : memref<80x128xf32, #tpu.memory_space<vmem>>) offsets(%dma_start3A_48 : memref<80xi32, #tpu.memory_space<vmem>>) semaphore(%arg13 : memref<!tpu.dma_semaphore, #tpu.memory_space<semaphore_mem>>)
    %dma_start3A_52 = arith.constant 2 : i32
    %dma_start3A_53 = arith.constant 0 : i32
    %dma_start3A_54 = tpu.memref_slice %arg7[%dma_start3A_52, %dma_start3A_53] : memref<125x80xi32, #tpu.memory_space<vmem>> -> memref<1x80xi32, #tpu.memory_space<vmem>>
    %dma_start3A_55 = tpu.memref_squeeze %dma_start3A_54 : memref<1x80xi32, #tpu.memory_space<vmem>> -> memref<80xi32, #tpu.memory_space<vmem>>
    %dma_start3A_56 = arith.constant 0 : i32
    %dma_start3A_57 = arith.constant 0 : i32
    %dma_start3A_58 = tpu.memref_slice %arg2[%dma_start3A_56, %dma_start3A_57] : memref<10000x128xf32, #tpu.memory_space<hbm>> -> memref<10000x128xf32, #tpu.memory_space<hbm>>
    tpu.enqueue_indirect_dma source(%dma_start3A_58 : memref<10000x128xf32, #tpu.memory_space<hbm>>) target(%arg11 : memref<80x128xf32, #tpu.memory_space<vmem>>) offsets(%dma_start3A_55 : memref<80xi32, #tpu.memory_space<vmem>>) semaphore(%arg14 : memref<!tpu.dma_semaphore, #tpu.memory_space<semaphore_mem>>)
    %scan3A_59 = arith.constant 0 : i32
    %scan3A_60 = arith.constant 0 : i32
    %scan3A_61 = arith.constant 41 : i32
    %scan3A_62 = arith.addi %scan3A_60, %scan3A_61 : i32
    %scan3A_63 = arith.constant 1 : i32
    scf.for %scan3A_109 = %scan3A_60 to %scan3A_62 step %scan3A_63  : i32 {
      %mul3A_110 = arith.constant 3 : i32
      %mul3A_111 = arith.muli %mul3A_110, %scan3A_109 : i32
      %add3A_112 = arith.constant 0 : i32
      %add3A_113 = arith.addi %mul3A_111, %add3A_112 : i32
      %dma_wait3A_114 = arith.constant 0 : i32
      %dma_wait3A_115 = tpu.memref_slice %arg7[%add3A_113, %dma_wait3A_114] : memref<125x80xi32, #tpu.memory_space<vmem>> -> memref<1x80xi32, #tpu.memory_space<vmem>>
      %dma_wait3A_116 = tpu.memref_squeeze %dma_wait3A_115 : memref<1x80xi32, #tpu.memory_space<vmem>> -> memref<80xi32, #tpu.memory_space<vmem>>
      %dma_wait3A_117 = arith.constant 0 : i32
      %dma_wait3A_118 = arith.constant 0 : i32
      %dma_wait3A_119 = tpu.memref_slice %arg2[%dma_wait3A_117, %dma_wait3A_118] : memref<10000x128xf32, #tpu.memory_space<hbm>> -> memref<10000x128xf32, #tpu.memory_space<hbm>>
      tpu.wait_indirect_dma semaphore(%arg12 : memref<!tpu.dma_semaphore, #tpu.memory_space<semaphore_mem>>) src(%dma_wait3A_119 : memref<10000x128xf32, #tpu.memory_space<hbm>>) dst(%arg9 : memref<80x128xf32, #tpu.memory_space<vmem>>)
      %add3A_120 = arith.constant 0 : i32
      %add3A_121 = arith.addi %mul3A_111, %add3A_120 : i32
      %dma_start3A_122 = arith.constant 0 : i32
      %dma_start3A_123 = tpu.memref_slice %arg8[%add3A_121, %dma_start3A_122] : memref<125x80xi32, #tpu.memory_space<vmem>> -> memref<1x80xi32, #tpu.memory_space<vmem>>
      %dma_start3A_124 = tpu.memref_squeeze %dma_start3A_123 : memref<1x80xi32, #tpu.memory_space<vmem>> -> memref<80xi32, #tpu.memory_space<vmem>>
      %dma_start3A_125 = arith.constant 0 : i32
      %dma_start3A_126 = arith.constant 0 : i32
      %dma_start3A_127 = tpu.memref_slice %arg6[%dma_start3A_125, %dma_start3A_126] : memref<10000x128xf32, #tpu.memory_space<vmem_shared>> -> memref<10000x128xf32, #tpu.memory_space<vmem_shared>>
      tpu.enqueue_indirect_dma source(%arg9 : memref<80x128xf32, #tpu.memory_space<vmem>>) target(%dma_start3A_127 : memref<10000x128xf32, #tpu.memory_space<vmem_shared>>) offsets(%dma_start3A_124 : memref<80xi32, #tpu.memory_space<vmem>>) semaphore(%arg15 : memref<!tpu.dma_semaphore, #tpu.memory_space<semaphore_mem>>) {add = true}
      %add3A_128 = arith.constant 1 : i32
      %add3A_129 = arith.addi %mul3A_111, %add3A_128 : i32
      %dma_wait3A_130 = arith.constant 0 : i32
      %dma_wait3A_131 = tpu.memref_slice %arg7[%add3A_129, %dma_wait3A_130] : memref<125x80xi32, #tpu.memory_space<vmem>> -> memref<1x80xi32, #tpu.memory_space<vmem>>
      %dma_wait3A_132 = tpu.memref_squeeze %dma_wait3A_131 : memref<1x80xi32, #tpu.memory_space<vmem>> -> memref<80xi32, #tpu.memory_space<vmem>>
      %dma_wait3A_133 = arith.constant 0 : i32
      %dma_wait3A_134 = arith.constant 0 : i32
      %dma_wait3A_135 = tpu.memref_slice %arg2[%dma_wait3A_133, %dma_wait3A_134] : memref<10000x128xf32, #tpu.memory_space<hbm>> -> memref<10000x128xf32, #tpu.memory_space<hbm>>
      tpu.wait_indirect_dma semaphore(%arg13 : memref<!tpu.dma_semaphore, #tpu.memory_space<semaphore_mem>>) src(%dma_wait3A_135 : memref<10000x128xf32, #tpu.memory_space<hbm>>) dst(%arg10 : memref<80x128xf32, #tpu.memory_space<vmem>>)
      %add3A_136 = arith.constant 1 : i32
      %add3A_137 = arith.addi %mul3A_111, %add3A_136 : i32
      %dma_start3A_138 = arith.constant 0 : i32
      %dma_start3A_139 = tpu.memref_slice %arg8[%add3A_137, %dma_start3A_138] : memref<125x80xi32, #tpu.memory_space<vmem>> -> memref<1x80xi32, #tpu.memory_space<vmem>>
      %dma_start3A_140 = tpu.memref_squeeze %dma_start3A_139 : memref<1x80xi32, #tpu.memory_space<vmem>> -> memref<80xi32, #tpu.memory_space<vmem>>
      %dma_start3A_141 = arith.constant 0 : i32
      %dma_start3A_142 = arith.constant 0 : i32
      %dma_start3A_143 = tpu.memref_slice %arg6[%dma_start3A_141, %dma_start3A_142] : memref<10000x128xf32, #tpu.memory_space<vmem_shared>> -> memref<10000x128xf32, #tpu.memory_space<vmem_shared>>
      tpu.enqueue_indirect_dma source(%arg10 : memref<80x128xf32, #tpu.memory_space<vmem>>) target(%dma_start3A_143 : memref<10000x128xf32, #tpu.memory_space<vmem_shared>>) offsets(%dma_start3A_140 : memref<80xi32, #tpu.memory_space<vmem>>) semaphore(%arg16 : memref<!tpu.dma_semaphore, #tpu.memory_space<semaphore_mem>>) {add = true}
      %add3A_144 = arith.constant 2 : i32
      %add3A_145 = arith.addi %mul3A_111, %add3A_144 : i32
      %dma_wait3A_146 = arith.constant 0 : i32
      %dma_wait3A_147 = tpu.memref_slice %arg7[%add3A_145, %dma_wait3A_146] : memref<125x80xi32, #tpu.memory_space<vmem>> -> memref<1x80xi32, #tpu.memory_space<vmem>>
      %dma_wait3A_148 = tpu.memref_squeeze %dma_wait3A_147 : memref<1x80xi32, #tpu.memory_space<vmem>> -> memref<80xi32, #tpu.memory_space<vmem>>
      %dma_wait3A_149 = arith.constant 0 : i32
      %dma_wait3A_150 = arith.constant 0 : i32
      %dma_wait3A_151 = tpu.memref_slice %arg2[%dma_wait3A_149, %dma_wait3A_150] : memref<10000x128xf32, #tpu.memory_space<hbm>> -> memref<10000x128xf32, #tpu.memory_space<hbm>>
      tpu.wait_indirect_dma semaphore(%arg14 : memref<!tpu.dma_semaphore, #tpu.memory_space<semaphore_mem>>) src(%dma_wait3A_151 : memref<10000x128xf32, #tpu.memory_space<hbm>>) dst(%arg11 : memref<80x128xf32, #tpu.memory_space<vmem>>)
      %add3A_152 = arith.constant 2 : i32
      %add3A_153 = arith.addi %mul3A_111, %add3A_152 : i32
      %dma_start3A_154 = arith.constant 0 : i32
      %dma_start3A_155 = tpu.memref_slice %arg8[%add3A_153, %dma_start3A_154] : memref<125x80xi32, #tpu.memory_space<vmem>> -> memref<1x80xi32, #tpu.memory_space<vmem>>
      %dma_start3A_156 = tpu.memref_squeeze %dma_start3A_155 : memref<1x80xi32, #tpu.memory_space<vmem>> -> memref<80xi32, #tpu.memory_space<vmem>>
      %dma_start3A_157 = arith.constant 0 : i32
      %dma_start3A_158 = arith.constant 0 : i32
      %dma_start3A_159 = tpu.memref_slice %arg6[%dma_start3A_157, %dma_start3A_158] : memref<10000x128xf32, #tpu.memory_space<vmem_shared>> -> memref<10000x128xf32, #tpu.memory_space<vmem_shared>>
      tpu.enqueue_indirect_dma source(%arg11 : memref<80x128xf32, #tpu.memory_space<vmem>>) target(%dma_start3A_159 : memref<10000x128xf32, #tpu.memory_space<vmem_shared>>) offsets(%dma_start3A_156 : memref<80xi32, #tpu.memory_space<vmem>>) semaphore(%arg17 : memref<!tpu.dma_semaphore, #tpu.memory_space<semaphore_mem>>) {add = true}
      %add3A_160 = arith.constant 0 : i32
      %add3A_161 = arith.addi %mul3A_111, %add3A_160 : i32
      %dma_wait3A_162 = arith.constant 0 : i32
      %dma_wait3A_163 = tpu.memref_slice %arg8[%add3A_161, %dma_wait3A_162] : memref<125x80xi32, #tpu.memory_space<vmem>> -> memref<1x80xi32, #tpu.memory_space<vmem>>
      %dma_wait3A_164 = tpu.memref_squeeze %dma_wait3A_163 : memref<1x80xi32, #tpu.memory_space<vmem>> -> memref<80xi32, #tpu.memory_space<vmem>>
      %dma_wait3A_165 = arith.constant 0 : i32
      %dma_wait3A_166 = arith.constant 0 : i32
      %dma_wait3A_167 = tpu.memref_slice %arg6[%dma_wait3A_165, %dma_wait3A_166] : memref<10000x128xf32, #tpu.memory_space<vmem_shared>> -> memref<10000x128xf32, #tpu.memory_space<vmem_shared>>
      tpu.wait_indirect_dma semaphore(%arg15 : memref<!tpu.dma_semaphore, #tpu.memory_space<semaphore_mem>>) src(%arg9 : memref<80x128xf32, #tpu.memory_space<vmem>>) dst(%dma_wait3A_167 : memref<10000x128xf32, #tpu.memory_space<vmem_shared>>)
      %add3A_168 = arith.constant 3 : i32
      %add3A_169 = arith.addi %mul3A_111, %add3A_168 : i32
      %add3A_170 = arith.constant 0 : i32
      %add3A_171 = arith.addi %add3A_169, %add3A_170 : i32
      %lt3A = arith.constant 125 : i32
      %lt3A_172 = arith.cmpi slt, %add3A_171, %lt3A : i32
      %convert_element_type3A = arith.extui %lt3A_172 : i1 to i32
      %cond3A = arith.constant 0 : i32
      %cond3A_173 = arith.cmpi ne, %convert_element_type3A, %cond3A : i32
      scf.if %cond3A_173 {
        %dma_start3A_208 = arith.constant 0 : i32
        %dma_start3A_209 = tpu.memref_slice %arg7[%add3A_171, %dma_start3A_208] : memref<125x80xi32, #tpu.memory_space<vmem>> -> memref<1x80xi32, #tpu.memory_space<vmem>>
        %dma_start3A_210 = tpu.memref_squeeze %dma_start3A_209 : memref<1x80xi32, #tpu.memory_space<vmem>> -> memref<80xi32, #tpu.memory_space<vmem>>
        %dma_start3A_211 = arith.constant 0 : i32
        %dma_start3A_212 = arith.constant 0 : i32
        %dma_start3A_213 = tpu.memref_slice %arg2[%dma_start3A_211, %dma_start3A_212] : memref<10000x128xf32, #tpu.memory_space<hbm>> -> memref<10000x128xf32, #tpu.memory_space<hbm>>
        tpu.enqueue_indirect_dma source(%dma_start3A_213 : memref<10000x128xf32, #tpu.memory_space<hbm>>) target(%arg9 : memref<80x128xf32, #tpu.memory_space<vmem>>) offsets(%dma_start3A_210 : memref<80xi32, #tpu.memory_space<vmem>>) semaphore(%arg12 : memref<!tpu.dma_semaphore, #tpu.memory_space<semaphore_mem>>)
      } else {
      }
      %add3A_174 = arith.constant 1 : i32
      %add3A_175 = arith.addi %mul3A_111, %add3A_174 : i32
      %dma_wait3A_176 = arith.constant 0 : i32
      %dma_wait3A_177 = tpu.memref_slice %arg8[%add3A_175, %dma_wait3A_176] : memref<125x80xi32, #tpu.memory_space<vmem>> -> memref<1x80xi32, #tpu.memory_space<vmem>>
      %dma_wait3A_178 = tpu.memref_squeeze %dma_wait3A_177 : memref<1x80xi32, #tpu.memory_space<vmem>> -> memref<80xi32, #tpu.memory_space<vmem>>
      %dma_wait3A_179 = arith.constant 0 : i32
      %dma_wait3A_180 = arith.constant 0 : i32
      %dma_wait3A_181 = tpu.memref_slice %arg6[%dma_wait3A_179, %dma_wait3A_180] : memref<10000x128xf32, #tpu.memory_space<vmem_shared>> -> memref<10000x128xf32, #tpu.memory_space<vmem_shared>>
      tpu.wait_indirect_dma semaphore(%arg16 : memref<!tpu.dma_semaphore, #tpu.memory_space<semaphore_mem>>) src(%arg10 : memref<80x128xf32, #tpu.memory_space<vmem>>) dst(%dma_wait3A_181 : memref<10000x128xf32, #tpu.memory_space<vmem_shared>>)
      %add3A_182 = arith.constant 3 : i32
      %add3A_183 = arith.addi %mul3A_111, %add3A_182 : i32
      %add3A_184 = arith.constant 1 : i32
      %add3A_185 = arith.addi %add3A_183, %add3A_184 : i32
      %lt3A_186 = arith.constant 125 : i32
      %lt3A_187 = arith.cmpi slt, %add3A_185, %lt3A_186 : i32
      %convert_element_type3A_188 = arith.extui %lt3A_187 : i1 to i32
      %cond3A_189 = arith.constant 0 : i32
      %cond3A_190 = arith.cmpi ne, %convert_element_type3A_188, %cond3A_189 : i32
      scf.if %cond3A_190 {
        %dma_start3A_208 = arith.constant 0 : i32
        %dma_start3A_209 = tpu.memref_slice %arg7[%add3A_185, %dma_start3A_208] : memref<125x80xi32, #tpu.memory_space<vmem>> -> memref<1x80xi32, #tpu.memory_space<vmem>>
        %dma_start3A_210 = tpu.memref_squeeze %dma_start3A_209 : memref<1x80xi32, #tpu.memory_space<vmem>> -> memref<80xi32, #tpu.memory_space<vmem>>
        %dma_start3A_211 = arith.constant 0 : i32
        %dma_start3A_212 = arith.constant 0 : i32
        %dma_start3A_213 = tpu.memref_slice %arg2[%dma_start3A_211, %dma_start3A_212] : memref<10000x128xf32, #tpu.memory_space<hbm>> -> memref<10000x128xf32, #tpu.memory_space<hbm>>
        tpu.enqueue_indirect_dma source(%dma_start3A_213 : memref<10000x128xf32, #tpu.memory_space<hbm>>) target(%arg10 : memref<80x128xf32, #tpu.memory_space<vmem>>) offsets(%dma_start3A_210 : memref<80xi32, #tpu.memory_space<vmem>>) semaphore(%arg13 : memref<!tpu.dma_semaphore, #tpu.memory_space<semaphore_mem>>)
      } else {
      }
      %add3A_191 = arith.constant 2 : i32
      %add3A_192 = arith.addi %mul3A_111, %add3A_191 : i32
      %dma_wait3A_193 = arith.constant 0 : i32
      %dma_wait3A_194 = tpu.memref_slice %arg8[%add3A_192, %dma_wait3A_193] : memref<125x80xi32, #tpu.memory_space<vmem>> -> memref<1x80xi32, #tpu.memory_space<vmem>>
      %dma_wait3A_195 = tpu.memref_squeeze %dma_wait3A_194 : memref<1x80xi32, #tpu.memory_space<vmem>> -> memref<80xi32, #tpu.memory_space<vmem>>
      %dma_wait3A_196 = arith.constant 0 : i32
      %dma_wait3A_197 = arith.constant 0 : i32
      %dma_wait3A_198 = tpu.memref_slice %arg6[%dma_wait3A_196, %dma_wait3A_197] : memref<10000x128xf32, #tpu.memory_space<vmem_shared>> -> memref<10000x128xf32, #tpu.memory_space<vmem_shared>>
      tpu.wait_indirect_dma semaphore(%arg17 : memref<!tpu.dma_semaphore, #tpu.memory_space<semaphore_mem>>) src(%arg11 : memref<80x128xf32, #tpu.memory_space<vmem>>) dst(%dma_wait3A_198 : memref<10000x128xf32, #tpu.memory_space<vmem_shared>>)
      %add3A_199 = arith.constant 3 : i32
      %add3A_200 = arith.addi %mul3A_111, %add3A_199 : i32
      %add3A_201 = arith.constant 2 : i32
      %add3A_202 = arith.addi %add3A_200, %add3A_201 : i32
      %lt3A_203 = arith.constant 125 : i32
      %lt3A_204 = arith.cmpi slt, %add3A_202, %lt3A_203 : i32
      %convert_element_type3A_205 = arith.extui %lt3A_204 : i1 to i32
      %cond3A_206 = arith.constant 0 : i32
      %cond3A_207 = arith.cmpi ne, %convert_element_type3A_205, %cond3A_206 : i32
      scf.if %cond3A_207 {
        %dma_start3A_208 = arith.constant 0 : i32
        %dma_start3A_209 = tpu.memref_slice %arg7[%add3A_202, %dma_start3A_208] : memref<125x80xi32, #tpu.memory_space<vmem>> -> memref<1x80xi32, #tpu.memory_space<vmem>>
        %dma_start3A_210 = tpu.memref_squeeze %dma_start3A_209 : memref<1x80xi32, #tpu.memory_space<vmem>> -> memref<80xi32, #tpu.memory_space<vmem>>
        %dma_start3A_211 = arith.constant 0 : i32
        %dma_start3A_212 = arith.constant 0 : i32
        %dma_start3A_213 = tpu.memref_slice %arg2[%dma_start3A_211, %dma_start3A_212] : memref<10000x128xf32, #tpu.memory_space<hbm>> -> memref<10000x128xf32, #tpu.memory_space<hbm>>
        tpu.enqueue_indirect_dma source(%dma_start3A_213 : memref<10000x128xf32, #tpu.memory_space<hbm>>) target(%arg11 : memref<80x128xf32, #tpu.memory_space<vmem>>) offsets(%dma_start3A_210 : memref<80xi32, #tpu.memory_space<vmem>>) semaphore(%arg14 : memref<!tpu.dma_semaphore, #tpu.memory_space<semaphore_mem>>)
      } else {
      }
    }
    %scan3A_64 = arith.constant 41 : i32
    %dma_wait3A = arith.constant 123 : i32
    %dma_wait3A_65 = arith.constant 0 : i32
    %dma_wait3A_66 = tpu.memref_slice %arg7[%dma_wait3A, %dma_wait3A_65] : memref<125x80xi32, #tpu.memory_space<vmem>> -> memref<1x80xi32, #tpu.memory_space<vmem>>
    %dma_wait3A_67 = tpu.memref_squeeze %dma_wait3A_66 : memref<1x80xi32, #tpu.memory_space<vmem>> -> memref<80xi32, #tpu.memory_space<vmem>>
    %dma_wait3A_68 = arith.constant 0 : i32
    %dma_wait3A_69 = arith.constant 0 : i32
    %dma_wait3A_70 = tpu.memref_slice %arg2[%dma_wait3A_68, %dma_wait3A_69] : memref<10000x128xf32, #tpu.memory_space<hbm>> -> memref<10000x128xf32, #tpu.memory_space<hbm>>
    tpu.wait_indirect_dma semaphore(%arg12 : memref<!tpu.dma_semaphore, #tpu.memory_space<semaphore_mem>>) src(%dma_wait3A_70 : memref<10000x128xf32, #tpu.memory_space<hbm>>) dst(%arg9 : memref<80x128xf32, #tpu.memory_space<vmem>>)
    %dma_start3A_71 = arith.constant 123 : i32
    %dma_start3A_72 = arith.constant 0 : i32
    %dma_start3A_73 = tpu.memref_slice %arg8[%dma_start3A_71, %dma_start3A_72] : memref<125x80xi32, #tpu.memory_space<vmem>> -> memref<1x80xi32, #tpu.memory_space<vmem>>
    %dma_start3A_74 = tpu.memref_squeeze %dma_start3A_73 : memref<1x80xi32, #tpu.memory_space<vmem>> -> memref<80xi32, #tpu.memory_space<vmem>>
    %dma_start3A_75 = arith.constant 0 : i32
    %dma_start3A_76 = arith.constant 0 : i32
    %dma_start3A_77 = tpu.memref_slice %arg6[%dma_start3A_75, %dma_start3A_76] : memref<10000x128xf32, #tpu.memory_space<vmem_shared>> -> memref<10000x128xf32, #tpu.memory_space<vmem_shared>>
    tpu.enqueue_indirect_dma source(%arg9 : memref<80x128xf32, #tpu.memory_space<vmem>>) target(%dma_start3A_77 : memref<10000x128xf32, #tpu.memory_space<vmem_shared>>) offsets(%dma_start3A_74 : memref<80xi32, #tpu.memory_space<vmem>>) semaphore(%arg15 : memref<!tpu.dma_semaphore, #tpu.memory_space<semaphore_mem>>) {add = true}
    %dma_wait3A_78 = arith.constant 124 : i32
    %dma_wait3A_79 = arith.constant 0 : i32
    %dma_wait3A_80 = tpu.memref_slice %arg7[%dma_wait3A_78, %dma_wait3A_79] : memref<125x80xi32, #tpu.memory_space<vmem>> -> memref<1x80xi32, #tpu.memory_space<vmem>>
    %dma_wait3A_81 = tpu.memref_squeeze %dma_wait3A_80 : memref<1x80xi32, #tpu.memory_space<vmem>> -> memref<80xi32, #tpu.memory_space<vmem>>
    %dma_wait3A_82 = arith.constant 0 : i32
    %dma_wait3A_83 = arith.constant 0 : i32
    %dma_wait3A_84 = tpu.memref_slice %arg2[%dma_wait3A_82, %dma_wait3A_83] : memref<10000x128xf32, #tpu.memory_space<hbm>> -> memref<10000x128xf32, #tpu.memory_space<hbm>>
    tpu.wait_indirect_dma semaphore(%arg13 : memref<!tpu.dma_semaphore, #tpu.memory_space<semaphore_mem>>) src(%dma_wait3A_84 : memref<10000x128xf32, #tpu.memory_space<hbm>>) dst(%arg10 : memref<80x128xf32, #tpu.memory_space<vmem>>)
    %dma_start3A_85 = arith.constant 124 : i32
    %dma_start3A_86 = arith.constant 0 : i32
    %dma_start3A_87 = tpu.memref_slice %arg8[%dma_start3A_85, %dma_start3A_86] : memref<125x80xi32, #tpu.memory_space<vmem>> -> memref<1x80xi32, #tpu.memory_space<vmem>>
    %dma_start3A_88 = tpu.memref_squeeze %dma_start3A_87 : memref<1x80xi32, #tpu.memory_space<vmem>> -> memref<80xi32, #tpu.memory_space<vmem>>
    %dma_start3A_89 = arith.constant 0 : i32
    %dma_start3A_90 = arith.constant 0 : i32
    %dma_start3A_91 = tpu.memref_slice %arg6[%dma_start3A_89, %dma_start3A_90] : memref<10000x128xf32, #tpu.memory_space<vmem_shared>> -> memref<10000x128xf32, #tpu.memory_space<vmem_shared>>
    tpu.enqueue_indirect_dma source(%arg10 : memref<80x128xf32, #tpu.memory_space<vmem>>) target(%dma_start3A_91 : memref<10000x128xf32, #tpu.memory_space<vmem_shared>>) offsets(%dma_start3A_88 : memref<80xi32, #tpu.memory_space<vmem>>) semaphore(%arg16 : memref<!tpu.dma_semaphore, #tpu.memory_space<semaphore_mem>>) {add = true}
    %dma_wait3A_92 = arith.constant 123 : i32
    %dma_wait3A_93 = arith.constant 0 : i32
    %dma_wait3A_94 = tpu.memref_slice %arg8[%dma_wait3A_92, %dma_wait3A_93] : memref<125x80xi32, #tpu.memory_space<vmem>> -> memref<1x80xi32, #tpu.memory_space<vmem>>
    %dma_wait3A_95 = tpu.memref_squeeze %dma_wait3A_94 : memref<1x80xi32, #tpu.memory_space<vmem>> -> memref<80xi32, #tpu.memory_space<vmem>>
    %dma_wait3A_96 = arith.constant 0 : i32
    %dma_wait3A_97 = arith.constant 0 : i32
    %dma_wait3A_98 = tpu.memref_slice %arg6[%dma_wait3A_96, %dma_wait3A_97] : memref<10000x128xf32, #tpu.memory_space<vmem_shared>> -> memref<10000x128xf32, #tpu.memory_space<vmem_shared>>
    tpu.wait_indirect_dma semaphore(%arg15 : memref<!tpu.dma_semaphore, #tpu.memory_space<semaphore_mem>>) src(%arg9 : memref<80x128xf32, #tpu.memory_space<vmem>>) dst(%dma_wait3A_98 : memref<10000x128xf32, #tpu.memory_space<vmem_shared>>)
    %dma_wait3A_99 = arith.constant 124 : i32
    %dma_wait3A_100 = arith.constant 0 : i32
    %dma_wait3A_101 = tpu.memref_slice %arg8[%dma_wait3A_99, %dma_wait3A_100] : memref<125x80xi32, #tpu.memory_space<vmem>> -> memref<1x80xi32, #tpu.memory_space<vmem>>
    %dma_wait3A_102 = tpu.memref_squeeze %dma_wait3A_101 : memref<1x80xi32, #tpu.memory_space<vmem>> -> memref<80xi32, #tpu.memory_space<vmem>>
    %dma_wait3A_103 = arith.constant 0 : i32
    %dma_wait3A_104 = arith.constant 0 : i32
    %dma_wait3A_105 = tpu.memref_slice %arg6[%dma_wait3A_103, %dma_wait3A_104] : memref<10000x128xf32, #tpu.memory_space<vmem_shared>> -> memref<10000x128xf32, #tpu.memory_space<vmem_shared>>
    tpu.wait_indirect_dma semaphore(%arg16 : memref<!tpu.dma_semaphore, #tpu.memory_space<semaphore_mem>>) src(%arg10 : memref<80x128xf32, #tpu.memory_space<vmem>>) dst(%dma_wait3A_105 : memref<10000x128xf32, #tpu.memory_space<vmem_shared>>)
    %barrier3A_106 = arith.constant 0 : index
    tpu.barrier barrier_id(%barrier3A_106)
    %mul3A_107 = arith.constant 625 : i32
    %mul3A_108 = arith.muli %arg1, %mul3A_107 : i32
    "tpu.region"() ({
      %run_scoped3A = tpu.sem_alloc : memref<!tpu.dma_semaphore, #tpu.memory_space<semaphore_mem>>
      %dma_start3A_109 = arith.constant 0 : i32
      %dma_start3A_110 = arith.constant 0 : i32
      %dma_start3A_111 = tpu.memref_slice %arg5[%add3A, %dma_start3A_109, %dma_start3A_110] : memref<32x625x128xf32, #tpu.memory_space<hbm>> -> memref<1x625x128xf32, #tpu.memory_space<hbm>>
      %dma_start3A_112 = tpu.memref_squeeze %dma_start3A_111 : memref<1x625x128xf32, #tpu.memory_space<hbm>> -> memref<625x128xf32, #tpu.memory_space<hbm>>
      %dma_start3A_113 = arith.constant 0 : i32
      %dma_start3A_114 = tpu.memref_slice %arg6[%mul3A_108, %dma_start3A_113] : memref<10000x128xf32, #tpu.memory_space<vmem_shared>> -> memref<625x128xf32, #tpu.memory_space<vmem_shared>>
      tpu.enqueue_dma source(%dma_start3A_114 : memref<625x128xf32, #tpu.memory_space<vmem_shared>>) target(%dma_start3A_112 : memref<625x128xf32, #tpu.memory_space<hbm>>) target_semaphore(%run_scoped3A : memref<!tpu.dma_semaphore, #tpu.memory_space<semaphore_mem>>)
      %dma_wait3A_115 = arith.constant 0 : i32
      %dma_wait3A_116 = arith.constant 0 : i32
      %dma_wait3A_117 = tpu.memref_slice %arg5[%add3A, %dma_wait3A_115, %dma_wait3A_116] : memref<32x625x128xf32, #tpu.memory_space<hbm>> -> memref<1x625x128xf32, #tpu.memory_space<hbm>>
      %dma_wait3A_118 = tpu.memref_squeeze %dma_wait3A_117 : memref<1x625x128xf32, #tpu.memory_space<hbm>> -> memref<625x128xf32, #tpu.memory_space<hbm>>
      %dma_wait3A_119 = arith.constant 0 : i32
      %dma_wait3A_120 = tpu.memref_slice %arg6[%mul3A_108, %dma_wait3A_119] : memref<10000x128xf32, #tpu.memory_space<vmem_shared>> -> memref<625x128xf32, #tpu.memory_space<vmem_shared>>
      tpu.wait_dma2 semaphore(%run_scoped3A : memref<!tpu.dma_semaphore, #tpu.memory_space<semaphore_mem>>) src(%dma_wait3A_120 : memref<625x128xf32, #tpu.memory_space<vmem_shared>>) dst(%dma_wait3A_118 : memref<625x128xf32, #tpu.memory_space<hbm>>)
      tpu.yield
    }) : () -> ()
    return
  }
}

#map = affine_map<(d0, d1) -> (0, 0, 0)>
module attributes {stable_mosaic.version = 14 : i64} {
  func.func @body(%arg0: i32, %arg1: i32, %arg2: memref<32x125x80xi32, #tpu.memory_space<hbm>>, %arg3: memref<32x125x80xi32, #tpu.memory_space<hbm>>, %arg4: memref<32x625x16xf32, #tpu.memory_space<hbm>>, %arg5: memref<32x625x16xf32, #tpu.memory_space<hbm>>, %arg6: memref<10000x16xf32, #tpu.memory_space<vmem_shared>>, %arg7: memref<10000x16xf32, #tpu.memory_space<vmem_shared>>, %arg8: memref<125x80xi32, #tpu.memory_space<vmem>>, %arg9: memref<125x80xi32, #tpu.memory_space<vmem>>, %arg10: memref<80x16xf32, #tpu.memory_space<vmem>>, %arg11: memref<625x16xf32, #tpu.memory_space<vmem>>, %arg12: memref<!tpu.dma_semaphore, #tpu.memory_space<semaphore_mem>>) attributes {dimension_semantics = [#tpu.dimension_semantics<core_parallel>, #tpu.dimension_semantics<subcore_parallel>], iteration_bounds = array<i64: 2, 16>, scalar_prefetch = 0 : i64, scratch_operands = 7 : i64, tpu.core_type = #tpu.core_type<sc_vector_subcore>, window_params = [{transform_indices = #map}, {transform_indices = #map}, {transform_indices = #map}, {transform_indices = #map}]} {
    %mul3A = arith.constant 16 : i32
    %mul3A_0 = arith.muli %arg0, %mul3A : i32
    %add3A = arith.addi %mul3A_0, %arg1 : i32
    "tpu.region"() ({
      %run_scoped3A = tpu.sem_alloc : memref<!tpu.dma_semaphore, #tpu.memory_space<semaphore_mem>>
      %dma_start3A = arith.constant 0 : i32
      %dma_start3A_141 = arith.constant 0 : i32
      %dma_start3A_142 = tpu.memref_slice %arg2[%add3A, %dma_start3A, %dma_start3A_141] : memref<32x125x80xi32, #tpu.memory_space<hbm>> -> memref<1x125x80xi32, #tpu.memory_space<hbm>>
      %dma_start3A_143 = tpu.memref_squeeze %dma_start3A_142 : memref<1x125x80xi32, #tpu.memory_space<hbm>> -> memref<125x80xi32, #tpu.memory_space<hbm>>
      %dma_start3A_144 = arith.constant 0 : i32
      %dma_start3A_145 = arith.constant 0 : i32
      %dma_start3A_146 = tpu.memref_slice %arg2[%add3A, %dma_start3A_144, %dma_start3A_145] : memref<32x125x80xi32, #tpu.memory_space<hbm>> -> memref<1x125x80xi32, #tpu.memory_space<hbm>>
      %dma_start3A_147 = tpu.memref_squeeze %dma_start3A_146 : memref<1x125x80xi32, #tpu.memory_space<hbm>> -> memref<125x80xi32, #tpu.memory_space<hbm>>
      tpu.enqueue_dma source(%dma_start3A_147 : memref<125x80xi32, #tpu.memory_space<hbm>>) target(%arg8 : memref<125x80xi32, #tpu.memory_space<vmem>>) target_semaphore(%run_scoped3A : memref<!tpu.dma_semaphore, #tpu.memory_space<semaphore_mem>>)
      %dma_wait3A_148 = arith.constant 0 : i32
      %dma_wait3A_149 = arith.constant 0 : i32
      %dma_wait3A_150 = tpu.memref_slice %arg2[%add3A, %dma_wait3A_148, %dma_wait3A_149] : memref<32x125x80xi32, #tpu.memory_space<hbm>> -> memref<1x125x80xi32, #tpu.memory_space<hbm>>
      %dma_wait3A_151 = tpu.memref_squeeze %dma_wait3A_150 : memref<1x125x80xi32, #tpu.memory_space<hbm>> -> memref<125x80xi32, #tpu.memory_space<hbm>>
      %dma_wait3A_152 = arith.constant 0 : i32
      %dma_wait3A_153 = arith.constant 0 : i32
      %dma_wait3A_154 = tpu.memref_slice %arg2[%add3A, %dma_wait3A_152, %dma_wait3A_153] : memref<32x125x80xi32, #tpu.memory_space<hbm>> -> memref<1x125x80xi32, #tpu.memory_space<hbm>>
      %dma_wait3A_155 = tpu.memref_squeeze %dma_wait3A_154 : memref<1x125x80xi32, #tpu.memory_space<hbm>> -> memref<125x80xi32, #tpu.memory_space<hbm>>
      tpu.wait_dma2 semaphore(%run_scoped3A : memref<!tpu.dma_semaphore, #tpu.memory_space<semaphore_mem>>) src(%dma_wait3A_155 : memref<125x80xi32, #tpu.memory_space<hbm>>) dst(%arg8 : memref<125x80xi32, #tpu.memory_space<vmem>>)
      tpu.yield
    }) : () -> ()
    "tpu.region"() ({
      %run_scoped3A = tpu.sem_alloc : memref<!tpu.dma_semaphore, #tpu.memory_space<semaphore_mem>>
      %dma_start3A = arith.constant 0 : i32
      %dma_start3A_141 = arith.constant 0 : i32
      %dma_start3A_142 = tpu.memref_slice %arg3[%add3A, %dma_start3A, %dma_start3A_141] : memref<32x125x80xi32, #tpu.memory_space<hbm>> -> memref<1x125x80xi32, #tpu.memory_space<hbm>>
      %dma_start3A_143 = tpu.memref_squeeze %dma_start3A_142 : memref<1x125x80xi32, #tpu.memory_space<hbm>> -> memref<125x80xi32, #tpu.memory_space<hbm>>
      %dma_start3A_144 = arith.constant 0 : i32
      %dma_start3A_145 = arith.constant 0 : i32
      %dma_start3A_146 = tpu.memref_slice %arg3[%add3A, %dma_start3A_144, %dma_start3A_145] : memref<32x125x80xi32, #tpu.memory_space<hbm>> -> memref<1x125x80xi32, #tpu.memory_space<hbm>>
      %dma_start3A_147 = tpu.memref_squeeze %dma_start3A_146 : memref<1x125x80xi32, #tpu.memory_space<hbm>> -> memref<125x80xi32, #tpu.memory_space<hbm>>
      tpu.enqueue_dma source(%dma_start3A_147 : memref<125x80xi32, #tpu.memory_space<hbm>>) target(%arg9 : memref<125x80xi32, #tpu.memory_space<vmem>>) target_semaphore(%run_scoped3A : memref<!tpu.dma_semaphore, #tpu.memory_space<semaphore_mem>>)
      %dma_wait3A_148 = arith.constant 0 : i32
      %dma_wait3A_149 = arith.constant 0 : i32
      %dma_wait3A_150 = tpu.memref_slice %arg3[%add3A, %dma_wait3A_148, %dma_wait3A_149] : memref<32x125x80xi32, #tpu.memory_space<hbm>> -> memref<1x125x80xi32, #tpu.memory_space<hbm>>
      %dma_wait3A_151 = tpu.memref_squeeze %dma_wait3A_150 : memref<1x125x80xi32, #tpu.memory_space<hbm>> -> memref<125x80xi32, #tpu.memory_space<hbm>>
      %dma_wait3A_152 = arith.constant 0 : i32
      %dma_wait3A_153 = arith.constant 0 : i32
      %dma_wait3A_154 = tpu.memref_slice %arg3[%add3A, %dma_wait3A_152, %dma_wait3A_153] : memref<32x125x80xi32, #tpu.memory_space<hbm>> -> memref<1x125x80xi32, #tpu.memory_space<hbm>>
      %dma_wait3A_155 = tpu.memref_squeeze %dma_wait3A_154 : memref<1x125x80xi32, #tpu.memory_space<hbm>> -> memref<125x80xi32, #tpu.memory_space<hbm>>
      tpu.wait_dma2 semaphore(%run_scoped3A : memref<!tpu.dma_semaphore, #tpu.memory_space<semaphore_mem>>) src(%dma_wait3A_155 : memref<125x80xi32, #tpu.memory_space<hbm>>) dst(%arg9 : memref<125x80xi32, #tpu.memory_space<vmem>>)
      tpu.yield
    }) : () -> ()
    %broadcast_in_dim3A = arith.constant 0.000000e+00 : f32
    %broadcast_in_dim3A_1 = vector.broadcast %broadcast_in_dim3A : f32 to vector<16xf32>
    %broadcast_in_dim3A_2 = arith.constant 1.000000e+00 : f32
    %broadcast_in_dim3A_3 = vector.broadcast %broadcast_in_dim3A_2 : f32 to vector<16xf32>
    %scan3A = arith.constant 0 : i32
    %scan3A_4 = arith.constant 0 : i32
    %scan3A_5 = arith.constant 625 : i32
    %scan3A_6 = arith.addi %scan3A_4, %scan3A_5 : i32
    %scan3A_7 = arith.constant 1 : i32
    scf.for %scan3A_141 = %scan3A_4 to %scan3A_6 step %scan3A_7  : i32 {
      %swap3A = arith.index_cast %scan3A_141 : i32 to index
      %swap3A_142 = arith.constant 0 : index
      %swap3A_143 = tpu.vector_load %arg11[%swap3A, %swap3A_142] {strides = array<i32>} : memref<625x16xf32, #tpu.memory_space<vmem>>, vector<1x16xf32>,
      %swap3A_144 = vector.shape_cast %swap3A_143 : vector<1x16xf32> to vector<16xf32>
      %swap3A_145 = vector.shape_cast %broadcast_in_dim3A_1 : vector<16xf32> to vector<1x16xf32>
      tpu.vector_store %arg11[%swap3A, %swap3A_142], %swap3A_145 {strides = array<i32>} : memref<625x16xf32, #tpu.memory_space<vmem>>, vector<1x16xf32>,
    }
    %scan3A_8 = arith.constant 625 : i32
    %scan3A_9 = arith.constant 0 : i32
    %scan3A_10 = arith.constant 0 : i32
    %scan3A_11 = arith.constant 80 : i32
    %scan3A_12 = arith.addi %scan3A_10, %scan3A_11 : i32
    %scan3A_13 = arith.constant 1 : i32
    scf.for %scan3A_141 = %scan3A_10 to %scan3A_12 step %scan3A_13  : i32 {
      %swap3A = arith.index_cast %scan3A_141 : i32 to index
      %swap3A_142 = arith.constant 0 : index
      %swap3A_143 = tpu.vector_load %arg10[%swap3A, %swap3A_142] {strides = array<i32>} : memref<80x16xf32, #tpu.memory_space<vmem>>, vector<1x16xf32>,
      %swap3A_144 = vector.shape_cast %swap3A_143 : vector<1x16xf32> to vector<16xf32>
      %swap3A_145 = vector.shape_cast %broadcast_in_dim3A_3 : vector<16xf32> to vector<1x16xf32>
      tpu.vector_store %arg10[%swap3A, %swap3A_142], %swap3A_145 {strides = array<i32>} : memref<80x16xf32, #tpu.memory_space<vmem>>, vector<1x16xf32>,
    }
    %scan3A_14 = arith.constant 80 : i32
    %mul3A_15 = arith.constant 625 : i32
    %mul3A_16 = arith.muli %arg1, %mul3A_15 : i32
    "tpu.region"() ({
      %run_scoped3A = tpu.sem_alloc : memref<!tpu.dma_semaphore, #tpu.memory_space<semaphore_mem>>
      %dma_start3A = arith.constant 0 : i32
      %dma_start3A_141 = tpu.memref_slice %arg6[%mul3A_16, %dma_start3A] : memref<10000x16xf32, #tpu.memory_space<vmem_shared>> -> memref<625x16xf32, #tpu.memory_space<vmem_shared>>
      %dma_start3A_142 = arith.constant 0 : i32
      %dma_start3A_143 = tpu.memref_slice %arg6[%mul3A_16, %dma_start3A_142] : memref<10000x16xf32, #tpu.memory_space<vmem_shared>> -> memref<625x16xf32, #tpu.memory_space<vmem_shared>>
      tpu.enqueue_dma source(%arg11 : memref<625x16xf32, #tpu.memory_space<vmem>>) target(%dma_start3A_143 : memref<625x16xf32, #tpu.memory_space<vmem_shared>>) target_semaphore(%run_scoped3A : memref<!tpu.dma_semaphore, #tpu.memory_space<semaphore_mem>>)
      %dma_wait3A_144 = arith.constant 0 : i32
      %dma_wait3A_145 = tpu.memref_slice %arg6[%mul3A_16, %dma_wait3A_144] : memref<10000x16xf32, #tpu.memory_space<vmem_shared>> -> memref<625x16xf32, #tpu.memory_space<vmem_shared>>
      %dma_wait3A_146 = arith.constant 0 : i32
      %dma_wait3A_147 = tpu.memref_slice %arg6[%mul3A_16, %dma_wait3A_146] : memref<10000x16xf32, #tpu.memory_space<vmem_shared>> -> memref<625x16xf32, #tpu.memory_space<vmem_shared>>
      tpu.wait_dma2 semaphore(%run_scoped3A : memref<!tpu.dma_semaphore, #tpu.memory_space<semaphore_mem>>) src(%arg11 : memref<625x16xf32, #tpu.memory_space<vmem>>) dst(%dma_wait3A_147 : memref<625x16xf32, #tpu.memory_space<vmem_shared>>)
      tpu.yield
    }) : () -> ()
    %mul3A_17 = arith.constant 625 : i32
    %mul3A_18 = arith.muli %arg1, %mul3A_17 : i32
    "tpu.region"() ({
      %run_scoped3A = tpu.sem_alloc : memref<!tpu.dma_semaphore, #tpu.memory_space<semaphore_mem>>
      %dma_start3A = arith.constant 0 : i32
      %dma_start3A_141 = tpu.memref_slice %arg7[%mul3A_18, %dma_start3A] : memref<10000x16xf32, #tpu.memory_space<vmem_shared>> -> memref<625x16xf32, #tpu.memory_space<vmem_shared>>
      %dma_start3A_142 = arith.constant 0 : i32
      %dma_start3A_143 = tpu.memref_slice %arg7[%mul3A_18, %dma_start3A_142] : memref<10000x16xf32, #tpu.memory_space<vmem_shared>> -> memref<625x16xf32, #tpu.memory_space<vmem_shared>>
      tpu.enqueue_dma source(%arg11 : memref<625x16xf32, #tpu.memory_space<vmem>>) target(%dma_start3A_143 : memref<625x16xf32, #tpu.memory_space<vmem_shared>>) target_semaphore(%run_scoped3A : memref<!tpu.dma_semaphore, #tpu.memory_space<semaphore_mem>>)
      %dma_wait3A_144 = arith.constant 0 : i32
      %dma_wait3A_145 = tpu.memref_slice %arg7[%mul3A_18, %dma_wait3A_144] : memref<10000x16xf32, #tpu.memory_space<vmem_shared>> -> memref<625x16xf32, #tpu.memory_space<vmem_shared>>
      %dma_wait3A_146 = arith.constant 0 : i32
      %dma_wait3A_147 = tpu.memref_slice %arg7[%mul3A_18, %dma_wait3A_146] : memref<10000x16xf32, #tpu.memory_space<vmem_shared>> -> memref<625x16xf32, #tpu.memory_space<vmem_shared>>
      tpu.wait_dma2 semaphore(%run_scoped3A : memref<!tpu.dma_semaphore, #tpu.memory_space<semaphore_mem>>) src(%arg11 : memref<625x16xf32, #tpu.memory_space<vmem>>) dst(%dma_wait3A_147 : memref<625x16xf32, #tpu.memory_space<vmem_shared>>)
      tpu.yield
    }) : () -> ()
    %barrier3A = arith.constant 0 : index
    tpu.barrier barrier_id(%barrier3A)
    %scan3A_19 = arith.constant 0 : i32
    %scan3A_20 = arith.constant 0 : i32
    %scan3A_21 = arith.constant 125 : i32
    %scan3A_22 = arith.addi %scan3A_20, %scan3A_21 : i32
    %scan3A_23 = arith.constant 1 : i32
    scf.for %scan3A_141 = %scan3A_20 to %scan3A_22 step %scan3A_23  : i32 {
      %dma_start3A = arith.constant 0 : i32
      %dma_start3A_142 = tpu.memref_slice %arg8[%scan3A_141, %dma_start3A] : memref<125x80xi32, #tpu.memory_space<vmem>> -> memref<1x80xi32, #tpu.memory_space<vmem>>
      %dma_start3A_143 = tpu.memref_squeeze %dma_start3A_142 : memref<1x80xi32, #tpu.memory_space<vmem>> -> memref<80xi32, #tpu.memory_space<vmem>>
      %dma_start3A_144 = arith.constant 0 : i32
      %dma_start3A_145 = arith.constant 0 : i32
      %dma_start3A_146 = tpu.memref_slice %arg6[%dma_start3A_144, %dma_start3A_145] : memref<10000x16xf32, #tpu.memory_space<vmem_shared>> -> memref<10000x16xf32, #tpu.memory_space<vmem_shared>>
      tpu.enqueue_indirect_dma source(%arg10 : memref<80x16xf32, #tpu.memory_space<vmem>>) target(%dma_start3A_146 : memref<10000x16xf32, #tpu.memory_space<vmem_shared>>) offsets(%dma_start3A_143 : memref<80xi32, #tpu.memory_space<vmem>>) semaphore(%arg12 : memref<!tpu.dma_semaphore, #tpu.memory_space<semaphore_mem>>) {add = true}
      %dma_start3A_147 = arith.constant 0 : i32
      %dma_start3A_148 = tpu.memref_slice %arg9[%scan3A_141, %dma_start3A_147] : memref<125x80xi32, #tpu.memory_space<vmem>> -> memref<1x80xi32, #tpu.memory_space<vmem>>
      %dma_start3A_149 = tpu.memref_squeeze %dma_start3A_148 : memref<1x80xi32, #tpu.memory_space<vmem>> -> memref<80xi32, #tpu.memory_space<vmem>>
      %dma_start3A_150 = arith.constant 0 : i32
      %dma_start3A_151 = arith.constant 0 : i32
      %dma_start3A_152 = tpu.memref_slice %arg7[%dma_start3A_150, %dma_start3A_151] : memref<10000x16xf32, #tpu.memory_space<vmem_shared>> -> memref<10000x16xf32, #tpu.memory_space<vmem_shared>>
      tpu.enqueue_indirect_dma source(%arg10 : memref<80x16xf32, #tpu.memory_space<vmem>>) target(%dma_start3A_152 : memref<10000x16xf32, #tpu.memory_space<vmem_shared>>) offsets(%dma_start3A_149 : memref<80xi32, #tpu.memory_space<vmem>>) semaphore(%arg12 : memref<!tpu.dma_semaphore, #tpu.memory_space<semaphore_mem>>) {add = true}
      %ge3A = arith.constant 8 : i32
      %ge3A_153 = arith.cmpi sge, %scan3A_141, %ge3A : i32
      %convert_element_type3A = arith.extui %ge3A_153 : i1 to i32
      %cond3A = arith.constant 0 : i32
      %cond3A_154 = arith.cmpi ne, %convert_element_type3A, %cond3A : i32
      scf.if %cond3A_154 {
        %dma_wait3A_155 = arith.constant 0 : i32
        %dma_wait3A_156 = tpu.memref_slice %arg8[%scan3A_141, %dma_wait3A_155] : memref<125x80xi32, #tpu.memory_space<vmem>> -> memref<1x80xi32, #tpu.memory_space<vmem>>
        %dma_wait3A_157 = tpu.memref_squeeze %dma_wait3A_156 : memref<1x80xi32, #tpu.memory_space<vmem>> -> memref<80xi32, #tpu.memory_space<vmem>>
        %dma_wait3A_158 = arith.constant 0 : i32
        %dma_wait3A_159 = arith.constant 0 : i32
        %dma_wait3A_160 = tpu.memref_slice %arg6[%dma_wait3A_158, %dma_wait3A_159] : memref<10000x16xf32, #tpu.memory_space<vmem_shared>> -> memref<10000x16xf32, #tpu.memory_space<vmem_shared>>
        tpu.wait_indirect_dma semaphore(%arg12 : memref<!tpu.dma_semaphore, #tpu.memory_space<semaphore_mem>>) src(%arg10 : memref<80x16xf32, #tpu.memory_space<vmem>>) dst(%dma_wait3A_160 : memref<10000x16xf32, #tpu.memory_space<vmem_shared>>)
        %dma_wait3A_161 = arith.constant 0 : i32
        %dma_wait3A_162 = tpu.memref_slice %arg9[%scan3A_141, %dma_wait3A_161] : memref<125x80xi32, #tpu.memory_space<vmem>> -> memref<1x80xi32, #tpu.memory_space<vmem>>
        %dma_wait3A_163 = tpu.memref_squeeze %dma_wait3A_162 : memref<1x80xi32, #tpu.memory_space<vmem>> -> memref<80xi32, #tpu.memory_space<vmem>>
        %dma_wait3A_164 = arith.constant 0 : i32
        %dma_wait3A_165 = arith.constant 0 : i32
        %dma_wait3A_166 = tpu.memref_slice %arg7[%dma_wait3A_164, %dma_wait3A_165] : memref<10000x16xf32, #tpu.memory_space<vmem_shared>> -> memref<10000x16xf32, #tpu.memory_space<vmem_shared>>
        tpu.wait_indirect_dma semaphore(%arg12 : memref<!tpu.dma_semaphore, #tpu.memory_space<semaphore_mem>>) src(%arg10 : memref<80x16xf32, #tpu.memory_space<vmem>>) dst(%dma_wait3A_166 : memref<10000x16xf32, #tpu.memory_space<vmem_shared>>)
      } else {
      }
    }
    %scan3A_24 = arith.constant 125 : i32
    %dma_wait3A = arith.constant 0 : i32
    %dma_wait3A_25 = arith.constant 0 : i32
    %dma_wait3A_26 = tpu.memref_slice %arg8[%dma_wait3A, %dma_wait3A_25] : memref<125x80xi32, #tpu.memory_space<vmem>> -> memref<1x80xi32, #tpu.memory_space<vmem>>
    %dma_wait3A_27 = tpu.memref_squeeze %dma_wait3A_26 : memref<1x80xi32, #tpu.memory_space<vmem>> -> memref<80xi32, #tpu.memory_space<vmem>>
    %dma_wait3A_28 = arith.constant 0 : i32
    %dma_wait3A_29 = arith.constant 0 : i32
    %dma_wait3A_30 = tpu.memref_slice %arg6[%dma_wait3A_28, %dma_wait3A_29] : memref<10000x16xf32, #tpu.memory_space<vmem_shared>> -> memref<10000x16xf32, #tpu.memory_space<vmem_shared>>
    tpu.wait_indirect_dma semaphore(%arg12 : memref<!tpu.dma_semaphore, #tpu.memory_space<semaphore_mem>>) src(%arg10 : memref<80x16xf32, #tpu.memory_space<vmem>>) dst(%dma_wait3A_30 : memref<10000x16xf32, #tpu.memory_space<vmem_shared>>)
    %dma_wait3A_31 = arith.constant 0 : i32
    %dma_wait3A_32 = arith.constant 0 : i32
    %dma_wait3A_33 = tpu.memref_slice %arg9[%dma_wait3A_31, %dma_wait3A_32] : memref<125x80xi32, #tpu.memory_space<vmem>> -> memref<1x80xi32, #tpu.memory_space<vmem>>
    %dma_wait3A_34 = tpu.memref_squeeze %dma_wait3A_33 : memref<1x80xi32, #tpu.memory_space<vmem>> -> memref<80xi32, #tpu.memory_space<vmem>>
    %dma_wait3A_35 = arith.constant 0 : i32
    %dma_wait3A_36 = arith.constant 0 : i32
    %dma_wait3A_37 = tpu.memref_slice %arg7[%dma_wait3A_35, %dma_wait3A_36] : memref<10000x16xf32, #tpu.memory_space<vmem_shared>> -> memref<10000x16xf32, #tpu.memory_space<vmem_shared>>
    tpu.wait_indirect_dma semaphore(%arg12 : memref<!tpu.dma_semaphore, #tpu.memory_space<semaphore_mem>>) src(%arg10 : memref<80x16xf32, #tpu.memory_space<vmem>>) dst(%dma_wait3A_37 : memref<10000x16xf32, #tpu.memory_space<vmem_shared>>)
    %dma_wait3A_38 = arith.constant 0 : i32
    %dma_wait3A_39 = arith.constant 0 : i32
    %dma_wait3A_40 = tpu.memref_slice %arg8[%dma_wait3A_38, %dma_wait3A_39] : memref<125x80xi32, #tpu.memory_space<vmem>> -> memref<1x80xi32, #tpu.memory_space<vmem>>
    %dma_wait3A_41 = tpu.memref_squeeze %dma_wait3A_40 : memref<1x80xi32, #tpu.memory_space<vmem>> -> memref<80xi32, #tpu.memory_space<vmem>>
    %dma_wait3A_42 = arith.constant 0 : i32
    %dma_wait3A_43 = arith.constant 0 : i32
    %dma_wait3A_44 = tpu.memref_slice %arg6[%dma_wait3A_42, %dma_wait3A_43] : memref<10000x16xf32, #tpu.memory_space<vmem_shared>> -> memref<10000x16xf32, #tpu.memory_space<vmem_shared>>
    tpu.wait_indirect_dma semaphore(%arg12 : memref<!tpu.dma_semaphore, #tpu.memory_space<semaphore_mem>>) src(%arg10 : memref<80x16xf32, #tpu.memory_space<vmem>>) dst(%dma_wait3A_44 : memref<10000x16xf32, #tpu.memory_space<vmem_shared>>)
    %dma_wait3A_45 = arith.constant 0 : i32
    %dma_wait3A_46 = arith.constant 0 : i32
    %dma_wait3A_47 = tpu.memref_slice %arg9[%dma_wait3A_45, %dma_wait3A_46] : memref<125x80xi32, #tpu.memory_space<vmem>> -> memref<1x80xi32, #tpu.memory_space<vmem>>
    %dma_wait3A_48 = tpu.memref_squeeze %dma_wait3A_47 : memref<1x80xi32, #tpu.memory_space<vmem>> -> memref<80xi32, #tpu.memory_space<vmem>>
    %dma_wait3A_49 = arith.constant 0 : i32
    %dma_wait3A_50 = arith.constant 0 : i32
    %dma_wait3A_51 = tpu.memref_slice %arg7[%dma_wait3A_49, %dma_wait3A_50] : memref<10000x16xf32, #tpu.memory_space<vmem_shared>> -> memref<10000x16xf32, #tpu.memory_space<vmem_shared>>
    tpu.wait_indirect_dma semaphore(%arg12 : memref<!tpu.dma_semaphore, #tpu.memory_space<semaphore_mem>>) src(%arg10 : memref<80x16xf32, #tpu.memory_space<vmem>>) dst(%dma_wait3A_51 : memref<10000x16xf32, #tpu.memory_space<vmem_shared>>)
    %dma_wait3A_52 = arith.constant 0 : i32
    %dma_wait3A_53 = arith.constant 0 : i32
    %dma_wait3A_54 = tpu.memref_slice %arg8[%dma_wait3A_52, %dma_wait3A_53] : memref<125x80xi32, #tpu.memory_space<vmem>> -> memref<1x80xi32, #tpu.memory_space<vmem>>
    %dma_wait3A_55 = tpu.memref_squeeze %dma_wait3A_54 : memref<1x80xi32, #tpu.memory_space<vmem>> -> memref<80xi32, #tpu.memory_space<vmem>>
    %dma_wait3A_56 = arith.constant 0 : i32
    %dma_wait3A_57 = arith.constant 0 : i32
    %dma_wait3A_58 = tpu.memref_slice %arg6[%dma_wait3A_56, %dma_wait3A_57] : memref<10000x16xf32, #tpu.memory_space<vmem_shared>> -> memref<10000x16xf32, #tpu.memory_space<vmem_shared>>
    tpu.wait_indirect_dma semaphore(%arg12 : memref<!tpu.dma_semaphore, #tpu.memory_space<semaphore_mem>>) src(%arg10 : memref<80x16xf32, #tpu.memory_space<vmem>>) dst(%dma_wait3A_58 : memref<10000x16xf32, #tpu.memory_space<vmem_shared>>)
    %dma_wait3A_59 = arith.constant 0 : i32
    %dma_wait3A_60 = arith.constant 0 : i32
    %dma_wait3A_61 = tpu.memref_slice %arg9[%dma_wait3A_59, %dma_wait3A_60] : memref<125x80xi32, #tpu.memory_space<vmem>> -> memref<1x80xi32, #tpu.memory_space<vmem>>
    %dma_wait3A_62 = tpu.memref_squeeze %dma_wait3A_61 : memref<1x80xi32, #tpu.memory_space<vmem>> -> memref<80xi32, #tpu.memory_space<vmem>>
    %dma_wait3A_63 = arith.constant 0 : i32
    %dma_wait3A_64 = arith.constant 0 : i32
    %dma_wait3A_65 = tpu.memref_slice %arg7[%dma_wait3A_63, %dma_wait3A_64] : memref<10000x16xf32, #tpu.memory_space<vmem_shared>> -> memref<10000x16xf32, #tpu.memory_space<vmem_shared>>
    tpu.wait_indirect_dma semaphore(%arg12 : memref<!tpu.dma_semaphore, #tpu.memory_space<semaphore_mem>>) src(%arg10 : memref<80x16xf32, #tpu.memory_space<vmem>>) dst(%dma_wait3A_65 : memref<10000x16xf32, #tpu.memory_space<vmem_shared>>)
    %dma_wait3A_66 = arith.constant 0 : i32
    %dma_wait3A_67 = arith.constant 0 : i32
    %dma_wait3A_68 = tpu.memref_slice %arg8[%dma_wait3A_66, %dma_wait3A_67] : memref<125x80xi32, #tpu.memory_space<vmem>> -> memref<1x80xi32, #tpu.memory_space<vmem>>
    %dma_wait3A_69 = tpu.memref_squeeze %dma_wait3A_68 : memref<1x80xi32, #tpu.memory_space<vmem>> -> memref<80xi32, #tpu.memory_space<vmem>>
    %dma_wait3A_70 = arith.constant 0 : i32
    %dma_wait3A_71 = arith.constant 0 : i32
    %dma_wait3A_72 = tpu.memref_slice %arg6[%dma_wait3A_70, %dma_wait3A_71] : memref<10000x16xf32, #tpu.memory_space<vmem_shared>> -> memref<10000x16xf32, #tpu.memory_space<vmem_shared>>
    tpu.wait_indirect_dma semaphore(%arg12 : memref<!tpu.dma_semaphore, #tpu.memory_space<semaphore_mem>>) src(%arg10 : memref<80x16xf32, #tpu.memory_space<vmem>>) dst(%dma_wait3A_72 : memref<10000x16xf32, #tpu.memory_space<vmem_shared>>)
    %dma_wait3A_73 = arith.constant 0 : i32
    %dma_wait3A_74 = arith.constant 0 : i32
    %dma_wait3A_75 = tpu.memref_slice %arg9[%dma_wait3A_73, %dma_wait3A_74] : memref<125x80xi32, #tpu.memory_space<vmem>> -> memref<1x80xi32, #tpu.memory_space<vmem>>
    %dma_wait3A_76 = tpu.memref_squeeze %dma_wait3A_75 : memref<1x80xi32, #tpu.memory_space<vmem>> -> memref<80xi32, #tpu.memory_space<vmem>>
    %dma_wait3A_77 = arith.constant 0 : i32
    %dma_wait3A_78 = arith.constant 0 : i32
    %dma_wait3A_79 = tpu.memref_slice %arg7[%dma_wait3A_77, %dma_wait3A_78] : memref<10000x16xf32, #tpu.memory_space<vmem_shared>> -> memref<10000x16xf32, #tpu.memory_space<vmem_shared>>
    tpu.wait_indirect_dma semaphore(%arg12 : memref<!tpu.dma_semaphore, #tpu.memory_space<semaphore_mem>>) src(%arg10 : memref<80x16xf32, #tpu.memory_space<vmem>>) dst(%dma_wait3A_79 : memref<10000x16xf32, #tpu.memory_space<vmem_shared>>)
    %dma_wait3A_80 = arith.constant 0 : i32
    %dma_wait3A_81 = arith.constant 0 : i32
    %dma_wait3A_82 = tpu.memref_slice %arg8[%dma_wait3A_80, %dma_wait3A_81] : memref<125x80xi32, #tpu.memory_space<vmem>> -> memref<1x80xi32, #tpu.memory_space<vmem>>
    %dma_wait3A_83 = tpu.memref_squeeze %dma_wait3A_82 : memref<1x80xi32, #tpu.memory_space<vmem>> -> memref<80xi32, #tpu.memory_space<vmem>>
    %dma_wait3A_84 = arith.constant 0 : i32
    %dma_wait3A_85 = arith.constant 0 : i32
    %dma_wait3A_86 = tpu.memref_slice %arg6[%dma_wait3A_84, %dma_wait3A_85] : memref<10000x16xf32, #tpu.memory_space<vmem_shared>> -> memref<10000x16xf32, #tpu.memory_space<vmem_shared>>
    tpu.wait_indirect_dma semaphore(%arg12 : memref<!tpu.dma_semaphore, #tpu.memory_space<semaphore_mem>>) src(%arg10 : memref<80x16xf32, #tpu.memory_space<vmem>>) dst(%dma_wait3A_86 : memref<10000x16xf32, #tpu.memory_space<vmem_shared>>)
    %dma_wait3A_87 = arith.constant 0 : i32
    %dma_wait3A_88 = arith.constant 0 : i32
    %dma_wait3A_89 = tpu.memref_slice %arg9[%dma_wait3A_87, %dma_wait3A_88] : memref<125x80xi32, #tpu.memory_space<vmem>> -> memref<1x80xi32, #tpu.memory_space<vmem>>
    %dma_wait3A_90 = tpu.memref_squeeze %dma_wait3A_89 : memref<1x80xi32, #tpu.memory_space<vmem>> -> memref<80xi32, #tpu.memory_space<vmem>>
    %dma_wait3A_91 = arith.constant 0 : i32
    %dma_wait3A_92 = arith.constant 0 : i32
    %dma_wait3A_93 = tpu.memref_slice %arg7[%dma_wait3A_91, %dma_wait3A_92] : memref<10000x16xf32, #tpu.memory_space<vmem_shared>> -> memref<10000x16xf32, #tpu.memory_space<vmem_shared>>
    tpu.wait_indirect_dma semaphore(%arg12 : memref<!tpu.dma_semaphore, #tpu.memory_space<semaphore_mem>>) src(%arg10 : memref<80x16xf32, #tpu.memory_space<vmem>>) dst(%dma_wait3A_93 : memref<10000x16xf32, #tpu.memory_space<vmem_shared>>)
    %dma_wait3A_94 = arith.constant 0 : i32
    %dma_wait3A_95 = arith.constant 0 : i32
    %dma_wait3A_96 = tpu.memref_slice %arg8[%dma_wait3A_94, %dma_wait3A_95] : memref<125x80xi32, #tpu.memory_space<vmem>> -> memref<1x80xi32, #tpu.memory_space<vmem>>
    %dma_wait3A_97 = tpu.memref_squeeze %dma_wait3A_96 : memref<1x80xi32, #tpu.memory_space<vmem>> -> memref<80xi32, #tpu.memory_space<vmem>>
    %dma_wait3A_98 = arith.constant 0 : i32
    %dma_wait3A_99 = arith.constant 0 : i32
    %dma_wait3A_100 = tpu.memref_slice %arg6[%dma_wait3A_98, %dma_wait3A_99] : memref<10000x16xf32, #tpu.memory_space<vmem_shared>> -> memref<10000x16xf32, #tpu.memory_space<vmem_shared>>
    tpu.wait_indirect_dma semaphore(%arg12 : memref<!tpu.dma_semaphore, #tpu.memory_space<semaphore_mem>>) src(%arg10 : memref<80x16xf32, #tpu.memory_space<vmem>>) dst(%dma_wait3A_100 : memref<10000x16xf32, #tpu.memory_space<vmem_shared>>)
    %dma_wait3A_101 = arith.constant 0 : i32
    %dma_wait3A_102 = arith.constant 0 : i32
    %dma_wait3A_103 = tpu.memref_slice %arg9[%dma_wait3A_101, %dma_wait3A_102] : memref<125x80xi32, #tpu.memory_space<vmem>> -> memref<1x80xi32, #tpu.memory_space<vmem>>
    %dma_wait3A_104 = tpu.memref_squeeze %dma_wait3A_103 : memref<1x80xi32, #tpu.memory_space<vmem>> -> memref<80xi32, #tpu.memory_space<vmem>>
    %dma_wait3A_105 = arith.constant 0 : i32
    %dma_wait3A_106 = arith.constant 0 : i32
    %dma_wait3A_107 = tpu.memref_slice %arg7[%dma_wait3A_105, %dma_wait3A_106] : memref<10000x16xf32, #tpu.memory_space<vmem_shared>> -> memref<10000x16xf32, #tpu.memory_space<vmem_shared>>
    tpu.wait_indirect_dma semaphore(%arg12 : memref<!tpu.dma_semaphore, #tpu.memory_space<semaphore_mem>>) src(%arg10 : memref<80x16xf32, #tpu.memory_space<vmem>>) dst(%dma_wait3A_107 : memref<10000x16xf32, #tpu.memory_space<vmem_shared>>)
    %dma_wait3A_108 = arith.constant 0 : i32
    %dma_wait3A_109 = arith.constant 0 : i32
    %dma_wait3A_110 = tpu.memref_slice %arg8[%dma_wait3A_108, %dma_wait3A_109] : memref<125x80xi32, #tpu.memory_space<vmem>> -> memref<1x80xi32, #tpu.memory_space<vmem>>
    %dma_wait3A_111 = tpu.memref_squeeze %dma_wait3A_110 : memref<1x80xi32, #tpu.memory_space<vmem>> -> memref<80xi32, #tpu.memory_space<vmem>>
    %dma_wait3A_112 = arith.constant 0 : i32
    %dma_wait3A_113 = arith.constant 0 : i32
    %dma_wait3A_114 = tpu.memref_slice %arg6[%dma_wait3A_112, %dma_wait3A_113] : memref<10000x16xf32, #tpu.memory_space<vmem_shared>> -> memref<10000x16xf32, #tpu.memory_space<vmem_shared>>
    tpu.wait_indirect_dma semaphore(%arg12 : memref<!tpu.dma_semaphore, #tpu.memory_space<semaphore_mem>>) src(%arg10 : memref<80x16xf32, #tpu.memory_space<vmem>>) dst(%dma_wait3A_114 : memref<10000x16xf32, #tpu.memory_space<vmem_shared>>)
    %dma_wait3A_115 = arith.constant 0 : i32
    %dma_wait3A_116 = arith.constant 0 : i32
    %dma_wait3A_117 = tpu.memref_slice %arg9[%dma_wait3A_115, %dma_wait3A_116] : memref<125x80xi32, #tpu.memory_space<vmem>> -> memref<1x80xi32, #tpu.memory_space<vmem>>
    %dma_wait3A_118 = tpu.memref_squeeze %dma_wait3A_117 : memref<1x80xi32, #tpu.memory_space<vmem>> -> memref<80xi32, #tpu.memory_space<vmem>>
    %dma_wait3A_119 = arith.constant 0 : i32
    %dma_wait3A_120 = arith.constant 0 : i32
    %dma_wait3A_121 = tpu.memref_slice %arg7[%dma_wait3A_119, %dma_wait3A_120] : memref<10000x16xf32, #tpu.memory_space<vmem_shared>> -> memref<10000x16xf32, #tpu.memory_space<vmem_shared>>
    tpu.wait_indirect_dma semaphore(%arg12 : memref<!tpu.dma_semaphore, #tpu.memory_space<semaphore_mem>>) src(%arg10 : memref<80x16xf32, #tpu.memory_space<vmem>>) dst(%dma_wait3A_121 : memref<10000x16xf32, #tpu.memory_space<vmem_shared>>)
    %dma_wait3A_122 = arith.constant 0 : i32
    %dma_wait3A_123 = arith.constant 0 : i32
    %dma_wait3A_124 = tpu.memref_slice %arg8[%dma_wait3A_122, %dma_wait3A_123] : memref<125x80xi32, #tpu.memory_space<vmem>> -> memref<1x80xi32, #tpu.memory_space<vmem>>
    %dma_wait3A_125 = tpu.memref_squeeze %dma_wait3A_124 : memref<1x80xi32, #tpu.memory_space<vmem>> -> memref<80xi32, #tpu.memory_space<vmem>>
    %dma_wait3A_126 = arith.constant 0 : i32
    %dma_wait3A_127 = arith.constant 0 : i32
    %dma_wait3A_128 = tpu.memref_slice %arg6[%dma_wait3A_126, %dma_wait3A_127] : memref<10000x16xf32, #tpu.memory_space<vmem_shared>> -> memref<10000x16xf32, #tpu.memory_space<vmem_shared>>
    tpu.wait_indirect_dma semaphore(%arg12 : memref<!tpu.dma_semaphore, #tpu.memory_space<semaphore_mem>>) src(%arg10 : memref<80x16xf32, #tpu.memory_space<vmem>>) dst(%dma_wait3A_128 : memref<10000x16xf32, #tpu.memory_space<vmem_shared>>)
    %dma_wait3A_129 = arith.constant 0 : i32
    %dma_wait3A_130 = arith.constant 0 : i32
    %dma_wait3A_131 = tpu.memref_slice %arg9[%dma_wait3A_129, %dma_wait3A_130] : memref<125x80xi32, #tpu.memory_space<vmem>> -> memref<1x80xi32, #tpu.memory_space<vmem>>
    %dma_wait3A_132 = tpu.memref_squeeze %dma_wait3A_131 : memref<1x80xi32, #tpu.memory_space<vmem>> -> memref<80xi32, #tpu.memory_space<vmem>>
    %dma_wait3A_133 = arith.constant 0 : i32
    %dma_wait3A_134 = arith.constant 0 : i32
    %dma_wait3A_135 = tpu.memref_slice %arg7[%dma_wait3A_133, %dma_wait3A_134] : memref<10000x16xf32, #tpu.memory_space<vmem_shared>> -> memref<10000x16xf32, #tpu.memory_space<vmem_shared>>
    tpu.wait_indirect_dma semaphore(%arg12 : memref<!tpu.dma_semaphore, #tpu.memory_space<semaphore_mem>>) src(%arg10 : memref<80x16xf32, #tpu.memory_space<vmem>>) dst(%dma_wait3A_135 : memref<10000x16xf32, #tpu.memory_space<vmem_shared>>)
    %barrier3A_136 = arith.constant 0 : index
    tpu.barrier barrier_id(%barrier3A_136)
    %mul3A_137 = arith.constant 625 : i32
    %mul3A_138 = arith.muli %arg1, %mul3A_137 : i32
    "tpu.region"() ({
      %run_scoped3A = tpu.sem_alloc : memref<!tpu.dma_semaphore, #tpu.memory_space<semaphore_mem>>
      %dma_start3A = arith.constant 0 : i32
      %dma_start3A_141 = arith.constant 0 : i32
      %dma_start3A_142 = tpu.memref_slice %arg4[%add3A, %dma_start3A, %dma_start3A_141] : memref<32x625x16xf32, #tpu.memory_space<hbm>> -> memref<1x625x16xf32, #tpu.memory_space<hbm>>
      %dma_start3A_143 = tpu.memref_squeeze %dma_start3A_142 : memref<1x625x16xf32, #tpu.memory_space<hbm>> -> memref<625x16xf32, #tpu.memory_space<hbm>>
      %dma_start3A_144 = arith.constant 0 : i32
      %dma_start3A_145 = tpu.memref_slice %arg6[%mul3A_138, %dma_start3A_144] : memref<10000x16xf32, #tpu.memory_space<vmem_shared>> -> memref<625x16xf32, #tpu.memory_space<vmem_shared>>
      tpu.enqueue_dma source(%dma_start3A_145 : memref<625x16xf32, #tpu.memory_space<vmem_shared>>) target(%dma_start3A_143 : memref<625x16xf32, #tpu.memory_space<hbm>>) target_semaphore(%run_scoped3A : memref<!tpu.dma_semaphore, #tpu.memory_space<semaphore_mem>>)
      %dma_wait3A_146 = arith.constant 0 : i32
      %dma_wait3A_147 = arith.constant 0 : i32
      %dma_wait3A_148 = tpu.memref_slice %arg4[%add3A, %dma_wait3A_146, %dma_wait3A_147] : memref<32x625x16xf32, #tpu.memory_space<hbm>> -> memref<1x625x16xf32, #tpu.memory_space<hbm>>
      %dma_wait3A_149 = tpu.memref_squeeze %dma_wait3A_148 : memref<1x625x16xf32, #tpu.memory_space<hbm>> -> memref<625x16xf32, #tpu.memory_space<hbm>>
      %dma_wait3A_150 = arith.constant 0 : i32
      %dma_wait3A_151 = tpu.memref_slice %arg6[%mul3A_138, %dma_wait3A_150] : memref<10000x16xf32, #tpu.memory_space<vmem_shared>> -> memref<625x16xf32, #tpu.memory_space<vmem_shared>>
      tpu.wait_dma2 semaphore(%run_scoped3A : memref<!tpu.dma_semaphore, #tpu.memory_space<semaphore_mem>>) src(%dma_wait3A_151 : memref<625x16xf32, #tpu.memory_space<vmem_shared>>) dst(%dma_wait3A_149 : memref<625x16xf32, #tpu.memory_space<hbm>>)
      tpu.yield
    }) : () -> ()
    %mul3A_139 = arith.constant 625 : i32
    %mul3A_140 = arith.muli %arg1, %mul3A_139 : i32
    "tpu.region"() ({
      %run_scoped3A = tpu.sem_alloc : memref<!tpu.dma_semaphore, #tpu.memory_space<semaphore_mem>>
      %dma_start3A = arith.constant 0 : i32
      %dma_start3A_141 = arith.constant 0 : i32
      %dma_start3A_142 = tpu.memref_slice %arg5[%add3A, %dma_start3A, %dma_start3A_141] : memref<32x625x16xf32, #tpu.memory_space<hbm>> -> memref<1x625x16xf32, #tpu.memory_space<hbm>>
      %dma_start3A_143 = tpu.memref_squeeze %dma_start3A_142 : memref<1x625x16xf32, #tpu.memory_space<hbm>> -> memref<625x16xf32, #tpu.memory_space<hbm>>
      %dma_start3A_144 = arith.constant 0 : i32
      %dma_start3A_145 = tpu.memref_slice %arg7[%mul3A_140, %dma_start3A_144] : memref<10000x16xf32, #tpu.memory_space<vmem_shared>> -> memref<625x16xf32, #tpu.memory_space<vmem_shared>>
      tpu.enqueue_dma source(%dma_start3A_145 : memref<625x16xf32, #tpu.memory_space<vmem_shared>>) target(%dma_start3A_143 : memref<625x16xf32, #tpu.memory_space<hbm>>) target_semaphore(%run_scoped3A : memref<!tpu.dma_semaphore, #tpu.memory_space<semaphore_mem>>)
      %dma_wait3A_146 = arith.constant 0 : i32
      %dma_wait3A_147 = arith.constant 0 : i32
      %dma_wait3A_148 = tpu.memref_slice %arg5[%add3A, %dma_wait3A_146, %dma_wait3A_147] : memref<32x625x16xf32, #tpu.memory_space<hbm>> -> memref<1x625x16xf32, #tpu.memory_space<hbm>>
      %dma_wait3A_149 = tpu.memref_squeeze %dma_wait3A_148 : memref<1x625x16xf32, #tpu.memory_space<hbm>> -> memref<625x16xf32, #tpu.memory_space<hbm>>
      %dma_wait3A_150 = arith.constant 0 : i32
      %dma_wait3A_151 = tpu.memref_slice %arg7[%mul3A_140, %dma_wait3A_150] : memref<10000x16xf32, #tpu.memory_space<vmem_shared>> -> memref<625x16xf32, #tpu.memory_space<vmem_shared>>
      tpu.wait_dma2 semaphore(%run_scoped3A : memref<!tpu.dma_semaphore, #tpu.memory_space<semaphore_mem>>) src(%dma_wait3A_151 : memref<625x16xf32, #tpu.memory_space<vmem_shared>>) dst(%dma_wait3A_149 : memref<625x16xf32, #tpu.memory_space<hbm>>)
      tpu.yield
    }) : () -> ()
    return
  }
}

#map = affine_map<(d0, d1) -> (0, 0)>
#map1 = affine_map<(d0, d1) -> (0, 0, 0)>
module attributes {stable_mosaic.version = 14 : i64} {
  func.func @body(%arg0: i32, %arg1: i32, %arg2: memref<10000x48xf32, #tpu.memory_space<hbm>>, %arg3: memref<32x125x80xi32, #tpu.memory_space<hbm>>, %arg4: memref<32x125x80xi32, #tpu.memory_space<hbm>>, %arg5: memref<32x625x48xf32, #tpu.memory_space<hbm>>, %arg6: memref<10000x48xf32, #tpu.memory_space<vmem_shared>>, %arg7: memref<125x80xi32, #tpu.memory_space<vmem>>, %arg8: memref<125x80xi32, #tpu.memory_space<vmem>>, %arg9: memref<80x48xf32, #tpu.memory_space<vmem>>, %arg10: memref<80x48xf32, #tpu.memory_space<vmem>>, %arg11: memref<80x48xf32, #tpu.memory_space<vmem>>, %arg12: memref<80x48xf32, #tpu.memory_space<vmem>>, %arg13: memref<80x48xf32, #tpu.memory_space<vmem>>, %arg14: memref<!tpu.dma_semaphore, #tpu.memory_space<semaphore_mem>>, %arg15: memref<!tpu.dma_semaphore, #tpu.memory_space<semaphore_mem>>, %arg16: memref<!tpu.dma_semaphore, #tpu.memory_space<semaphore_mem>>, %arg17: memref<!tpu.dma_semaphore, #tpu.memory_space<semaphore_mem>>, %arg18: memref<!tpu.dma_semaphore, #tpu.memory_space<semaphore_mem>>, %arg19: memref<!tpu.dma_semaphore, #tpu.memory_space<semaphore_mem>>, %arg20: memref<!tpu.dma_semaphore, #tpu.memory_space<semaphore_mem>>, %arg21: memref<!tpu.dma_semaphore, #tpu.memory_space<semaphore_mem>>, %arg22: memref<!tpu.dma_semaphore, #tpu.memory_space<semaphore_mem>>, %arg23: memref<!tpu.dma_semaphore, #tpu.memory_space<semaphore_mem>>) attributes {dimension_semantics = [#tpu.dimension_semantics<core_parallel>, #tpu.dimension_semantics<subcore_parallel>], iteration_bounds = array<i64: 2, 16>, scalar_prefetch = 0 : i64, scratch_operands = 18 : i64, tpu.core_type = #tpu.core_type<sc_vector_subcore>, window_params = [{transform_indices = #map}, {transform_indices = #map1}, {transform_indices = #map1}, {transform_indices = #map1}]} {
    %mul3A = arith.constant 16 : i32
    %mul3A_0 = arith.muli %arg0, %mul3A : i32
    %add3A = arith.addi %mul3A_0, %arg1 : i32
    "tpu.region"() ({
      %run_scoped3A = tpu.sem_alloc : memref<!tpu.dma_semaphore, #tpu.memory_space<semaphore_mem>>
      %dma_start3A_82 = arith.constant 0 : i32
      %dma_start3A_83 = arith.constant 0 : i32
      %dma_start3A_84 = tpu.memref_slice %arg3[%add3A, %dma_start3A_82, %dma_start3A_83] : memref<32x125x80xi32, #tpu.memory_space<hbm>> -> memref<1x125x80xi32, #tpu.memory_space<hbm>>
      %dma_start3A_85 = tpu.memref_squeeze %dma_start3A_84 : memref<1x125x80xi32, #tpu.memory_space<hbm>> -> memref<125x80xi32, #tpu.memory_space<hbm>>
      %dma_start3A_86 = arith.constant 0 : i32
      %dma_start3A_87 = arith.constant 0 : i32
      %dma_start3A_88 = tpu.memref_slice %arg3[%add3A, %dma_start3A_86, %dma_start3A_87] : memref<32x125x80xi32, #tpu.memory_space<hbm>> -> memref<1x125x80xi32, #tpu.memory_space<hbm>>
      %dma_start3A_89 = tpu.memref_squeeze %dma_start3A_88 : memref<1x125x80xi32, #tpu.memory_space<hbm>> -> memref<125x80xi32, #tpu.memory_space<hbm>>
      tpu.enqueue_dma source(%dma_start3A_89 : memref<125x80xi32, #tpu.memory_space<hbm>>) target(%arg7 : memref<125x80xi32, #tpu.memory_space<vmem>>) target_semaphore(%run_scoped3A : memref<!tpu.dma_semaphore, #tpu.memory_space<semaphore_mem>>)
      %dma_wait3A = arith.constant 0 : i32
      %dma_wait3A_90 = arith.constant 0 : i32
      %dma_wait3A_91 = tpu.memref_slice %arg3[%add3A, %dma_wait3A, %dma_wait3A_90] : memref<32x125x80xi32, #tpu.memory_space<hbm>> -> memref<1x125x80xi32, #tpu.memory_space<hbm>>
      %dma_wait3A_92 = tpu.memref_squeeze %dma_wait3A_91 : memref<1x125x80xi32, #tpu.memory_space<hbm>> -> memref<125x80xi32, #tpu.memory_space<hbm>>
      %dma_wait3A_93 = arith.constant 0 : i32
      %dma_wait3A_94 = arith.constant 0 : i32
      %dma_wait3A_95 = tpu.memref_slice %arg3[%add3A, %dma_wait3A_93, %dma_wait3A_94] : memref<32x125x80xi32, #tpu.memory_space<hbm>> -> memref<1x125x80xi32, #tpu.memory_space<hbm>>
      %dma_wait3A_96 = tpu.memref_squeeze %dma_wait3A_95 : memref<1x125x80xi32, #tpu.memory_space<hbm>> -> memref<125x80xi32, #tpu.memory_space<hbm>>
      tpu.wait_dma2 semaphore(%run_scoped3A : memref<!tpu.dma_semaphore, #tpu.memory_space<semaphore_mem>>) src(%dma_wait3A_96 : memref<125x80xi32, #tpu.memory_space<hbm>>) dst(%arg7 : memref<125x80xi32, #tpu.memory_space<vmem>>)
      tpu.yield
    }) : () -> ()
    "tpu.region"() ({
      %run_scoped3A = tpu.sem_alloc : memref<!tpu.dma_semaphore, #tpu.memory_space<semaphore_mem>>
      %dma_start3A_82 = arith.constant 0 : i32
      %dma_start3A_83 = arith.constant 0 : i32
      %dma_start3A_84 = tpu.memref_slice %arg4[%add3A, %dma_start3A_82, %dma_start3A_83] : memref<32x125x80xi32, #tpu.memory_space<hbm>> -> memref<1x125x80xi32, #tpu.memory_space<hbm>>
      %dma_start3A_85 = tpu.memref_squeeze %dma_start3A_84 : memref<1x125x80xi32, #tpu.memory_space<hbm>> -> memref<125x80xi32, #tpu.memory_space<hbm>>
      %dma_start3A_86 = arith.constant 0 : i32
      %dma_start3A_87 = arith.constant 0 : i32
      %dma_start3A_88 = tpu.memref_slice %arg4[%add3A, %dma_start3A_86, %dma_start3A_87] : memref<32x125x80xi32, #tpu.memory_space<hbm>> -> memref<1x125x80xi32, #tpu.memory_space<hbm>>
      %dma_start3A_89 = tpu.memref_squeeze %dma_start3A_88 : memref<1x125x80xi32, #tpu.memory_space<hbm>> -> memref<125x80xi32, #tpu.memory_space<hbm>>
      tpu.enqueue_dma source(%dma_start3A_89 : memref<125x80xi32, #tpu.memory_space<hbm>>) target(%arg8 : memref<125x80xi32, #tpu.memory_space<vmem>>) target_semaphore(%run_scoped3A : memref<!tpu.dma_semaphore, #tpu.memory_space<semaphore_mem>>)
      %dma_wait3A = arith.constant 0 : i32
      %dma_wait3A_90 = arith.constant 0 : i32
      %dma_wait3A_91 = tpu.memref_slice %arg4[%add3A, %dma_wait3A, %dma_wait3A_90] : memref<32x125x80xi32, #tpu.memory_space<hbm>> -> memref<1x125x80xi32, #tpu.memory_space<hbm>>
      %dma_wait3A_92 = tpu.memref_squeeze %dma_wait3A_91 : memref<1x125x80xi32, #tpu.memory_space<hbm>> -> memref<125x80xi32, #tpu.memory_space<hbm>>
      %dma_wait3A_93 = arith.constant 0 : i32
      %dma_wait3A_94 = arith.constant 0 : i32
      %dma_wait3A_95 = tpu.memref_slice %arg4[%add3A, %dma_wait3A_93, %dma_wait3A_94] : memref<32x125x80xi32, #tpu.memory_space<hbm>> -> memref<1x125x80xi32, #tpu.memory_space<hbm>>
      %dma_wait3A_96 = tpu.memref_squeeze %dma_wait3A_95 : memref<1x125x80xi32, #tpu.memory_space<hbm>> -> memref<125x80xi32, #tpu.memory_space<hbm>>
      tpu.wait_dma2 semaphore(%run_scoped3A : memref<!tpu.dma_semaphore, #tpu.memory_space<semaphore_mem>>) src(%dma_wait3A_96 : memref<125x80xi32, #tpu.memory_space<hbm>>) dst(%arg8 : memref<125x80xi32, #tpu.memory_space<vmem>>)
      tpu.yield
    }) : () -> ()
    %broadcast_in_dim3A = arith.constant 0.000000e+00 : f32
    %broadcast_in_dim3A_1 = vector.broadcast %broadcast_in_dim3A : f32 to vector<16xf32>
    %scan3A = arith.constant 0 : i32
    %scan3A_2 = arith.constant 0 : i32
    %scan3A_3 = arith.constant 80 : i32
    %scan3A_4 = arith.addi %scan3A_2, %scan3A_3 : i32
    %scan3A_5 = arith.constant 1 : i32
    scf.for %scan3A_82 = %scan3A_2 to %scan3A_4 step %scan3A_5  : i32 {
      %swap3A = arith.index_cast %scan3A_82 : i32 to index
      %swap3A_83 = arith.constant 0 : index
      %swap3A_84 = tpu.vector_load %arg9[%swap3A, %swap3A_83] {strides = array<i32>} : memref<80x48xf32, #tpu.memory_space<vmem>>, vector<1x16xf32>,
      %swap3A_85 = vector.shape_cast %swap3A_84 : vector<1x16xf32> to vector<16xf32>
      %swap3A_86 = vector.shape_cast %broadcast_in_dim3A_1 : vector<16xf32> to vector<1x16xf32>
      tpu.vector_store %arg9[%swap3A, %swap3A_83], %swap3A_86 {strides = array<i32>} : memref<80x48xf32, #tpu.memory_space<vmem>>, vector<1x16xf32>,
      %swap3A_87 = arith.index_cast %scan3A_82 : i32 to index
      %swap3A_88 = arith.constant 16 : index
      %swap3A_89 = tpu.vector_load %arg9[%swap3A_87, %swap3A_88] {strides = array<i32>} : memref<80x48xf32, #tpu.memory_space<vmem>>, vector<1x16xf32>,
      %swap3A_90 = vector.shape_cast %swap3A_89 : vector<1x16xf32> to vector<16xf32>
      %swap3A_91 = vector.shape_cast %broadcast_in_dim3A_1 : vector<16xf32> to vector<1x16xf32>
      tpu.vector_store %arg9[%swap3A_87, %swap3A_88], %swap3A_91 {strides = array<i32>} : memref<80x48xf32, #tpu.memory_space<vmem>>, vector<1x16xf32>,
      %swap3A_92 = arith.index_cast %scan3A_82 : i32 to index
      %swap3A_93 = arith.constant 32 : index
      %swap3A_94 = tpu.vector_load %arg9[%swap3A_92, %swap3A_93] {strides = array<i32>} : memref<80x48xf32, #tpu.memory_space<vmem>>, vector<1x16xf32>,
      %swap3A_95 = vector.shape_cast %swap3A_94 : vector<1x16xf32> to vector<16xf32>
      %swap3A_96 = vector.shape_cast %broadcast_in_dim3A_1 : vector<16xf32> to vector<1x16xf32>
      tpu.vector_store %arg9[%swap3A_92, %swap3A_93], %swap3A_96 {strides = array<i32>} : memref<80x48xf32, #tpu.memory_space<vmem>>, vector<1x16xf32>,
    }
    %scan3A_6 = arith.constant 80 : i32
    %mul3A_7 = arith.constant 625 : i32
    %mul3A_8 = arith.muli %arg1, %mul3A_7 : i32
    %add3A_9 = arith.constant 0 : i32
    %add3A_10 = arith.addi %mul3A_8, %add3A_9 : i32
    "tpu.region"() ({
      %run_scoped3A = tpu.sem_alloc : memref<!tpu.dma_semaphore, #tpu.memory_space<semaphore_mem>>
      %dma_start3A_82 = arith.constant 0 : i32
      %dma_start3A_83 = tpu.memref_slice %arg6[%add3A_10, %dma_start3A_82] : memref<10000x48xf32, #tpu.memory_space<vmem_shared>> -> memref<80x48xf32, #tpu.memory_space<vmem_shared>>
      %dma_start3A_84 = arith.constant 0 : i32
      %dma_start3A_85 = tpu.memref_slice %arg6[%add3A_10, %dma_start3A_84] : memref<10000x48xf32, #tpu.memory_space<vmem_shared>> -> memref<80x48xf32, #tpu.memory_space<vmem_shared>>
      tpu.enqueue_dma source(%arg9 : memref<80x48xf32, #tpu.memory_space<vmem>>) target(%dma_start3A_85 : memref<80x48xf32, #tpu.memory_space<vmem_shared>>) target_semaphore(%run_scoped3A : memref<!tpu.dma_semaphore, #tpu.memory_space<semaphore_mem>>)
      %dma_wait3A = arith.constant 0 : i32
      %dma_wait3A_86 = tpu.memref_slice %arg6[%add3A_10, %dma_wait3A] : memref<10000x48xf32, #tpu.memory_space<vmem_shared>> -> memref<80x48xf32, #tpu.memory_space<vmem_shared>>
      %dma_wait3A_87 = arith.constant 0 : i32
      %dma_wait3A_88 = tpu.memref_slice %arg6[%add3A_10, %dma_wait3A_87] : memref<10000x48xf32, #tpu.memory_space<vmem_shared>> -> memref<80x48xf32, #tpu.memory_space<vmem_shared>>
      tpu.wait_dma2 semaphore(%run_scoped3A : memref<!tpu.dma_semaphore, #tpu.memory_space<semaphore_mem>>) src(%arg9 : memref<80x48xf32, #tpu.memory_space<vmem>>) dst(%dma_wait3A_88 : memref<80x48xf32, #tpu.memory_space<vmem_shared>>)
      tpu.yield
    }) : () -> ()
    %mul3A_11 = arith.constant 625 : i32
    %mul3A_12 = arith.muli %arg1, %mul3A_11 : i32
    %add3A_13 = arith.constant 80 : i32
    %add3A_14 = arith.addi %mul3A_12, %add3A_13 : i32
    "tpu.region"() ({
      %run_scoped3A = tpu.sem_alloc : memref<!tpu.dma_semaphore, #tpu.memory_space<semaphore_mem>>
      %dma_start3A_82 = arith.constant 0 : i32
      %dma_start3A_83 = tpu.memref_slice %arg6[%add3A_14, %dma_start3A_82] : memref<10000x48xf32, #tpu.memory_space<vmem_shared>> -> memref<80x48xf32, #tpu.memory_space<vmem_shared>>
      %dma_start3A_84 = arith.constant 0 : i32
      %dma_start3A_85 = tpu.memref_slice %arg6[%add3A_14, %dma_start3A_84] : memref<10000x48xf32, #tpu.memory_space<vmem_shared>> -> memref<80x48xf32, #tpu.memory_space<vmem_shared>>
      tpu.enqueue_dma source(%arg9 : memref<80x48xf32, #tpu.memory_space<vmem>>) target(%dma_start3A_85 : memref<80x48xf32, #tpu.memory_space<vmem_shared>>) target_semaphore(%run_scoped3A : memref<!tpu.dma_semaphore, #tpu.memory_space<semaphore_mem>>)
      %dma_wait3A = arith.constant 0 : i32
      %dma_wait3A_86 = tpu.memref_slice %arg6[%add3A_14, %dma_wait3A] : memref<10000x48xf32, #tpu.memory_space<vmem_shared>> -> memref<80x48xf32, #tpu.memory_space<vmem_shared>>
      %dma_wait3A_87 = arith.constant 0 : i32
      %dma_wait3A_88 = tpu.memref_slice %arg6[%add3A_14, %dma_wait3A_87] : memref<10000x48xf32, #tpu.memory_space<vmem_shared>> -> memref<80x48xf32, #tpu.memory_space<vmem_shared>>
      tpu.wait_dma2 semaphore(%run_scoped3A : memref<!tpu.dma_semaphore, #tpu.memory_space<semaphore_mem>>) src(%arg9 : memref<80x48xf32, #tpu.memory_space<vmem>>) dst(%dma_wait3A_88 : memref<80x48xf32, #tpu.memory_space<vmem_shared>>)
      tpu.yield
    }) : () -> ()
    %mul3A_15 = arith.constant 625 : i32
    %mul3A_16 = arith.muli %arg1, %mul3A_15 : i32
    %add3A_17 = arith.constant 160 : i32
    %add3A_18 = arith.addi %mul3A_16, %add3A_17 : i32
    "tpu.region"() ({
      %run_scoped3A = tpu.sem_alloc : memref<!tpu.dma_semaphore, #tpu.memory_space<semaphore_mem>>
      %dma_start3A_82 = arith.constant 0 : i32
      %dma_start3A_83 = tpu.memref_slice %arg6[%add3A_18, %dma_start3A_82] : memref<10000x48xf32, #tpu.memory_space<vmem_shared>> -> memref<80x48xf32, #tpu.memory_space<vmem_shared>>
      %dma_start3A_84 = arith.constant 0 : i32
      %dma_start3A_85 = tpu.memref_slice %arg6[%add3A_18, %dma_start3A_84] : memref<10000x48xf32, #tpu.memory_space<vmem_shared>> -> memref<80x48xf32, #tpu.memory_space<vmem_shared>>
      tpu.enqueue_dma source(%arg9 : memref<80x48xf32, #tpu.memory_space<vmem>>) target(%dma_start3A_85 : memref<80x48xf32, #tpu.memory_space<vmem_shared>>) target_semaphore(%run_scoped3A : memref<!tpu.dma_semaphore, #tpu.memory_space<semaphore_mem>>)
      %dma_wait3A = arith.constant 0 : i32
      %dma_wait3A_86 = tpu.memref_slice %arg6[%add3A_18, %dma_wait3A] : memref<10000x48xf32, #tpu.memory_space<vmem_shared>> -> memref<80x48xf32, #tpu.memory_space<vmem_shared>>
      %dma_wait3A_87 = arith.constant 0 : i32
      %dma_wait3A_88 = tpu.memref_slice %arg6[%add3A_18, %dma_wait3A_87] : memref<10000x48xf32, #tpu.memory_space<vmem_shared>> -> memref<80x48xf32, #tpu.memory_space<vmem_shared>>
      tpu.wait_dma2 semaphore(%run_scoped3A : memref<!tpu.dma_semaphore, #tpu.memory_space<semaphore_mem>>) src(%arg9 : memref<80x48xf32, #tpu.memory_space<vmem>>) dst(%dma_wait3A_88 : memref<80x48xf32, #tpu.memory_space<vmem_shared>>)
      tpu.yield
    }) : () -> ()
    %mul3A_19 = arith.constant 625 : i32
    %mul3A_20 = arith.muli %arg1, %mul3A_19 : i32
    %add3A_21 = arith.constant 240 : i32
    %add3A_22 = arith.addi %mul3A_20, %add3A_21 : i32
    "tpu.region"() ({
      %run_scoped3A = tpu.sem_alloc : memref<!tpu.dma_semaphore, #tpu.memory_space<semaphore_mem>>
      %dma_start3A_82 = arith.constant 0 : i32
      %dma_start3A_83 = tpu.memref_slice %arg6[%add3A_22, %dma_start3A_82] : memref<10000x48xf32, #tpu.memory_space<vmem_shared>> -> memref<80x48xf32, #tpu.memory_space<vmem_shared>>
      %dma_start3A_84 = arith.constant 0 : i32
      %dma_start3A_85 = tpu.memref_slice %arg6[%add3A_22, %dma_start3A_84] : memref<10000x48xf32, #tpu.memory_space<vmem_shared>> -> memref<80x48xf32, #tpu.memory_space<vmem_shared>>
      tpu.enqueue_dma source(%arg9 : memref<80x48xf32, #tpu.memory_space<vmem>>) target(%dma_start3A_85 : memref<80x48xf32, #tpu.memory_space<vmem_shared>>) target_semaphore(%run_scoped3A : memref<!tpu.dma_semaphore, #tpu.memory_space<semaphore_mem>>)
      %dma_wait3A = arith.constant 0 : i32
      %dma_wait3A_86 = tpu.memref_slice %arg6[%add3A_22, %dma_wait3A] : memref<10000x48xf32, #tpu.memory_space<vmem_shared>> -> memref<80x48xf32, #tpu.memory_space<vmem_shared>>
      %dma_wait3A_87 = arith.constant 0 : i32
      %dma_wait3A_88 = tpu.memref_slice %arg6[%add3A_22, %dma_wait3A_87] : memref<10000x48xf32, #tpu.memory_space<vmem_shared>> -> memref<80x48xf32, #tpu.memory_space<vmem_shared>>
      tpu.wait_dma2 semaphore(%run_scoped3A : memref<!tpu.dma_semaphore, #tpu.memory_space<semaphore_mem>>) src(%arg9 : memref<80x48xf32, #tpu.memory_space<vmem>>) dst(%dma_wait3A_88 : memref<80x48xf32, #tpu.memory_space<vmem_shared>>)
      tpu.yield
    }) : () -> ()
    %mul3A_23 = arith.constant 625 : i32
    %mul3A_24 = arith.muli %arg1, %mul3A_23 : i32
    %add3A_25 = arith.constant 320 : i32
    %add3A_26 = arith.addi %mul3A_24, %add3A_25 : i32
    "tpu.region"() ({
      %run_scoped3A = tpu.sem_alloc : memref<!tpu.dma_semaphore, #tpu.memory_space<semaphore_mem>>
      %dma_start3A_82 = arith.constant 0 : i32
      %dma_start3A_83 = tpu.memref_slice %arg6[%add3A_26, %dma_start3A_82] : memref<10000x48xf32, #tpu.memory_space<vmem_shared>> -> memref<80x48xf32, #tpu.memory_space<vmem_shared>>
      %dma_start3A_84 = arith.constant 0 : i32
      %dma_start3A_85 = tpu.memref_slice %arg6[%add3A_26, %dma_start3A_84] : memref<10000x48xf32, #tpu.memory_space<vmem_shared>> -> memref<80x48xf32, #tpu.memory_space<vmem_shared>>
      tpu.enqueue_dma source(%arg9 : memref<80x48xf32, #tpu.memory_space<vmem>>) target(%dma_start3A_85 : memref<80x48xf32, #tpu.memory_space<vmem_shared>>) target_semaphore(%run_scoped3A : memref<!tpu.dma_semaphore, #tpu.memory_space<semaphore_mem>>)
      %dma_wait3A = arith.constant 0 : i32
      %dma_wait3A_86 = tpu.memref_slice %arg6[%add3A_26, %dma_wait3A] : memref<10000x48xf32, #tpu.memory_space<vmem_shared>> -> memref<80x48xf32, #tpu.memory_space<vmem_shared>>
      %dma_wait3A_87 = arith.constant 0 : i32
      %dma_wait3A_88 = tpu.memref_slice %arg6[%add3A_26, %dma_wait3A_87] : memref<10000x48xf32, #tpu.memory_space<vmem_shared>> -> memref<80x48xf32, #tpu.memory_space<vmem_shared>>
      tpu.wait_dma2 semaphore(%run_scoped3A : memref<!tpu.dma_semaphore, #tpu.memory_space<semaphore_mem>>) src(%arg9 : memref<80x48xf32, #tpu.memory_space<vmem>>) dst(%dma_wait3A_88 : memref<80x48xf32, #tpu.memory_space<vmem_shared>>)
      tpu.yield
    }) : () -> ()
    %mul3A_27 = arith.constant 625 : i32
    %mul3A_28 = arith.muli %arg1, %mul3A_27 : i32
    %add3A_29 = arith.constant 400 : i32
    %add3A_30 = arith.addi %mul3A_28, %add3A_29 : i32
    "tpu.region"() ({
      %run_scoped3A = tpu.sem_alloc : memref<!tpu.dma_semaphore, #tpu.memory_space<semaphore_mem>>
      %dma_start3A_82 = arith.constant 0 : i32
      %dma_start3A_83 = tpu.memref_slice %arg6[%add3A_30, %dma_start3A_82] : memref<10000x48xf32, #tpu.memory_space<vmem_shared>> -> memref<80x48xf32, #tpu.memory_space<vmem_shared>>
      %dma_start3A_84 = arith.constant 0 : i32
      %dma_start3A_85 = tpu.memref_slice %arg6[%add3A_30, %dma_start3A_84] : memref<10000x48xf32, #tpu.memory_space<vmem_shared>> -> memref<80x48xf32, #tpu.memory_space<vmem_shared>>
      tpu.enqueue_dma source(%arg9 : memref<80x48xf32, #tpu.memory_space<vmem>>) target(%dma_start3A_85 : memref<80x48xf32, #tpu.memory_space<vmem_shared>>) target_semaphore(%run_scoped3A : memref<!tpu.dma_semaphore, #tpu.memory_space<semaphore_mem>>)
      %dma_wait3A = arith.constant 0 : i32
      %dma_wait3A_86 = tpu.memref_slice %arg6[%add3A_30, %dma_wait3A] : memref<10000x48xf32, #tpu.memory_space<vmem_shared>> -> memref<80x48xf32, #tpu.memory_space<vmem_shared>>
      %dma_wait3A_87 = arith.constant 0 : i32
      %dma_wait3A_88 = tpu.memref_slice %arg6[%add3A_30, %dma_wait3A_87] : memref<10000x48xf32, #tpu.memory_space<vmem_shared>> -> memref<80x48xf32, #tpu.memory_space<vmem_shared>>
      tpu.wait_dma2 semaphore(%run_scoped3A : memref<!tpu.dma_semaphore, #tpu.memory_space<semaphore_mem>>) src(%arg9 : memref<80x48xf32, #tpu.memory_space<vmem>>) dst(%dma_wait3A_88 : memref<80x48xf32, #tpu.memory_space<vmem_shared>>)
      tpu.yield
    }) : () -> ()
    %mul3A_31 = arith.constant 625 : i32
    %mul3A_32 = arith.muli %arg1, %mul3A_31 : i32
    %add3A_33 = arith.constant 480 : i32
    %add3A_34 = arith.addi %mul3A_32, %add3A_33 : i32
    "tpu.region"() ({
      %run_scoped3A = tpu.sem_alloc : memref<!tpu.dma_semaphore, #tpu.memory_space<semaphore_mem>>
      %dma_start3A_82 = arith.constant 0 : i32
      %dma_start3A_83 = tpu.memref_slice %arg6[%add3A_34, %dma_start3A_82] : memref<10000x48xf32, #tpu.memory_space<vmem_shared>> -> memref<80x48xf32, #tpu.memory_space<vmem_shared>>
      %dma_start3A_84 = arith.constant 0 : i32
      %dma_start3A_85 = tpu.memref_slice %arg6[%add3A_34, %dma_start3A_84] : memref<10000x48xf32, #tpu.memory_space<vmem_shared>> -> memref<80x48xf32, #tpu.memory_space<vmem_shared>>
      tpu.enqueue_dma source(%arg9 : memref<80x48xf32, #tpu.memory_space<vmem>>) target(%dma_start3A_85 : memref<80x48xf32, #tpu.memory_space<vmem_shared>>) target_semaphore(%run_scoped3A : memref<!tpu.dma_semaphore, #tpu.memory_space<semaphore_mem>>)
      %dma_wait3A = arith.constant 0 : i32
      %dma_wait3A_86 = tpu.memref_slice %arg6[%add3A_34, %dma_wait3A] : memref<10000x48xf32, #tpu.memory_space<vmem_shared>> -> memref<80x48xf32, #tpu.memory_space<vmem_shared>>
      %dma_wait3A_87 = arith.constant 0 : i32
      %dma_wait3A_88 = tpu.memref_slice %arg6[%add3A_34, %dma_wait3A_87] : memref<10000x48xf32, #tpu.memory_space<vmem_shared>> -> memref<80x48xf32, #tpu.memory_space<vmem_shared>>
      tpu.wait_dma2 semaphore(%run_scoped3A : memref<!tpu.dma_semaphore, #tpu.memory_space<semaphore_mem>>) src(%arg9 : memref<80x48xf32, #tpu.memory_space<vmem>>) dst(%dma_wait3A_88 : memref<80x48xf32, #tpu.memory_space<vmem_shared>>)
      tpu.yield
    }) : () -> ()
    %mul3A_35 = arith.constant 625 : i32
    %mul3A_36 = arith.muli %arg1, %mul3A_35 : i32
    %add3A_37 = arith.constant 560 : i32
    %add3A_38 = arith.addi %mul3A_36, %add3A_37 : i32
    "tpu.region"() ({
      %run_scoped3A = tpu.sem_alloc : memref<!tpu.dma_semaphore, #tpu.memory_space<semaphore_mem>>
      %dma_start3A_82 = arith.constant 0 : i32
      %dma_start3A_83 = arith.constant 0 : i32
      %dma_start3A_84 = tpu.memref_slice %arg9[%dma_start3A_82, %dma_start3A_83] : memref<80x48xf32, #tpu.memory_space<vmem>> -> memref<65x48xf32, #tpu.memory_space<vmem>>
      %dma_start3A_85 = arith.constant 0 : i32
      %dma_start3A_86 = tpu.memref_slice %arg6[%add3A_38, %dma_start3A_85] : memref<10000x48xf32, #tpu.memory_space<vmem_shared>> -> memref<65x48xf32, #tpu.memory_space<vmem_shared>>
      %dma_start3A_87 = arith.constant 0 : i32
      %dma_start3A_88 = tpu.memref_slice %arg6[%add3A_38, %dma_start3A_87] : memref<10000x48xf32, #tpu.memory_space<vmem_shared>> -> memref<65x48xf32, #tpu.memory_space<vmem_shared>>
      %dma_start3A_89 = arith.constant 0 : i32
      %dma_start3A_90 = arith.constant 0 : i32
      %dma_start3A_91 = tpu.memref_slice %arg9[%dma_start3A_89, %dma_start3A_90] : memref<80x48xf32, #tpu.memory_space<vmem>> -> memref<65x48xf32, #tpu.memory_space<vmem>>
      tpu.enqueue_dma source(%dma_start3A_91 : memref<65x48xf32, #tpu.memory_space<vmem>>) target(%dma_start3A_88 : memref<65x48xf32, #tpu.memory_space<vmem_shared>>) target_semaphore(%run_scoped3A : memref<!tpu.dma_semaphore, #tpu.memory_space<semaphore_mem>>)
      %dma_wait3A = arith.constant 0 : i32
      %dma_wait3A_92 = arith.constant 0 : i32
      %dma_wait3A_93 = tpu.memref_slice %arg9[%dma_wait3A, %dma_wait3A_92] : memref<80x48xf32, #tpu.memory_space<vmem>> -> memref<65x48xf32, #tpu.memory_space<vmem>>
      %dma_wait3A_94 = arith.constant 0 : i32
      %dma_wait3A_95 = tpu.memref_slice %arg6[%add3A_38, %dma_wait3A_94] : memref<10000x48xf32, #tpu.memory_space<vmem_shared>> -> memref<65x48xf32, #tpu.memory_space<vmem_shared>>
      %dma_wait3A_96 = arith.constant 0 : i32
      %dma_wait3A_97 = tpu.memref_slice %arg6[%add3A_38, %dma_wait3A_96] : memref<10000x48xf32, #tpu.memory_space<vmem_shared>> -> memref<65x48xf32, #tpu.memory_space<vmem_shared>>
      %dma_wait3A_98 = arith.constant 0 : i32
      %dma_wait3A_99 = arith.constant 0 : i32
      %dma_wait3A_100 = tpu.memref_slice %arg9[%dma_wait3A_98, %dma_wait3A_99] : memref<80x48xf32, #tpu.memory_space<vmem>> -> memref<65x48xf32, #tpu.memory_space<vmem>>
      tpu.wait_dma2 semaphore(%run_scoped3A : memref<!tpu.dma_semaphore, #tpu.memory_space<semaphore_mem>>) src(%dma_wait3A_100 : memref<65x48xf32, #tpu.memory_space<vmem>>) dst(%dma_wait3A_97 : memref<65x48xf32, #tpu.memory_space<vmem_shared>>)
      tpu.yield
    }) : () -> ()
    %barrier3A = arith.constant 0 : index
    tpu.barrier barrier_id(%barrier3A)
    %dma_start3A = arith.constant 0 : i32
    %dma_start3A_39 = arith.constant 0 : i32
    %dma_start3A_40 = tpu.memref_slice %arg7[%dma_start3A, %dma_start3A_39] : memref<125x80xi32, #tpu.memory_space<vmem>> -> memref<1x80xi32, #tpu.memory_space<vmem>>
    %dma_start3A_41 = tpu.memref_squeeze %dma_start3A_40 : memref<1x80xi32, #tpu.memory_space<vmem>> -> memref<80xi32, #tpu.memory_space<vmem>>
    %dma_start3A_42 = arith.constant 0 : i32
    %dma_start3A_43 = arith.constant 0 : i32
    %dma_start3A_44 = tpu.memref_slice %arg2[%dma_start3A_42, %dma_start3A_43] : memref<10000x48xf32, #tpu.memory_space<hbm>> -> memref<10000x48xf32, #tpu.memory_space<hbm>>
    tpu.enqueue_indirect_dma source(%dma_start3A_44 : memref<10000x48xf32, #tpu.memory_space<hbm>>) target(%arg9 : memref<80x48xf32, #tpu.memory_space<vmem>>) offsets(%dma_start3A_41 : memref<80xi32, #tpu.memory_space<vmem>>) semaphore(%arg14 : memref<!tpu.dma_semaphore, #tpu.memory_space<semaphore_mem>>)
    %dma_start3A_45 = arith.constant 1 : i32
    %dma_start3A_46 = arith.constant 0 : i32
    %dma_start3A_47 = tpu.memref_slice %arg7[%dma_start3A_45, %dma_start3A_46] : memref<125x80xi32, #tpu.memory_space<vmem>> -> memref<1x80xi32, #tpu.memory_space<vmem>>
    %dma_start3A_48 = tpu.memref_squeeze %dma_start3A_47 : memref<1x80xi32, #tpu.memory_space<vmem>> -> memref<80xi32, #tpu.memory_space<vmem>>
    %dma_start3A_49 = arith.constant 0 : i32
    %dma_start3A_50 = arith.constant 0 : i32
    %dma_start3A_51 = tpu.memref_slice %arg2[%dma_start3A_49, %dma_start3A_50] : memref<10000x48xf32, #tpu.memory_space<hbm>> -> memref<10000x48xf32, #tpu.memory_space<hbm>>
    tpu.enqueue_indirect_dma source(%dma_start3A_51 : memref<10000x48xf32, #tpu.memory_space<hbm>>) target(%arg10 : memref<80x48xf32, #tpu.memory_space<vmem>>) offsets(%dma_start3A_48 : memref<80xi32, #tpu.memory_space<vmem>>) semaphore(%arg15 : memref<!tpu.dma_semaphore, #tpu.memory_space<semaphore_mem>>)
    %dma_start3A_52 = arith.constant 2 : i32
    %dma_start3A_53 = arith.constant 0 : i32
    %dma_start3A_54 = tpu.memref_slice %arg7[%dma_start3A_52, %dma_start3A_53] : memref<125x80xi32, #tpu.memory_space<vmem>> -> memref<1x80xi32, #tpu.memory_space<vmem>>
    %dma_start3A_55 = tpu.memref_squeeze %dma_start3A_54 : memref<1x80xi32, #tpu.memory_space<vmem>> -> memref<80xi32, #tpu.memory_space<vmem>>
    %dma_start3A_56 = arith.constant 0 : i32
    %dma_start3A_57 = arith.constant 0 : i32
    %dma_start3A_58 = tpu.memref_slice %arg2[%dma_start3A_56, %dma_start3A_57] : memref<10000x48xf32, #tpu.memory_space<hbm>> -> memref<10000x48xf32, #tpu.memory_space<hbm>>
    tpu.enqueue_indirect_dma source(%dma_start3A_58 : memref<10000x48xf32, #tpu.memory_space<hbm>>) target(%arg11 : memref<80x48xf32, #tpu.memory_space<vmem>>) offsets(%dma_start3A_55 : memref<80xi32, #tpu.memory_space<vmem>>) semaphore(%arg16 : memref<!tpu.dma_semaphore, #tpu.memory_space<semaphore_mem>>)
    %dma_start3A_59 = arith.constant 3 : i32
    %dma_start3A_60 = arith.constant 0 : i32
    %dma_start3A_61 = tpu.memref_slice %arg7[%dma_start3A_59, %dma_start3A_60] : memref<125x80xi32, #tpu.memory_space<vmem>> -> memref<1x80xi32, #tpu.memory_space<vmem>>
    %dma_start3A_62 = tpu.memref_squeeze %dma_start3A_61 : memref<1x80xi32, #tpu.memory_space<vmem>> -> memref<80xi32, #tpu.memory_space<vmem>>
    %dma_start3A_63 = arith.constant 0 : i32
    %dma_start3A_64 = arith.constant 0 : i32
    %dma_start3A_65 = tpu.memref_slice %arg2[%dma_start3A_63, %dma_start3A_64] : memref<10000x48xf32, #tpu.memory_space<hbm>> -> memref<10000x48xf32, #tpu.memory_space<hbm>>
    tpu.enqueue_indirect_dma source(%dma_start3A_65 : memref<10000x48xf32, #tpu.memory_space<hbm>>) target(%arg12 : memref<80x48xf32, #tpu.memory_space<vmem>>) offsets(%dma_start3A_62 : memref<80xi32, #tpu.memory_space<vmem>>) semaphore(%arg17 : memref<!tpu.dma_semaphore, #tpu.memory_space<semaphore_mem>>)
    %dma_start3A_66 = arith.constant 4 : i32
    %dma_start3A_67 = arith.constant 0 : i32
    %dma_start3A_68 = tpu.memref_slice %arg7[%dma_start3A_66, %dma_start3A_67] : memref<125x80xi32, #tpu.memory_space<vmem>> -> memref<1x80xi32, #tpu.memory_space<vmem>>
    %dma_start3A_69 = tpu.memref_squeeze %dma_start3A_68 : memref<1x80xi32, #tpu.memory_space<vmem>> -> memref<80xi32, #tpu.memory_space<vmem>>
    %dma_start3A_70 = arith.constant 0 : i32
    %dma_start3A_71 = arith.constant 0 : i32
    %dma_start3A_72 = tpu.memref_slice %arg2[%dma_start3A_70, %dma_start3A_71] : memref<10000x48xf32, #tpu.memory_space<hbm>> -> memref<10000x48xf32, #tpu.memory_space<hbm>>
    tpu.enqueue_indirect_dma source(%dma_start3A_72 : memref<10000x48xf32, #tpu.memory_space<hbm>>) target(%arg13 : memref<80x48xf32, #tpu.memory_space<vmem>>) offsets(%dma_start3A_69 : memref<80xi32, #tpu.memory_space<vmem>>) semaphore(%arg18 : memref<!tpu.dma_semaphore, #tpu.memory_space<semaphore_mem>>)
    %scan3A_73 = arith.constant 0 : i32
    %scan3A_74 = arith.constant 0 : i32
    %scan3A_75 = arith.constant 25 : i32
    %scan3A_76 = arith.addi %scan3A_74, %scan3A_75 : i32
    %scan3A_77 = arith.constant 1 : i32
    scf.for %scan3A_82 = %scan3A_74 to %scan3A_76 step %scan3A_77  : i32 {
      %mul3A_83 = arith.constant 5 : i32
      %mul3A_84 = arith.muli %mul3A_83, %scan3A_82 : i32
      %add3A_85 = arith.constant 0 : i32
      %add3A_86 = arith.addi %mul3A_84, %add3A_85 : i32
      %dma_wait3A = arith.constant 0 : i32
      %dma_wait3A_87 = tpu.memref_slice %arg7[%add3A_86, %dma_wait3A] : memref<125x80xi32, #tpu.memory_space<vmem>> -> memref<1x80xi32, #tpu.memory_space<vmem>>
      %dma_wait3A_88 = tpu.memref_squeeze %dma_wait3A_87 : memref<1x80xi32, #tpu.memory_space<vmem>> -> memref<80xi32, #tpu.memory_space<vmem>>
      %dma_wait3A_89 = arith.constant 0 : i32
      %dma_wait3A_90 = arith.constant 0 : i32
      %dma_wait3A_91 = tpu.memref_slice %arg2[%dma_wait3A_89, %dma_wait3A_90] : memref<10000x48xf32, #tpu.memory_space<hbm>> -> memref<10000x48xf32, #tpu.memory_space<hbm>>
      tpu.wait_indirect_dma semaphore(%arg14 : memref<!tpu.dma_semaphore, #tpu.memory_space<semaphore_mem>>) src(%dma_wait3A_91 : memref<10000x48xf32, #tpu.memory_space<hbm>>) dst(%arg9 : memref<80x48xf32, #tpu.memory_space<vmem>>)
      %add3A_92 = arith.constant 0 : i32
      %add3A_93 = arith.addi %mul3A_84, %add3A_92 : i32
      %dma_start3A_94 = arith.constant 0 : i32
      %dma_start3A_95 = tpu.memref_slice %arg8[%add3A_93, %dma_start3A_94] : memref<125x80xi32, #tpu.memory_space<vmem>> -> memref<1x80xi32, #tpu.memory_space<vmem>>
      %dma_start3A_96 = tpu.memref_squeeze %dma_start3A_95 : memref<1x80xi32, #tpu.memory_space<vmem>> -> memref<80xi32, #tpu.memory_space<vmem>>
      %dma_start3A_97 = arith.constant 0 : i32
      %dma_start3A_98 = arith.constant 0 : i32
      %dma_start3A_99 = tpu.memref_slice %arg6[%dma_start3A_97, %dma_start3A_98] : memref<10000x48xf32, #tpu.memory_space<vmem_shared>> -> memref<10000x48xf32, #tpu.memory_space<vmem_shared>>
      tpu.enqueue_indirect_dma source(%arg9 : memref<80x48xf32, #tpu.memory_space<vmem>>) target(%dma_start3A_99 : memref<10000x48xf32, #tpu.memory_space<vmem_shared>>) offsets(%dma_start3A_96 : memref<80xi32, #tpu.memory_space<vmem>>) semaphore(%arg19 : memref<!tpu.dma_semaphore, #tpu.memory_space<semaphore_mem>>) {add = true}
      %add3A_100 = arith.constant 1 : i32
      %add3A_101 = arith.addi %mul3A_84, %add3A_100 : i32
      %dma_wait3A_102 = arith.constant 0 : i32
      %dma_wait3A_103 = tpu.memref_slice %arg7[%add3A_101, %dma_wait3A_102] : memref<125x80xi32, #tpu.memory_space<vmem>> -> memref<1x80xi32, #tpu.memory_space<vmem>>
      %dma_wait3A_104 = tpu.memref_squeeze %dma_wait3A_103 : memref<1x80xi32, #tpu.memory_space<vmem>> -> memref<80xi32, #tpu.memory_space<vmem>>
      %dma_wait3A_105 = arith.constant 0 : i32
      %dma_wait3A_106 = arith.constant 0 : i32
      %dma_wait3A_107 = tpu.memref_slice %arg2[%dma_wait3A_105, %dma_wait3A_106] : memref<10000x48xf32, #tpu.memory_space<hbm>> -> memref<10000x48xf32, #tpu.memory_space<hbm>>
      tpu.wait_indirect_dma semaphore(%arg15 : memref<!tpu.dma_semaphore, #tpu.memory_space<semaphore_mem>>) src(%dma_wait3A_107 : memref<10000x48xf32, #tpu.memory_space<hbm>>) dst(%arg10 : memref<80x48xf32, #tpu.memory_space<vmem>>)
      %add3A_108 = arith.constant 1 : i32
      %add3A_109 = arith.addi %mul3A_84, %add3A_108 : i32
      %dma_start3A_110 = arith.constant 0 : i32
      %dma_start3A_111 = tpu.memref_slice %arg8[%add3A_109, %dma_start3A_110] : memref<125x80xi32, #tpu.memory_space<vmem>> -> memref<1x80xi32, #tpu.memory_space<vmem>>
      %dma_start3A_112 = tpu.memref_squeeze %dma_start3A_111 : memref<1x80xi32, #tpu.memory_space<vmem>> -> memref<80xi32, #tpu.memory_space<vmem>>
      %dma_start3A_113 = arith.constant 0 : i32
      %dma_start3A_114 = arith.constant 0 : i32
      %dma_start3A_115 = tpu.memref_slice %arg6[%dma_start3A_113, %dma_start3A_114] : memref<10000x48xf32, #tpu.memory_space<vmem_shared>> -> memref<10000x48xf32, #tpu.memory_space<vmem_shared>>
      tpu.enqueue_indirect_dma source(%arg10 : memref<80x48xf32, #tpu.memory_space<vmem>>) target(%dma_start3A_115 : memref<10000x48xf32, #tpu.memory_space<vmem_shared>>) offsets(%dma_start3A_112 : memref<80xi32, #tpu.memory_space<vmem>>) semaphore(%arg20 : memref<!tpu.dma_semaphore, #tpu.memory_space<semaphore_mem>>) {add = true}
      %add3A_116 = arith.constant 2 : i32
      %add3A_117 = arith.addi %mul3A_84, %add3A_116 : i32
      %dma_wait3A_118 = arith.constant 0 : i32
      %dma_wait3A_119 = tpu.memref_slice %arg7[%add3A_117, %dma_wait3A_118] : memref<125x80xi32, #tpu.memory_space<vmem>> -> memref<1x80xi32, #tpu.memory_space<vmem>>
      %dma_wait3A_120 = tpu.memref_squeeze %dma_wait3A_119 : memref<1x80xi32, #tpu.memory_space<vmem>> -> memref<80xi32, #tpu.memory_space<vmem>>
      %dma_wait3A_121 = arith.constant 0 : i32
      %dma_wait3A_122 = arith.constant 0 : i32
      %dma_wait3A_123 = tpu.memref_slice %arg2[%dma_wait3A_121, %dma_wait3A_122] : memref<10000x48xf32, #tpu.memory_space<hbm>> -> memref<10000x48xf32, #tpu.memory_space<hbm>>
      tpu.wait_indirect_dma semaphore(%arg16 : memref<!tpu.dma_semaphore, #tpu.memory_space<semaphore_mem>>) src(%dma_wait3A_123 : memref<10000x48xf32, #tpu.memory_space<hbm>>) dst(%arg11 : memref<80x48xf32, #tpu.memory_space<vmem>>)
      %add3A_124 = arith.constant 2 : i32
      %add3A_125 = arith.addi %mul3A_84, %add3A_124 : i32
      %dma_start3A_126 = arith.constant 0 : i32
      %dma_start3A_127 = tpu.memref_slice %arg8[%add3A_125, %dma_start3A_126] : memref<125x80xi32, #tpu.memory_space<vmem>> -> memref<1x80xi32, #tpu.memory_space<vmem>>
      %dma_start3A_128 = tpu.memref_squeeze %dma_start3A_127 : memref<1x80xi32, #tpu.memory_space<vmem>> -> memref<80xi32, #tpu.memory_space<vmem>>
      %dma_start3A_129 = arith.constant 0 : i32
      %dma_start3A_130 = arith.constant 0 : i32
      %dma_start3A_131 = tpu.memref_slice %arg6[%dma_start3A_129, %dma_start3A_130] : memref<10000x48xf32, #tpu.memory_space<vmem_shared>> -> memref<10000x48xf32, #tpu.memory_space<vmem_shared>>
      tpu.enqueue_indirect_dma source(%arg11 : memref<80x48xf32, #tpu.memory_space<vmem>>) target(%dma_start3A_131 : memref<10000x48xf32, #tpu.memory_space<vmem_shared>>) offsets(%dma_start3A_128 : memref<80xi32, #tpu.memory_space<vmem>>) semaphore(%arg21 : memref<!tpu.dma_semaphore, #tpu.memory_space<semaphore_mem>>) {add = true}
      %add3A_132 = arith.constant 3 : i32
      %add3A_133 = arith.addi %mul3A_84, %add3A_132 : i32
      %dma_wait3A_134 = arith.constant 0 : i32
      %dma_wait3A_135 = tpu.memref_slice %arg7[%add3A_133, %dma_wait3A_134] : memref<125x80xi32, #tpu.memory_space<vmem>> -> memref<1x80xi32, #tpu.memory_space<vmem>>
      %dma_wait3A_136 = tpu.memref_squeeze %dma_wait3A_135 : memref<1x80xi32, #tpu.memory_space<vmem>> -> memref<80xi32, #tpu.memory_space<vmem>>
      %dma_wait3A_137 = arith.constant 0 : i32
      %dma_wait3A_138 = arith.constant 0 : i32
      %dma_wait3A_139 = tpu.memref_slice %arg2[%dma_wait3A_137, %dma_wait3A_138] : memref<10000x48xf32, #tpu.memory_space<hbm>> -> memref<10000x48xf32, #tpu.memory_space<hbm>>
      tpu.wait_indirect_dma semaphore(%arg17 : memref<!tpu.dma_semaphore, #tpu.memory_space<semaphore_mem>>) src(%dma_wait3A_139 : memref<10000x48xf32, #tpu.memory_space<hbm>>) dst(%arg12 : memref<80x48xf32, #tpu.memory_space<vmem>>)
      %add3A_140 = arith.constant 3 : i32
      %add3A_141 = arith.addi %mul3A_84, %add3A_140 : i32
      %dma_start3A_142 = arith.constant 0 : i32
      %dma_start3A_143 = tpu.memref_slice %arg8[%add3A_141, %dma_start3A_142] : memref<125x80xi32, #tpu.memory_space<vmem>> -> memref<1x80xi32, #tpu.memory_space<vmem>>
      %dma_start3A_144 = tpu.memref_squeeze %dma_start3A_143 : memref<1x80xi32, #tpu.memory_space<vmem>> -> memref<80xi32, #tpu.memory_space<vmem>>
      %dma_start3A_145 = arith.constant 0 : i32
      %dma_start3A_146 = arith.constant 0 : i32
      %dma_start3A_147 = tpu.memref_slice %arg6[%dma_start3A_145, %dma_start3A_146] : memref<10000x48xf32, #tpu.memory_space<vmem_shared>> -> memref<10000x48xf32, #tpu.memory_space<vmem_shared>>
      tpu.enqueue_indirect_dma source(%arg12 : memref<80x48xf32, #tpu.memory_space<vmem>>) target(%dma_start3A_147 : memref<10000x48xf32, #tpu.memory_space<vmem_shared>>) offsets(%dma_start3A_144 : memref<80xi32, #tpu.memory_space<vmem>>) semaphore(%arg22 : memref<!tpu.dma_semaphore, #tpu.memory_space<semaphore_mem>>) {add = true}
      %add3A_148 = arith.constant 4 : i32
      %add3A_149 = arith.addi %mul3A_84, %add3A_148 : i32
      %dma_wait3A_150 = arith.constant 0 : i32
      %dma_wait3A_151 = tpu.memref_slice %arg7[%add3A_149, %dma_wait3A_150] : memref<125x80xi32, #tpu.memory_space<vmem>> -> memref<1x80xi32, #tpu.memory_space<vmem>>
      %dma_wait3A_152 = tpu.memref_squeeze %dma_wait3A_151 : memref<1x80xi32, #tpu.memory_space<vmem>> -> memref<80xi32, #tpu.memory_space<vmem>>
      %dma_wait3A_153 = arith.constant 0 : i32
      %dma_wait3A_154 = arith.constant 0 : i32
      %dma_wait3A_155 = tpu.memref_slice %arg2[%dma_wait3A_153, %dma_wait3A_154] : memref<10000x48xf32, #tpu.memory_space<hbm>> -> memref<10000x48xf32, #tpu.memory_space<hbm>>
      tpu.wait_indirect_dma semaphore(%arg18 : memref<!tpu.dma_semaphore, #tpu.memory_space<semaphore_mem>>) src(%dma_wait3A_155 : memref<10000x48xf32, #tpu.memory_space<hbm>>) dst(%arg13 : memref<80x48xf32, #tpu.memory_space<vmem>>)
      %add3A_156 = arith.constant 4 : i32
      %add3A_157 = arith.addi %mul3A_84, %add3A_156 : i32
      %dma_start3A_158 = arith.constant 0 : i32
      %dma_start3A_159 = tpu.memref_slice %arg8[%add3A_157, %dma_start3A_158] : memref<125x80xi32, #tpu.memory_space<vmem>> -> memref<1x80xi32, #tpu.memory_space<vmem>>
      %dma_start3A_160 = tpu.memref_squeeze %dma_start3A_159 : memref<1x80xi32, #tpu.memory_space<vmem>> -> memref<80xi32, #tpu.memory_space<vmem>>
      %dma_start3A_161 = arith.constant 0 : i32
      %dma_start3A_162 = arith.constant 0 : i32
      %dma_start3A_163 = tpu.memref_slice %arg6[%dma_start3A_161, %dma_start3A_162] : memref<10000x48xf32, #tpu.memory_space<vmem_shared>> -> memref<10000x48xf32, #tpu.memory_space<vmem_shared>>
      tpu.enqueue_indirect_dma source(%arg13 : memref<80x48xf32, #tpu.memory_space<vmem>>) target(%dma_start3A_163 : memref<10000x48xf32, #tpu.memory_space<vmem_shared>>) offsets(%dma_start3A_160 : memref<80xi32, #tpu.memory_space<vmem>>) semaphore(%arg23 : memref<!tpu.dma_semaphore, #tpu.memory_space<semaphore_mem>>) {add = true}
      %add3A_164 = arith.constant 0 : i32
      %add3A_165 = arith.addi %mul3A_84, %add3A_164 : i32
      %dma_wait3A_166 = arith.constant 0 : i32
      %dma_wait3A_167 = tpu.memref_slice %arg8[%add3A_165, %dma_wait3A_166] : memref<125x80xi32, #tpu.memory_space<vmem>> -> memref<1x80xi32, #tpu.memory_space<vmem>>
      %dma_wait3A_168 = tpu.memref_squeeze %dma_wait3A_167 : memref<1x80xi32, #tpu.memory_space<vmem>> -> memref<80xi32, #tpu.memory_space<vmem>>
      %dma_wait3A_169 = arith.constant 0 : i32
      %dma_wait3A_170 = arith.constant 0 : i32
      %dma_wait3A_171 = tpu.memref_slice %arg6[%dma_wait3A_169, %dma_wait3A_170] : memref<10000x48xf32, #tpu.memory_space<vmem_shared>> -> memref<10000x48xf32, #tpu.memory_space<vmem_shared>>
      tpu.wait_indirect_dma semaphore(%arg19 : memref<!tpu.dma_semaphore, #tpu.memory_space<semaphore_mem>>) src(%arg9 : memref<80x48xf32, #tpu.memory_space<vmem>>) dst(%dma_wait3A_171 : memref<10000x48xf32, #tpu.memory_space<vmem_shared>>)
      %add3A_172 = arith.constant 5 : i32
      %add3A_173 = arith.addi %mul3A_84, %add3A_172 : i32
      %add3A_174 = arith.constant 0 : i32
      %add3A_175 = arith.addi %add3A_173, %add3A_174 : i32
      %lt3A = arith.constant 125 : i32
      %lt3A_176 = arith.cmpi slt, %add3A_175, %lt3A : i32
      %convert_element_type3A = arith.extui %lt3A_176 : i1 to i32
      %cond3A = arith.constant 0 : i32
      %cond3A_177 = arith.cmpi ne, %convert_element_type3A, %cond3A : i32
      scf.if %cond3A_177 {
        %dma_start3A_246 = arith.constant 0 : i32
        %dma_start3A_247 = tpu.memref_slice %arg7[%add3A_175, %dma_start3A_246] : memref<125x80xi32, #tpu.memory_space<vmem>> -> memref<1x80xi32, #tpu.memory_space<vmem>>
        %dma_start3A_248 = tpu.memref_squeeze %dma_start3A_247 : memref<1x80xi32, #tpu.memory_space<vmem>> -> memref<80xi32, #tpu.memory_space<vmem>>
        %dma_start3A_249 = arith.constant 0 : i32
        %dma_start3A_250 = arith.constant 0 : i32
        %dma_start3A_251 = tpu.memref_slice %arg2[%dma_start3A_249, %dma_start3A_250] : memref<10000x48xf32, #tpu.memory_space<hbm>> -> memref<10000x48xf32, #tpu.memory_space<hbm>>
        tpu.enqueue_indirect_dma source(%dma_start3A_251 : memref<10000x48xf32, #tpu.memory_space<hbm>>) target(%arg9 : memref<80x48xf32, #tpu.memory_space<vmem>>) offsets(%dma_start3A_248 : memref<80xi32, #tpu.memory_space<vmem>>) semaphore(%arg14 : memref<!tpu.dma_semaphore, #tpu.memory_space<semaphore_mem>>)
      } else {
      }
      %add3A_178 = arith.constant 1 : i32
      %add3A_179 = arith.addi %mul3A_84, %add3A_178 : i32
      %dma_wait3A_180 = arith.constant 0 : i32
      %dma_wait3A_181 = tpu.memref_slice %arg8[%add3A_179, %dma_wait3A_180] : memref<125x80xi32, #tpu.memory_space<vmem>> -> memref<1x80xi32, #tpu.memory_space<vmem>>
      %dma_wait3A_182 = tpu.memref_squeeze %dma_wait3A_181 : memref<1x80xi32, #tpu.memory_space<vmem>> -> memref<80xi32, #tpu.memory_space<vmem>>
      %dma_wait3A_183 = arith.constant 0 : i32
      %dma_wait3A_184 = arith.constant 0 : i32
      %dma_wait3A_185 = tpu.memref_slice %arg6[%dma_wait3A_183, %dma_wait3A_184] : memref<10000x48xf32, #tpu.memory_space<vmem_shared>> -> memref<10000x48xf32, #tpu.memory_space<vmem_shared>>
      tpu.wait_indirect_dma semaphore(%arg20 : memref<!tpu.dma_semaphore, #tpu.memory_space<semaphore_mem>>) src(%arg10 : memref<80x48xf32, #tpu.memory_space<vmem>>) dst(%dma_wait3A_185 : memref<10000x48xf32, #tpu.memory_space<vmem_shared>>)
      %add3A_186 = arith.constant 5 : i32
      %add3A_187 = arith.addi %mul3A_84, %add3A_186 : i32
      %add3A_188 = arith.constant 1 : i32
      %add3A_189 = arith.addi %add3A_187, %add3A_188 : i32
      %lt3A_190 = arith.constant 125 : i32
      %lt3A_191 = arith.cmpi slt, %add3A_189, %lt3A_190 : i32
      %convert_element_type3A_192 = arith.extui %lt3A_191 : i1 to i32
      %cond3A_193 = arith.constant 0 : i32
      %cond3A_194 = arith.cmpi ne, %convert_element_type3A_192, %cond3A_193 : i32
      scf.if %cond3A_194 {
        %dma_start3A_246 = arith.constant 0 : i32
        %dma_start3A_247 = tpu.memref_slice %arg7[%add3A_189, %dma_start3A_246] : memref<125x80xi32, #tpu.memory_space<vmem>> -> memref<1x80xi32, #tpu.memory_space<vmem>>
        %dma_start3A_248 = tpu.memref_squeeze %dma_start3A_247 : memref<1x80xi32, #tpu.memory_space<vmem>> -> memref<80xi32, #tpu.memory_space<vmem>>
        %dma_start3A_249 = arith.constant 0 : i32
        %dma_start3A_250 = arith.constant 0 : i32
        %dma_start3A_251 = tpu.memref_slice %arg2[%dma_start3A_249, %dma_start3A_250] : memref<10000x48xf32, #tpu.memory_space<hbm>> -> memref<10000x48xf32, #tpu.memory_space<hbm>>
        tpu.enqueue_indirect_dma source(%dma_start3A_251 : memref<10000x48xf32, #tpu.memory_space<hbm>>) target(%arg10 : memref<80x48xf32, #tpu.memory_space<vmem>>) offsets(%dma_start3A_248 : memref<80xi32, #tpu.memory_space<vmem>>) semaphore(%arg15 : memref<!tpu.dma_semaphore, #tpu.memory_space<semaphore_mem>>)
      } else {
      }
      %add3A_195 = arith.constant 2 : i32
      %add3A_196 = arith.addi %mul3A_84, %add3A_195 : i32
      %dma_wait3A_197 = arith.constant 0 : i32
      %dma_wait3A_198 = tpu.memref_slice %arg8[%add3A_196, %dma_wait3A_197] : memref<125x80xi32, #tpu.memory_space<vmem>> -> memref<1x80xi32, #tpu.memory_space<vmem>>
      %dma_wait3A_199 = tpu.memref_squeeze %dma_wait3A_198 : memref<1x80xi32, #tpu.memory_space<vmem>> -> memref<80xi32, #tpu.memory_space<vmem>>
      %dma_wait3A_200 = arith.constant 0 : i32
      %dma_wait3A_201 = arith.constant 0 : i32
      %dma_wait3A_202 = tpu.memref_slice %arg6[%dma_wait3A_200, %dma_wait3A_201] : memref<10000x48xf32, #tpu.memory_space<vmem_shared>> -> memref<10000x48xf32, #tpu.memory_space<vmem_shared>>
      tpu.wait_indirect_dma semaphore(%arg21 : memref<!tpu.dma_semaphore, #tpu.memory_space<semaphore_mem>>) src(%arg11 : memref<80x48xf32, #tpu.memory_space<vmem>>) dst(%dma_wait3A_202 : memref<10000x48xf32, #tpu.memory_space<vmem_shared>>)
      %add3A_203 = arith.constant 5 : i32
      %add3A_204 = arith.addi %mul3A_84, %add3A_203 : i32
      %add3A_205 = arith.constant 2 : i32
      %add3A_206 = arith.addi %add3A_204, %add3A_205 : i32
      %lt3A_207 = arith.constant 125 : i32
      %lt3A_208 = arith.cmpi slt, %add3A_206, %lt3A_207 : i32
      %convert_element_type3A_209 = arith.extui %lt3A_208 : i1 to i32
      %cond3A_210 = arith.constant 0 : i32
      %cond3A_211 = arith.cmpi ne, %convert_element_type3A_209, %cond3A_210 : i32
      scf.if %cond3A_211 {
        %dma_start3A_246 = arith.constant 0 : i32
        %dma_start3A_247 = tpu.memref_slice %arg7[%add3A_206, %dma_start3A_246] : memref<125x80xi32, #tpu.memory_space<vmem>> -> memref<1x80xi32, #tpu.memory_space<vmem>>
        %dma_start3A_248 = tpu.memref_squeeze %dma_start3A_247 : memref<1x80xi32, #tpu.memory_space<vmem>> -> memref<80xi32, #tpu.memory_space<vmem>>
        %dma_start3A_249 = arith.constant 0 : i32
        %dma_start3A_250 = arith.constant 0 : i32
        %dma_start3A_251 = tpu.memref_slice %arg2[%dma_start3A_249, %dma_start3A_250] : memref<10000x48xf32, #tpu.memory_space<hbm>> -> memref<10000x48xf32, #tpu.memory_space<hbm>>
        tpu.enqueue_indirect_dma source(%dma_start3A_251 : memref<10000x48xf32, #tpu.memory_space<hbm>>) target(%arg11 : memref<80x48xf32, #tpu.memory_space<vmem>>) offsets(%dma_start3A_248 : memref<80xi32, #tpu.memory_space<vmem>>) semaphore(%arg16 : memref<!tpu.dma_semaphore, #tpu.memory_space<semaphore_mem>>)
      } else {
      }
      %add3A_212 = arith.constant 3 : i32
      %add3A_213 = arith.addi %mul3A_84, %add3A_212 : i32
      %dma_wait3A_214 = arith.constant 0 : i32
      %dma_wait3A_215 = tpu.memref_slice %arg8[%add3A_213, %dma_wait3A_214] : memref<125x80xi32, #tpu.memory_space<vmem>> -> memref<1x80xi32, #tpu.memory_space<vmem>>
      %dma_wait3A_216 = tpu.memref_squeeze %dma_wait3A_215 : memref<1x80xi32, #tpu.memory_space<vmem>> -> memref<80xi32, #tpu.memory_space<vmem>>
      %dma_wait3A_217 = arith.constant 0 : i32
      %dma_wait3A_218 = arith.constant 0 : i32
      %dma_wait3A_219 = tpu.memref_slice %arg6[%dma_wait3A_217, %dma_wait3A_218] : memref<10000x48xf32, #tpu.memory_space<vmem_shared>> -> memref<10000x48xf32, #tpu.memory_space<vmem_shared>>
      tpu.wait_indirect_dma semaphore(%arg22 : memref<!tpu.dma_semaphore, #tpu.memory_space<semaphore_mem>>) src(%arg12 : memref<80x48xf32, #tpu.memory_space<vmem>>) dst(%dma_wait3A_219 : memref<10000x48xf32, #tpu.memory_space<vmem_shared>>)
      %add3A_220 = arith.constant 5 : i32
      %add3A_221 = arith.addi %mul3A_84, %add3A_220 : i32
      %add3A_222 = arith.constant 3 : i32
      %add3A_223 = arith.addi %add3A_221, %add3A_222 : i32
      %lt3A_224 = arith.constant 125 : i32
      %lt3A_225 = arith.cmpi slt, %add3A_223, %lt3A_224 : i32
      %convert_element_type3A_226 = arith.extui %lt3A_225 : i1 to i32
      %cond3A_227 = arith.constant 0 : i32
      %cond3A_228 = arith.cmpi ne, %convert_element_type3A_226, %cond3A_227 : i32
      scf.if %cond3A_228 {
        %dma_start3A_246 = arith.constant 0 : i32
        %dma_start3A_247 = tpu.memref_slice %arg7[%add3A_223, %dma_start3A_246] : memref<125x80xi32, #tpu.memory_space<vmem>> -> memref<1x80xi32, #tpu.memory_space<vmem>>
        %dma_start3A_248 = tpu.memref_squeeze %dma_start3A_247 : memref<1x80xi32, #tpu.memory_space<vmem>> -> memref<80xi32, #tpu.memory_space<vmem>>
        %dma_start3A_249 = arith.constant 0 : i32
        %dma_start3A_250 = arith.constant 0 : i32
        %dma_start3A_251 = tpu.memref_slice %arg2[%dma_start3A_249, %dma_start3A_250] : memref<10000x48xf32, #tpu.memory_space<hbm>> -> memref<10000x48xf32, #tpu.memory_space<hbm>>
        tpu.enqueue_indirect_dma source(%dma_start3A_251 : memref<10000x48xf32, #tpu.memory_space<hbm>>) target(%arg12 : memref<80x48xf32, #tpu.memory_space<vmem>>) offsets(%dma_start3A_248 : memref<80xi32, #tpu.memory_space<vmem>>) semaphore(%arg17 : memref<!tpu.dma_semaphore, #tpu.memory_space<semaphore_mem>>)
      } else {
      }
      %add3A_229 = arith.constant 4 : i32
      %add3A_230 = arith.addi %mul3A_84, %add3A_229 : i32
      %dma_wait3A_231 = arith.constant 0 : i32
      %dma_wait3A_232 = tpu.memref_slice %arg8[%add3A_230, %dma_wait3A_231] : memref<125x80xi32, #tpu.memory_space<vmem>> -> memref<1x80xi32, #tpu.memory_space<vmem>>
      %dma_wait3A_233 = tpu.memref_squeeze %dma_wait3A_232 : memref<1x80xi32, #tpu.memory_space<vmem>> -> memref<80xi32, #tpu.memory_space<vmem>>
      %dma_wait3A_234 = arith.constant 0 : i32
      %dma_wait3A_235 = arith.constant 0 : i32
      %dma_wait3A_236 = tpu.memref_slice %arg6[%dma_wait3A_234, %dma_wait3A_235] : memref<10000x48xf32, #tpu.memory_space<vmem_shared>> -> memref<10000x48xf32, #tpu.memory_space<vmem_shared>>
      tpu.wait_indirect_dma semaphore(%arg23 : memref<!tpu.dma_semaphore, #tpu.memory_space<semaphore_mem>>) src(%arg13 : memref<80x48xf32, #tpu.memory_space<vmem>>) dst(%dma_wait3A_236 : memref<10000x48xf32, #tpu.memory_space<vmem_shared>>)
      %add3A_237 = arith.constant 5 : i32
      %add3A_238 = arith.addi %mul3A_84, %add3A_237 : i32
      %add3A_239 = arith.constant 4 : i32
      %add3A_240 = arith.addi %add3A_238, %add3A_239 : i32
      %lt3A_241 = arith.constant 125 : i32
      %lt3A_242 = arith.cmpi slt, %add3A_240, %lt3A_241 : i32
      %convert_element_type3A_243 = arith.extui %lt3A_242 : i1 to i32
      %cond3A_244 = arith.constant 0 : i32
      %cond3A_245 = arith.cmpi ne, %convert_element_type3A_243, %cond3A_244 : i32
      scf.if %cond3A_245 {
        %dma_start3A_246 = arith.constant 0 : i32
        %dma_start3A_247 = tpu.memref_slice %arg7[%add3A_240, %dma_start3A_246] : memref<125x80xi32, #tpu.memory_space<vmem>> -> memref<1x80xi32, #tpu.memory_space<vmem>>
        %dma_start3A_248 = tpu.memref_squeeze %dma_start3A_247 : memref<1x80xi32, #tpu.memory_space<vmem>> -> memref<80xi32, #tpu.memory_space<vmem>>
        %dma_start3A_249 = arith.constant 0 : i32
        %dma_start3A_250 = arith.constant 0 : i32
        %dma_start3A_251 = tpu.memref_slice %arg2[%dma_start3A_249, %dma_start3A_250] : memref<10000x48xf32, #tpu.memory_space<hbm>> -> memref<10000x48xf32, #tpu.memory_space<hbm>>
        tpu.enqueue_indirect_dma source(%dma_start3A_251 : memref<10000x48xf32, #tpu.memory_space<hbm>>) target(%arg13 : memref<80x48xf32, #tpu.memory_space<vmem>>) offsets(%dma_start3A_248 : memref<80xi32, #tpu.memory_space<vmem>>) semaphore(%arg18 : memref<!tpu.dma_semaphore, #tpu.memory_space<semaphore_mem>>)
      } else {
      }
    }
    %scan3A_78 = arith.constant 25 : i32
    %barrier3A_79 = arith.constant 0 : index
    tpu.barrier barrier_id(%barrier3A_79)
    %mul3A_80 = arith.constant 625 : i32
    %mul3A_81 = arith.muli %arg1, %mul3A_80 : i32
    "tpu.region"() ({
      %run_scoped3A = tpu.sem_alloc : memref<!tpu.dma_semaphore, #tpu.memory_space<semaphore_mem>>
      %dma_start3A_82 = arith.constant 0 : i32
      %dma_start3A_83 = arith.constant 0 : i32
      %dma_start3A_84 = tpu.memref_slice %arg5[%add3A, %dma_start3A_82, %dma_start3A_83] : memref<32x625x48xf32, #tpu.memory_space<hbm>> -> memref<1x625x48xf32, #tpu.memory_space<hbm>>
      %dma_start3A_85 = tpu.memref_squeeze %dma_start3A_84 : memref<1x625x48xf32, #tpu.memory_space<hbm>> -> memref<625x48xf32, #tpu.memory_space<hbm>>
      %dma_start3A_86 = arith.constant 0 : i32
      %dma_start3A_87 = tpu.memref_slice %arg6[%mul3A_81, %dma_start3A_86] : memref<10000x48xf32, #tpu.memory_space<vmem_shared>> -> memref<625x48xf32, #tpu.memory_space<vmem_shared>>
      tpu.enqueue_dma source(%dma_start3A_87 : memref<625x48xf32, #tpu.memory_space<vmem_shared>>) target(%dma_start3A_85 : memref<625x48xf32, #tpu.memory_space<hbm>>) target_semaphore(%run_scoped3A : memref<!tpu.dma_semaphore, #tpu.memory_space<semaphore_mem>>)
      %dma_wait3A = arith.constant 0 : i32
      %dma_wait3A_88 = arith.constant 0 : i32
      %dma_wait3A_89 = tpu.memref_slice %arg5[%add3A, %dma_wait3A, %dma_wait3A_88] : memref<32x625x48xf32, #tpu.memory_space<hbm>> -> memref<1x625x48xf32, #tpu.memory_space<hbm>>
      %dma_wait3A_90 = tpu.memref_squeeze %dma_wait3A_89 : memref<1x625x48xf32, #tpu.memory_space<hbm>> -> memref<625x48xf32, #tpu.memory_space<hbm>>
      %dma_wait3A_91 = arith.constant 0 : i32
      %dma_wait3A_92 = tpu.memref_slice %arg6[%mul3A_81, %dma_wait3A_91] : memref<10000x48xf32, #tpu.memory_space<vmem_shared>> -> memref<625x48xf32, #tpu.memory_space<vmem_shared>>
      tpu.wait_dma2 semaphore(%run_scoped3A : memref<!tpu.dma_semaphore, #tpu.memory_space<semaphore_mem>>) src(%dma_wait3A_92 : memref<625x48xf32, #tpu.memory_space<vmem_shared>>) dst(%dma_wait3A_90 : memref<625x48xf32, #tpu.memory_space<hbm>>)
      tpu.yield
    }) : () -> ()
    return
  }
}

module attributes {stable_mosaic.version = 14 : i64} {
  func.func @_tc1_body(%arg0: i32, %arg1: memref<2000x128xf32, #tpu.memory_space<vmem>>, %arg2: memref<128x128xf32, #tpu.memory_space<vmem>>, %arg3: memref<2000x128xf32, #tpu.memory_space<vmem>>) attributes {dimension_semantics = [#tpu.dimension_semantics<arbitrary>], iteration_bounds = array<i64: 5>, scalar_prefetch = 0 : i64, scratch_operands = 0 : i64, tpu.core_type = #tpu.core_type<tc>, window_params = [{transform_indices = @transform_0, window_bounds = array<i64: 2000, 128>}, {pipeline_mode = #tpu.pipeline_mode<synchronous>, transform_indices = @transform_1, window_bounds = array<i64: 128, 128>}, {transform_indices = @transform_2, window_bounds = array<i64: 2000, 128>}]} {
    %get3A = arith.constant 0 : index
    %get3A_0 = arith.constant 0 : index
    %get3A_1 = vector.load %arg1[%get3A, %get3A_0] : memref<2000x128xf32, #tpu.memory_space<vmem>>, vector<2000x128xf32>
    %get3A_2 = arith.constant 0 : index
    %get3A_3 = arith.constant 0 : index
    %get3A_4 = vector.load %arg2[%get3A_2, %get3A_3] : memref<128x128xf32, #tpu.memory_space<vmem>>, vector<128x128xf32>
    %dot_general3A = arith.constant dense<0.000000e+00> : vector<2000x128xf32>
    %dot_general3A_5 = tpu.matmul %get3A_1, %get3A_4, %dot_general3A {dimension_numbers = #tpu.dot_dimension_numbers<[1], [0], [0], [1], [0, 0, 1, 1], [], []>, transpose_lhs_hint = false} : vector<2000x128xf32>, vector<128x128xf32>, vector<2000x128xf32> -> vector<2000x128xf32>
    %swap3A = arith.constant 0 : index
    %swap3A_6 = arith.constant 0 : index
    %swap3A_7 = vector.load %arg3[%swap3A, %swap3A_6] : memref<2000x128xf32, #tpu.memory_space<vmem>>, vector<2000x128xf32>
    tpu.vector_store %arg3[%swap3A, %swap3A_6], %dot_general3A_5 {strides = array<i32>} : memref<2000x128xf32, #tpu.memory_space<vmem>>, vector<2000x128xf32>,
    return
  }
  func.func @transform_0(%arg0: i32) -> (i32, i32) {
    %c0_i32 = arith.constant 0 : i32
    %c0_i32_0 = arith.constant 0 : i32
    return %arg0, %c0_i32 : i32, i32
  }
  func.func @transform_1(%arg0: i32) -> (i32, i32) {
    %c0_i32 = arith.constant 0 : i32
    %c0_i32_0 = arith.constant 0 : i32
    %c0_i32_1 = arith.constant 0 : i32
    return %c0_i32, %c0_i32_0 : i32, i32
  }
  func.func @transform_2(%arg0: i32) -> (i32, i32) {
    %c0_i32 = arith.constant 0 : i32
    %c0_i32_0 = arith.constant 0 : i32
    return %arg0, %c0_i32 : i32, i32
  }
}

module attributes {stable_mosaic.version = 14 : i64} {
  func.func @_tc2_body(%arg0: i32, %arg1: memref<2000x128xf32, #tpu.memory_space<vmem>>, %arg2: memref<2000x128xf32, #tpu.memory_space<vmem>>, %arg3: memref<2000x16xf32, #tpu.memory_space<vmem>>, %arg4: memref<2000x16xf32, #tpu.memory_space<vmem>>, %arg5: memref<2000x16xf32, #tpu.memory_space<vmem>>, %arg6: memref<2000x16xf32, #tpu.memory_space<vmem>>, %arg7: memref<1x128xf32, #tpu.memory_space<vmem>>, %arg8: memref<128x128xf32, #tpu.memory_space<vmem>>, %arg9: memref<2000x128xf32, #tpu.memory_space<vmem>>, %arg10: memref<2000x1xf32, #tpu.memory_space<vmem>>, %arg11: memref<2000x1xf32, #tpu.memory_space<vmem>>) attributes {dimension_semantics = [#tpu.dimension_semantics<arbitrary>], iteration_bounds = array<i64: 5>, scalar_prefetch = 0 : i64, scratch_operands = 0 : i64, tpu.core_type = #tpu.core_type<tc>, window_params = [{transform_indices = @transform_0, window_bounds = array<i64: 2000, 128>}, {transform_indices = @transform_1, window_bounds = array<i64: 2000, 128>}, {transform_indices = @transform_2, window_bounds = array<i64: 2000, 16>}, {transform_indices = @transform_3, window_bounds = array<i64: 2000, 16>}, {transform_indices = @transform_4, window_bounds = array<i64: 2000, 16>}, {transform_indices = @transform_5, window_bounds = array<i64: 2000, 16>}, {pipeline_mode = #tpu.pipeline_mode<synchronous>, transform_indices = @transform_6, window_bounds = array<i64: 1, 128>}, {pipeline_mode = #tpu.pipeline_mode<synchronous>, transform_indices = @transform_7, window_bounds = array<i64: 128, 128>}, {transform_indices = @transform_8, window_bounds = array<i64: 2000, 128>}, {transform_indices = @transform_9, window_bounds = array<i64: 2000, 1>}, {transform_indices = @transform_10, window_bounds = array<i64: 2000, 1>}]} {
    %get3A = arith.constant 0 : index
    %get3A_0 = arith.constant 0 : index
    %get3A_1 = vector.load %arg1[%get3A, %get3A_0] : memref<2000x128xf32, #tpu.memory_space<vmem>>, vector<2000x128xf32>
    %get3A_2 = arith.constant 0 : index
    %get3A_3 = arith.constant 0 : index
    %get3A_4 = vector.load %arg2[%get3A_2, %get3A_3] : memref<2000x128xf32, #tpu.memory_space<vmem>>, vector<2000x128xf32>
    %add3A = arith.addf %get3A_1, %get3A_4 : vector<2000x128xf32>
    %get3A_5 = arith.constant 0 : index
    %get3A_6 = arith.constant 0 : index
    %get3A_7 = vector.load %arg7[%get3A_5, %get3A_6] : memref<1x128xf32, #tpu.memory_space<vmem>>, vector<1x128xf32>
    %add3A_8 = vector.broadcast %get3A_7 : vector<1x128xf32> to vector<2000x128xf32>
    %add3A_9 = arith.addf %add3A, %add3A_8 : vector<2000x128xf32>
    %max3A = arith.constant 0.000000e+00 : f32
    %max3A_10 = vector.broadcast %max3A : f32 to vector<2000x128xf32>
    %max3A_11 = arith.maximumf %add3A_9, %max3A_10 : vector<2000x128xf32>
    %get3A_12 = arith.constant 0 : index
    %get3A_13 = arith.constant 0 : index
    %get3A_14 = vector.load %arg3[%get3A_12, %get3A_13] : memref<2000x16xf32, #tpu.memory_space<vmem>>, vector<2000x1xf32>
    %get3A_15 = arith.constant 0 : index
    %get3A_16 = arith.constant 0 : index
    %get3A_17 = vector.load %arg4[%get3A_15, %get3A_16] : memref<2000x16xf32, #tpu.memory_space<vmem>>, vector<2000x1xf32>
    %add3A_18 = arith.addf %get3A_14, %get3A_17 : vector<2000x1xf32>
    %get3A_19 = arith.constant 0 : index
    %get3A_20 = arith.constant 0 : index
    %get3A_21 = vector.load %arg5[%get3A_19, %get3A_20] : memref<2000x16xf32, #tpu.memory_space<vmem>>, vector<2000x1xf32>
    %get3A_22 = arith.constant 0 : index
    %get3A_23 = arith.constant 0 : index
    %get3A_24 = vector.load %arg6[%get3A_22, %get3A_23] : memref<2000x16xf32, #tpu.memory_space<vmem>>, vector<2000x1xf32>
    %add3A_25 = arith.addf %get3A_21, %get3A_24 : vector<2000x1xf32>
    %gt3A = arith.constant 0.000000e+00 : f32
    %gt3A_26 = vector.broadcast %gt3A : f32 to vector<2000x1xf32>
    %gt3A_27 = arith.cmpf ogt, %add3A_18, %gt3A_26 : vector<2000x1xf32>
    %rsqrt3A = math.rsqrt %add3A_18 : vector<2000x1xf32>
    %jit3A = arith.constant 0.000000e+00 : f32
    %broadcast_in_dim3A = vector.broadcast %jit3A : f32 to vector<2000x1xf32>
    %select_n3A = arith.select %gt3A_27, %rsqrt3A, %broadcast_in_dim3A : vector<2000x1xi1>, vector<2000x1xf32>
    %gt3A_28 = arith.constant 0.000000e+00 : f32
    %gt3A_29 = vector.broadcast %gt3A_28 : f32 to vector<2000x1xf32>
    %gt3A_30 = arith.cmpf ogt, %add3A_25, %gt3A_29 : vector<2000x1xf32>
    %rsqrt3A_31 = math.rsqrt %add3A_25 : vector<2000x1xf32>
    %jit3A_32 = arith.constant 0.000000e+00 : f32
    %broadcast_in_dim3A_33 = vector.broadcast %jit3A_32 : f32 to vector<2000x1xf32>
    %select_n3A_34 = arith.select %gt3A_30, %rsqrt3A_31, %broadcast_in_dim3A_33 : vector<2000x1xi1>, vector<2000x1xf32>
    %get3A_35 = arith.constant 0 : index
    %get3A_36 = arith.constant 0 : index
    %get3A_37 = vector.load %arg8[%get3A_35, %get3A_36] : memref<128x128xf32, #tpu.memory_space<vmem>>, vector<128x128xf32>
    %dot_general3A = arith.constant dense<0.000000e+00> : vector<2000x128xf32>
    %dot_general3A_38 = tpu.matmul %max3A_11, %get3A_37, %dot_general3A {dimension_numbers = #tpu.dot_dimension_numbers<[1], [0], [0], [1], [0, 0, 1, 1], [], []>, transpose_lhs_hint = false} : vector<2000x128xf32>, vector<128x128xf32>, vector<2000x128xf32> -> vector<2000x128xf32>
    %mul3A = vector.broadcast %select_n3A : vector<2000x1xf32> to vector<2000x128xf32>
    %mul3A_39 = arith.mulf %dot_general3A_38, %mul3A : vector<2000x128xf32>
    %swap3A = arith.constant 0 : index
    %swap3A_40 = arith.constant 0 : index
    %swap3A_41 = vector.load %arg9[%swap3A, %swap3A_40] : memref<2000x128xf32, #tpu.memory_space<vmem>>, vector<2000x128xf32>
    tpu.vector_store %arg9[%swap3A, %swap3A_40], %mul3A_39 {strides = array<i32>} : memref<2000x128xf32, #tpu.memory_space<vmem>>, vector<2000x128xf32>,
    %swap3A_42 = arith.constant 0 : index
    %swap3A_43 = arith.constant 0 : index
    %swap3A_44 = vector.load %arg10[%swap3A_42, %swap3A_43] : memref<2000x1xf32, #tpu.memory_space<vmem>>, vector<2000x1xf32>
    tpu.vector_store %arg10[%swap3A_42, %swap3A_43], %select_n3A {strides = array<i32>} : memref<2000x1xf32, #tpu.memory_space<vmem>>, vector<2000x1xf32>,
    %swap3A_45 = arith.constant 0 : index
    %swap3A_46 = arith.constant 0 : index
    %swap3A_47 = vector.load %arg11[%swap3A_45, %swap3A_46] : memref<2000x1xf32, #tpu.memory_space<vmem>>, vector<2000x1xf32>
    tpu.vector_store %arg11[%swap3A_45, %swap3A_46], %select_n3A_34 {strides = array<i32>} : memref<2000x1xf32, #tpu.memory_space<vmem>>, vector<2000x1xf32>,
    return
  }
  func.func @transform_0(%arg0: i32) -> (i32, i32) {
    %c0_i32 = arith.constant 0 : i32
    %c0_i32_0 = arith.constant 0 : i32
    return %arg0, %c0_i32 : i32, i32
  }
  func.func @transform_1(%arg0: i32) -> (i32, i32) {
    %add3A = arith.constant 5 : i32
    %add3A_0 = arith.addi %add3A, %arg0 : i32
    %c0_i32 = arith.constant 0 : i32
    %c0_i32_1 = arith.constant 0 : i32
    return %add3A_0, %c0_i32 : i32, i32
  }
  func.func @transform_2(%arg0: i32) -> (i32, i32) {
    %c0_i32 = arith.constant 0 : i32
    %c0_i32_0 = arith.constant 0 : i32
    return %arg0, %c0_i32 : i32, i32
  }
  func.func @transform_3(%arg0: i32) -> (i32, i32) {
    %add3A = arith.constant 5 : i32
    %add3A_0 = arith.addi %add3A, %arg0 : i32
    %c0_i32 = arith.constant 0 : i32
    %c0_i32_1 = arith.constant 0 : i32
    return %add3A_0, %c0_i32 : i32, i32
  }
  func.func @transform_4(%arg0: i32) -> (i32, i32) {
    %c0_i32 = arith.constant 0 : i32
    %c0_i32_0 = arith.constant 0 : i32
    return %arg0, %c0_i32 : i32, i32
  }
  func.func @transform_5(%arg0: i32) -> (i32, i32) {
    %add3A = arith.constant 5 : i32
    %add3A_0 = arith.addi %add3A, %arg0 : i32
    %c0_i32 = arith.constant 0 : i32
    %c0_i32_1 = arith.constant 0 : i32
    return %add3A_0, %c0_i32 : i32, i32
  }
  func.func @transform_6(%arg0: i32) -> (i32, i32) {
    %c0_i32 = arith.constant 0 : i32
    %c0_i32_0 = arith.constant 0 : i32
    %c0_i32_1 = arith.constant 0 : i32
    return %c0_i32, %c0_i32_0 : i32, i32
  }
  func.func @transform_7(%arg0: i32) -> (i32, i32) {
    %c0_i32 = arith.constant 0 : i32
    %c0_i32_0 = arith.constant 0 : i32
    %c0_i32_1 = arith.constant 0 : i32
    return %c0_i32, %c0_i32_0 : i32, i32
  }
  func.func @transform_8(%arg0: i32) -> (i32, i32) {
    %c0_i32 = arith.constant 0 : i32
    %c0_i32_0 = arith.constant 0 : i32
    return %arg0, %c0_i32 : i32, i32
  }
  func.func @transform_9(%arg0: i32) -> (i32, i32) {
    %c0_i32 = arith.constant 0 : i32
    %c0_i32_0 = arith.constant 0 : i32
    return %arg0, %c0_i32 : i32, i32
  }
  func.func @transform_10(%arg0: i32) -> (i32, i32) {
    %c0_i32 = arith.constant 0 : i32
    %c0_i32_0 = arith.constant 0 : i32
    return %arg0, %c0_i32 : i32, i32
  }
}

module attributes {stable_mosaic.version = 14 : i64} {
  func.func @_tc3_body(%arg0: i32, %arg1: memref<2000x128xf32, #tpu.memory_space<vmem>>, %arg2: memref<2000x128xf32, #tpu.memory_space<vmem>>, %arg3: memref<2000x1xf32, #tpu.memory_space<vmem>>, %arg4: memref<2000x1xf32, #tpu.memory_space<vmem>>, %arg5: memref<1x128xf32, #tpu.memory_space<vmem>>, %arg6: memref<128x48xf32, #tpu.memory_space<vmem>>, %arg7: memref<2000x48xf32, #tpu.memory_space<vmem>>) attributes {dimension_semantics = [#tpu.dimension_semantics<arbitrary>], iteration_bounds = array<i64: 5>, scalar_prefetch = 0 : i64, scratch_operands = 0 : i64, tpu.core_type = #tpu.core_type<tc>, window_params = [{transform_indices = @transform_0, window_bounds = array<i64: 2000, 128>}, {transform_indices = @transform_1, window_bounds = array<i64: 2000, 128>}, {transform_indices = @transform_2, window_bounds = array<i64: 2000, 1>}, {transform_indices = @transform_3, window_bounds = array<i64: 2000, 1>}, {pipeline_mode = #tpu.pipeline_mode<synchronous>, transform_indices = @transform_4, window_bounds = array<i64: 1, 128>}, {pipeline_mode = #tpu.pipeline_mode<synchronous>, transform_indices = @transform_5, window_bounds = array<i64: 128, 48>}, {transform_indices = @transform_6, window_bounds = array<i64: 2000, 48>}]} {
    %get3A = arith.constant 0 : index
    %get3A_0 = arith.constant 0 : index
    %get3A_1 = vector.load %arg1[%get3A, %get3A_0] : memref<2000x128xf32, #tpu.memory_space<vmem>>, vector<2000x128xf32>
    %get3A_2 = arith.constant 0 : index
    %get3A_3 = arith.constant 0 : index
    %get3A_4 = vector.load %arg2[%get3A_2, %get3A_3] : memref<2000x128xf32, #tpu.memory_space<vmem>>, vector<2000x128xf32>
    %add3A = arith.addf %get3A_1, %get3A_4 : vector<2000x128xf32>
    %get3A_5 = arith.constant 0 : index
    %get3A_6 = arith.constant 0 : index
    %get3A_7 = vector.load %arg3[%get3A_5, %get3A_6] : memref<2000x1xf32, #tpu.memory_space<vmem>>, vector<2000x1xf32>
    %mul3A = vector.broadcast %get3A_7 : vector<2000x1xf32> to vector<2000x128xf32>
    %mul3A_8 = arith.mulf %add3A, %mul3A : vector<2000x128xf32>
    %get3A_9 = arith.constant 0 : index
    %get3A_10 = arith.constant 0 : index
    %get3A_11 = vector.load %arg5[%get3A_9, %get3A_10] : memref<1x128xf32, #tpu.memory_space<vmem>>, vector<1x128xf32>
    %add3A_12 = vector.broadcast %get3A_11 : vector<1x128xf32> to vector<2000x128xf32>
    %add3A_13 = arith.addf %mul3A_8, %add3A_12 : vector<2000x128xf32>
    %max3A = arith.constant 0.000000e+00 : f32
    %max3A_14 = vector.broadcast %max3A : f32 to vector<2000x128xf32>
    %max3A_15 = arith.maximumf %add3A_13, %max3A_14 : vector<2000x128xf32>
    %get3A_16 = arith.constant 0 : index
    %get3A_17 = arith.constant 0 : index
    %get3A_18 = vector.load %arg6[%get3A_16, %get3A_17] : memref<128x48xf32, #tpu.memory_space<vmem>>, vector<128x48xf32>
    %dot_general3A = arith.constant dense<0.000000e+00> : vector<2000x48xf32>
    %dot_general3A_19 = tpu.matmul %max3A_15, %get3A_18, %dot_general3A {dimension_numbers = #tpu.dot_dimension_numbers<[1], [0], [0], [1], [0, 0, 1, 1], [], []>, transpose_lhs_hint = false} : vector<2000x128xf32>, vector<128x48xf32>, vector<2000x48xf32> -> vector<2000x48xf32>
    %get3A_20 = arith.constant 0 : index
    %get3A_21 = arith.constant 0 : index
    %get3A_22 = vector.load %arg4[%get3A_20, %get3A_21] : memref<2000x1xf32, #tpu.memory_space<vmem>>, vector<2000x1xf32>
    %mul3A_23 = vector.broadcast %get3A_22 : vector<2000x1xf32> to vector<2000x48xf32>
    %mul3A_24 = arith.mulf %dot_general3A_19, %mul3A_23 : vector<2000x48xf32>
    %swap3A = arith.constant 0 : index
    %swap3A_25 = arith.constant 0 : index
    %swap3A_26 = vector.load %arg7[%swap3A, %swap3A_25] : memref<2000x48xf32, #tpu.memory_space<vmem>>, vector<2000x48xf32>
    tpu.vector_store %arg7[%swap3A, %swap3A_25], %mul3A_24 {strides = array<i32>} : memref<2000x48xf32, #tpu.memory_space<vmem>>, vector<2000x48xf32>,
    return
  }
  func.func @transform_0(%arg0: i32) -> (i32, i32) {
    %c0_i32 = arith.constant 0 : i32
    %c0_i32_0 = arith.constant 0 : i32
    return %arg0, %c0_i32 : i32, i32
  }
  func.func @transform_1(%arg0: i32) -> (i32, i32) {
    %add3A = arith.constant 5 : i32
    %add3A_0 = arith.addi %add3A, %arg0 : i32
    %c0_i32 = arith.constant 0 : i32
    %c0_i32_1 = arith.constant 0 : i32
    return %add3A_0, %c0_i32 : i32, i32
  }
  func.func @transform_2(%arg0: i32) -> (i32, i32) {
    %c0_i32 = arith.constant 0 : i32
    %c0_i32_0 = arith.constant 0 : i32
    return %arg0, %c0_i32 : i32, i32
  }
  func.func @transform_3(%arg0: i32) -> (i32, i32) {
    %c0_i32 = arith.constant 0 : i32
    %c0_i32_0 = arith.constant 0 : i32
    return %arg0, %c0_i32 : i32, i32
  }
  func.func @transform_4(%arg0: i32) -> (i32, i32) {
    %c0_i32 = arith.constant 0 : i32
    %c0_i32_0 = arith.constant 0 : i32
    %c0_i32_1 = arith.constant 0 : i32
    return %c0_i32, %c0_i32_0 : i32, i32
  }
  func.func @transform_5(%arg0: i32) -> (i32, i32) {
    %c0_i32 = arith.constant 0 : i32
    %c0_i32_0 = arith.constant 0 : i32
    %c0_i32_1 = arith.constant 0 : i32
    return %c0_i32, %c0_i32_0 : i32, i32
  }
  func.func @transform_6(%arg0: i32) -> (i32, i32) {
    %c0_i32 = arith.constant 0 : i32
    %c0_i32_0 = arith.constant 0 : i32
    return %arg0, %c0_i32 : i32, i32
  }
}

module attributes {stable_mosaic.version = 14 : i64} {
  func.func @_tc4_body(%arg0: i32, %arg1: memref<2000x48xf32, #tpu.memory_space<vmem>>, %arg2: memref<2000x48xf32, #tpu.memory_space<vmem>>, %arg3: memref<2000x1xf32, #tpu.memory_space<vmem>>, %arg4: memref<1x48xf32, #tpu.memory_space<vmem>>, %arg5: memref<2000x48xf32, #tpu.memory_space<vmem>>) attributes {dimension_semantics = [#tpu.dimension_semantics<arbitrary>], iteration_bounds = array<i64: 5>, scalar_prefetch = 0 : i64, scratch_operands = 0 : i64, tpu.core_type = #tpu.core_type<tc>, window_params = [{transform_indices = @transform_0, window_bounds = array<i64: 2000, 48>}, {transform_indices = @transform_1, window_bounds = array<i64: 2000, 48>}, {transform_indices = @transform_2, window_bounds = array<i64: 2000, 1>}, {pipeline_mode = #tpu.pipeline_mode<synchronous>, transform_indices = @transform_3, window_bounds = array<i64: 1, 48>}, {transform_indices = @transform_4, window_bounds = array<i64: 2000, 48>}]} {
    %get3A = arith.constant 0 : index
    %get3A_0 = arith.constant 0 : index
    %get3A_1 = vector.load %arg1[%get3A, %get3A_0] : memref<2000x48xf32, #tpu.memory_space<vmem>>, vector<2000x48xf32>
    %get3A_2 = arith.constant 0 : index
    %get3A_3 = arith.constant 0 : index
    %get3A_4 = vector.load %arg2[%get3A_2, %get3A_3] : memref<2000x48xf32, #tpu.memory_space<vmem>>, vector<2000x48xf32>
    %add3A = arith.addf %get3A_1, %get3A_4 : vector<2000x48xf32>
    %get3A_5 = arith.constant 0 : index
    %get3A_6 = arith.constant 0 : index
    %get3A_7 = vector.load %arg3[%get3A_5, %get3A_6] : memref<2000x1xf32, #tpu.memory_space<vmem>>, vector<2000x1xf32>
    %mul3A = vector.broadcast %get3A_7 : vector<2000x1xf32> to vector<2000x48xf32>
    %mul3A_8 = arith.mulf %add3A, %mul3A : vector<2000x48xf32>
    %get3A_9 = arith.constant 0 : index
    %get3A_10 = arith.constant 0 : index
    %get3A_11 = vector.load %arg4[%get3A_9, %get3A_10] : memref<1x48xf32, #tpu.memory_space<vmem>>, vector<1x48xf32>
    %add3A_12 = vector.broadcast %get3A_11 : vector<1x48xf32> to vector<2000x48xf32>
    %add3A_13 = arith.addf %mul3A_8, %add3A_12 : vector<2000x48xf32>
    %swap3A = arith.constant 0 : index
    %swap3A_14 = arith.constant 0 : index
    %swap3A_15 = vector.load %arg5[%swap3A, %swap3A_14] : memref<2000x48xf32, #tpu.memory_space<vmem>>, vector<2000x48xf32>
    tpu.vector_store %arg5[%swap3A, %swap3A_14], %add3A_13 {strides = array<i32>} : memref<2000x48xf32, #tpu.memory_space<vmem>>, vector<2000x48xf32>,
    return
  }
  func.func @transform_0(%arg0: i32) -> (i32, i32) {
    %c0_i32 = arith.constant 0 : i32
    %c0_i32_0 = arith.constant 0 : i32
    return %arg0, %c0_i32 : i32, i32
  }
  func.func @transform_1(%arg0: i32) -> (i32, i32) {
    %add3A = arith.constant 5 : i32
    %add3A_0 = arith.addi %add3A, %arg0 : i32
    %c0_i32 = arith.constant 0 : i32
    %c0_i32_1 = arith.constant 0 : i32
    return %add3A_0, %c0_i32 : i32, i32
  }
  func.func @transform_2(%arg0: i32) -> (i32, i32) {
    %c0_i32 = arith.constant 0 : i32
    %c0_i32_0 = arith.constant 0 : i32
    return %arg0, %c0_i32 : i32, i32
  }
  func.func @transform_3(%arg0: i32) -> (i32, i32) {
    %c0_i32 = arith.constant 0 : i32
    %c0_i32_0 = arith.constant 0 : i32
    %c0_i32_1 = arith.constant 0 : i32
    return %c0_i32, %c0_i32_0 : i32, i32
  }
  func.func @transform_4(%arg0: i32) -> (i32, i32) {
    %c0_i32 = arith.constant 0 : i32
    %c0_i32_0 = arith.constant 0 : i32
    return %arg0, %c0_i32 : i32, i32
  }
}

</mosaic_0001>

<sc_bundles>
// kernel: kernel.10.cloned.1.call-start
scs
__scs_entry_jumppad:
0x0: {  	(pc) =	sbr.rel $0x88, $3  }
0x1: {  	(tag) =	ssettag $0x0;
	lr =	simm.s32 $0x1  }
0x2: {  	[smem:$0x3F99] =	sst lr;
	_ =	strace $0xD0000000  }
0x3: {  	_ = 	snop  }
0x4: {  	_ = 	snop  }
0x5: {  	_ = 	snop  }
0x6: {  	_ = 	snop  }
0x7: {  	_ = 	snop  }
__scs_overlays_trampoline_lowered:
0x8: {  	[smem:$0x3FA8] =	sst s0  }
0x9: {  	[smem:$0x3FA9] =	sst s1  }
0xa: {  	[smem:$0x3FAA] =	sst s2  }
0xb: {  	[smem:$0x3FAB] =	sst s3  }
0xc: {  	[smem:$0x3FAC] =	sst s4  }
0xd: {  	[smem:$0x3FAD] =	sst s5  }
0xe: {  	[smem:$0x3FAE] =	sst s6  }
0xf: {  	[smem:$0x3FAF] =	sst s7  }
0x10: {  	[smem:$0x3FB0] =	sst s8  }
0x11: {  	[smem:$0x3FB1] =	sst s9;
	s0 =	simm.s32 @!p0 $0x0  }
0x12: {  	s1 =	sld [smem:$0x3F97];
	s0 =	simm.s32 @p0 $0x1  }
0x13: {  	[smem:$0x3FB2] =	sst s0;
	s0 =	simm.s32 @!p1 $0x0  }
0x14: {  	s2 =	sld [smem:$0x3F96];
	s0 =	simm.s32 @p1 $0x1  }
0x15: {  	[smem:$0x3FB3] =	sst s0;
	s0 =	simm.s32 @!p2 $0x0  }
0x16: {  	s3 =	sld [smem:$0x3FDB];
	s0 =	simm.s32 @p2 $0x1  }
0x17: {  	s4 =	simm.s32 $0x1BF5;
	[smem:$0x3FB5] =	sst s0  }
0x18: {  	s0 =	sld [smem:$0x3F98];
	_ =	swait.ge [sflag:s4], $0x0  }
0x19: {  	s7 =	sld [smem:$0x3F99]  }
0x1a: {  	s8 =	sadd.s32 $0xFFFFE003, lr  }
0x1b: {  	s9 =	sadd.s32 $0xFFFFFEF7, lr;
	s5 =	simm.s32 $0xFFFFFFFF;
	p2 =	slt.u32 s8, $0xFFFFF086  }
0x1c: {  	p1 =	slt.u32 s9, $0xF7A;
	s5 =	simm.s32 @!p2 $0x0  }
0x1d: {  	s5 =	simm.s32 @p1 $0x1;
	p0 =	seq.s32 s7, s2  }
0x1e: {  	s7 =	smul.u32 @!p0 $0xF7A, s2;
	p2 =	seq.s32 @!p0 s5, $0x0  }
0x1f: {  	s9 =	smul.u32 $0xF7A, s1;
	s8 =	simm.s32 @!p0 $0x1BF5;
	p2 =	por !p2, p0  }
0x20: {  	[sflag:s8] =	ssyncset.s32 @!p0 $0xFFFFF086;
	s6 =	sadd.s32 @!p0 s3, s7;
	s7 =	simm.s32 @!p0 $0x108  }
0x21: {  	s3 =	sadd.s32 s3, s9;
	s6 =	sadd.s32 @!p0 $0x88, s6;
	s7 =	simm.s32 @p2 $0x1082  }
0x22: {  	[simem:s7], [sflag:s8] =	dma.local @!p0 [hbm:s6], $0xF7A  }
0x23: {  	s9 =	sor.u32 $0xD0000000, s2;
	s6 =	simm.s32 $0x108;
	_ =	swait.ge @!p0 [sflag:s8], $0x0  }
0x24: {  	s3 =	sadd.s32 $0x88, s3;
	s6 =	simm.s32 @!p1 $0x1082;
	[sflag:s4] =	ssyncset.s32 $0xFFFFF086  }
0x25: {  	[simem:s6], [sflag:s4] =	dma.local [hbm:s3], $0xF7A  }
0x26: {  	[smem:$0x3F99] =	sst s1;
	(tag) =	ssettag s2;
	_ =	strace s9  }
0x27: {  	s1 =	sld [smem:$0x3FA9]  }
0x28: {  	s2 =	sld [smem:$0x3FAA]  }
0x29: {  	s4 =	sld [smem:$0x3FAC]  }
0x2a: {  	p0 =	seq.s32 s5, $0x0;
	s5 =	sld [smem:$0x3FAD]  }
0x2b: {  	s6 =	sld [smem:$0x3FAE]  }
0x2c: {  	s7 =	sld [smem:$0x3FAF]  }
0x2d: {  	s3 =	simm.s32 $0x108;
	s8 =	sld [smem:$0x3FB0]  }
0x2e: {  	s3 =	simm.s32 @!p0 $0x1082;
	s9 =	sld [smem:$0x3FB1]  }
0x2f: {  	lr =	sadd.s32 s0, s3;
	s0 =	sld [smem:$0x3FA8]  }
0x30: {  	s3 =	sld [smem:$0x3FAB]  }
0x31: {  	[smem:$0x3FB4] =	sst s10  }
0x32: {  	s10 =	sld [smem:$0x3FB2];
	_ =	sdelay $0x3  }
0x33: {  	p0 =	seq.s32 s10, $0x1;
	s10 =	sld [smem:$0x3FB4];
	_ =	sdelay $0x3  }
0x34: {  	[smem:$0x3FB4] =	sst s10  }
0x35: {  	s10 =	sld [smem:$0x3FB3];
	_ =	sdelay $0x3  }
0x36: {  	p1 =	seq.s32 s10, $0x1;
	s10 =	sld [smem:$0x3FB4];
	_ =	sdelay $0x3  }
0x37: {  	[smem:$0x3FB4] =	sst s10  }
0x38: {  	s10 =	sld [smem:$0x3FB5]  }
0x39: {  	_ = 	snop;
	(pc) =	sbr.ind lr, $3  }
0x3a: {  	_ = 	snop  }
0x3b: {  	_ = 	snop  }
0x3c: {  	p2 =	seq.s32 s10, $0x1;
	s10 =	sld [smem:$0x3FB4]  }
0x3d: {  	_ =	shalt  }
0x3e: {  	_ =	shalt  }
0x3f: {  	_ =	shalt  }
0x40: {  	_ =	shalt  }
0x41: {  	_ =	shalt  }
0x42: {  	_ =	shalt  }
0x43: {  	_ =	shalt  }
0x44: {  	_ =	shalt  }
0x45: {  	_ =	shalt  }
0x46: {  	_ =	shalt  }
0x47: {  	_ =	shalt  }
0x48: {  	_ =	shalt  }
0x49: {  	_ =	shalt  }
0x4a: {  	_ =	shalt  }
0x4b: {  	_ =	shalt  }
0x4c: {  	_ =	shalt  }
0x4d: {  	_ =	shalt  }
0x4e: {  	_ =	shalt  }
0x4f: {  	_ =	shalt  }
0x50: {  	_ =	shalt  }
0x51: {  	_ =	shalt  }
0x52: {  	_ =	shalt  }
0x53: {  	_ =	shalt  }
0x54: {  	_ =	shalt  }
0x55: {  	_ =	shalt  }
0x56: {  	_ =	shalt  }
0x57: {  	_ =	shalt  }
0x58: {  	_ =	shalt  }
0x59: {  	_ =	shalt  }
0x5a: {  	_ =	shalt  }
0x5b: {  	_ =	shalt  }
0x5c: {  	_ =	shalt  }
0x5d: {  	_ =	shalt  }
0x5e: {  	_ =	shalt  }
0x5f: {  	_ =	shalt  }
0x60: {  	_ =	shalt  }
0x61: {  	_ =	shalt  }
0x62: {  	_ =	shalt  }
0x63: {  	_ =	shalt  }
0x64: {  	_ =	shalt  }
0x65: {  	_ =	shalt  }
0x66: {  	_ =	shalt  }
0x67: {  	_ =	shalt  }
0x68: {  	_ =	shalt  }
0x69: {  	_ =	shalt  }
0x6a: {  	_ =	shalt  }
0x6b: {  	_ =	shalt  }
0x6c: {  	_ =	shalt  }
0x6d: {  	_ =	shalt  }
0x6e: {  	_ =	shalt  }
0x6f: {  	_ =	shalt  }
0x70: {  	_ =	shalt  }
0x71: {  	_ =	shalt  }
0x72: {  	_ =	shalt  }
0x73: {  	_ =	shalt  }
0x74: {  	_ =	shalt  }
0x75: {  	_ =	shalt  }
0x76: {  	_ =	shalt  }
0x77: {  	_ =	shalt  }
0x78: {  	_ =	shalt  }
0x79: {  	_ =	shalt  }
0x7a: {  	_ =	shalt  }
0x7b: {  	_ =	shalt  }
0x7c: {  	_ =	shalt  }
0x7d: {  	_ =	shalt  }
0x7e: {  	_ =	shalt  }
0x7f: {  	_ =	shalt  }
0x80: {  	_ =	shalt  }
0x81: {  	_ =	shalt  }
0x82: {  	_ =	shalt  }
0x83: {  	_ =	shalt  }
0x84: {  	_ =	shalt  }
0x85: {  	_ =	shalt  }
0x86: {  	_ =	shalt  }
0x87: {  	_ =	shalt  }
.Lfunc_end0:
.L_simem_size_0:
called_computation_lowered:
.L_overlay_start_0:
0x88: {  	s2 =	sld [smem:$0x3FD9]  }
0x89: {  	s3 =	sld [smem:$0x3FFE];
	_ =	sdelay $0x1  }
0x8a: {  	s1 =	srdreg.scid  }
0x8b: {  	s0 =	sand.u32 $0x1, s1  }
0x8c: {  	s17 =	sshll.u32 s0, $0xA;
	s2 =	sadd.s32 s3, s2  }
0x8d: {  	s2 =	sadd.s32 s2, s17  }
0x8e: {  	[smem:$0x3FC0] =	sst s2  }
0x8f: {  	_ = 	snop  }
0x90: {  	s2 =	sld [smem:$0x3FD0];
	(tm) =	ssettm $0x1  }
0x91: {  	s18 =	sld [smem:$0x3FFB];
	_ =	sdelay $0x3  }
0x92: {  	_ =	strace s18  }
0x93: {  	s3 =	sld [smem:$0x3FFC];
	_ =	sdelay $0x3  }
0x94: {  	_ =	strace s3  }
0x95: {  	s3 =	sld [smem:$0x3FFD];
	_ =	sdelay $0x3  }
0x96: {  	_ =	strace s3  }
0x97: {  	_ =	strace $0x8FFFFFFF  }
0x98: {  	s19 =	sld [smem:$0x3FDB];
	_ =	sdelay $0x1  }
0x99: {  	s4 =	simm.s32 $_scs_section_size  }
0x9a: {  	s5 =	simm.s32 $_size__tile_overlayer_lowered;
	s6 =	simm.s32 $_tile_overlayer_lowered  }
0x9b: {  	s22 =	simm.s32 $0x1BFF;
	s21 =	sshll.u32 s6, $0x1;
	s3 =	sadd.s32 s4, s19  }
0x9c: {  	s7 =	simm.s32 $0x0;
	s20 =	sshll.u32 s5, $0x1;
	s5 =	sadd.s32 s21, s3  }
0x9d: {  	[timem:s7], [sflag:s22] =	dma.local [hbm:s5], s20  }
0x9e: {  	_ =	swait.ge [sflag:s22], s20  }
0x9f: {  	s4 =	ssub.s32 $0x0, s20;
	[sflag:s22] =	ssyncset.done $0x0  }
0xa0: {  	[sflag:s22] =	ssyncadd.s32 s4;
	_ =	sdelay $0x1  }
0xa1: {  	s23 =	simm.s32 $0x1B8B  }
0xa2: {  	_ =	swait.ge [sflag:s23], $0x1  }
0xa3: {  	[sflag:s23] =	ssyncset.done $0x0  }
0xa4: {  	s25 =	simm.s32 $0x1B8E;
	s24 =	sld [smem:$0x3FFE];
	[sflag:s23] =	ssyncadd.s32 $0xFFFFFFFF  }
0xa5: {  	s26 =	simm.s32 $execute0_lowered;
	[smem:$0x3FD2] =	sst s25  }
0xa6: {  	s5 =	sshll.u32 s26, $0x1;
	_ =	strace $0x80000046;
	[dreg:$0x1] =	wrdreg $0xFFFFFFFF  }
0xa7: {  	s28 =	simm.s32 $_size_execute0_lowered;
	s3 =	sadd.s32 s3, s5;
	[dreg:$0x0] =	wrdreg $0x0  }
0xa8: {  	s5 =	sshll.u32 s28, $0x1;
	[dreg:$0x2] =	wrdreg s3  }
0xa9: {  	[dreg:$0x3] =	wrdreg s5  }
0xaa: {  	[dreg:$0x4] =	wrdreg $0xC0  }
0xab: {  	_ =	task [dreg:s7], $0x5FFFF  }
0xac: {  	[dreg:$0x1] =	wrdreg $0xFFFFFFFF  }
0xad: {  	[dreg:$0x0] =	wrdreg $0x60  }
0xae: {  	[dreg:$0x2] =	wrdreg s24  }
0xaf: {  	[dreg:$0x3] =	wrdreg s2  }
0xb0: {  	[dreg:$0x4] =	wrdreg $0x0  }
0xb1: {  	[dreg:$0x5] =	wrdreg $0x27100  }
0xb2: {  	[dreg:$0x6] =	wrdreg $0x9  }
0xb3: {  	_ =	task.clear_ibuf [dreg:s7], $0x7FFFF;
	_ =	strace $0x90000046  }
0xb4: {  	s29 =	simm.s32 $0x9;
	_ =	strace $0x80000048  }
0xb5: {  	_ =	swait.ge [sflag:s29], $0x1  }
0xb6: {  	[sflag:s29] =	ssyncadd.s32 $0xFFFFFFFF  }
0xb7: {  	_ =	strace $0x90000048  }
0xb8: {  	_ =	sfence  }
0xb9: {  	s30 =	sld [smem:$0x0];
	_ =	sdelay $0x2  }
0xba: {  	s31 =	sshll.u32 s1, $0xD;
	s1 =	sshrl.u32 s1, $0x2  }
0xbb: {  	s3 =	sand.u32 $0x4000, s31;
	s1 =	sadd.s32 s1, s30  }
0xbc: {  	s0 =	sor.u32 s3, s0;
	s1 =	sshll.u32 s1, $0x11  }
0xbd: {  	s0 =	sor.u32 s1, s0  }
0xbe: {  	s0 =	sadd.s32 $0x8F2B, s0  }
0xbf: {  	[sflag:s0] =	ssyncadd.remote.s32 $0x1  }
0xc0: {  	_ =	sfence.sel $0xFFFF  }
0xc1: {  	[dreg:$0x0] =	wrdreg $0xFFFFFFFF;
	(pc) =	sbr.abs _section_cstart, $3  }
0xc2: {  	[dreg:$0x1] =	wrdreg $0xFFFFFFFF  }
0xc3: {  	_ =	task.clear_ibuf [dreg:s7], $0x2FFFF;
	_ =	strace $0x9FFFFFFF  }
0xc4: {  	(tm) =	ssettm $0x7FFFFFFF  }
0xc5: {  	_ =	shalt  }
tec
execute0_lowered:
.L_overlay_start_1:
0x0: {  	(tag) =	ssettag $0x1  }
0x1: {  	s5 =	rddreg [dreg:$0x0]  }
0x2: {  	s9 =	rddreg [dreg:$0x1]  }
0x3: {  	s0 =	srdreg.scid;
	s2 =	rddreg [dreg:$0x2]  }
0x4: {  	s3 =	rddreg [dreg:$0x3];
	s1 =	stileid.u32;
	s13 =	simm.s32 $0x2  }
0x5: {  	s14 =	simm.s32 $0x7530;
	s15 =	simm.s32 $0xA140;
	s16 =	simm.s32 $0x50  }
0x6: {  	s17 =	simm.s32 $0x9C40;
	s18 =	simm.s32 $0x1;
	s6 =	sand.u32 $0x1, s0  }
0x7: {  	s19 =	simm.s32 $0x0;
	s0 =	rddreg [dreg:$0x4];
	s4 =	sshll.u32 s6, $0x4  }
0x8: {  	s8 =	smul.u32 $0x2710, s1;
	s6 =	ssub.s32 $0x2, s6;
	s7 =	sor.u32 s1, s4  }
0x9: {  	s4 =	simm.s32 $0x0;
	s31 =	sshrl.u32 s6, $0x1;
	s10 =	smul.u32 $0x4E2, s7  }
0xa: {  	[smem:$0x7FF] =	sst s4;
	s12 =	ssub.s32 s6, s31;
	s7 =	sadd.s32 s8, s2  }
0xb: {  	s8 =	sadd.s32 s8, s3;
	_ =	strace $0x80000047;
	s11 =	sadd.s32 s10, s5  }
0xc: {  	s9 =	sadd.s32 s9, s10;
	s5 =	sadd.s32 $0xC600, s11;
	s6 =	sadd.s32 $0x2800, s11  }
0xd: {  	v0 =	vimm.f32 $0.0e+00;
	v1 =	vimm.f32 $1.000000000e+00;
	s10 =	sadd.s32 $0x16400, s11;
	s11 =	smax.u32 s12, $0x1;
	s12 =	simm.s32 $0x4E20  }
.LBB2_1:
0xe: {  	[tilespmem:s12], [sflag:$0x2] =	stream.linear.gather [hbm4b:s5+s4], $0x2710, $0x38;
	[tilespmem:$0xC850] =	vst v63  }
0xf: {  	_ =	swait.ge [sflag:s13], $0x2710  }
0x10: {  	[sflag:s13] =	ssyncset.done $0x0  }
0x11: {  	[sflag:s13] =	ssyncadd.s32 $0xFFFFD8F0  }
0x12: {  	[tilespmem:s14], [sflag:$0x2] =	stream.linear.gather [hbm4b:s6+s4], $0x2710, $0x38;
	[tilespmem:$0xC850] =	vst v63  }
0x13: {  	_ =	swait.ge [sflag:s13], $0x2710  }
0x14: {  	[sflag:s13] =	ssyncset.done $0x0  }
0x15: {  	s20 =	simm.s32 $0x0;
	[sflag:s13] =	ssyncadd.s32 $0xFFFFD8F0  }
.LBB2_2:
0x16: {  	p0 =	sne.s32 s20, $0x9C00  }
.Ltmp0:
0x17: {  	_ = 	snop;
	(pc) =	sbr.rel @p0 .LBB2_2-.Ltmp0, $3  }
0x18: {  	_ =	sdelay $0x1  }
0x19: {  	s21 =	sshra.s32 s20, $0x2  }
0x1a: {  	s20 =	sadd.s32 $0x40, s20;
	[tilespmem:s21+$0xA140] =	vst v0  }
0x1b: {  	s20 =	simm.s32 $0x40;
	s21 =	simm.s32 $0x0  }
.LBB2_4:
0x1c: {  	p0 =	sne.s32 s20, $0x13C0;
	[tilespmem:s21+$0x9C40] =	vst v1;
	s21 =	smov.u32 s20;
	s20 =	sadd.s32 $0x40, s20  }
.Ltmp1:
0x1d: {  	(pc) =	sbr.rel @p0 .LBB2_4-.Ltmp1, $2  }
0x1e: {  	_ =	sdelay $0x2  }
0x1f: {  	s21 =	sshra.s32 s21, $0x2  }
0x20: {  	[tilespmem:s21+$0x9C40] =	vst v1  }
0x21: {  	[spmem:s7] =	stream.linear.scatter [tilespmem:s15], [sflag:$0x2], $0x2710, $0x38;
	[tilespmem:$0xC850] =	vst v63  }
0x22: {  	_ =	swait.ge [sflag:s13], $0x2710  }
0x23: {  	[sflag:s13] =	ssyncset.done $0x0  }
0x24: {  	[sflag:s13] =	ssyncadd.s32 $0xFFFFD8F0  }
0x25: {  	[spmem:s8] =	stream.linear.scatter [tilespmem:s15], [sflag:$0x2], $0x2710, $0x38;
	[tilespmem:$0xC850] =	vst v63  }
0x26: {  	_ =	swait.ge [sflag:s13], $0x2710  }
0x27: {  	[sflag:s13] =	ssyncset.done $0x0  }
0x28: {  	[sflag:s13] =	ssyncadd.s32 $0xFFFFD8F0  }
0x29: {  	s20 =	simm.s32 $0x4E20;
	p0 =	por $0x1, $0x1;
	[bflag:$0x0] =	sbarrier.arrive $0xFFFF  }
0x2a: {  	[spmem:s2] =	stream.indirect.scatter.add.f32 [tilespmem:s17], [sflag:$0x1], $0x10, s20, s16, $0xb8;
	[tilespmem:$0xC850] =	vst v63  }
0x2b: {  	s22 =	simm.s32 @!p0 $0x1;
	s20 =	simm.s32 $0x7530  }
0x2c: {  	[spmem:s3] =	stream.indirect.scatter.add.f32 [tilespmem:s17], [sflag:$0x1], $0x10, s20, s16, $0xb8;
	[tilespmem:$0xC850] =	vst v63  }
0x2d: {  	_ =	swait.ge @!p0 [sflag:s22], $0x500  }
0x2e: {  	[sflag:s22] =	ssyncset.done @!p0 $0x0  }
0x2f: {  	[sflag:s22] =	ssyncadd.s32 @!p0 $0xFFFFFB00  }
0x30: {  	s21 =	simm.s32 $0x1;
	s23 =	simm.s32 $0x4E70;
	_ =	swait.ge @!p0 [sflag:s22], $0x500  }
.LBB2_6:
0x31: {  	[sflag:s22] =	ssyncset.done @!p0 $0x0  }
0x32: {  	s20 =	sadd.s32 $0x50, s20;
	s24 =	smov.u32 s21;
	s21 =	sadd.s32 $0x1, s21  }
0x33: {  	p1 =	sne.s32 s21, $0x7D;
	[sflag:s22] =	ssyncadd.s32 @!p0 $0xFFFFFB00  }
0x34: {  	[spmem:s2] =	stream.indirect.scatter.add.f32 [tilespmem:s17], [sflag:$0x1], $0x10, s23, s16, $0xb8;
	[tilespmem:$0xC850] =	vst v63  }
0x35: {  	p0 =	slt.u32 s24, $0x8  }
0x36: {  	[spmem:s3] =	stream.indirect.scatter.add.f32 [tilespmem:s17], [sflag:$0x1], $0x10, s20, s16, $0xb8;
	[tilespmem:$0xC850] =	vst v63  }
.Ltmp2:
0x37: {  	s22 =	simm.s32 @!p0 $0x1;
	(pc) =	sbr.rel @p1 .LBB2_6-.Ltmp2, $4  }
0x38: {  	_ =	swait.ge @!p0 [sflag:s22], $0x500  }
0x39: {  	[sflag:s22] =	ssyncset.done @!p0 $0x0  }
0x3a: {  	[sflag:s22] =	ssyncadd.s32 @!p0 $0xFFFFFB00  }
0x3b: {  	s23 =	sadd.s32 $0x50, s23;
	_ =	swait.ge @!p0 [sflag:s22], $0x500  }
0x3c: {  	[sflag:s22] =	ssyncset.done @!p0 $0x0  }
0x3d: {  	[sflag:s22] =	ssyncadd.s32 @!p0 $0xFFFFFB00  }
0x3e: {  	_ =	swait.ge [sflag:s18], $0x500  }
0x3f: {  	[sflag:s18] =	ssyncset.done $0x0  }
0x40: {  	[sflag:s18] =	ssyncadd.s32 $0xFFFFFB00  }
0x41: {  	_ =	swait.ge [sflag:s18], $0x500  }
0x42: {  	[sflag:s18] =	ssyncset.done $0x0  }
0x43: {  	[sflag:s18] =	ssyncadd.s32 $0xFFFFFB00  }
0x44: {  	_ =	swait.ge [sflag:s18], $0x500  }
0x45: {  	[sflag:s18] =	ssyncset.done $0x0  }
0x46: {  	[sflag:s18] =	ssyncadd.s32 $0xFFFFFB00  }
0x47: {  	_ =	swait.ge [sflag:s18], $0x500  }
0x48: {  	[sflag:s18] =	ssyncset.done $0x0  }
0x49: {  	[sflag:s18] =	ssyncadd.s32 $0xFFFFFB00  }
0x4a: {  	_ =	swait.ge [sflag:s18], $0x500  }
0x4b: {  	[sflag:s18] =	ssyncset.done $0x0  }
0x4c: {  	[sflag:s18] =	ssyncadd.s32 $0xFFFFFB00  }
0x4d: {  	_ =	swait.ge [sflag:s18], $0x500  }
0x4e: {  	[sflag:s18] =	ssyncset.done $0x0  }
0x4f: {  	[sflag:s18] =	ssyncadd.s32 $0xFFFFFB00  }
0x50: {  	_ =	swait.ge [sflag:s18], $0x500  }
0x51: {  	[sflag:s18] =	ssyncset.done $0x0  }
0x52: {  	[sflag:s18] =	ssyncadd.s32 $0xFFFFFB00  }
0x53: {  	_ =	swait.ge [sflag:s18], $0x500  }
0x54: {  	[sflag:s18] =	ssyncset.done $0x0  }
0x55: {  	[sflag:s18] =	ssyncadd.s32 $0xFFFFFB00  }
0x56: {  	_ =	swait.ge [sflag:s18], $0x500  }
0x57: {  	[sflag:s18] =	ssyncset.done $0x0  }
0x58: {  	[sflag:s18] =	ssyncadd.s32 $0xFFFFFB00  }
0x59: {  	_ =	swait.ge [sflag:s18], $0x500  }
0x5a: {  	[sflag:s18] =	ssyncset.done $0x0  }
0x5b: {  	[sflag:s18] =	ssyncadd.s32 $0xFFFFFB00  }
0x5c: {  	_ =	swait.ge [sflag:s18], $0x500  }
0x5d: {  	[sflag:s18] =	ssyncset.done $0x0  }
0x5e: {  	[sflag:s18] =	ssyncadd.s32 $0xFFFFFB00  }
0x5f: {  	_ =	swait.ge [sflag:s18], $0x500  }
0x60: {  	[sflag:s18] =	ssyncset.done $0x0  }
0x61: {  	[sflag:s18] =	ssyncadd.s32 $0xFFFFFB00  }
0x62: {  	_ =	swait.ge [sflag:s18], $0x500  }
0x63: {  	[sflag:s18] =	ssyncset.done $0x0  }
0x64: {  	[sflag:s18] =	ssyncadd.s32 $0xFFFFFB00  }
0x65: {  	_ =	swait.ge [sflag:s18], $0x500  }
0x66: {  	[sflag:s18] =	ssyncset.done $0x0  }
0x67: {  	[sflag:s18] =	ssyncadd.s32 $0xFFFFFB00  }
0x68: {  	_ =	swait.ge [sflag:s18], $0x500  }
0x69: {  	[sflag:s18] =	ssyncset.done $0x0  }
0x6a: {  	[sflag:s18] =	ssyncadd.s32 $0xFFFFFB00  }
0x6b: {  	_ =	swait.ge [sflag:s18], $0x500  }
0x6c: {  	[sflag:s18] =	ssyncset.done $0x0  }
0x6d: {  	s20 =	sshll.u32 s1, $0x6;
	[sflag:s18] =	ssyncadd.s32 $0xFFFFFB00  }
0x6e: {  	s21 =	sshrl.u32 s7, $0x3;
	s20 =	sor.u32 $0x1C02, s20;
	[bflag:$0x0] =	sbarrier.arrive $0xFFFF  }
0x6f: {  	[hbm:s9], [sflag:s20] =	dma.local [spmem:s21], $0x4E2  }
0x70: {  	s19 =	sadd.s32 $0x1, s19;
	_ =	swait.ge [sflag:s13], $0x4E2  }
0x71: {  	p0 =	sne.s32 s19, s11;
	[sflag:s13] =	ssyncset.done $0x0  }
.Ltmp3:
0x72: {  	s31 =	sshrl.u32 s8, $0x3;
	[sflag:s13] =	ssyncadd.s32 $0xFFFFFB1E;
	(pc) =	sbr.rel @p0 .LBB2_1-.Ltmp3, $4  }
0x73: {  	[hbm:s10], [sflag:s20] =	dma.local [spmem:s31], $0x4E2  }
0x74: {  	_ =	swait.ge [sflag:s13], $0x4E2  }
0x75: {  	[sflag:s13] =	ssyncset.done $0x0  }
0x76: {  	[sflag:s13] =	ssyncadd.s32 $0xFFFFFB1E  }
0x77: {  	_ =	sfence.sel $0x180000  }
0x78: {  	[bflag:$0x0] =	sbarrier.arrive $0xFFFF  }
0x79: {  	p0 =	sne.s32 s1, $0x0;
	_ =	strace $0x90000047  }
0x7a: {  	s0 =	sadd.s32 @!p0 $0x100000, s0;
	[bflag:$0x2] =	sbarrier.arrive $0xFFFF  }
0x7b: {  	[sflag:s0] =	ssyncadd.tile.s32 @!p0 $0x1;
	_ =	shalt  }
.Lfunc_end2:
_tile_overlayer_lowered:
.L_overlay_start_2:
0x7c: {  	(tag) =	ssettag $0x2  }
0x7d: {  	s0 =	rddreg [dreg:$0x0];
	s2 =	stileid.u32  }
0x7e: {  	s1 =	rddreg [dreg:$0x1];
	p0 =	sne.s32 s2, $0x0  }
0x7f: {  	s3 =	rddreg [dreg:$0x2];
	[bflag:$0x3] =	sbarrier.arrive $0xFFFF;
	s2 =	simm.s32 @!p0 $0x1C02  }
0x80: {  	[timem:s3], [sflag:s2] =	dma.local @!p0 [hbm:s0], s1  }
0x81: {  	s0 =	simm.s32 @!p0 $0x2  }
0x82: {  	_ =	swait.ge @!p0 [sflag:s0], s1  }
0x83: {  	s1 =	ssub.s32 @!p0 $0x0, s1;
	[sflag:s0] =	ssyncset.done @!p0 $0x0  }
0x84: {  	[sflag:s0] =	ssyncadd.s32 @!p0 s1  }
0x85: {  	[bflag:$0x3] =	sbarrier.arrive $0xFFFF  }
0x86: {  	_ =	shalt  }

// kernel: kernel.13.cloned.1.call-start
scs
__scs_entry_jumppad:
0x0: {  	(pc) =	sbr.rel $0x88, $3  }
0x1: {  	(tag) =	ssettag $0x0;
	lr =	simm.s32 $0x1  }
0x2: {  	[smem:$0x3F99] =	sst lr;
	_ =	strace $0xD0000000  }
0x3: {  	_ = 	snop  }
0x4: {  	_ = 	snop  }
0x5: {  	_ = 	snop  }
0x6: {  	_ = 	snop  }
0x7: {  	_ = 	snop  }
__scs_overlays_trampoline_lowered:
0x8: {  	[smem:$0x3FA8] =	sst s0  }
0x9: {  	[smem:$0x3FA9] =	sst s1  }
0xa: {  	[smem:$0x3FAA] =	sst s2  }
0xb: {  	[smem:$0x3FAB] =	sst s3  }
0xc: {  	[smem:$0x3FAC] =	sst s4  }
0xd: {  	[smem:$0x3FAD] =	sst s5  }
0xe: {  	[smem:$0x3FAE] =	sst s6  }
0xf: {  	[smem:$0x3FAF] =	sst s7  }
0x10: {  	[smem:$0x3FB0] =	sst s8  }
0x11: {  	[smem:$0x3FB1] =	sst s9;
	s0 =	simm.s32 @!p0 $0x0  }
0x12: {  	s1 =	sld [smem:$0x3F97];
	s0 =	simm.s32 @p0 $0x1  }
0x13: {  	[smem:$0x3FB2] =	sst s0;
	s0 =	simm.s32 @!p1 $0x0  }
0x14: {  	s2 =	sld [smem:$0x3F96];
	s0 =	simm.s32 @p1 $0x1  }
0x15: {  	[smem:$0x3FB3] =	sst s0;
	s0 =	simm.s32 @!p2 $0x0  }
0x16: {  	s3 =	sld [smem:$0x3FDB];
	s0 =	simm.s32 @p2 $0x1  }
0x17: {  	s4 =	simm.s32 $0x1BF5;
	[smem:$0x3FB5] =	sst s0  }
0x18: {  	s0 =	sld [smem:$0x3F98];
	_ =	swait.ge [sflag:s4], $0x0  }
0x19: {  	s7 =	sld [smem:$0x3F99]  }
0x1a: {  	s8 =	sadd.s32 $0xFFFFE003, lr  }
0x1b: {  	s9 =	sadd.s32 $0xFFFFFEF7, lr;
	s5 =	simm.s32 $0xFFFFFFFF;
	p2 =	slt.u32 s8, $0xFFFFF086  }
0x1c: {  	p1 =	slt.u32 s9, $0xF7A;
	s5 =	simm.s32 @!p2 $0x0  }
0x1d: {  	s5 =	simm.s32 @p1 $0x1;
	p0 =	seq.s32 s7, s2  }
0x1e: {  	s7 =	smul.u32 @!p0 $0xF7A, s2;
	p2 =	seq.s32 @!p0 s5, $0x0  }
0x1f: {  	s9 =	smul.u32 $0xF7A, s1;
	s8 =	simm.s32 @!p0 $0x1BF5;
	p2 =	por !p2, p0  }
0x20: {  	[sflag:s8] =	ssyncset.s32 @!p0 $0xFFFFF086;
	s6 =	sadd.s32 @!p0 s3, s7;
	s7 =	simm.s32 @!p0 $0x108  }
0x21: {  	s3 =	sadd.s32 s3, s9;
	s6 =	sadd.s32 @!p0 $0x88, s6;
	s7 =	simm.s32 @p2 $0x1082  }
0x22: {  	[simem:s7], [sflag:s8] =	dma.local @!p0 [hbm:s6], $0xF7A  }
0x23: {  	s9 =	sor.u32 $0xD0000000, s2;
	s6 =	simm.s32 $0x108;
	_ =	swait.ge @!p0 [sflag:s8], $0x0  }
0x24: {  	s3 =	sadd.s32 $0x88, s3;
	s6 =	simm.s32 @!p1 $0x1082;
	[sflag:s4] =	ssyncset.s32 $0xFFFFF086  }
0x25: {  	[simem:s6], [sflag:s4] =	dma.local [hbm:s3], $0xF7A  }
0x26: {  	[smem:$0x3F99] =	sst s1;
	(tag) =	ssettag s2;
	_ =	strace s9  }
0x27: {  	s1 =	sld [smem:$0x3FA9]  }
0x28: {  	s2 =	sld [smem:$0x3FAA]  }
0x29: {  	s4 =	sld [smem:$0x3FAC]  }
0x2a: {  	p0 =	seq.s32 s5, $0x0;
	s5 =	sld [smem:$0x3FAD]  }
0x2b: {  	s6 =	sld [smem:$0x3FAE]  }
0x2c: {  	s7 =	sld [smem:$0x3FAF]  }
0x2d: {  	s3 =	simm.s32 $0x108;
	s8 =	sld [smem:$0x3FB0]  }
0x2e: {  	s3 =	simm.s32 @!p0 $0x1082;
	s9 =	sld [smem:$0x3FB1]  }
0x2f: {  	lr =	sadd.s32 s0, s3;
	s0 =	sld [smem:$0x3FA8]  }
0x30: {  	s3 =	sld [smem:$0x3FAB]  }
0x31: {  	[smem:$0x3FB4] =	sst s10  }
0x32: {  	s10 =	sld [smem:$0x3FB2];
	_ =	sdelay $0x3  }
0x33: {  	p0 =	seq.s32 s10, $0x1;
	s10 =	sld [smem:$0x3FB4];
	_ =	sdelay $0x3  }
0x34: {  	[smem:$0x3FB4] =	sst s10  }
0x35: {  	s10 =	sld [smem:$0x3FB3];
	_ =	sdelay $0x3  }
0x36: {  	p1 =	seq.s32 s10, $0x1;
	s10 =	sld [smem:$0x3FB4];
	_ =	sdelay $0x3  }
0x37: {  	[smem:$0x3FB4] =	sst s10  }
0x38: {  	s10 =	sld [smem:$0x3FB5]  }
0x39: {  	_ = 	snop;
	(pc) =	sbr.ind lr, $3  }
0x3a: {  	_ = 	snop  }
0x3b: {  	_ = 	snop  }
0x3c: {  	p2 =	seq.s32 s10, $0x1;
	s10 =	sld [smem:$0x3FB4]  }
0x3d: {  	_ =	shalt  }
0x3e: {  	_ =	shalt  }
0x3f: {  	_ =	shalt  }
0x40: {  	_ =	shalt  }
0x41: {  	_ =	shalt  }
0x42: {  	_ =	shalt  }
0x43: {  	_ =	shalt  }
0x44: {  	_ =	shalt  }
0x45: {  	_ =	shalt  }
0x46: {  	_ =	shalt  }
0x47: {  	_ =	shalt  }
0x48: {  	_ =	shalt  }
0x49: {  	_ =	shalt  }
0x4a: {  	_ =	shalt  }
0x4b: {  	_ =	shalt  }
0x4c: {  	_ =	shalt  }
0x4d: {  	_ =	shalt  }
0x4e: {  	_ =	shalt  }
0x4f: {  	_ =	shalt  }
0x50: {  	_ =	shalt  }
0x51: {  	_ =	shalt  }
0x52: {  	_ =	shalt  }
0x53: {  	_ =	shalt  }
0x54: {  	_ =	shalt  }
0x55: {  	_ =	shalt  }
0x56: {  	_ =	shalt  }
0x57: {  	_ =	shalt  }
0x58: {  	_ =	shalt  }
0x59: {  	_ =	shalt  }
0x5a: {  	_ =	shalt  }
0x5b: {  	_ =	shalt  }
0x5c: {  	_ =	shalt  }
0x5d: {  	_ =	shalt  }
0x5e: {  	_ =	shalt  }
0x5f: {  	_ =	shalt  }
0x60: {  	_ =	shalt  }
0x61: {  	_ =	shalt  }
0x62: {  	_ =	shalt  }
0x63: {  	_ =	shalt  }
0x64: {  	_ =	shalt  }
0x65: {  	_ =	shalt  }
0x66: {  	_ =	shalt  }
0x67: {  	_ =	shalt  }
0x68: {  	_ =	shalt  }
0x69: {  	_ =	shalt  }
0x6a: {  	_ =	shalt  }
0x6b: {  	_ =	shalt  }
0x6c: {  	_ =	shalt  }
0x6d: {  	_ =	shalt  }
0x6e: {  	_ =	shalt  }
0x6f: {  	_ =	shalt  }
0x70: {  	_ =	shalt  }
0x71: {  	_ =	shalt  }
0x72: {  	_ =	shalt  }
0x73: {  	_ =	shalt  }
0x74: {  	_ =	shalt  }
0x75: {  	_ =	shalt  }
0x76: {  	_ =	shalt  }
0x77: {  	_ =	shalt  }
0x78: {  	_ =	shalt  }
0x79: {  	_ =	shalt  }
0x7a: {  	_ =	shalt  }
0x7b: {  	_ =	shalt  }
0x7c: {  	_ =	shalt  }
0x7d: {  	_ =	shalt  }
0x7e: {  	_ =	shalt  }
0x7f: {  	_ =	shalt  }
0x80: {  	_ =	shalt  }
0x81: {  	_ =	shalt  }
0x82: {  	_ =	shalt  }
0x83: {  	_ =	shalt  }
0x84: {  	_ =	shalt  }
0x85: {  	_ =	shalt  }
0x86: {  	_ =	shalt  }
0x87: {  	_ =	shalt  }
.Lfunc_end0:
.L_simem_size_0:
called_computation.1_lowered:
.L_overlay_start_0:
0x88: {  	s2 =	sld [smem:$0x3FD9]  }
0x89: {  	s3 =	sld [smem:$0x3FFE];
	_ =	sdelay $0x1  }
0x8a: {  	s1 =	srdreg.scid  }
0x8b: {  	s0 =	sand.u32 $0x1, s1  }
0x8c: {  	s17 =	sshll.u32 s0, $0xA;
	s2 =	sadd.s32 s3, s2  }
0x8d: {  	s2 =	sadd.s32 s2, s17  }
0x8e: {  	[smem:$0x3FC0] =	sst s2  }
0x8f: {  	_ = 	snop  }
0x90: {  	(tm) =	ssettm $0x1  }
0x91: {  	s18 =	sld [smem:$0x3FFB];
	_ =	sdelay $0x3  }
0x92: {  	_ =	strace s18  }
0x93: {  	s2 =	sld [smem:$0x3FFC];
	_ =	sdelay $0x3  }
0x94: {  	_ =	strace s2  }
0x95: {  	s2 =	sld [smem:$0x3FFD];
	_ =	sdelay $0x3  }
0x96: {  	_ =	strace s2  }
0x97: {  	_ =	strace $0x8FFFFFFF  }
0x98: {  	s19 =	sld [smem:$0x3FDB];
	_ =	sdelay $0x1  }
0x99: {  	s20 =	simm.s32 $_scs_section_size  }
0x9a: {  	s4 =	simm.s32 $_size__tile_overlayer_lowered;
	s5 =	simm.s32 $_tile_overlayer_lowered  }
0x9b: {  	s6 =	simm.s32 $0x1BFF;
	s21 =	sshll.u32 s5, $0x1;
	s3 =	sadd.s32 s20, s19  }
0x9c: {  	s22 =	simm.s32 $0x0;
	s4 =	sshll.u32 s4, $0x1;
	s5 =	sadd.s32 s21, s3  }
0x9d: {  	[timem:s22], [sflag:s6] =	dma.local [hbm:s5], s4  }
0x9e: {  	_ =	swait.ge [sflag:s6], s4  }
0x9f: {  	s4 =	ssub.s32 $0x0, s4;
	[sflag:s6] =	ssyncset.done $0x0  }
0xa0: {  	[sflag:s6] =	ssyncadd.s32 s4;
	_ =	sdelay $0x1  }
0xa1: {  	s23 =	simm.s32 $0x1B8B  }
0xa2: {  	_ =	swait.ge [sflag:s23], $0x1  }
0xa3: {  	[sflag:s23] =	ssyncset.done $0x0  }
0xa4: {  	[sflag:s23] =	ssyncadd.s32 $0xFFFFFFFF  }
0xa5: {  	s4 =	sld [smem:$0x0]  }
0xa6: {  	s5 =	sand.u32 $0xFFFFFFFE, s1  }
0xa7: {  	p0 =	sne.s32 s1, s5  }
0xa8: {  	s5 =	sshll.u32 @p0 s5, $0xE  }
0xa9: {  	s5 =	sadd.s32 @p0 $0x11B8D, s5;
	s6 =	sshll.u32 @p0 s4, $0x11  }
0xaa: {  	s5 =	sor.u32 @p0 s6, s5  }
0xab: {  	[sflag:s5] =	ssyncadd.remote.s32 @p0 $0x1;
	_ =	sdelay $0x1  }
0xac: {  	s5 =	simm.s32 @p0 $0x1B8D  }
0xad: {  	_ =	swait.eq @p0 [sflag:s5], $0x1  }
0xae: {  	[sflag:s5] =	ssyncadd.s32 @p0 $0xFFFFFFFF  }
0xaf: {  	s6 =	sshll.u32 @!p0 s1, $0xE  }
0xb0: {  	s6 =	sor.u32 @!p0 $0x4000, s6;
	s5 =	simm.s32 @!p0 $0x1B8D  }
0xb1: {  	s4 =	sshll.u32 @!p0 s4, $0x11;
	s6 =	sadd.s32 @!p0 $0x11B8D, s6;
	_ =	swait.eq @!p0 [sflag:s5], $0x1  }
0xb2: {  	s4 =	sor.u32 @!p0 s4, s6;
	[sflag:s5] =	ssyncadd.s32 @!p0 $0xFFFFFFFF  }
0xb3: {  	s25 =	simm.s32 $0x1B8E;
	s24 =	sld [smem:$0x3FFE];
	[sflag:s4] =	ssyncadd.remote.s32 @!p0 $0x1  }
0xb4: {  	s26 =	simm.s32 $execute0_lowered;
	[smem:$0x3FD2] =	sst s25  }
0xb5: {  	s5 =	sshll.u32 s26, $0x1;
	_ =	strace $0x80000049;
	[dreg:$0x1] =	wrdreg $0xFFFFFFFF  }
0xb6: {  	s28 =	simm.s32 $_size_execute0_lowered;
	s3 =	sadd.s32 s3, s5;
	[dreg:$0x0] =	wrdreg $0x0  }
0xb7: {  	s5 =	sshll.u32 s28, $0x1;
	[dreg:$0x2] =	wrdreg s3  }
0xb8: {  	[dreg:$0x3] =	wrdreg s5  }
0xb9: {  	[dreg:$0x4] =	wrdreg $0xC0  }
0xba: {  	_ =	task [dreg:s22], $0x5FFFF  }
0xbb: {  	[dreg:$0x1] =	wrdreg $0xFFFFFFFF  }
0xbc: {  	[dreg:$0x0] =	wrdreg $0x60  }
0xbd: {  	[dreg:$0x2] =	wrdreg s24  }
0xbe: {  	[dreg:$0x3] =	wrdreg $0x0  }
0xbf: {  	[dreg:$0x4] =	wrdreg $0xA  }
0xc0: {  	_ =	task.clear_ibuf [dreg:s22], $0x5FFFF;
	_ =	strace $0x90000049  }
0xc1: {  	s29 =	simm.s32 $0xA;
	_ =	strace $0x8000004B  }
0xc2: {  	_ =	swait.ge [sflag:s29], $0x1  }
0xc3: {  	[sflag:s29] =	ssyncadd.s32 $0xFFFFFFFF  }
0xc4: {  	_ =	strace $0x9000004B  }
0xc5: {  	_ =	sfence  }
0xc6: {  	s30 =	sld [smem:$0x0];
	_ =	sdelay $0x2  }
0xc7: {  	s31 =	sshll.u32 s1, $0xD;
	s1 =	sshrl.u32 s1, $0x2  }
0xc8: {  	s4 =	sand.u32 $0x4000, s31;
	s1 =	sadd.s32 s1, s30  }
0xc9: {  	s0 =	sor.u32 s4, s0;
	s1 =	sshll.u32 s1, $0x11  }
0xca: {  	s0 =	sor.u32 s1, s0  }
0xcb: {  	s0 =	sadd.s32 $0x8F2B, s0  }
0xcc: {  	[sflag:s0] =	ssyncadd.remote.s32 $0x1  }
0xcd: {  	_ =	sfence.sel $0xFFFF  }
0xce: {  	[dreg:$0x0] =	wrdreg $0xFFFFFFFF;
	(pc) =	sbr.abs _section_cstart, $3  }
0xcf: {  	[dreg:$0x1] =	wrdreg $0xFFFFFFFF  }
0xd0: {  	_ =	task.clear_ibuf [dreg:s22], $0x2FFFF;
	_ =	strace $0x9FFFFFFF  }
0xd1: {  	(tm) =	ssettm $0x7FFFFFFF  }
tec
execute0_lowered:
.L_overlay_start_1:
0x0: {  	(tag) =	ssettag $0x1  }
0x1: {  	s0 =	srdreg.scid  }
0x2: {  	s1 =	rddreg [dreg:$0x0];
	s7 =	stileid.u32  }
0x3: {  	s2 =	rddreg [dreg:$0x1];
	s17 =	simm.s32 $0x13880;
	s18 =	simm.s32 $0x7  }
0x4: {  	s20 =	simm.s32 $0x186A0;
	s21 =	simm.s32 $0x50;
	s23 =	simm.s32 $0x1AEA0  }
0x5: {  	s28 =	simm.s32 $0x2;
	s29 =	simm.s32 $0x3;
	s0 =	sand.u32 $0x1, s0  }
0x6: {  	s30 =	simm.s32 $0x4;
	s31 =	simm.s32 $0x5;
	s3 =	sshll.u32 s0, $0x4  }
0x7: {  	s24 =	simm.s32 $0x0;
	s4 =	sor.u32 s7, s3;
	s7 =	smul.u32 $0x4E200, s7  }
0x8: {  	s0 =	ssub.s32 $0x2, s0;
	s3 =	simm.s32 $0x0;
	s5 =	smul.u32 $0x4E2, s4  }
0x9: {  	s25 =	sshrl.u32 s0, $0x1;
	[smem:$0x7FF] =	sst s3;
	s6 =	smul.u32 $0x2710, s4  }
0xa: {  	s4 =	sadd.s32 $0x20200, s1;
	s0 =	ssub.s32 s0, s25;
	s25 =	simm.s32 $0x1D6A0  }
0xb: {  	_ =	strace $0x8000004A;
	s26 =	sshrl.u32 s7, $0x2;
	s16 =	smax.u32 s0, $0x1  }
0xc: {  	s8 =	sadd.s32 s5, s1;
	s1 =	sadd.s32 s6, s1;
	s6 =	sadd.s32 s26, s2  }
0xd: {  	s26 =	simm.s32 $0x1;
	s5 =	sadd.s32 $0xC600, s8;
	s7 =	sadd.s32 $0x2800, s8  }
0xe: {  	s8 =	sadd.s32 $0x2800, s6;
	s9 =	sadd.s32 $0x5000, s6;
	s10 =	sadd.s32 $0x7800, s6  }
0xf: {  	s11 =	sadd.s32 $0xA000, s6;
	s12 =	sadd.s32 $0xC800, s6;
	s13 =	sadd.s32 $0xF000, s6  }
0x10: {  	v0 =	vimm.f32 $0.0e+00;
	s14 =	sadd.s32 $0x11800, s6;
	s15 =	sadd.s32 $0x47400, s1;
	s1 =	simm.s32 $0x6  }
.LBB2_1:
0x11: {  	[tilespmem:s17], [sflag:$0x7] =	stream.linear.gather [hbm4b:s5+s3], $0x2710, $0x38;
	[tilespmem:$0x1FEA0] =	vst v63  }
0x12: {  	_ =	swait.ge [sflag:s18], $0x2710  }
0x13: {  	[sflag:s18] =	ssyncset.done $0x0  }
0x14: {  	s0 =	simm.s32 $0x15F90;
	[sflag:s18] =	ssyncadd.s32 $0xFFFFD8F0  }
0x15: {  	[tilespmem:s0], [sflag:$0x7] =	stream.linear.gather [hbm4b:s7+s3], $0x2710, $0x38;
	[tilespmem:$0x1FEA0] =	vst v63  }
0x16: {  	_ =	swait.ge [sflag:s18], $0x2710  }
0x17: {  	[sflag:s18] =	ssyncset.done $0x0  }
0x18: {  	s19 =	simm.s32 $0x200;
	s0 =	simm.s32 $0x0;
	[sflag:s18] =	ssyncadd.s32 $0xFFFFD8F0  }
.LBB2_2:
0x19: {  	p0 =	sne.s32 s19, $0x9E00;
	[tilespmem:s0+$0x18710] =	vst v0  }
0x1a: {  	[tilespmem:s0+$0x186A0] =	vst v0  }
0x1b: {  	[tilespmem:s0+$0x186B0] =	vst v0  }
.Ltmp0:
0x1c: {  	[tilespmem:s0+$0x186C0] =	vst v0;
	(pc) =	sbr.rel @p0 .LBB2_2-.Ltmp0, $4  }
0x1d: {  	[tilespmem:s0+$0x186D0] =	vst v0  }
0x1e: {  	[tilespmem:s0+$0x186E0] =	vst v0  }
0x1f: {  	[tilespmem:s0+$0x186F0] =	vst v0  }
0x20: {  	[tilespmem:s0+$0x18700] =	vst v0;
	s0 =	sshra.s32 s19, $0x2;
	s19 =	sadd.s32 $0x200, s19  }
0x21: {  	[tilespmem:s0+$0x18710] =	vst v0  }
0x22: {  	[tilespmem:s0+$0x186A0] =	vst v0  }
0x23: {  	[tilespmem:s0+$0x186B0] =	vst v0  }
0x24: {  	[tilespmem:s0+$0x186C0] =	vst v0  }
0x25: {  	[tilespmem:s0+$0x186D0] =	vst v0  }
0x26: {  	[tilespmem:s0+$0x186E0] =	vst v0  }
0x27: {  	[tilespmem:s0+$0x186F0] =	vst v0  }
0x28: {  	[tilespmem:s0+$0x18700] =	vst v0  }
0x29: {  	[spmem:s6] =	stream.linear.scatter [tilespmem:s20], [sflag:$0x7], $0x2800, $0x38;
	[tilespmem:$0x1FEA0] =	vst v63  }
0x2a: {  	_ =	swait.ge [sflag:s18], $0x2800  }
0x2b: {  	[sflag:s18] =	ssyncset.done $0x0  }
0x2c: {  	[sflag:s18] =	ssyncadd.s32 $0xFFFFD800  }
0x2d: {  	[spmem:s8] =	stream.linear.scatter [tilespmem:s20], [sflag:$0x7], $0x2800, $0x38;
	[tilespmem:$0x1FEA0] =	vst v63  }
0x2e: {  	_ =	swait.ge [sflag:s18], $0x2800  }
0x2f: {  	[sflag:s18] =	ssyncset.done $0x0  }
0x30: {  	[sflag:s18] =	ssyncadd.s32 $0xFFFFD800  }
0x31: {  	[spmem:s9] =	stream.linear.scatter [tilespmem:s20], [sflag:$0x7], $0x2800, $0x38;
	[tilespmem:$0x1FEA0] =	vst v63  }
0x32: {  	_ =	swait.ge [sflag:s18], $0x2800  }
0x33: {  	[sflag:s18] =	ssyncset.done $0x0  }
0x34: {  	[sflag:s18] =	ssyncadd.s32 $0xFFFFD800  }
0x35: {  	[spmem:s10] =	stream.linear.scatter [tilespmem:s20], [sflag:$0x7], $0x2800, $0x38;
	[tilespmem:$0x1FEA0] =	vst v63  }
0x36: {  	_ =	swait.ge [sflag:s18], $0x2800  }
0x37: {  	[sflag:s18] =	ssyncset.done $0x0  }
0x38: {  	[sflag:s18] =	ssyncadd.s32 $0xFFFFD800  }
0x39: {  	[spmem:s11] =	stream.linear.scatter [tilespmem:s20], [sflag:$0x7], $0x2800, $0x38;
	[tilespmem:$0x1FEA0] =	vst v63  }
0x3a: {  	_ =	swait.ge [sflag:s18], $0x2800  }
0x3b: {  	[sflag:s18] =	ssyncset.done $0x0  }
0x3c: {  	[sflag:s18] =	ssyncadd.s32 $0xFFFFD800  }
0x3d: {  	[spmem:s12] =	stream.linear.scatter [tilespmem:s20], [sflag:$0x7], $0x2800, $0x38;
	[tilespmem:$0x1FEA0] =	vst v63  }
0x3e: {  	_ =	swait.ge [sflag:s18], $0x2800  }
0x3f: {  	[sflag:s18] =	ssyncset.done $0x0  }
0x40: {  	[sflag:s18] =	ssyncadd.s32 $0xFFFFD800  }
0x41: {  	[spmem:s13] =	stream.linear.scatter [tilespmem:s20], [sflag:$0x7], $0x2800, $0x38;
	[tilespmem:$0x1FEA0] =	vst v63  }
0x42: {  	_ =	swait.ge [sflag:s18], $0x2800  }
0x43: {  	[sflag:s18] =	ssyncset.done $0x0  }
0x44: {  	[sflag:s18] =	ssyncadd.s32 $0xFFFFD800  }
0x45: {  	[spmem:s14] =	stream.linear.scatter [tilespmem:s20], [sflag:$0x7], $0x2080, $0x38;
	[tilespmem:$0x1FEA0] =	vst v63  }
0x46: {  	_ =	swait.ge [sflag:s18], $0x2080  }
0x47: {  	[sflag:s18] =	ssyncset.done $0x0  }
0x48: {  	[sflag:s18] =	ssyncadd.s32 $0xFFFFDF80  }
0x49: {  	[bflag:$0x0] =	sbarrier.arrive $0xFFFF  }
0x4a: {  	[tilespmem:s20], [sflag:$0x1] =	stream.indirect.gather [hbm4b:s4+s21], $0x80, s17, s21, $0xb8;
	[tilespmem:$0x1FEA0] =	vst v63  }
0x4b: {  	s22 =	simm.s32 $0x138D0  }
0x4c: {  	[tilespmem:s23], [sflag:$0x2] =	stream.indirect.gather [hbm4b:s4+s21], $0x80, s22, s21, $0xb8;
	[tilespmem:$0x1FEA0] =	vst v63  }
0x4d: {  	s19 =	simm.s32 $0x13920  }
0x4e: {  	[tilespmem:s25], [sflag:$0x3] =	stream.indirect.gather [hbm4b:s4+s21], $0x80, s19, s21, $0xb8;
	[tilespmem:$0x1FEA0] =	vst v63  }
0x4f: {  	_ =	swait.ge [sflag:s26], $0x2800  }
0x50: {  	[sflag:s26] =	ssyncset.done $0x0  }
0x51: {  	s22 =	simm.s32 $0x15F90;
	[sflag:s26] =	ssyncadd.s32 $0xFFFFD800  }
0x52: {  	[spmem:s2] =	stream.indirect.scatter.add.f32 [tilespmem:s20], [sflag:$0x4], $0x80, s22, s21, $0xb8;
	[tilespmem:$0x1FEA0] =	vst v63  }
0x53: {  	_ =	swait.ge [sflag:s28], $0x2800  }
0x54: {  	[sflag:s28] =	ssyncset.done $0x0  }
0x55: {  	s19 =	simm.s32 $0x15FE0;
	[sflag:s28] =	ssyncadd.s32 $0xFFFFD800  }
0x56: {  	[spmem:s2] =	stream.indirect.scatter.add.f32 [tilespmem:s23], [sflag:$0x5], $0x80, s19, s21, $0xb8;
	[tilespmem:$0x1FEA0] =	vst v63  }
0x57: {  	_ =	swait.ge [sflag:s29], $0x2800  }
0x58: {  	[sflag:s29] =	ssyncset.done $0x0  }
0x59: {  	s22 =	simm.s32 $0x16030;
	[sflag:s29] =	ssyncadd.s32 $0xFFFFD800  }
0x5a: {  	[spmem:s2] =	stream.indirect.scatter.add.f32 [tilespmem:s25], [sflag:$0x6], $0x80, s22, s21, $0xb8;
	[tilespmem:$0x1FEA0] =	vst v63  }
0x5b: {  	_ =	swait.ge [sflag:s30], $0x2800  }
0x5c: {  	[sflag:s30] =	ssyncset.done $0x0  }
0x5d: {  	s19 =	simm.s32 $0x13970;
	[sflag:s30] =	ssyncadd.s32 $0xFFFFD800  }
0x5e: {  	[tilespmem:s20], [sflag:$0x1] =	stream.indirect.gather [hbm4b:s4+s21], $0x80, s19, s21, $0xb8;
	[tilespmem:$0x1FEA0] =	vst v63  }
0x5f: {  	_ =	swait.ge [sflag:s31], $0x2800  }
0x60: {  	[sflag:s31] =	ssyncset.done $0x0  }
0x61: {  	s22 =	simm.s32 $0x139C0;
	[sflag:s31] =	ssyncadd.s32 $0xFFFFD800  }
0x62: {  	[tilespmem:s23], [sflag:$0x2] =	stream.indirect.gather [hbm4b:s4+s21], $0x80, s22, s21, $0xb8;
	[tilespmem:$0x1FEA0] =	vst v63  }
0x63: {  	_ =	swait.ge [sflag:s1], $0x2800  }
0x64: {  	[sflag:s1] =	ssyncset.done $0x0  }
0x65: {  	s0 =	simm.s32 $0x3C0;
	s19 =	simm.s32 $0x13A10;
	[sflag:s1] =	ssyncadd.s32 $0xFFFFD800  }
.LBB2_4:
0x66: {  	[tilespmem:s25], [sflag:$0x3] =	stream.indirect.gather [hbm4b:s4+s21], $0x80, s19, s21, $0xb8;
	[tilespmem:$0x1FEA0] =	vst v63  }
0x67: {  	s19 =	smov.u32 s0  }
0x68: {  	p0 =	sne.s32 s0, $0x9240;
	s0 =	sadd.s32 $0x3C0, s0;
	_ =	swait.ge [sflag:s26], $0x2800  }
0x69: {  	s19 =	sshra.s32 s19, $0x2;
	[sflag:s26] =	ssyncset.done $0x0  }
0x6a: {  	s22 =	sadd.s32 $0x15F90, s19;
	[sflag:s26] =	ssyncadd.s32 $0xFFFFD800  }
0x6b: {  	[spmem:s2] =	stream.indirect.scatter.add.f32 [tilespmem:s20], [sflag:$0x4], $0x80, s22, s21, $0xb8;
	[tilespmem:$0x1FEA0] =	vst v63  }
0x6c: {  	_ =	swait.ge [sflag:s28], $0x2800  }
0x6d: {  	[sflag:s28] =	ssyncset.done $0x0  }
0x6e: {  	s22 =	sadd.s32 $0x15FE0, s19;
	[sflag:s28] =	ssyncadd.s32 $0xFFFFD800  }
0x6f: {  	[spmem:s2] =	stream.indirect.scatter.add.f32 [tilespmem:s23], [sflag:$0x5], $0x80, s22, s21, $0xb8;
	[tilespmem:$0x1FEA0] =	vst v63  }
0x70: {  	_ =	swait.ge [sflag:s29], $0x2800  }
0x71: {  	[sflag:s29] =	ssyncset.done $0x0  }
0x72: {  	s22 =	sadd.s32 $0x16030, s19;
	[sflag:s29] =	ssyncadd.s32 $0xFFFFD800  }
0x73: {  	[spmem:s2] =	stream.indirect.scatter.add.f32 [tilespmem:s25], [sflag:$0x6], $0x80, s22, s21, $0xb8;
	[tilespmem:$0x1FEA0] =	vst v63  }
0x74: {  	_ =	swait.ge [sflag:s30], $0x2800  }
0x75: {  	[sflag:s30] =	ssyncset.done $0x0  }
0x76: {  	s22 =	sadd.s32 $0x13970, s19;
	[sflag:s30] =	ssyncadd.s32 $0xFFFFD800  }
0x77: {  	[tilespmem:s20], [sflag:$0x1] =	stream.indirect.gather [hbm4b:s4+s21], $0x80, s22, s21, $0xb8;
	[tilespmem:$0x1FEA0] =	vst v63  }
0x78: {  	_ =	swait.ge [sflag:s31], $0x2800  }
0x79: {  	[sflag:s31] =	ssyncset.done $0x0  }
.Ltmp1:
0x7a: {  	s22 =	sadd.s32 $0x139C0, s19;
	[sflag:s31] =	ssyncadd.s32 $0xFFFFD800;
	(pc) =	sbr.rel @p0 .LBB2_4-.Ltmp1, $4  }
0x7b: {  	[tilespmem:s23], [sflag:$0x2] =	stream.indirect.gather [hbm4b:s4+s21], $0x80, s22, s21, $0xb8;
	[tilespmem:$0x1FEA0] =	vst v63  }
0x7c: {  	_ =	swait.ge [sflag:s1], $0x2800  }
0x7d: {  	[sflag:s1] =	ssyncset.done $0x0  }
0x7e: {  	s19 =	sadd.s32 $0x13A10, s19;
	[sflag:s1] =	ssyncadd.s32 $0xFFFFD800  }
0x7f: {  	[tilespmem:s25], [sflag:$0x3] =	stream.indirect.gather [hbm4b:s4+s21], $0x80, s19, s21, $0xb8;
	[tilespmem:$0x1FEA0] =	vst v63  }
0x80: {  	_ =	swait.ge [sflag:s26], $0x2800  }
0x81: {  	[sflag:s26] =	ssyncset.done $0x0  }
0x82: {  	s0 =	simm.s32 $0x18510;
	[sflag:s26] =	ssyncadd.s32 $0xFFFFD800  }
0x83: {  	[spmem:s2] =	stream.indirect.scatter.add.f32 [tilespmem:s20], [sflag:$0x4], $0x80, s0, s21, $0xb8;
	[tilespmem:$0x1FEA0] =	vst v63  }
0x84: {  	_ =	swait.ge [sflag:s28], $0x2800  }
0x85: {  	[sflag:s28] =	ssyncset.done $0x0  }
0x86: {  	s19 =	simm.s32 $0x18560;
	[sflag:s28] =	ssyncadd.s32 $0xFFFFD800  }
0x87: {  	[spmem:s2] =	stream.indirect.scatter.add.f32 [tilespmem:s23], [sflag:$0x5], $0x80, s19, s21, $0xb8;
	[tilespmem:$0x1FEA0] =	vst v63  }
0x88: {  	_ =	swait.ge [sflag:s29], $0x2800  }
0x89: {  	[sflag:s29] =	ssyncset.done $0x0  }
0x8a: {  	s22 =	simm.s32 $0x185B0;
	[sflag:s29] =	ssyncadd.s32 $0xFFFFD800  }
0x8b: {  	[spmem:s2] =	stream.indirect.scatter.add.f32 [tilespmem:s25], [sflag:$0x6], $0x80, s22, s21, $0xb8;
	[tilespmem:$0x1FEA0] =	vst v63  }
0x8c: {  	_ =	swait.ge [sflag:s30], $0x2800  }
0x8d: {  	[sflag:s30] =	ssyncset.done $0x0  }
0x8e: {  	s19 =	simm.s32 $0x15EF0;
	[sflag:s30] =	ssyncadd.s32 $0xFFFFD800  }
0x8f: {  	[tilespmem:s20], [sflag:$0x1] =	stream.indirect.gather [hbm4b:s4+s21], $0x80, s19, s21, $0xb8;
	[tilespmem:$0x1FEA0] =	vst v63  }
0x90: {  	_ =	swait.ge [sflag:s31], $0x2800  }
0x91: {  	[sflag:s31] =	ssyncset.done $0x0  }
0x92: {  	s22 =	simm.s32 $0x15F40;
	[sflag:s31] =	ssyncadd.s32 $0xFFFFD800  }
0x93: {  	[tilespmem:s23], [sflag:$0x2] =	stream.indirect.gather [hbm4b:s4+s21], $0x80, s22, s21, $0xb8;
	[tilespmem:$0x1FEA0] =	vst v63  }
0x94: {  	_ =	swait.ge [sflag:s1], $0x2800  }
0x95: {  	[sflag:s1] =	ssyncset.done $0x0  }
0x96: {  	[sflag:s1] =	ssyncadd.s32 $0xFFFFD800  }
0x97: {  	_ =	swait.ge [sflag:s26], $0x2800  }
0x98: {  	[sflag:s26] =	ssyncset.done $0x0  }
0x99: {  	s19 =	simm.s32 $0x18600;
	[sflag:s26] =	ssyncadd.s32 $0xFFFFD800  }
0x9a: {  	[spmem:s2] =	stream.indirect.scatter.add.f32 [tilespmem:s20], [sflag:$0x4], $0x80, s19, s21, $0xb8;
	[tilespmem:$0x1FEA0] =	vst v63  }
0x9b: {  	_ =	swait.ge [sflag:s28], $0x2800  }
0x9c: {  	[sflag:s28] =	ssyncset.done $0x0  }
0x9d: {  	s22 =	simm.s32 $0x18650;
	[sflag:s28] =	ssyncadd.s32 $0xFFFFD800  }
0x9e: {  	[spmem:s2] =	stream.indirect.scatter.add.f32 [tilespmem:s23], [sflag:$0x5], $0x80, s22, s21, $0xb8;
	[tilespmem:$0x1FEA0] =	vst v63  }
0x9f: {  	_ =	swait.ge [sflag:s30], $0x2800  }
0xa0: {  	[sflag:s30] =	ssyncset.done $0x0  }
0xa1: {  	[sflag:s30] =	ssyncadd.s32 $0xFFFFD800  }
0xa2: {  	s19 =	stileid.u32;
	_ =	swait.ge [sflag:s31], $0x2800  }
0xa3: {  	s24 =	sadd.s32 $0x1, s24;
	s0 =	sshll.u32 s19, $0x6;
	[sflag:s31] =	ssyncset.done $0x0  }
0xa4: {  	p0 =	sne.s32 s24, s16;
	s0 =	sor.u32 $0x1C07, s0;
	[sflag:s31] =	ssyncadd.s32 $0xFFFFD800  }
.Ltmp2:
0xa5: {  	s22 =	sshrl.u32 s6, $0x3;
	[bflag:$0x0] =	sbarrier.arrive $0xFFFF;
	(pc) =	sbr.rel @p0 .LBB2_1-.Ltmp2, $4  }
0xa6: {  	[hbm:s15], [sflag:s0] =	dma.local [spmem:s22], $0x2710  }
0xa7: {  	_ =	swait.ge [sflag:s18], $0x2710  }
0xa8: {  	[sflag:s18] =	ssyncset.done $0x0  }
0xa9: {  	[sflag:s18] =	ssyncadd.s32 $0xFFFFD8F0  }
0xaa: {  	_ =	sfence.sel $0x180000  }
0xab: {  	[bflag:$0x0] =	sbarrier.arrive $0xFFFF  }
0xac: {  	_ =	strace $0x9000004A  }
0xad: {  	s0 =	stileid.u32;
	[bflag:$0x2] =	sbarrier.arrive $0xFFFF  }
0xae: {  	p0 =	sne.s32 s0, $0x0;
	s0 =	rddreg [dreg:$0x2]  }
0xaf: {  	s0 =	sadd.s32 @!p0 $0x100000, s0  }
0xb0: {  	[sflag:s0] =	ssyncadd.tile.s32 @!p0 $0x1;
	_ =	shalt  }
.Lfunc_end2:
_tile_overlayer_lowered:
.L_overlay_start_2:
0xb1: {  	(tag) =	ssettag $0x2  }
0xb2: {  	s0 =	rddreg [dreg:$0x0];
	s2 =	stileid.u32  }
0xb3: {  	s1 =	rddreg [dreg:$0x1];
	p0 =	sne.s32 s2, $0x0  }
0xb4: {  	s3 =	rddreg [dreg:$0x2];
	[bflag:$0x3] =	sbarrier.arrive $0xFFFF;
	s2 =	simm.s32 @!p0 $0x1C07  }
0xb5: {  	[timem:s3], [sflag:s2] =	dma.local @!p0 [hbm:s0], s1  }
0xb6: {  	s0 =	simm.s32 @!p0 $0x7  }
0xb7: {  	_ =	swait.ge @!p0 [sflag:s0], s1  }
0xb8: {  	s1 =	ssub.s32 @!p0 $0x0, s1;
	[sflag:s0] =	ssyncset.done @!p0 $0x0  }
0xb9: {  	[sflag:s0] =	ssyncadd.s32 @!p0 s1  }
0xba: {  	[bflag:$0x3] =	sbarrier.arrive $0xFFFF  }
0xbb: {  	_ =	shalt  }

// kernel: kernel.16.cloned.1.call-start
scs
__scs_entry_jumppad:
0x0: {  	(pc) =	sbr.rel $0x88, $3  }
0x1: {  	(tag) =	ssettag $0x0;
	lr =	simm.s32 $0x1  }
0x2: {  	[smem:$0x3F99] =	sst lr;
	_ =	strace $0xD0000000  }
0x3: {  	_ = 	snop  }
0x4: {  	_ = 	snop  }
0x5: {  	_ = 	snop  }
0x6: {  	_ = 	snop  }
0x7: {  	_ = 	snop  }
__scs_overlays_trampoline_lowered:
0x8: {  	[smem:$0x3FA8] =	sst s0  }
0x9: {  	[smem:$0x3FA9] =	sst s1  }
0xa: {  	[smem:$0x3FAA] =	sst s2  }
0xb: {  	[smem:$0x3FAB] =	sst s3  }
0xc: {  	[smem:$0x3FAC] =	sst s4  }
0xd: {  	[smem:$0x3FAD] =	sst s5  }
0xe: {  	[smem:$0x3FAE] =	sst s6  }
0xf: {  	[smem:$0x3FAF] =	sst s7  }
0x10: {  	[smem:$0x3FB0] =	sst s8  }
0x11: {  	[smem:$0x3FB1] =	sst s9;
	s0 =	simm.s32 @!p0 $0x0  }
0x12: {  	s1 =	sld [smem:$0x3F97];
	s0 =	simm.s32 @p0 $0x1  }
0x13: {  	[smem:$0x3FB2] =	sst s0;
	s0 =	simm.s32 @!p1 $0x0  }
0x14: {  	s2 =	sld [smem:$0x3F96];
	s0 =	simm.s32 @p1 $0x1  }
0x15: {  	[smem:$0x3FB3] =	sst s0;
	s0 =	simm.s32 @!p2 $0x0  }
0x16: {  	s3 =	sld [smem:$0x3FDB];
	s0 =	simm.s32 @p2 $0x1  }
0x17: {  	s4 =	simm.s32 $0x1BF5;
	[smem:$0x3FB5] =	sst s0  }
0x18: {  	s0 =	sld [smem:$0x3F98];
	_ =	swait.ge [sflag:s4], $0x0  }
0x19: {  	s7 =	sld [smem:$0x3F99]  }
0x1a: {  	s8 =	sadd.s32 $0xFFFFE003, lr  }
0x1b: {  	s9 =	sadd.s32 $0xFFFFFEF7, lr;
	s5 =	simm.s32 $0xFFFFFFFF;
	p2 =	slt.u32 s8, $0xFFFFF086  }
0x1c: {  	p1 =	slt.u32 s9, $0xF7A;
	s5 =	simm.s32 @!p2 $0x0  }
0x1d: {  	s5 =	simm.s32 @p1 $0x1;
	p0 =	seq.s32 s7, s2  }
0x1e: {  	s7 =	smul.u32 @!p0 $0xF7A, s2;
	p2 =	seq.s32 @!p0 s5, $0x0  }
0x1f: {  	s9 =	smul.u32 $0xF7A, s1;
	s8 =	simm.s32 @!p0 $0x1BF5;
	p2 =	por !p2, p0  }
0x20: {  	[sflag:s8] =	ssyncset.s32 @!p0 $0xFFFFF086;
	s6 =	sadd.s32 @!p0 s3, s7;
	s7 =	simm.s32 @!p0 $0x108  }
0x21: {  	s3 =	sadd.s32 s3, s9;
	s6 =	sadd.s32 @!p0 $0x88, s6;
	s7 =	simm.s32 @p2 $0x1082  }
0x22: {  	[simem:s7], [sflag:s8] =	dma.local @!p0 [hbm:s6], $0xF7A  }
0x23: {  	s9 =	sor.u32 $0xD0000000, s2;
	s6 =	simm.s32 $0x108;
	_ =	swait.ge @!p0 [sflag:s8], $0x0  }
0x24: {  	s3 =	sadd.s32 $0x88, s3;
	s6 =	simm.s32 @!p1 $0x1082;
	[sflag:s4] =	ssyncset.s32 $0xFFFFF086  }
0x25: {  	[simem:s6], [sflag:s4] =	dma.local [hbm:s3], $0xF7A  }
0x26: {  	[smem:$0x3F99] =	sst s1;
	(tag) =	ssettag s2;
	_ =	strace s9  }
0x27: {  	s1 =	sld [smem:$0x3FA9]  }
0x28: {  	s2 =	sld [smem:$0x3FAA]  }
0x29: {  	s4 =	sld [smem:$0x3FAC]  }
0x2a: {  	p0 =	seq.s32 s5, $0x0;
	s5 =	sld [smem:$0x3FAD]  }
0x2b: {  	s6 =	sld [smem:$0x3FAE]  }
0x2c: {  	s7 =	sld [smem:$0x3FAF]  }
0x2d: {  	s3 =	simm.s32 $0x108;
	s8 =	sld [smem:$0x3FB0]  }
0x2e: {  	s3 =	simm.s32 @!p0 $0x1082;
	s9 =	sld [smem:$0x3FB1]  }
0x2f: {  	lr =	sadd.s32 s0, s3;
	s0 =	sld [smem:$0x3FA8]  }
0x30: {  	s3 =	sld [smem:$0x3FAB]  }
0x31: {  	[smem:$0x3FB4] =	sst s10  }
0x32: {  	s10 =	sld [smem:$0x3FB2];
	_ =	sdelay $0x3  }
0x33: {  	p0 =	seq.s32 s10, $0x1;
	s10 =	sld [smem:$0x3FB4];
	_ =	sdelay $0x3  }
0x34: {  	[smem:$0x3FB4] =	sst s10  }
0x35: {  	s10 =	sld [smem:$0x3FB3];
	_ =	sdelay $0x3  }
0x36: {  	p1 =	seq.s32 s10, $0x1;
	s10 =	sld [smem:$0x3FB4];
	_ =	sdelay $0x3  }
0x37: {  	[smem:$0x3FB4] =	sst s10  }
0x38: {  	s10 =	sld [smem:$0x3FB5]  }
0x39: {  	_ = 	snop;
	(pc) =	sbr.ind lr, $3  }
0x3a: {  	_ = 	snop  }
0x3b: {  	_ = 	snop  }
0x3c: {  	p2 =	seq.s32 s10, $0x1;
	s10 =	sld [smem:$0x3FB4]  }
0x3d: {  	_ =	shalt  }
0x3e: {  	_ =	shalt  }
0x3f: {  	_ =	shalt  }
0x40: {  	_ =	shalt  }
0x41: {  	_ =	shalt  }
0x42: {  	_ =	shalt  }
0x43: {  	_ =	shalt  }
0x44: {  	_ =	shalt  }
0x45: {  	_ =	shalt  }
0x46: {  	_ =	shalt  }
0x47: {  	_ =	shalt  }
0x48: {  	_ =	shalt  }
0x49: {  	_ =	shalt  }
0x4a: {  	_ =	shalt  }
0x4b: {  	_ =	shalt  }
0x4c: {  	_ =	shalt  }
0x4d: {  	_ =	shalt  }
0x4e: {  	_ =	shalt  }
0x4f: {  	_ =	shalt  }
0x50: {  	_ =	shalt  }
0x51: {  	_ =	shalt  }
0x52: {  	_ =	shalt  }
0x53: {  	_ =	shalt  }
0x54: {  	_ =	shalt  }
0x55: {  	_ =	shalt  }
0x56: {  	_ =	shalt  }
0x57: {  	_ =	shalt  }
0x58: {  	_ =	shalt  }
0x59: {  	_ =	shalt  }
0x5a: {  	_ =	shalt  }
0x5b: {  	_ =	shalt  }
0x5c: {  	_ =	shalt  }
0x5d: {  	_ =	shalt  }
0x5e: {  	_ =	shalt  }
0x5f: {  	_ =	shalt  }
0x60: {  	_ =	shalt  }
0x61: {  	_ =	shalt  }
0x62: {  	_ =	shalt  }
0x63: {  	_ =	shalt  }
0x64: {  	_ =	shalt  }
0x65: {  	_ =	shalt  }
0x66: {  	_ =	shalt  }
0x67: {  	_ =	shalt  }
0x68: {  	_ =	shalt  }
0x69: {  	_ =	shalt  }
0x6a: {  	_ =	shalt  }
0x6b: {  	_ =	shalt  }
0x6c: {  	_ =	shalt  }
0x6d: {  	_ =	shalt  }
0x6e: {  	_ =	shalt  }
0x6f: {  	_ =	shalt  }
0x70: {  	_ =	shalt  }
0x71: {  	_ =	shalt  }
0x72: {  	_ =	shalt  }
0x73: {  	_ =	shalt  }
0x74: {  	_ =	shalt  }
0x75: {  	_ =	shalt  }
0x76: {  	_ =	shalt  }
0x77: {  	_ =	shalt  }
0x78: {  	_ =	shalt  }
0x79: {  	_ =	shalt  }
0x7a: {  	_ =	shalt  }
0x7b: {  	_ =	shalt  }
0x7c: {  	_ =	shalt  }
0x7d: {  	_ =	shalt  }
0x7e: {  	_ =	shalt  }
0x7f: {  	_ =	shalt  }
0x80: {  	_ =	shalt  }
0x81: {  	_ =	shalt  }
0x82: {  	_ =	shalt  }
0x83: {  	_ =	shalt  }
0x84: {  	_ =	shalt  }
0x85: {  	_ =	shalt  }
0x86: {  	_ =	shalt  }
0x87: {  	_ =	shalt  }
.Lfunc_end0:
.L_simem_size_0:
called_computation.2_lowered:
.L_overlay_start_0:
0x88: {  	s2 =	sld [smem:$0x3FD9]  }
0x89: {  	s3 =	sld [smem:$0x3FFE];
	_ =	sdelay $0x1  }
0x8a: {  	s1 =	srdreg.scid  }
0x8b: {  	s0 =	sand.u32 $0x1, s1  }
0x8c: {  	s16 =	sshll.u32 s0, $0xA;
	s2 =	sadd.s32 s3, s2  }
0x8d: {  	s2 =	sadd.s32 s2, s16  }
0x8e: {  	[smem:$0x3FC0] =	sst s2  }
0x8f: {  	_ = 	snop  }
0x90: {  	(tm) =	ssettm $0x1  }
0x91: {  	s17 =	sld [smem:$0x3FFB];
	_ =	sdelay $0x3  }
0x92: {  	_ =	strace s17  }
0x93: {  	s2 =	sld [smem:$0x3FFC];
	_ =	sdelay $0x3  }
0x94: {  	_ =	strace s2  }
0x95: {  	s2 =	sld [smem:$0x3FFD];
	_ =	sdelay $0x3  }
0x96: {  	_ =	strace s2  }
0x97: {  	_ =	strace $0x8FFFFFFF  }
0x98: {  	s18 =	sld [smem:$0x3FDB];
	_ =	sdelay $0x1  }
0x99: {  	s19 =	simm.s32 $_scs_section_size  }
0x9a: {  	s4 =	simm.s32 $_size__tile_overlayer_lowered;
	s5 =	simm.s32 $_tile_overlayer_lowered  }
0x9b: {  	s22 =	simm.s32 $0x1BFF;
	s21 =	sshll.u32 s5, $0x1;
	s2 =	sadd.s32 s19, s18  }
0x9c: {  	s6 =	simm.s32 $0x0;
	s20 =	sshll.u32 s4, $0x1;
	s4 =	sadd.s32 s21, s2  }
0x9d: {  	[timem:s6], [sflag:s22] =	dma.local [hbm:s4], s20  }
0x9e: {  	_ =	swait.ge [sflag:s22], s20  }
0x9f: {  	s3 =	ssub.s32 $0x0, s20;
	[sflag:s22] =	ssyncset.done $0x0  }
0xa0: {  	[sflag:s22] =	ssyncadd.s32 s3;
	_ =	sdelay $0x1  }
0xa1: {  	s23 =	simm.s32 $0x1B8B  }
0xa2: {  	_ =	swait.ge [sflag:s23], $0x1  }
0xa3: {  	[sflag:s23] =	ssyncset.done $0x0  }
0xa4: {  	s25 =	simm.s32 $0x1B8E;
	s24 =	sld [smem:$0x3FFE];
	[sflag:s23] =	ssyncadd.s32 $0xFFFFFFFF  }
0xa5: {  	s26 =	simm.s32 $execute0_lowered;
	[smem:$0x3FD2] =	sst s25  }
0xa6: {  	s4 =	sshll.u32 s26, $0x1;
	_ =	strace $0x8000004C;
	[dreg:$0x1] =	wrdreg $0xFFFFFFFF  }
0xa7: {  	s28 =	simm.s32 $_size_execute0_lowered;
	s2 =	sadd.s32 s2, s4;
	[dreg:$0x0] =	wrdreg $0x0  }
0xa8: {  	s4 =	sshll.u32 s28, $0x1;
	[dreg:$0x2] =	wrdreg s2  }
0xa9: {  	[dreg:$0x3] =	wrdreg s4  }
0xaa: {  	[dreg:$0x4] =	wrdreg $0xC0  }
0xab: {  	_ =	task [dreg:s6], $0x5FFFF  }
0xac: {  	[dreg:$0x1] =	wrdreg $0xFFFFFFFF  }
0xad: {  	[dreg:$0x0] =	wrdreg $0x60  }
0xae: {  	[dreg:$0x2] =	wrdreg s24  }
0xaf: {  	[dreg:$0x3] =	wrdreg $0x0  }
0xb0: {  	[dreg:$0x4] =	wrdreg $0x9  }
0xb1: {  	_ =	task.clear_ibuf [dreg:s6], $0x5FFFF;
	_ =	strace $0x9000004C  }
0xb2: {  	s29 =	simm.s32 $0x9;
	_ =	strace $0x8000004E  }
0xb3: {  	_ =	swait.ge [sflag:s29], $0x1  }
0xb4: {  	[sflag:s29] =	ssyncadd.s32 $0xFFFFFFFF  }
0xb5: {  	_ =	strace $0x9000004E  }
0xb6: {  	_ =	sfence  }
0xb7: {  	s30 =	sld [smem:$0x0];
	_ =	sdelay $0x2  }
0xb8: {  	s31 =	sshll.u32 s1, $0xD;
	s1 =	sshrl.u32 s1, $0x2  }
0xb9: {  	s3 =	sand.u32 $0x4000, s31;
	s1 =	sadd.s32 s1, s30  }
0xba: {  	s0 =	sor.u32 s3, s0;
	s1 =	sshll.u32 s1, $0x11  }
0xbb: {  	s0 =	sor.u32 s1, s0  }
0xbc: {  	s0 =	sadd.s32 $0x8F2B, s0  }
0xbd: {  	[sflag:s0] =	ssyncadd.remote.s32 $0x1  }
0xbe: {  	_ =	sfence.sel $0xFFFF  }
0xbf: {  	[dreg:$0x0] =	wrdreg $0xFFFFFFFF;
	(pc) =	sbr.abs _section_cstart, $3  }
0xc0: {  	[dreg:$0x1] =	wrdreg $0xFFFFFFFF  }
0xc1: {  	_ =	task.clear_ibuf [dreg:s6], $0x2FFFF;
	_ =	strace $0x9FFFFFFF  }
0xc2: {  	(tm) =	ssettm $0x7FFFFFFF  }
0xc3: {  	_ =	shalt  }
tec
execute0_lowered:
.L_overlay_start_1:
0x0: {  	(tag) =	ssettag $0x1  }
0x1: {  	s0 =	srdreg.scid  }
0x2: {  	s1 =	rddreg [dreg:$0x0];
	s7 =	stileid.u32  }
0x3: {  	s2 =	rddreg [dreg:$0x1];
	s17 =	simm.s32 $0x13880;
	s18 =	simm.s32 $0x7  }
0x4: {  	s20 =	simm.s32 $0x186A0;
	s21 =	simm.s32 $0x50;
	s23 =	simm.s32 $0x1AEA0  }
0x5: {  	s28 =	simm.s32 $0x2;
	s29 =	simm.s32 $0x3;
	s0 =	sand.u32 $0x1, s0  }
0x6: {  	s30 =	simm.s32 $0x4;
	s31 =	simm.s32 $0x5;
	s3 =	sshll.u32 s0, $0x4  }
0x7: {  	s24 =	simm.s32 $0x0;
	s4 =	sor.u32 s7, s3;
	s7 =	smul.u32 $0x4E200, s7  }
0x8: {  	s0 =	ssub.s32 $0x2, s0;
	s3 =	simm.s32 $0x0;
	s5 =	smul.u32 $0x4E2, s4  }
0x9: {  	s25 =	sshrl.u32 s0, $0x1;
	[smem:$0x7FF] =	sst s3;
	s6 =	smul.u32 $0x2710, s4  }
0xa: {  	s4 =	sadd.s32 $0x16400, s1;
	s0 =	ssub.s32 s0, s25;
	s25 =	simm.s32 $0x1D6A0  }
0xb: {  	_ =	strace $0x8000004D;
	s26 =	sshrl.u32 s7, $0x2;
	s16 =	smax.u32 s0, $0x1  }
0xc: {  	s8 =	sadd.s32 s5, s1;
	s1 =	sadd.s32 s6, s1;
	s6 =	sadd.s32 s26, s2  }
0xd: {  	s26 =	simm.s32 $0x1;
	s5 =	sadd.s32 $0xC600, s8;
	s7 =	sadd.s32 $0x2800, s8  }
0xe: {  	s8 =	sadd.s32 $0x2800, s6;
	s9 =	sadd.s32 $0x5000, s6;
	s10 =	sadd.s32 $0x7800, s6  }
0xf: {  	s11 =	sadd.s32 $0xA000, s6;
	s12 =	sadd.s32 $0xC800, s6;
	s13 =	sadd.s32 $0xF000, s6  }
0x10: {  	v0 =	vimm.f32 $0.0e+00;
	s14 =	sadd.s32 $0x11800, s6;
	s15 =	sadd.s32 $0x3D600, s1;
	s1 =	simm.s32 $0x6  }
.LBB2_1:
0x11: {  	[tilespmem:s17], [sflag:$0x7] =	stream.linear.gather [hbm4b:s5+s3], $0x2710, $0x38;
	[tilespmem:$0x1FEA0] =	vst v63  }
0x12: {  	_ =	swait.ge [sflag:s18], $0x2710  }
0x13: {  	[sflag:s18] =	ssyncset.done $0x0  }
0x14: {  	s0 =	simm.s32 $0x15F90;
	[sflag:s18] =	ssyncadd.s32 $0xFFFFD8F0  }
0x15: {  	[tilespmem:s0], [sflag:$0x7] =	stream.linear.gather [hbm4b:s7+s3], $0x2710, $0x38;
	[tilespmem:$0x1FEA0] =	vst v63  }
0x16: {  	_ =	swait.ge [sflag:s18], $0x2710  }
0x17: {  	[sflag:s18] =	ssyncset.done $0x0  }
0x18: {  	s19 =	simm.s32 $0x200;
	s0 =	simm.s32 $0x0;
	[sflag:s18] =	ssyncadd.s32 $0xFFFFD8F0  }
.LBB2_2:
0x19: {  	p0 =	sne.s32 s19, $0x9E00;
	[tilespmem:s0+$0x18710] =	vst v0  }
0x1a: {  	[tilespmem:s0+$0x186A0] =	vst v0  }
0x1b: {  	[tilespmem:s0+$0x186B0] =	vst v0  }
.Ltmp0:
0x1c: {  	[tilespmem:s0+$0x186C0] =	vst v0;
	(pc) =	sbr.rel @p0 .LBB2_2-.Ltmp0, $4  }
0x1d: {  	[tilespmem:s0+$0x186D0] =	vst v0  }
0x1e: {  	[tilespmem:s0+$0x186E0] =	vst v0  }
0x1f: {  	[tilespmem:s0+$0x186F0] =	vst v0  }
0x20: {  	[tilespmem:s0+$0x18700] =	vst v0;
	s0 =	sshra.s32 s19, $0x2;
	s19 =	sadd.s32 $0x200, s19  }
0x21: {  	[tilespmem:s0+$0x18710] =	vst v0  }
0x22: {  	[tilespmem:s0+$0x186A0] =	vst v0  }
0x23: {  	[tilespmem:s0+$0x186B0] =	vst v0  }
0x24: {  	[tilespmem:s0+$0x186C0] =	vst v0  }
0x25: {  	[tilespmem:s0+$0x186D0] =	vst v0  }
0x26: {  	[tilespmem:s0+$0x186E0] =	vst v0  }
0x27: {  	[tilespmem:s0+$0x186F0] =	vst v0  }
0x28: {  	[tilespmem:s0+$0x18700] =	vst v0  }
0x29: {  	[spmem:s6] =	stream.linear.scatter [tilespmem:s20], [sflag:$0x7], $0x2800, $0x38;
	[tilespmem:$0x1FEA0] =	vst v63  }
0x2a: {  	_ =	swait.ge [sflag:s18], $0x2800  }
0x2b: {  	[sflag:s18] =	ssyncset.done $0x0  }
0x2c: {  	[sflag:s18] =	ssyncadd.s32 $0xFFFFD800  }
0x2d: {  	[spmem:s8] =	stream.linear.scatter [tilespmem:s20], [sflag:$0x7], $0x2800, $0x38;
	[tilespmem:$0x1FEA0] =	vst v63  }
0x2e: {  	_ =	swait.ge [sflag:s18], $0x2800  }
0x2f: {  	[sflag:s18] =	ssyncset.done $0x0  }
0x30: {  	[sflag:s18] =	ssyncadd.s32 $0xFFFFD800  }
0x31: {  	[spmem:s9] =	stream.linear.scatter [tilespmem:s20], [sflag:$0x7], $0x2800, $0x38;
	[tilespmem:$0x1FEA0] =	vst v63  }
0x32: {  	_ =	swait.ge [sflag:s18], $0x2800  }
0x33: {  	[sflag:s18] =	ssyncset.done $0x0  }
0x34: {  	[sflag:s18] =	ssyncadd.s32 $0xFFFFD800  }
0x35: {  	[spmem:s10] =	stream.linear.scatter [tilespmem:s20], [sflag:$0x7], $0x2800, $0x38;
	[tilespmem:$0x1FEA0] =	vst v63  }
0x36: {  	_ =	swait.ge [sflag:s18], $0x2800  }
0x37: {  	[sflag:s18] =	ssyncset.done $0x0  }
0x38: {  	[sflag:s18] =	ssyncadd.s32 $0xFFFFD800  }
0x39: {  	[spmem:s11] =	stream.linear.scatter [tilespmem:s20], [sflag:$0x7], $0x2800, $0x38;
	[tilespmem:$0x1FEA0] =	vst v63  }
0x3a: {  	_ =	swait.ge [sflag:s18], $0x2800  }
0x3b: {  	[sflag:s18] =	ssyncset.done $0x0  }
0x3c: {  	[sflag:s18] =	ssyncadd.s32 $0xFFFFD800  }
0x3d: {  	[spmem:s12] =	stream.linear.scatter [tilespmem:s20], [sflag:$0x7], $0x2800, $0x38;
	[tilespmem:$0x1FEA0] =	vst v63  }
0x3e: {  	_ =	swait.ge [sflag:s18], $0x2800  }
0x3f: {  	[sflag:s18] =	ssyncset.done $0x0  }
0x40: {  	[sflag:s18] =	ssyncadd.s32 $0xFFFFD800  }
0x41: {  	[spmem:s13] =	stream.linear.scatter [tilespmem:s20], [sflag:$0x7], $0x2800, $0x38;
	[tilespmem:$0x1FEA0] =	vst v63  }
0x42: {  	_ =	swait.ge [sflag:s18], $0x2800  }
0x43: {  	[sflag:s18] =	ssyncset.done $0x0  }
0x44: {  	[sflag:s18] =	ssyncadd.s32 $0xFFFFD800  }
0x45: {  	[spmem:s14] =	stream.linear.scatter [tilespmem:s20], [sflag:$0x7], $0x2080, $0x38;
	[tilespmem:$0x1FEA0] =	vst v63  }
0x46: {  	_ =	swait.ge [sflag:s18], $0x2080  }
0x47: {  	[sflag:s18] =	ssyncset.done $0x0  }
0x48: {  	[sflag:s18] =	ssyncadd.s32 $0xFFFFDF80  }
0x49: {  	[bflag:$0x0] =	sbarrier.arrive $0xFFFF  }
0x4a: {  	[tilespmem:s20], [sflag:$0x1] =	stream.indirect.gather [hbm4b:s4+s21], $0x80, s17, s21, $0xb8;
	[tilespmem:$0x1FEA0] =	vst v63  }
0x4b: {  	s22 =	simm.s32 $0x138D0  }
0x4c: {  	[tilespmem:s23], [sflag:$0x2] =	stream.indirect.gather [hbm4b:s4+s21], $0x80, s22, s21, $0xb8;
	[tilespmem:$0x1FEA0] =	vst v63  }
0x4d: {  	s19 =	simm.s32 $0x13920  }
0x4e: {  	[tilespmem:s25], [sflag:$0x3] =	stream.indirect.gather [hbm4b:s4+s21], $0x80, s19, s21, $0xb8;
	[tilespmem:$0x1FEA0] =	vst v63  }
0x4f: {  	_ =	swait.ge [sflag:s26], $0x2800  }
0x50: {  	[sflag:s26] =	ssyncset.done $0x0  }
0x51: {  	s22 =	simm.s32 $0x15F90;
	[sflag:s26] =	ssyncadd.s32 $0xFFFFD800  }
0x52: {  	[spmem:s2] =	stream.indirect.scatter.add.f32 [tilespmem:s20], [sflag:$0x4], $0x80, s22, s21, $0xb8;
	[tilespmem:$0x1FEA0] =	vst v63  }
0x53: {  	_ =	swait.ge [sflag:s28], $0x2800  }
0x54: {  	[sflag:s28] =	ssyncset.done $0x0  }
0x55: {  	s19 =	simm.s32 $0x15FE0;
	[sflag:s28] =	ssyncadd.s32 $0xFFFFD800  }
0x56: {  	[spmem:s2] =	stream.indirect.scatter.add.f32 [tilespmem:s23], [sflag:$0x5], $0x80, s19, s21, $0xb8;
	[tilespmem:$0x1FEA0] =	vst v63  }
0x57: {  	_ =	swait.ge [sflag:s29], $0x2800  }
0x58: {  	[sflag:s29] =	ssyncset.done $0x0  }
0x59: {  	s22 =	simm.s32 $0x16030;
	[sflag:s29] =	ssyncadd.s32 $0xFFFFD800  }
0x5a: {  	[spmem:s2] =	stream.indirect.scatter.add.f32 [tilespmem:s25], [sflag:$0x6], $0x80, s22, s21, $0xb8;
	[tilespmem:$0x1FEA0] =	vst v63  }
0x5b: {  	_ =	swait.ge [sflag:s30], $0x2800  }
0x5c: {  	[sflag:s30] =	ssyncset.done $0x0  }
0x5d: {  	s19 =	simm.s32 $0x13970;
	[sflag:s30] =	ssyncadd.s32 $0xFFFFD800  }
0x5e: {  	[tilespmem:s20], [sflag:$0x1] =	stream.indirect.gather [hbm4b:s4+s21], $0x80, s19, s21, $0xb8;
	[tilespmem:$0x1FEA0] =	vst v63  }
0x5f: {  	_ =	swait.ge [sflag:s31], $0x2800  }
0x60: {  	[sflag:s31] =	ssyncset.done $0x0  }
0x61: {  	s22 =	simm.s32 $0x139C0;
	[sflag:s31] =	ssyncadd.s32 $0xFFFFD800  }
0x62: {  	[tilespmem:s23], [sflag:$0x2] =	stream.indirect.gather [hbm4b:s4+s21], $0x80, s22, s21, $0xb8;
	[tilespmem:$0x1FEA0] =	vst v63  }
0x63: {  	_ =	swait.ge [sflag:s1], $0x2800  }
0x64: {  	[sflag:s1] =	ssyncset.done $0x0  }
0x65: {  	s0 =	simm.s32 $0x3C0;
	s19 =	simm.s32 $0x13A10;
	[sflag:s1] =	ssyncadd.s32 $0xFFFFD800  }
.LBB2_4:
0x66: {  	[tilespmem:s25], [sflag:$0x3] =	stream.indirect.gather [hbm4b:s4+s21], $0x80, s19, s21, $0xb8;
	[tilespmem:$0x1FEA0] =	vst v63  }
0x67: {  	s19 =	smov.u32 s0  }
0x68: {  	p0 =	sne.s32 s0, $0x9240;
	s0 =	sadd.s32 $0x3C0, s0;
	_ =	swait.ge [sflag:s26], $0x2800  }
0x69: {  	s19 =	sshra.s32 s19, $0x2;
	[sflag:s26] =	ssyncset.done $0x0  }
0x6a: {  	s22 =	sadd.s32 $0x15F90, s19;
	[sflag:s26] =	ssyncadd.s32 $0xFFFFD800  }
0x6b: {  	[spmem:s2] =	stream.indirect.scatter.add.f32 [tilespmem:s20], [sflag:$0x4], $0x80, s22, s21, $0xb8;
	[tilespmem:$0x1FEA0] =	vst v63  }
0x6c: {  	_ =	swait.ge [sflag:s28], $0x2800  }
0x6d: {  	[sflag:s28] =	ssyncset.done $0x0  }
0x6e: {  	s22 =	sadd.s32 $0x15FE0, s19;
	[sflag:s28] =	ssyncadd.s32 $0xFFFFD800  }
0x6f: {  	[spmem:s2] =	stream.indirect.scatter.add.f32 [tilespmem:s23], [sflag:$0x5], $0x80, s22, s21, $0xb8;
	[tilespmem:$0x1FEA0] =	vst v63  }
0x70: {  	_ =	swait.ge [sflag:s29], $0x2800  }
0x71: {  	[sflag:s29] =	ssyncset.done $0x0  }
0x72: {  	s22 =	sadd.s32 $0x16030, s19;
	[sflag:s29] =	ssyncadd.s32 $0xFFFFD800  }
0x73: {  	[spmem:s2] =	stream.indirect.scatter.add.f32 [tilespmem:s25], [sflag:$0x6], $0x80, s22, s21, $0xb8;
	[tilespmem:$0x1FEA0] =	vst v63  }
0x74: {  	_ =	swait.ge [sflag:s30], $0x2800  }
0x75: {  	[sflag:s30] =	ssyncset.done $0x0  }
0x76: {  	s22 =	sadd.s32 $0x13970, s19;
	[sflag:s30] =	ssyncadd.s32 $0xFFFFD800  }
0x77: {  	[tilespmem:s20], [sflag:$0x1] =	stream.indirect.gather [hbm4b:s4+s21], $0x80, s22, s21, $0xb8;
	[tilespmem:$0x1FEA0] =	vst v63  }
0x78: {  	_ =	swait.ge [sflag:s31], $0x2800  }
0x79: {  	[sflag:s31] =	ssyncset.done $0x0  }
.Ltmp1:
0x7a: {  	s22 =	sadd.s32 $0x139C0, s19;
	[sflag:s31] =	ssyncadd.s32 $0xFFFFD800;
	(pc) =	sbr.rel @p0 .LBB2_4-.Ltmp1, $4  }
0x7b: {  	[tilespmem:s23], [sflag:$0x2] =	stream.indirect.gather [hbm4b:s4+s21], $0x80, s22, s21, $0xb8;
	[tilespmem:$0x1FEA0] =	vst v63  }
0x7c: {  	_ =	swait.ge [sflag:s1], $0x2800  }
0x7d: {  	[sflag:s1] =	ssyncset.done $0x0  }
0x7e: {  	s19 =	sadd.s32 $0x13A10, s19;
	[sflag:s1] =	ssyncadd.s32 $0xFFFFD800  }
0x7f: {  	[tilespmem:s25], [sflag:$0x3] =	stream.indirect.gather [hbm4b:s4+s21], $0x80, s19, s21, $0xb8;
	[tilespmem:$0x1FEA0] =	vst v63  }
0x80: {  	_ =	swait.ge [sflag:s26], $0x2800  }
0x81: {  	[sflag:s26] =	ssyncset.done $0x0  }
0x82: {  	s0 =	simm.s32 $0x18510;
	[sflag:s26] =	ssyncadd.s32 $0xFFFFD800  }
0x83: {  	[spmem:s2] =	stream.indirect.scatter.add.f32 [tilespmem:s20], [sflag:$0x4], $0x80, s0, s21, $0xb8;
	[tilespmem:$0x1FEA0] =	vst v63  }
0x84: {  	_ =	swait.ge [sflag:s28], $0x2800  }
0x85: {  	[sflag:s28] =	ssyncset.done $0x0  }
0x86: {  	s19 =	simm.s32 $0x18560;
	[sflag:s28] =	ssyncadd.s32 $0xFFFFD800  }
0x87: {  	[spmem:s2] =	stream.indirect.scatter.add.f32 [tilespmem:s23], [sflag:$0x5], $0x80, s19, s21, $0xb8;
	[tilespmem:$0x1FEA0] =	vst v63  }
0x88: {  	_ =	swait.ge [sflag:s29], $0x2800  }
0x89: {  	[sflag:s29] =	ssyncset.done $0x0  }
0x8a: {  	s22 =	simm.s32 $0x185B0;
	[sflag:s29] =	ssyncadd.s32 $0xFFFFD800  }
0x8b: {  	[spmem:s2] =	stream.indirect.scatter.add.f32 [tilespmem:s25], [sflag:$0x6], $0x80, s22, s21, $0xb8;
	[tilespmem:$0x1FEA0] =	vst v63  }
0x8c: {  	_ =	swait.ge [sflag:s30], $0x2800  }
0x8d: {  	[sflag:s30] =	ssyncset.done $0x0  }
0x8e: {  	s19 =	simm.s32 $0x15EF0;
	[sflag:s30] =	ssyncadd.s32 $0xFFFFD800  }
0x8f: {  	[tilespmem:s20], [sflag:$0x1] =	stream.indirect.gather [hbm4b:s4+s21], $0x80, s19, s21, $0xb8;
	[tilespmem:$0x1FEA0] =	vst v63  }
0x90: {  	_ =	swait.ge [sflag:s31], $0x2800  }
0x91: {  	[sflag:s31] =	ssyncset.done $0x0  }
0x92: {  	s22 =	simm.s32 $0x15F40;
	[sflag:s31] =	ssyncadd.s32 $0xFFFFD800  }
0x93: {  	[tilespmem:s23], [sflag:$0x2] =	stream.indirect.gather [hbm4b:s4+s21], $0x80, s22, s21, $0xb8;
	[tilespmem:$0x1FEA0] =	vst v63  }
0x94: {  	_ =	swait.ge [sflag:s1], $0x2800  }
0x95: {  	[sflag:s1] =	ssyncset.done $0x0  }
0x96: {  	[sflag:s1] =	ssyncadd.s32 $0xFFFFD800  }
0x97: {  	_ =	swait.ge [sflag:s26], $0x2800  }
0x98: {  	[sflag:s26] =	ssyncset.done $0x0  }
0x99: {  	s19 =	simm.s32 $0x18600;
	[sflag:s26] =	ssyncadd.s32 $0xFFFFD800  }
0x9a: {  	[spmem:s2] =	stream.indirect.scatter.add.f32 [tilespmem:s20], [sflag:$0x4], $0x80, s19, s21, $0xb8;
	[tilespmem:$0x1FEA0] =	vst v63  }
0x9b: {  	_ =	swait.ge [sflag:s28], $0x2800  }
0x9c: {  	[sflag:s28] =	ssyncset.done $0x0  }
0x9d: {  	s22 =	simm.s32 $0x18650;
	[sflag:s28] =	ssyncadd.s32 $0xFFFFD800  }
0x9e: {  	[spmem:s2] =	stream.indirect.scatter.add.f32 [tilespmem:s23], [sflag:$0x5], $0x80, s22, s21, $0xb8;
	[tilespmem:$0x1FEA0] =	vst v63  }
0x9f: {  	_ =	swait.ge [sflag:s30], $0x2800  }
0xa0: {  	[sflag:s30] =	ssyncset.done $0x0  }
0xa1: {  	[sflag:s30] =	ssyncadd.s32 $0xFFFFD800  }
0xa2: {  	s19 =	stileid.u32;
	_ =	swait.ge [sflag:s31], $0x2800  }
0xa3: {  	s24 =	sadd.s32 $0x1, s24;
	s0 =	sshll.u32 s19, $0x6;
	[sflag:s31] =	ssyncset.done $0x0  }
0xa4: {  	p0 =	sne.s32 s24, s16;
	s0 =	sor.u32 $0x1C07, s0;
	[sflag:s31] =	ssyncadd.s32 $0xFFFFD800  }
.Ltmp2:
0xa5: {  	s22 =	sshrl.u32 s6, $0x3;
	[bflag:$0x0] =	sbarrier.arrive $0xFFFF;
	(pc) =	sbr.rel @p0 .LBB2_1-.Ltmp2, $4  }
0xa6: {  	[hbm:s15], [sflag:s0] =	dma.local [spmem:s22], $0x2710  }
0xa7: {  	_ =	swait.ge [sflag:s18], $0x2710  }
0xa8: {  	[sflag:s18] =	ssyncset.done $0x0  }
0xa9: {  	[sflag:s18] =	ssyncadd.s32 $0xFFFFD8F0  }
0xaa: {  	_ =	sfence.sel $0x180000  }
0xab: {  	[bflag:$0x0] =	sbarrier.arrive $0xFFFF  }
0xac: {  	_ =	strace $0x9000004D  }
0xad: {  	s0 =	stileid.u32;
	[bflag:$0x2] =	sbarrier.arrive $0xFFFF  }
0xae: {  	p0 =	sne.s32 s0, $0x0;
	s0 =	rddreg [dreg:$0x2]  }
0xaf: {  	s0 =	sadd.s32 @!p0 $0x100000, s0  }
0xb0: {  	[sflag:s0] =	ssyncadd.tile.s32 @!p0 $0x1;
	_ =	shalt  }
.Lfunc_end2:
_tile_overlayer_lowered:
.L_overlay_start_2:
0xb1: {  	(tag) =	ssettag $0x2  }
0xb2: {  	s0 =	rddreg [dreg:$0x0];
	s2 =	stileid.u32  }
0xb3: {  	s1 =	rddreg [dreg:$0x1];
	p0 =	sne.s32 s2, $0x0  }
0xb4: {  	s3 =	rddreg [dreg:$0x2];
	[bflag:$0x3] =	sbarrier.arrive $0xFFFF;
	s2 =	simm.s32 @!p0 $0x1C07  }
0xb5: {  	[timem:s3], [sflag:s2] =	dma.local @!p0 [hbm:s0], s1  }
0xb6: {  	s0 =	simm.s32 @!p0 $0x7  }
0xb7: {  	_ =	swait.ge @!p0 [sflag:s0], s1  }
0xb8: {  	s1 =	ssub.s32 @!p0 $0x0, s1;
	[sflag:s0] =	ssyncset.done @!p0 $0x0  }
0xb9: {  	[sflag:s0] =	ssyncadd.s32 @!p0 s1  }
0xba: {  	[bflag:$0x3] =	sbarrier.arrive $0xFFFF  }
0xbb: {  	_ =	shalt  }

// kernel: kernel.19.cloned.1.call-start
scs
__scs_entry_jumppad:
0x0: {  	(pc) =	sbr.rel $0x88, $3  }
0x1: {  	(tag) =	ssettag $0x0;
	lr =	simm.s32 $0x1  }
0x2: {  	[smem:$0x3F99] =	sst lr;
	_ =	strace $0xD0000000  }
0x3: {  	_ = 	snop  }
0x4: {  	_ = 	snop  }
0x5: {  	_ = 	snop  }
0x6: {  	_ = 	snop  }
0x7: {  	_ = 	snop  }
__scs_overlays_trampoline_lowered:
0x8: {  	[smem:$0x3FA8] =	sst s0  }
0x9: {  	[smem:$0x3FA9] =	sst s1  }
0xa: {  	[smem:$0x3FAA] =	sst s2  }
0xb: {  	[smem:$0x3FAB] =	sst s3  }
0xc: {  	[smem:$0x3FAC] =	sst s4  }
0xd: {  	[smem:$0x3FAD] =	sst s5  }
0xe: {  	[smem:$0x3FAE] =	sst s6  }
0xf: {  	[smem:$0x3FAF] =	sst s7  }
0x10: {  	[smem:$0x3FB0] =	sst s8  }
0x11: {  	[smem:$0x3FB1] =	sst s9;
	s0 =	simm.s32 @!p0 $0x0  }
0x12: {  	s1 =	sld [smem:$0x3F97];
	s0 =	simm.s32 @p0 $0x1  }
0x13: {  	[smem:$0x3FB2] =	sst s0;
	s0 =	simm.s32 @!p1 $0x0  }
0x14: {  	s2 =	sld [smem:$0x3F96];
	s0 =	simm.s32 @p1 $0x1  }
0x15: {  	[smem:$0x3FB3] =	sst s0;
	s0 =	simm.s32 @!p2 $0x0  }
0x16: {  	s3 =	sld [smem:$0x3FDB];
	s0 =	simm.s32 @p2 $0x1  }
0x17: {  	s4 =	simm.s32 $0x1BF5;
	[smem:$0x3FB5] =	sst s0  }
0x18: {  	s0 =	sld [smem:$0x3F98];
	_ =	swait.ge [sflag:s4], $0x0  }
0x19: {  	s7 =	sld [smem:$0x3F99]  }
0x1a: {  	s8 =	sadd.s32 $0xFFFFE003, lr  }
0x1b: {  	s9 =	sadd.s32 $0xFFFFFEF7, lr;
	s5 =	simm.s32 $0xFFFFFFFF;
	p2 =	slt.u32 s8, $0xFFFFF086  }
0x1c: {  	p1 =	slt.u32 s9, $0xF7A;
	s5 =	simm.s32 @!p2 $0x0  }
0x1d: {  	s5 =	simm.s32 @p1 $0x1;
	p0 =	seq.s32 s7, s2  }
0x1e: {  	s7 =	smul.u32 @!p0 $0xF7A, s2;
	p2 =	seq.s32 @!p0 s5, $0x0  }
0x1f: {  	s9 =	smul.u32 $0xF7A, s1;
	s8 =	simm.s32 @!p0 $0x1BF5;
	p2 =	por !p2, p0  }
0x20: {  	[sflag:s8] =	ssyncset.s32 @!p0 $0xFFFFF086;
	s6 =	sadd.s32 @!p0 s3, s7;
	s7 =	simm.s32 @!p0 $0x108  }
0x21: {  	s3 =	sadd.s32 s3, s9;
	s6 =	sadd.s32 @!p0 $0x88, s6;
	s7 =	simm.s32 @p2 $0x1082  }
0x22: {  	[simem:s7], [sflag:s8] =	dma.local @!p0 [hbm:s6], $0xF7A  }
0x23: {  	s9 =	sor.u32 $0xD0000000, s2;
	s6 =	simm.s32 $0x108;
	_ =	swait.ge @!p0 [sflag:s8], $0x0  }
0x24: {  	s3 =	sadd.s32 $0x88, s3;
	s6 =	simm.s32 @!p1 $0x1082;
	[sflag:s4] =	ssyncset.s32 $0xFFFFF086  }
0x25: {  	[simem:s6], [sflag:s4] =	dma.local [hbm:s3], $0xF7A  }
0x26: {  	[smem:$0x3F99] =	sst s1;
	(tag) =	ssettag s2;
	_ =	strace s9  }
0x27: {  	s1 =	sld [smem:$0x3FA9]  }
0x28: {  	s2 =	sld [smem:$0x3FAA]  }
0x29: {  	s4 =	sld [smem:$0x3FAC]  }
0x2a: {  	p0 =	seq.s32 s5, $0x0;
	s5 =	sld [smem:$0x3FAD]  }
0x2b: {  	s6 =	sld [smem:$0x3FAE]  }
0x2c: {  	s7 =	sld [smem:$0x3FAF]  }
0x2d: {  	s3 =	simm.s32 $0x108;
	s8 =	sld [smem:$0x3FB0]  }
0x2e: {  	s3 =	simm.s32 @!p0 $0x1082;
	s9 =	sld [smem:$0x3FB1]  }
0x2f: {  	lr =	sadd.s32 s0, s3;
	s0 =	sld [smem:$0x3FA8]  }
0x30: {  	s3 =	sld [smem:$0x3FAB]  }
0x31: {  	[smem:$0x3FB4] =	sst s10  }
0x32: {  	s10 =	sld [smem:$0x3FB2];
	_ =	sdelay $0x3  }
0x33: {  	p0 =	seq.s32 s10, $0x1;
	s10 =	sld [smem:$0x3FB4];
	_ =	sdelay $0x3  }
0x34: {  	[smem:$0x3FB4] =	sst s10  }
0x35: {  	s10 =	sld [smem:$0x3FB3];
	_ =	sdelay $0x3  }
0x36: {  	p1 =	seq.s32 s10, $0x1;
	s10 =	sld [smem:$0x3FB4];
	_ =	sdelay $0x3  }
0x37: {  	[smem:$0x3FB4] =	sst s10  }
0x38: {  	s10 =	sld [smem:$0x3FB5]  }
0x39: {  	_ = 	snop;
	(pc) =	sbr.ind lr, $3  }
0x3a: {  	_ = 	snop  }
0x3b: {  	_ = 	snop  }
0x3c: {  	p2 =	seq.s32 s10, $0x1;
	s10 =	sld [smem:$0x3FB4]  }
0x3d: {  	_ =	shalt  }
0x3e: {  	_ =	shalt  }
0x3f: {  	_ =	shalt  }
0x40: {  	_ =	shalt  }
0x41: {  	_ =	shalt  }
0x42: {  	_ =	shalt  }
0x43: {  	_ =	shalt  }
0x44: {  	_ =	shalt  }
0x45: {  	_ =	shalt  }
0x46: {  	_ =	shalt  }
0x47: {  	_ =	shalt  }
0x48: {  	_ =	shalt  }
0x49: {  	_ =	shalt  }
0x4a: {  	_ =	shalt  }
0x4b: {  	_ =	shalt  }
0x4c: {  	_ =	shalt  }
0x4d: {  	_ =	shalt  }
0x4e: {  	_ =	shalt  }
0x4f: {  	_ =	shalt  }
0x50: {  	_ =	shalt  }
0x51: {  	_ =	shalt  }
0x52: {  	_ =	shalt  }
0x53: {  	_ =	shalt  }
0x54: {  	_ =	shalt  }
0x55: {  	_ =	shalt  }
0x56: {  	_ =	shalt  }
0x57: {  	_ =	shalt  }
0x58: {  	_ =	shalt  }
0x59: {  	_ =	shalt  }
0x5a: {  	_ =	shalt  }
0x5b: {  	_ =	shalt  }
0x5c: {  	_ =	shalt  }
0x5d: {  	_ =	shalt  }
0x5e: {  	_ =	shalt  }
0x5f: {  	_ =	shalt  }
0x60: {  	_ =	shalt  }
0x61: {  	_ =	shalt  }
0x62: {  	_ =	shalt  }
0x63: {  	_ =	shalt  }
0x64: {  	_ =	shalt  }
0x65: {  	_ =	shalt  }
0x66: {  	_ =	shalt  }
0x67: {  	_ =	shalt  }
0x68: {  	_ =	shalt  }
0x69: {  	_ =	shalt  }
0x6a: {  	_ =	shalt  }
0x6b: {  	_ =	shalt  }
0x6c: {  	_ =	shalt  }
0x6d: {  	_ =	shalt  }
0x6e: {  	_ =	shalt  }
0x6f: {  	_ =	shalt  }
0x70: {  	_ =	shalt  }
0x71: {  	_ =	shalt  }
0x72: {  	_ =	shalt  }
0x73: {  	_ =	shalt  }
0x74: {  	_ =	shalt  }
0x75: {  	_ =	shalt  }
0x76: {  	_ =	shalt  }
0x77: {  	_ =	shalt  }
0x78: {  	_ =	shalt  }
0x79: {  	_ =	shalt  }
0x7a: {  	_ =	shalt  }
0x7b: {  	_ =	shalt  }
0x7c: {  	_ =	shalt  }
0x7d: {  	_ =	shalt  }
0x7e: {  	_ =	shalt  }
0x7f: {  	_ =	shalt  }
0x80: {  	_ =	shalt  }
0x81: {  	_ =	shalt  }
0x82: {  	_ =	shalt  }
0x83: {  	_ =	shalt  }
0x84: {  	_ =	shalt  }
0x85: {  	_ =	shalt  }
0x86: {  	_ =	shalt  }
0x87: {  	_ =	shalt  }
.Lfunc_end0:
.L_simem_size_0:
called_computation.3_lowered:
.L_overlay_start_0:
0x88: {  	s2 =	sld [smem:$0x3FD9]  }
0x89: {  	s3 =	sld [smem:$0x3FFE];
	_ =	sdelay $0x1  }
0x8a: {  	s1 =	srdreg.scid  }
0x8b: {  	s0 =	sand.u32 $0x1, s1  }
0x8c: {  	s17 =	sshll.u32 s0, $0xA;
	s2 =	sadd.s32 s3, s2  }
0x8d: {  	s2 =	sadd.s32 s2, s17  }
0x8e: {  	[smem:$0x3FC0] =	sst s2  }
0x8f: {  	_ = 	snop  }
0x90: {  	s2 =	sld [smem:$0x3FD0];
	(tm) =	ssettm $0x1  }
0x91: {  	s18 =	sld [smem:$0x3FFB];
	_ =	sdelay $0x3  }
0x92: {  	_ =	strace s18  }
0x93: {  	s3 =	sld [smem:$0x3FFC];
	_ =	sdelay $0x3  }
0x94: {  	_ =	strace s3  }
0x95: {  	s3 =	sld [smem:$0x3FFD];
	_ =	sdelay $0x3  }
0x96: {  	_ =	strace s3  }
0x97: {  	_ =	strace $0x8FFFFFFF  }
0x98: {  	s19 =	sld [smem:$0x3FDB];
	_ =	sdelay $0x1  }
0x99: {  	s4 =	simm.s32 $_scs_section_size  }
0x9a: {  	s5 =	simm.s32 $_size__tile_overlayer_lowered;
	s6 =	simm.s32 $_tile_overlayer_lowered  }
0x9b: {  	s22 =	simm.s32 $0x1BFF;
	s21 =	sshll.u32 s6, $0x1;
	s3 =	sadd.s32 s4, s19  }
0x9c: {  	s7 =	simm.s32 $0x0;
	s20 =	sshll.u32 s5, $0x1;
	s5 =	sadd.s32 s21, s3  }
0x9d: {  	[timem:s7], [sflag:s22] =	dma.local [hbm:s5], s20  }
0x9e: {  	_ =	swait.ge [sflag:s22], s20  }
0x9f: {  	s4 =	ssub.s32 $0x0, s20;
	[sflag:s22] =	ssyncset.done $0x0  }
0xa0: {  	[sflag:s22] =	ssyncadd.s32 s4;
	_ =	sdelay $0x1  }
0xa1: {  	s23 =	simm.s32 $0x1B8B  }
0xa2: {  	_ =	swait.ge [sflag:s23], $0x1  }
0xa3: {  	[sflag:s23] =	ssyncset.done $0x0  }
0xa4: {  	s25 =	simm.s32 $0x1B8E;
	s24 =	sld [smem:$0x3FFE];
	[sflag:s23] =	ssyncadd.s32 $0xFFFFFFFF  }
0xa5: {  	s26 =	simm.s32 $execute0_lowered;
	[smem:$0x3FD2] =	sst s25  }
0xa6: {  	s5 =	sshll.u32 s26, $0x1;
	_ =	strace $0x8000004F;
	[dreg:$0x1] =	wrdreg $0xFFFFFFFF  }
0xa7: {  	s28 =	simm.s32 $_size_execute0_lowered;
	s3 =	sadd.s32 s3, s5;
	[dreg:$0x0] =	wrdreg $0x0  }
0xa8: {  	s5 =	sshll.u32 s28, $0x1;
	[dreg:$0x2] =	wrdreg s3  }
0xa9: {  	[dreg:$0x3] =	wrdreg s5  }
0xaa: {  	[dreg:$0x4] =	wrdreg $0xC0  }
0xab: {  	_ =	task [dreg:s7], $0x5FFFF  }
0xac: {  	[dreg:$0x1] =	wrdreg $0xFFFFFFFF  }
0xad: {  	[dreg:$0x0] =	wrdreg $0x60  }
0xae: {  	[dreg:$0x2] =	wrdreg s2  }
0xaf: {  	[dreg:$0x3] =	wrdreg s24  }
0xb0: {  	[dreg:$0x4] =	wrdreg $0x0  }
0xb1: {  	[dreg:$0x5] =	wrdreg $0x9  }
0xb2: {  	_ =	task.clear_ibuf [dreg:s7], $0x6FFFF;
	_ =	strace $0x9000004F  }
0xb3: {  	s29 =	simm.s32 $0x9;
	_ =	strace $0x80000051  }
0xb4: {  	_ =	swait.ge [sflag:s29], $0x1  }
0xb5: {  	[sflag:s29] =	ssyncadd.s32 $0xFFFFFFFF  }
0xb6: {  	_ =	strace $0x90000051  }
0xb7: {  	_ =	sfence  }
0xb8: {  	s30 =	sld [smem:$0x0];
	_ =	sdelay $0x2  }
0xb9: {  	s31 =	sshll.u32 s1, $0xD;
	s1 =	sshrl.u32 s1, $0x2  }
0xba: {  	s3 =	sand.u32 $0x4000, s31;
	s1 =	sadd.s32 s1, s30  }
0xbb: {  	s0 =	sor.u32 s3, s0;
	s1 =	sshll.u32 s1, $0x11  }
0xbc: {  	s0 =	sor.u32 s1, s0  }
0xbd: {  	s0 =	sadd.s32 $0x8F2B, s0  }
0xbe: {  	[sflag:s0] =	ssyncadd.remote.s32 $0x1  }
0xbf: {  	_ =	sfence.sel $0xFFFF  }
0xc0: {  	[dreg:$0x0] =	wrdreg $0xFFFFFFFF;
	(pc) =	sbr.abs _section_cstart, $3  }
0xc1: {  	[dreg:$0x1] =	wrdreg $0xFFFFFFFF  }
0xc2: {  	_ =	task.clear_ibuf [dreg:s7], $0x2FFFF;
	_ =	strace $0x9FFFFFFF  }
0xc3: {  	(tm) =	ssettm $0x7FFFFFFF  }
tec
execute0_lowered:
.L_overlay_start_1:
0x0: {  	(tag) =	ssettag $0x1  }
0x1: {  	s1 =	rddreg [dreg:$0x0]  }
0x2: {  	s0 =	srdreg.scid;
	s4 =	rddreg [dreg:$0x1]  }
0x3: {  	s6 =	stileid.u32;
	s3 =	rddreg [dreg:$0x2]  }
0x4: {  	s7 =	simm.s32 $0x0;
	s17 =	simm.s32 $0x7530;
	s18 =	simm.s32 $0xB  }
0x5: {  	s20 =	simm.s32 $0xC350;
	s28 =	simm.s32 $0xF050;
	s30 =	simm.s32 $0xFF50  }
0x6: {  	s31 =	simm.s32 $0x1;
	s19 =	simm.s32 $0x4;
	s0 =	sand.u32 $0x1, s0  }
0x7: {  	s29 =	simm.s32 $0x8;
	[smem:$0x7FF] =	sst s7;
	s2 =	sshll.u32 s0, $0x4  }
0x8: {  	s0 =	ssub.s32 $0x2, s0;
	s2 =	sor.u32 s6, s2;
	s6 =	smul.u32 $0x1D4C0, s6  }
0x9: {  	s7 =	simm.s32 $0x0;
	s21 =	sshrl.u32 s0, $0x1;
	s5 =	smul.u32 $0x4E2, s2  }
0xa: {  	_ =	strace $0x80000050;
	s2 =	smul.u32 $0xEA6, s2;
	s0 =	ssub.s32 s0, s21  }
0xb: {  	s21 =	simm.s32 $0x50;
	s6 =	sshrl.u32 s6, $0x2;
	s16 =	smax.u32 s0, $0x1  }
0xc: {  	s0 =	simm.s32 $0x3;
	s5 =	sadd.s32 s5, s4;
	s2 =	sadd.s32 s2, s4  }
0xd: {  	s6 =	sadd.s32 s6, s3;
	s4 =	simm.s32 $0x9;
	s22 =	sadd.s32 $0xC600, s5  }
0xe: {  	s23 =	sadd.s32 $0x2800, s5;
	s24 =	sadd.s32 $0xF00, s6;
	s25 =	sadd.s32 $0x1E00, s6  }
0xf: {  	s26 =	sadd.s32 $0x2D00, s6;
	s11 =	sadd.s32 $0x3C00, s6;
	[dreg:$0x4] =	wrdreg s22  }
0x10: {  	s12 =	sadd.s32 $0x4B00, s6;
	s13 =	sadd.s32 $0x5A00, s6;
	[dreg:$0x5] =	wrdreg s23  }
0x11: {  	s14 =	sadd.s32 $0x6900, s6;
	s15 =	sadd.s32 $0x16400, s2;
	[dreg:$0x6] =	wrdreg s24  }
0x12: {  	s2 =	simm.s32 $0x2;
	s5 =	simm.s32 $0xA;
	[dreg:$0x7] =	wrdreg s25  }
0x13: {  	[dreg:$0x8] =	wrdreg s26;
	s23 =	simm.s32 $0xD250;
	s25 =	simm.s32 $0xE150  }
0x14: {  	v0 =	vimm.f32 $0.0e+00;
	s22 =	simm.s32 $0x5;
	s24 =	simm.s32 $0x6;
	s26 =	simm.s32 $0x7  }
.LBB2_1:
0x15: {  	s8 =	simm.s32 $0x0;
	s9 =	rddreg [dreg:$0x4]  }
0x16: {  	[tilespmem:s17], [sflag:$0xB] =	stream.linear.gather [hbm4b:s9+s8], $0x2710, $0x38;
	[tilespmem:$0x10E50] =	vst v63  }
0x17: {  	_ =	swait.ge [sflag:s18], $0x2710  }
0x18: {  	[sflag:s18] =	ssyncset.done $0x0  }
0x19: {  	s10 =	simm.s32 $0x9C40;
	s9 =	rddreg [dreg:$0x5];
	[sflag:s18] =	ssyncadd.s32 $0xFFFFD8F0  }
0x1a: {  	[tilespmem:s10], [sflag:$0xB] =	stream.linear.gather [hbm4b:s9+s8], $0x2710, $0x38;
	[tilespmem:$0x10E50] =	vst v63  }
0x1b: {  	_ =	swait.ge [sflag:s18], $0x2710  }
0x1c: {  	[sflag:s18] =	ssyncset.done $0x0  }
0x1d: {  	s8 =	simm.s32 $0xC0;
	s9 =	simm.s32 $0x0;
	[sflag:s18] =	ssyncadd.s32 $0xFFFFD8F0  }
.LBB2_2:
0x1e: {  	p0 =	sne.s32 s8, $0x3B40;
	[tilespmem:s9+$0xC370] =	vst v0;
	s10 =	smov.u32 s8;
	s8 =	sadd.s32 $0xC0, s8  }
.Ltmp0:
0x1f: {  	[tilespmem:s9+$0xC350] =	vst v0;
	(pc) =	sbr.rel @p0 .LBB2_2-.Ltmp0, $2  }
0x20: {  	[tilespmem:s9+$0xC360] =	vst v0;
	_ =	sdelay $0x2  }
0x21: {  	s9 =	sshra.s32 s10, $0x2  }
0x22: {  	[tilespmem:s9+$0xC370] =	vst v0  }
0x23: {  	[tilespmem:s9+$0xC350] =	vst v0  }
0x24: {  	[tilespmem:s9+$0xC360] =	vst v0  }
0x25: {  	[spmem:s6] =	stream.linear.scatter [tilespmem:s20], [sflag:$0xB], $0xF00, $0x38;
	[tilespmem:$0x10E50] =	vst v63  }
0x26: {  	_ =	swait.ge [sflag:s18], $0xF00  }
0x27: {  	[sflag:s18] =	ssyncset.done $0x0  }
0x28: {  	s8 =	rddreg [dreg:$0x6];
	[sflag:s18] =	ssyncadd.s32 $0xFFFFF100  }
0x29: {  	[spmem:s8] =	stream.linear.scatter [tilespmem:s20], [sflag:$0xB], $0xF00, $0x38;
	[tilespmem:$0x10E50] =	vst v63  }
0x2a: {  	_ =	swait.ge [sflag:s18], $0xF00  }
0x2b: {  	[sflag:s18] =	ssyncset.done $0x0  }
0x2c: {  	s10 =	rddreg [dreg:$0x7];
	[sflag:s18] =	ssyncadd.s32 $0xFFFFF100  }
0x2d: {  	[spmem:s10] =	stream.linear.scatter [tilespmem:s20], [sflag:$0xB], $0xF00, $0x38;
	[tilespmem:$0x10E50] =	vst v63  }
0x2e: {  	_ =	swait.ge [sflag:s18], $0xF00  }
0x2f: {  	[sflag:s18] =	ssyncset.done $0x0  }
0x30: {  	s9 =	rddreg [dreg:$0x8];
	[sflag:s18] =	ssyncadd.s32 $0xFFFFF100  }
0x31: {  	[spmem:s9] =	stream.linear.scatter [tilespmem:s20], [sflag:$0xB], $0xF00, $0x38;
	[tilespmem:$0x10E50] =	vst v63  }
0x32: {  	_ =	swait.ge [sflag:s18], $0xF00  }
0x33: {  	[sflag:s18] =	ssyncset.done $0x0  }
0x34: {  	[sflag:s18] =	ssyncadd.s32 $0xFFFFF100  }
0x35: {  	[spmem:s11] =	stream.linear.scatter [tilespmem:s20], [sflag:$0xB], $0xF00, $0x38;
	[tilespmem:$0x10E50] =	vst v63  }
0x36: {  	_ =	swait.ge [sflag:s18], $0xF00  }
0x37: {  	[sflag:s18] =	ssyncset.done $0x0  }
0x38: {  	[sflag:s18] =	ssyncadd.s32 $0xFFFFF100  }
0x39: {  	[spmem:s12] =	stream.linear.scatter [tilespmem:s20], [sflag:$0xB], $0xF00, $0x38;
	[tilespmem:$0x10E50] =	vst v63  }
0x3a: {  	_ =	swait.ge [sflag:s18], $0xF00  }
0x3b: {  	[sflag:s18] =	ssyncset.done $0x0  }
0x3c: {  	[sflag:s18] =	ssyncadd.s32 $0xFFFFF100  }
0x3d: {  	[spmem:s13] =	stream.linear.scatter [tilespmem:s20], [sflag:$0xB], $0xF00, $0x38;
	[tilespmem:$0x10E50] =	vst v63  }
0x3e: {  	_ =	swait.ge [sflag:s18], $0xF00  }
0x3f: {  	[sflag:s18] =	ssyncset.done $0x0  }
0x40: {  	[sflag:s18] =	ssyncadd.s32 $0xFFFFF100  }
0x41: {  	[spmem:s14] =	stream.linear.scatter [tilespmem:s20], [sflag:$0xB], $0xC30, $0x38;
	[tilespmem:$0x10E50] =	vst v63  }
0x42: {  	_ =	swait.ge [sflag:s18], $0xC30  }
0x43: {  	[sflag:s18] =	ssyncset.done $0x0  }
0x44: {  	[sflag:s18] =	ssyncadd.s32 $0xFFFFF3D0  }
0x45: {  	[bflag:$0x0] =	sbarrier.arrive $0xFFFF  }
0x46: {  	[tilespmem:s20], [sflag:$0x1] =	stream.indirect.gather [hbm4b:s1+s21], $0x30, s17, s21, $0xb8;
	[tilespmem:$0x10E50] =	vst v63  }
0x47: {  	s10 =	simm.s32 $0x7580  }
0x48: {  	[tilespmem:s23], [sflag:$0x2] =	stream.indirect.gather [hbm4b:s1+s21], $0x30, s10, s21, $0xb8;
	[tilespmem:$0x10E50] =	vst v63  }
0x49: {  	s9 =	simm.s32 $0x75D0  }
0x4a: {  	[tilespmem:s25], [sflag:$0x3] =	stream.indirect.gather [hbm4b:s1+s21], $0x30, s9, s21, $0xb8;
	[tilespmem:$0x10E50] =	vst v63  }
0x4b: {  	s10 =	simm.s32 $0x7620  }
0x4c: {  	[tilespmem:s28], [sflag:$0x4] =	stream.indirect.gather [hbm4b:s1+s21], $0x30, s10, s21, $0xb8;
	[tilespmem:$0x10E50] =	vst v63  }
0x4d: {  	s9 =	simm.s32 $0x7670  }
0x4e: {  	[tilespmem:s30], [sflag:$0x5] =	stream.indirect.gather [hbm4b:s1+s21], $0x30, s9, s21, $0xb8;
	[tilespmem:$0x10E50] =	vst v63  }
0x4f: {  	_ =	swait.ge [sflag:s31], $0xF00  }
0x50: {  	[sflag:s31] =	ssyncset.done $0x0  }
0x51: {  	s10 =	simm.s32 $0x9C40;
	[sflag:s31] =	ssyncadd.s32 $0xFFFFF100  }
0x52: {  	[spmem:s3] =	stream.indirect.scatter.add.f32 [tilespmem:s20], [sflag:$0x6], $0x30, s10, s21, $0xb8;
	[tilespmem:$0x10E50] =	vst v63  }
0x53: {  	_ =	swait.ge [sflag:s2], $0xF00  }
0x54: {  	[sflag:s2] =	ssyncset.done $0x0  }
0x55: {  	s9 =	simm.s32 $0x9C90;
	[sflag:s2] =	ssyncadd.s32 $0xFFFFF100  }
0x56: {  	[spmem:s3] =	stream.indirect.scatter.add.f32 [tilespmem:s23], [sflag:$0x7], $0x30, s9, s21, $0xb8;
	[tilespmem:$0x10E50] =	vst v63  }
0x57: {  	_ =	swait.ge [sflag:s0], $0xF00  }
0x58: {  	[sflag:s0] =	ssyncset.done $0x0  }
0x59: {  	s10 =	simm.s32 $0x9CE0;
	[sflag:s0] =	ssyncadd.s32 $0xFFFFF100  }
0x5a: {  	[spmem:s3] =	stream.indirect.scatter.add.f32 [tilespmem:s25], [sflag:$0x8], $0x30, s10, s21, $0xb8;
	[tilespmem:$0x10E50] =	vst v63  }
0x5b: {  	_ =	swait.ge [sflag:s19], $0xF00  }
0x5c: {  	[sflag:s19] =	ssyncset.done $0x0  }
0x5d: {  	s9 =	simm.s32 $0x9D30;
	[sflag:s19] =	ssyncadd.s32 $0xFFFFF100  }
0x5e: {  	[spmem:s3] =	stream.indirect.scatter.add.f32 [tilespmem:s28], [sflag:$0x9], $0x30, s9, s21, $0xb8;
	[tilespmem:$0x10E50] =	vst v63  }
0x5f: {  	_ =	swait.ge [sflag:s22], $0xF00  }
0x60: {  	[sflag:s22] =	ssyncset.done $0x0  }
0x61: {  	s10 =	simm.s32 $0x9D80;
	[sflag:s22] =	ssyncadd.s32 $0xFFFFF100  }
0x62: {  	[spmem:s3] =	stream.indirect.scatter.add.f32 [tilespmem:s30], [sflag:$0xA], $0x30, s10, s21, $0xb8;
	[tilespmem:$0x10E50] =	vst v63  }
0x63: {  	_ =	swait.ge [sflag:s24], $0xF00  }
0x64: {  	[sflag:s24] =	ssyncset.done $0x0  }
0x65: {  	s9 =	simm.s32 $0x76C0;
	[sflag:s24] =	ssyncadd.s32 $0xFFFFF100  }
0x66: {  	[tilespmem:s20], [sflag:$0x1] =	stream.indirect.gather [hbm4b:s1+s21], $0x30, s9, s21, $0xb8;
	[tilespmem:$0x10E50] =	vst v63  }
0x67: {  	_ =	swait.ge [sflag:s26], $0xF00  }
0x68: {  	[sflag:s26] =	ssyncset.done $0x0  }
0x69: {  	s10 =	simm.s32 $0x7710;
	[sflag:s26] =	ssyncadd.s32 $0xFFFFF100  }
0x6a: {  	[tilespmem:s23], [sflag:$0x2] =	stream.indirect.gather [hbm4b:s1+s21], $0x30, s10, s21, $0xb8;
	[tilespmem:$0x10E50] =	vst v63  }
0x6b: {  	_ =	swait.ge [sflag:s29], $0xF00  }
0x6c: {  	[sflag:s29] =	ssyncset.done $0x0  }
0x6d: {  	s9 =	simm.s32 $0x7760;
	[sflag:s29] =	ssyncadd.s32 $0xFFFFF100  }
0x6e: {  	[tilespmem:s25], [sflag:$0x3] =	stream.indirect.gather [hbm4b:s1+s21], $0x30, s9, s21, $0xb8;
	[tilespmem:$0x10E50] =	vst v63  }
0x6f: {  	_ =	swait.ge [sflag:s4], $0xF00  }
0x70: {  	[sflag:s4] =	ssyncset.done $0x0  }
0x71: {  	s10 =	simm.s32 $0x77B0;
	[sflag:s4] =	ssyncadd.s32 $0xFFFFF100  }
0x72: {  	[tilespmem:s28], [sflag:$0x4] =	stream.indirect.gather [hbm4b:s1+s21], $0x30, s10, s21, $0xb8;
	[tilespmem:$0x10E50] =	vst v63  }
0x73: {  	_ =	swait.ge [sflag:s5], $0xF00  }
0x74: {  	[sflag:s5] =	ssyncset.done $0x0  }
0x75: {  	s8 =	simm.s32 $0x640;
	s9 =	simm.s32 $0x7800;
	[sflag:s5] =	ssyncadd.s32 $0xFFFFF100  }
.LBB2_4:
0x76: {  	[tilespmem:s30], [sflag:$0x5] =	stream.indirect.gather [hbm4b:s1+s21], $0x30, s9, s21, $0xb8;
	[tilespmem:$0x10E50] =	vst v63  }
0x77: {  	s9 =	smov.u32 s8  }
0x78: {  	p0 =	sne.s32 s8, $0x8FC0;
	s8 =	sadd.s32 $0x640, s8;
	_ =	swait.ge [sflag:s31], $0xF00  }
0x79: {  	s9 =	sshra.s32 s9, $0x2;
	[sflag:s31] =	ssyncset.done $0x0  }
0x7a: {  	s10 =	sadd.s32 $0x9C40, s9;
	[sflag:s31] =	ssyncadd.s32 $0xFFFFF100  }
0x7b: {  	[spmem:s3] =	stream.indirect.scatter.add.f32 [tilespmem:s20], [sflag:$0x6], $0x30, s10, s21, $0xb8;
	[tilespmem:$0x10E50] =	vst v63  }
0x7c: {  	_ =	swait.ge [sflag:s2], $0xF00  }
0x7d: {  	[sflag:s2] =	ssyncset.done $0x0  }
0x7e: {  	s10 =	sadd.s32 $0x9C90, s9;
	[sflag:s2] =	ssyncadd.s32 $0xFFFFF100  }
0x7f: {  	[spmem:s3] =	stream.indirect.scatter.add.f32 [tilespmem:s23], [sflag:$0x7], $0x30, s10, s21, $0xb8;
	[tilespmem:$0x10E50] =	vst v63  }
0x80: {  	_ =	swait.ge [sflag:s0], $0xF00  }
0x81: {  	[sflag:s0] =	ssyncset.done $0x0  }
0x82: {  	s10 =	sadd.s32 $0x9CE0, s9;
	[sflag:s0] =	ssyncadd.s32 $0xFFFFF100  }
0x83: {  	[spmem:s3] =	stream.indirect.scatter.add.f32 [tilespmem:s25], [sflag:$0x8], $0x30, s10, s21, $0xb8;
	[tilespmem:$0x10E50] =	vst v63  }
0x84: {  	_ =	swait.ge [sflag:s19], $0xF00  }
0x85: {  	[sflag:s19] =	ssyncset.done $0x0  }
0x86: {  	s10 =	sadd.s32 $0x9D30, s9;
	[sflag:s19] =	ssyncadd.s32 $0xFFFFF100  }
0x87: {  	[spmem:s3] =	stream.indirect.scatter.add.f32 [tilespmem:s28], [sflag:$0x9], $0x30, s10, s21, $0xb8;
	[tilespmem:$0x10E50] =	vst v63  }
0x88: {  	_ =	swait.ge [sflag:s22], $0xF00  }
0x89: {  	[sflag:s22] =	ssyncset.done $0x0  }
0x8a: {  	s10 =	sadd.s32 $0x9D80, s9;
	[sflag:s22] =	ssyncadd.s32 $0xFFFFF100  }
0x8b: {  	[spmem:s3] =	stream.indirect.scatter.add.f32 [tilespmem:s30], [sflag:$0xA], $0x30, s10, s21, $0xb8;
	[tilespmem:$0x10E50] =	vst v63  }
0x8c: {  	_ =	swait.ge [sflag:s24], $0xF00  }
0x8d: {  	[sflag:s24] =	ssyncset.done $0x0  }
0x8e: {  	s10 =	sadd.s32 $0x76C0, s9;
	[sflag:s24] =	ssyncadd.s32 $0xFFFFF100  }
0x8f: {  	[tilespmem:s20], [sflag:$0x1] =	stream.indirect.gather [hbm4b:s1+s21], $0x30, s10, s21, $0xb8;
	[tilespmem:$0x10E50] =	vst v63  }
0x90: {  	_ =	swait.ge [sflag:s26], $0xF00  }
0x91: {  	[sflag:s26] =	ssyncset.done $0x0  }
0x92: {  	s10 =	sadd.s32 $0x7710, s9;
	[sflag:s26] =	ssyncadd.s32 $0xFFFFF100  }
0x93: {  	[tilespmem:s23], [sflag:$0x2] =	stream.indirect.gather [hbm4b:s1+s21], $0x30, s10, s21, $0xb8;
	[tilespmem:$0x10E50] =	vst v63  }
0x94: {  	_ =	swait.ge [sflag:s29], $0xF00  }
0x95: {  	[sflag:s29] =	ssyncset.done $0x0  }
0x96: {  	s10 =	sadd.s32 $0x7760, s9;
	[sflag:s29] =	ssyncadd.s32 $0xFFFFF100  }
0x97: {  	[tilespmem:s25], [sflag:$0x3] =	stream.indirect.gather [hbm4b:s1+s21], $0x30, s10, s21, $0xb8;
	[tilespmem:$0x10E50] =	vst v63  }
0x98: {  	_ =	swait.ge [sflag:s4], $0xF00  }
0x99: {  	[sflag:s4] =	ssyncset.done $0x0  }
.Ltmp1:
0x9a: {  	s10 =	sadd.s32 $0x77B0, s9;
	[sflag:s4] =	ssyncadd.s32 $0xFFFFF100;
	(pc) =	sbr.rel @p0 .LBB2_4-.Ltmp1, $4  }
0x9b: {  	[tilespmem:s28], [sflag:$0x4] =	stream.indirect.gather [hbm4b:s1+s21], $0x30, s10, s21, $0xb8;
	[tilespmem:$0x10E50] =	vst v63  }
0x9c: {  	_ =	swait.ge [sflag:s5], $0xF00  }
0x9d: {  	[sflag:s5] =	ssyncset.done $0x0  }
0x9e: {  	s9 =	sadd.s32 $0x7800, s9;
	[sflag:s5] =	ssyncadd.s32 $0xFFFFF100  }
0x9f: {  	[tilespmem:s30], [sflag:$0x5] =	stream.indirect.gather [hbm4b:s1+s21], $0x30, s9, s21, $0xb8;
	[tilespmem:$0x10E50] =	vst v63  }
0xa0: {  	_ =	swait.ge [sflag:s31], $0xF00  }
0xa1: {  	[sflag:s31] =	ssyncset.done $0x0  }
0xa2: {  	s8 =	simm.s32 $0xC1C0;
	[sflag:s31] =	ssyncadd.s32 $0xFFFFF100  }
0xa3: {  	[spmem:s3] =	stream.indirect.scatter.add.f32 [tilespmem:s20], [sflag:$0x6], $0x30, s8, s21, $0xb8;
	[tilespmem:$0x10E50] =	vst v63  }
0xa4: {  	_ =	swait.ge [sflag:s2], $0xF00  }
0xa5: {  	[sflag:s2] =	ssyncset.done $0x0  }
0xa6: {  	s9 =	simm.s32 $0xC210;
	[sflag:s2] =	ssyncadd.s32 $0xFFFFF100  }
0xa7: {  	[spmem:s3] =	stream.indirect.scatter.add.f32 [tilespmem:s23], [sflag:$0x7], $0x30, s9, s21, $0xb8;
	[tilespmem:$0x10E50] =	vst v63  }
0xa8: {  	_ =	swait.ge [sflag:s0], $0xF00  }
0xa9: {  	[sflag:s0] =	ssyncset.done $0x0  }
0xaa: {  	s10 =	simm.s32 $0xC260;
	[sflag:s0] =	ssyncadd.s32 $0xFFFFF100  }
0xab: {  	[spmem:s3] =	stream.indirect.scatter.add.f32 [tilespmem:s25], [sflag:$0x8], $0x30, s10, s21, $0xb8;
	[tilespmem:$0x10E50] =	vst v63  }
0xac: {  	_ =	swait.ge [sflag:s19], $0xF00  }
0xad: {  	[sflag:s19] =	ssyncset.done $0x0  }
0xae: {  	s9 =	simm.s32 $0xC2B0;
	[sflag:s19] =	ssyncadd.s32 $0xFFFFF100  }
0xaf: {  	[spmem:s3] =	stream.indirect.scatter.add.f32 [tilespmem:s28], [sflag:$0x9], $0x30, s9, s21, $0xb8;
	[tilespmem:$0x10E50] =	vst v63  }
0xb0: {  	_ =	swait.ge [sflag:s22], $0xF00  }
0xb1: {  	[sflag:s22] =	ssyncset.done $0x0  }
0xb2: {  	s10 =	simm.s32 $0xC300;
	[sflag:s22] =	ssyncadd.s32 $0xFFFFF100  }
0xb3: {  	[spmem:s3] =	stream.indirect.scatter.add.f32 [tilespmem:s30], [sflag:$0xA], $0x30, s10, s21, $0xb8;
	[tilespmem:$0x10E50] =	vst v63  }
0xb4: {  	_ =	swait.ge [sflag:s24], $0xF00  }
0xb5: {  	[sflag:s24] =	ssyncset.done $0x0  }
0xb6: {  	[sflag:s24] =	ssyncadd.s32 $0xFFFFF100  }
0xb7: {  	_ =	swait.ge [sflag:s26], $0xF00  }
0xb8: {  	[sflag:s26] =	ssyncset.done $0x0  }
0xb9: {  	[sflag:s26] =	ssyncadd.s32 $0xFFFFF100  }
0xba: {  	_ =	swait.ge [sflag:s29], $0xF00  }
0xbb: {  	[sflag:s29] =	ssyncset.done $0x0  }
0xbc: {  	[sflag:s29] =	ssyncadd.s32 $0xFFFFF100  }
0xbd: {  	_ =	swait.ge [sflag:s4], $0xF00  }
0xbe: {  	[sflag:s4] =	ssyncset.done $0x0  }
0xbf: {  	[sflag:s4] =	ssyncadd.s32 $0xFFFFF100  }
0xc0: {  	s9 =	stileid.u32;
	_ =	swait.ge [sflag:s5], $0xF00  }
0xc1: {  	s7 =	sadd.s32 $0x1, s7;
	s8 =	sshll.u32 s9, $0x6;
	[sflag:s5] =	ssyncset.done $0x0  }
0xc2: {  	p0 =	sne.s32 s7, s16;
	s8 =	sor.u32 $0x1C0B, s8;
	[sflag:s5] =	ssyncadd.s32 $0xFFFFF100  }
.Ltmp2:
0xc3: {  	s10 =	sshrl.u32 s6, $0x3;
	[bflag:$0x0] =	sbarrier.arrive $0xFFFF;
	(pc) =	sbr.rel @p0 .LBB2_1-.Ltmp2, $4  }
0xc4: {  	[hbm:s15], [sflag:s8] =	dma.local [spmem:s10], $0xEA6  }
0xc5: {  	_ =	swait.ge [sflag:s18], $0xEA6  }
0xc6: {  	[sflag:s18] =	ssyncset.done $0x0  }
0xc7: {  	[sflag:s18] =	ssyncadd.s32 $0xFFFFF15A  }
0xc8: {  	_ =	sfence.sel $0x180000  }
0xc9: {  	[bflag:$0x0] =	sbarrier.arrive $0xFFFF  }
0xca: {  	_ =	strace $0x90000050  }
0xcb: {  	s0 =	stileid.u32;
	[bflag:$0x2] =	sbarrier.arrive $0xFFFF  }
0xcc: {  	p0 =	sne.s32 s0, $0x0;
	s0 =	rddreg [dreg:$0x3]  }
0xcd: {  	s0 =	sadd.s32 @!p0 $0x100000, s0  }
0xce: {  	[sflag:s0] =	ssyncadd.tile.s32 @!p0 $0x1;
	_ =	shalt  }
.Lfunc_end2:
_tile_overlayer_lowered:
.L_overlay_start_2:
0xcf: {  	(tag) =	ssettag $0x2  }
0xd0: {  	s0 =	rddreg [dreg:$0x0];
	s2 =	stileid.u32  }
0xd1: {  	s1 =	rddreg [dreg:$0x1];
	p0 =	sne.s32 s2, $0x0  }
0xd2: {  	s3 =	rddreg [dreg:$0x2];
	[bflag:$0x3] =	sbarrier.arrive $0xFFFF;
	s2 =	simm.s32 @!p0 $0x1C0B  }
0xd3: {  	[timem:s3], [sflag:s2] =	dma.local @!p0 [hbm:s0], s1  }
0xd4: {  	s0 =	simm.s32 @!p0 $0xB  }
0xd5: {  	_ =	swait.ge @!p0 [sflag:s0], s1  }
0xd6: {  	s1 =	ssub.s32 @!p0 $0x0, s1;
	[sflag:s0] =	ssyncset.done @!p0 $0x0  }
0xd7: {  	[sflag:s0] =	ssyncadd.s32 @!p0 s1  }
0xd8: {  	[bflag:$0x3] =	sbarrier.arrive $0xFFFF  }
0xd9: {  	_ =	shalt  }

</sc_bundles>
